<compile_context>
chip_gen: v7x
topology: tpu7x:2x2x1
jax: 0.10.2.dev20260603
libtpu: 0.0.44.dev20260713+nightly
codegen_flags: <defaults>
</compile_context>

<pallas_src>
import functools

import jax
import jax.numpy as jnp
from jax import lax
from jax.experimental import pallas as pl
from jax.experimental.pallas import tpu as pltpu
from jax.experimental.pallas import tpu_sc as plsc

D = 256
BQ = 256
BT = 256
DEN = 128
W_OH = BQ + 8

_NC, _NS = 2, 16
_NW = _NC * _NS
_CH = 128


_NBUF = 3


def _sc_gather_pair(table_a, table_b, idx_a, idx_b):
    na, nb = idx_a.shape[0], idx_b.shape[0]
    pa, pb = na // _NW, nb // _NW
    mesh = plsc.VectorSubcoreMesh(core_axis_name="c", subcore_axis_name="s")

    @functools.partial(
        pl.kernel,
        mesh=mesh,
        out_type=(
            jax.ShapeDtypeStruct((na, D), jnp.float32),
            jax.ShapeDtypeStruct((nb, D), jnp.float32),
        ),
        scratch_types=[
            pltpu.VMEM((pa,), jnp.int32),
            pltpu.VMEM((pb,), jnp.int32),
            pltpu.VMEM((_NBUF, _CH, D), jnp.float32),
            pltpu.SemaphoreType.DMA((_NBUF,)),
            pltpu.SemaphoreType.DMA((_NBUF,)),
        ],
    )
    def k(ta, tb, ia, ib, oa, ob, ia_v, ib_v, rows_v, gsem, osem):
        wid = lax.axis_index("s") * _NC + lax.axis_index("c")
        pltpu.sync_copy(ia.at[pl.ds(wid * pa, pa)], ia_v)
        pltpu.sync_copy(ib.at[pl.ds(wid * pb, pb)], ib_v)

        work = [(ia_v, ta, oa, wid * pa, j) for j in range(pa // _CH)]
        work += [(ib_v, tb, ob, wid * pb, j) for j in range(pb // _CH)]
        n = len(work)
        gd, oc = [None] * n, [None] * n
        for i in range(n + 1):
            if i < n:
                slot = i % _NBUF
                if i >= _NBUF:
                    oc[i - _NBUF].wait()
                idx_v, table, _, _, j = work[i]
                gd[i] = pltpu.async_copy(
                    table.at[idx_v.at[pl.ds(j * _CH, _CH)]],
                    rows_v.at[slot], gsem.at[slot])
            if i >= 1:
                p = i - 1
                _, _, out_hbm, base_w, j = work[p]
                gd[p].wait()
                oc[p] = pltpu.async_copy(
                    rows_v.at[p % _NBUF],
                    out_hbm.at[pl.ds(base_w + j * _CH, _CH)],
                    osem.at[p % _NBUF])
        for p in range(max(n - _NBUF, 0), n):
            oc[p].wait()

    return k(table_a, table_b, idx_a, idx_b)


def _mlp_agg_body(s0_ref, typ_ref, val_ref, seg_ref, w1a_ref, w1b_ref, b1_ref,
                  w2_ref, b2_ref, wa_ref, ba_ref, va_ref, out_ref):
    i = pl.program_id(0)

    dot = functools.partial(
        lax.dot_general, preferred_element_type=jnp.float32)
    mm = lambda a, b: dot(a, b, (((1,), (0,)), ((), ())))

    h = jnp.maximum(
        mm(typ_ref[...], w1a_ref[...]) + mm(val_ref[...], w1b_ref[...])
        + b1_ref[...], 0.0)
    pq = mm(h, w2_ref[...]) + b2_ref[...]
    va = va_ref[...]
    t = jnp.tanh(mm(pq, wa_ref[...]) + ba_ref[...])
    s = jnp.sum(t * va, axis=1, keepdims=True)
    c = jnp.sum(jnp.abs(va))
    e = jnp.exp(s - c)

    seg = seg_ref[0]
    s0 = s0_ref[i]
    base = pl.multiple_of((s0 // 8) * 8, 8)
    oh = (lax.broadcasted_iota(jnp.int32, (W_OH, BQ), 0) == (seg - base)
          ).astype(jnp.float32)
    x = jnp.concatenate(
        [e * pq, jnp.broadcast_to(e, (BQ, DEN))], axis=1)
    contrib = mm(oh, x)
    prev_end = jnp.where(
        i == 0, 0, (s0_ref[jnp.maximum(i - 1, 0)] // 8) * 8 + W_OH)
    rows = base + lax.broadcasted_iota(jnp.int32, (W_OH, 1), 0)
    cur = out_ref[pl.ds(base, W_OH), :]
    cur = jnp.where(rows < prev_end, cur, 0.0)
    out_ref[pl.ds(base, W_OH), :] = cur + contrib


def _proj_body(h_ref, r_ref, t_ref, nd_ref, wp1_ref, wp2_ref, wp3_ref,
               wp4_ref, bp_ref, out_ref):
    dot = functools.partial(
        lax.dot_general, preferred_element_type=jnp.float32)
    mm = lambda a, b: dot(a, b, (((1,), (0,)), ((), ())))
    nd = nd_ref[...]
    agg = nd[:, :D] / nd[:, D:D + 1]
    out_ref[...] = (mm(h_ref[...], wp1_ref[...]) + mm(r_ref[...], wp2_ref[...])
                    + mm(t_ref[...], wp3_ref[...]) + mm(agg, wp4_ref[...])
                    + bp_ref[...])


def kernel(head_idx, rel_idx, tail_idx, qual_type_idx, qual_value_idx,
           qual_seg, entity_emb, relation_emb, W1, b1, W2, b2, Wa, ba, va,
           Wp, bp):
    T = head_idx.shape[0]
    Q = qual_type_idx.shape[0]
    nbq = Q // BQ
    nbt = T // BT

    idx_ht = jnp.concatenate([head_idx, tail_idx]).astype(jnp.int32)
    val_e, typ_e = _sc_gather_pair(
        entity_emb, relation_emb, qual_value_idx.astype(jnp.int32),
        qual_type_idx.astype(jnp.int32))
    ht_e, rel_e = _sc_gather_pair(
        entity_emb, relation_emb, idx_ht, rel_idx.astype(jnp.int32))

    seg = qual_seg.astype(jnp.int32)
    seg_starts = seg[::BQ]
    seg3d = seg.reshape(nbq, 1, BQ)

    full = lambda shape: pl.BlockSpec(shape, lambda i, *_: (0, 0))
    row = lambda shape: pl.BlockSpec(shape, lambda i, *_: (i, 0))
    numden = pl.pallas_call(
        _mlp_agg_body,
        grid_spec=pltpu.PrefetchScalarGridSpec(
            num_scalar_prefetch=1,
            grid=(nbq,),
            in_specs=[
                row((BQ, D)), row((BQ, D)),
                pl.BlockSpec((1, 1, BQ), lambda i, *_: (i, 0, 0)),
                full((D, D)), full((D, D)), full((1, D)),
                full((D, D)), full((1, D)),
                full((D, D)), full((1, D)), full((1, D)),
            ],
            out_specs=pl.BlockSpec((T + BQ, D + DEN), lambda i, *_: (0, 0)),
        ),
        out_shape=jax.ShapeDtypeStruct((T + BQ, D + DEN), jnp.float32),
    )(seg_starts, typ_e, val_e, seg3d, W1[:D], W1[D:], b1.reshape(1, D),
      W2, b2.reshape(1, D), Wa, ba.reshape(1, D), va.reshape(1, D))

    tokens = pl.pallas_call(
        _proj_body,
        grid=(nbt,),
        in_specs=[
            pl.BlockSpec((BT, D), lambda i: (i, 0)),
            pl.BlockSpec((BT, D), lambda i: (i, 0)),
            pl.BlockSpec((BT, D), lambda i, n=nbt: (i + n, 0)),
            pl.BlockSpec((BT, D + DEN), lambda i: (i, 0)),
            pl.BlockSpec((D, D), lambda i: (0, 0)),
            pl.BlockSpec((D, D), lambda i: (0, 0)),
            pl.BlockSpec((D, D), lambda i: (0, 0)),
            pl.BlockSpec((D, D), lambda i: (0, 0)),
            pl.BlockSpec((1, D), lambda i: (0, 0)),
        ],
        out_specs=pl.BlockSpec((BT, D), lambda i: (i, 0)),
        out_shape=jax.ShapeDtypeStruct((T, D), jnp.float32),
    )(ht_e, rel_e, ht_e, numden, Wp[:D], Wp[D:2 * D], Wp[2 * D:3 * D],
      Wp[3 * D:], bp.reshape(1, D))
    return tokens

# --- scband reference (transcript-rebuilt; emitter-appended) ---
"""Pipeline reference for scband-transformer-memory-net-17566416241318 (READ-ONLY COPY).

The authoritative reference and input builder live on the scoring server;
editing this copy changes nothing except your own understanding.
"""

import jax, jax.numpy as jnp
import numpy as np

D = 256
VE = 50000
VR = 500
T = 16384
Q = 32768


def setup_inputs(seed: int = 0) -> dict:
    key = jax.random.key(seed)
    ks = jax.random.split(key, 20)
    head_idx = jax.random.randint(ks[0], (T,), 0, VE)
    rel_idx = jax.random.randint(ks[1], (T,), 0, VR)
    tail_idx = jax.random.randint(ks[2], (T,), 0, VE)
    qual_type_idx = jax.random.randint(ks[3], (Q,), 0, VR)
    qual_value_idx = jax.random.randint(ks[4], (Q,), 0, VE)
    # ragged segment ids: guarantee every quadruple gets >= 1 qualifier
    extra = jax.random.randint(ks[5], (Q - T,), 0, T)
    qual_seg = jnp.sort(jnp.concatenate([jnp.arange(T), extra]))
    s = 0.05
    entity_emb = jax.random.normal(ks[6], (VE, D), dtype=jnp.float32) * s
    relation_emb = jax.random.normal(ks[7], (VR, D), dtype=jnp.float32) * s
    W1 = jax.random.normal(ks[8], (2 * D, D), dtype=jnp.float32) * s
    b1 = jnp.zeros((D,), dtype=jnp.float32)
    W2 = jax.random.normal(ks[9], (D, D), dtype=jnp.float32) * s
    b2 = jnp.zeros((D,), dtype=jnp.float32)
    Wa = jax.random.normal(ks[10], (D, D), dtype=jnp.float32) * s
    ba = jnp.zeros((D,), dtype=jnp.float32)
    va = jax.random.normal(ks[11], (D,), dtype=jnp.float32) * s
    Wp = jax.random.normal(ks[12], (4 * D, D), dtype=jnp.float32) * s
    bp = jnp.zeros((D,), dtype=jnp.float32)
    return {
        "head_idx": head_idx, "rel_idx": rel_idx, "tail_idx": tail_idx,
        "qual_type_idx": qual_type_idx, "qual_value_idx": qual_value_idx,
        "qual_seg": qual_seg,
        "entity_emb": entity_emb, "relation_emb": relation_emb,
        "W1": W1, "b1": b1, "W2": W2, "b2": b2,
        "Wa": Wa, "ba": ba, "va": va, "Wp": Wp, "bp": bp,
    }


def reference(head_idx, rel_idx, tail_idx, qual_type_idx, qual_value_idx,
              qual_seg, entity_emb, relation_emb, W1, b1, W2, b2,
              Wa, ba, va, Wp, bp):
    n_quads = head_idx.shape[0]
    # --- batch process qualifiers (MLP over all qualifiers) ---
    type_embs = jnp.take(relation_emb, qual_type_idx, axis=0)   # [Q, D]
    value_embs = jnp.take(entity_emb, qual_value_idx, axis=0)   # [Q, D]
    combined = jnp.concatenate([type_embs, value_embs], axis=1)  # [Q, 2D]
    h = jax.nn.relu(combined @ W1 + b1)
    pq = h @ W2 + b2                                             # [Q, D]
    # --- attention aggregation within each quadruple's ragged qualifier group ---
    scores = jnp.tanh(pq @ Wa + ba) @ va                         # [Q]
    smax = jax.ops.segment_max(scores, qual_seg, num_segments=n_quads)
    e = jnp.exp(scores - smax[qual_seg])
    denom = jax.ops.segment_sum(e, qual_seg, num_segments=n_quads)
    w = e / denom[qual_seg]
    agg_quals = jax.ops.segment_sum(w[:, None] * pq, qual_seg, num_segments=n_quads)  # [T, D]
    # --- tokenize quadruples ---
    head_embs = jnp.take(entity_emb, head_idx, axis=0)
    rel_embs = jnp.take(relation_emb, rel_idx, axis=0)
    tail_embs = jnp.take(entity_emb, tail_idx, axis=0)
    token_inputs = jnp.concatenate([head_embs, rel_embs, tail_embs, agg_quals], axis=1)  # [T, 4D]
    tokens = token_inputs @ Wp + bp                              # [T, D]
    return tokens

if __name__ == "__main__":
    import jax
    _d = setup_inputs()
    print(jax.jit(kernel)(*tuple(_d.values())))

</pallas_src>

<mosaic_0001>
#map = affine_map<(d0, d1) -> (0, 0)>
#map1 = affine_map<(d0, d1) -> (0)>
module attributes {stable_mosaic.version = 14 : i64} {
  func.func @k(%arg0: i32, %arg1: i32, %arg2: memref<50000x256xf32, #tpu.memory_space<hbm>>, %arg3: memref<500x256xf32, #tpu.memory_space<hbm>>, %arg4: memref<32768xi32, #tpu.memory_space<hbm>>, %arg5: memref<16384xi32, #tpu.memory_space<hbm>>, %arg6: memref<32768x256xf32, #tpu.memory_space<hbm>>, %arg7: memref<16384x256xf32, #tpu.memory_space<hbm>>, %arg8: memref<1024xi32, #tpu.memory_space<vmem>>, %arg9: memref<512xi32, #tpu.memory_space<vmem>>, %arg10: memref<3x128x256xf32, #tpu.memory_space<vmem>>, %arg11: memref<3x!tpu.dma_semaphore, #tpu.memory_space<semaphore_mem>>, %arg12: memref<3x!tpu.dma_semaphore, #tpu.memory_space<semaphore_mem>>) attributes {dimension_semantics = [#tpu.dimension_semantics<core_parallel>, #tpu.dimension_semantics<subcore_parallel>], iteration_bounds = array<i64: 2, 16>, scalar_prefetch = 0 : i64, scratch_operands = 5 : i64, tpu.core_type = #tpu.core_type<sc_vector_subcore>, window_params = [{transform_indices = #map}, {transform_indices = #map}, {transform_indices = #map1}, {transform_indices = #map1}, {transform_indices = #map}, {transform_indices = #map}]} {
    %mul3A = arith.constant 2 : i32
    %mul3A_0 = arith.muli %arg1, %mul3A : i32
    %add3A = arith.addi %mul3A_0, %arg0 : i32
    %mul3A_1 = arith.constant 1024 : i32
    %mul3A_2 = arith.muli %add3A, %mul3A_1 : i32
    "tpu.region"() ({
      %run_scoped3A = tpu.sem_alloc : memref<!tpu.dma_semaphore, #tpu.memory_space<semaphore_mem>>
      %dma_start3A_747 = tpu.memref_slice %arg4[%mul3A_2] : memref<32768xi32, #tpu.memory_space<hbm>> -> memref<1024xi32, #tpu.memory_space<hbm>>
      %dma_start3A_748 = tpu.memref_slice %arg4[%mul3A_2] : memref<32768xi32, #tpu.memory_space<hbm>> -> memref<1024xi32, #tpu.memory_space<hbm>>
      tpu.enqueue_dma source(%dma_start3A_748 : memref<1024xi32, #tpu.memory_space<hbm>>) target(%arg8 : memref<1024xi32, #tpu.memory_space<vmem>>) target_semaphore(%run_scoped3A : memref<!tpu.dma_semaphore, #tpu.memory_space<semaphore_mem>>)
      %dma_wait3A_749 = tpu.memref_slice %arg4[%mul3A_2] : memref<32768xi32, #tpu.memory_space<hbm>> -> memref<1024xi32, #tpu.memory_space<hbm>>
      %dma_wait3A_750 = tpu.memref_slice %arg4[%mul3A_2] : memref<32768xi32, #tpu.memory_space<hbm>> -> memref<1024xi32, #tpu.memory_space<hbm>>
      tpu.wait_dma2 semaphore(%run_scoped3A : memref<!tpu.dma_semaphore, #tpu.memory_space<semaphore_mem>>) src(%dma_wait3A_750 : memref<1024xi32, #tpu.memory_space<hbm>>) dst(%arg8 : memref<1024xi32, #tpu.memory_space<vmem>>)
      tpu.yield
    }) : () -> ()
    %mul3A_3 = arith.constant 512 : i32
    %mul3A_4 = arith.muli %add3A, %mul3A_3 : i32
    "tpu.region"() ({
      %run_scoped3A = tpu.sem_alloc : memref<!tpu.dma_semaphore, #tpu.memory_space<semaphore_mem>>
      %dma_start3A_747 = tpu.memref_slice %arg5[%mul3A_4] : memref<16384xi32, #tpu.memory_space<hbm>> -> memref<512xi32, #tpu.memory_space<hbm>>
      %dma_start3A_748 = tpu.memref_slice %arg5[%mul3A_4] : memref<16384xi32, #tpu.memory_space<hbm>> -> memref<512xi32, #tpu.memory_space<hbm>>
      tpu.enqueue_dma source(%dma_start3A_748 : memref<512xi32, #tpu.memory_space<hbm>>) target(%arg9 : memref<512xi32, #tpu.memory_space<vmem>>) target_semaphore(%run_scoped3A : memref<!tpu.dma_semaphore, #tpu.memory_space<semaphore_mem>>)
      %dma_wait3A_749 = tpu.memref_slice %arg5[%mul3A_4] : memref<16384xi32, #tpu.memory_space<hbm>> -> memref<512xi32, #tpu.memory_space<hbm>>
      %dma_wait3A_750 = tpu.memref_slice %arg5[%mul3A_4] : memref<16384xi32, #tpu.memory_space<hbm>> -> memref<512xi32, #tpu.memory_space<hbm>>
      tpu.wait_dma2 semaphore(%run_scoped3A : memref<!tpu.dma_semaphore, #tpu.memory_space<semaphore_mem>>) src(%dma_wait3A_750 : memref<512xi32, #tpu.memory_space<hbm>>) dst(%arg9 : memref<512xi32, #tpu.memory_space<vmem>>)
      tpu.yield
    }) : () -> ()
    %mul3A_5 = arith.constant 1024 : i32
    %mul3A_6 = arith.muli %add3A, %mul3A_5 : i32
    %mul3A_7 = arith.constant 1024 : i32
    %mul3A_8 = arith.muli %add3A, %mul3A_7 : i32
    %mul3A_9 = arith.constant 1024 : i32
    %mul3A_10 = arith.muli %add3A, %mul3A_9 : i32
    %mul3A_11 = arith.constant 1024 : i32
    %mul3A_12 = arith.muli %add3A, %mul3A_11 : i32
    %mul3A_13 = arith.constant 1024 : i32
    %mul3A_14 = arith.muli %add3A, %mul3A_13 : i32
    %mul3A_15 = arith.constant 1024 : i32
    %mul3A_16 = arith.muli %add3A, %mul3A_15 : i32
    %mul3A_17 = arith.constant 1024 : i32
    %mul3A_18 = arith.muli %add3A, %mul3A_17 : i32
    %mul3A_19 = arith.constant 1024 : i32
    %mul3A_20 = arith.muli %add3A, %mul3A_19 : i32
    %mul3A_21 = arith.constant 512 : i32
    %mul3A_22 = arith.muli %add3A, %mul3A_21 : i32
    %mul3A_23 = arith.constant 512 : i32
    %mul3A_24 = arith.muli %add3A, %mul3A_23 : i32
    %mul3A_25 = arith.constant 512 : i32
    %mul3A_26 = arith.muli %add3A, %mul3A_25 : i32
    %mul3A_27 = arith.constant 512 : i32
    %mul3A_28 = arith.muli %add3A, %mul3A_27 : i32
    %dma_start3A = arith.constant 0 : i32
    %dma_start3A_29 = arith.constant 0 : i32
    %dma_start3A_30 = arith.constant 0 : i32
    %dma_start3A_31 = arith.constant 0 : i32
    %dma_start3A_32 = tpu.memref_slice %arg10[%dma_start3A, %dma_start3A_30, %dma_start3A_31] : memref<3x128x256xf32, #tpu.memory_space<vmem>> -> memref<1x128x256xf32, #tpu.memory_space<vmem>>
    %dma_start3A_33 = tpu.memref_squeeze %dma_start3A_32 : memref<1x128x256xf32, #tpu.memory_space<vmem>> -> memref<128x256xf32, #tpu.memory_space<vmem>>
    %dma_start3A_34 = arith.constant 0 : i32
    %dma_start3A_35 = tpu.memref_slice %arg8[%dma_start3A_34] : memref<1024xi32, #tpu.memory_space<vmem>> -> memref<128xi32, #tpu.memory_space<vmem>>
    %dma_start3A_36 = arith.constant 0 : i32
    %dma_start3A_37 = arith.constant 0 : i32
    %dma_start3A_38 = tpu.memref_slice %arg2[%dma_start3A_36, %dma_start3A_37] : memref<50000x256xf32, #tpu.memory_space<hbm>> -> memref<50000x256xf32, #tpu.memory_space<hbm>>
    %dma_start3A_39 = tpu.memref_slice %arg11[%dma_start3A_29] : memref<3x!tpu.dma_semaphore, #tpu.memory_space<semaphore_mem>> -> memref<1x!tpu.dma_semaphore, #tpu.memory_space<semaphore_mem>>
    %dma_start3A_40 = tpu.memref_squeeze %dma_start3A_39 : memref<1x!tpu.dma_semaphore, #tpu.memory_space<semaphore_mem>> -> memref<!tpu.dma_semaphore, #tpu.memory_space<semaphore_mem>>
    tpu.enqueue_indirect_dma source(%dma_start3A_38 : memref<50000x256xf32, #tpu.memory_space<hbm>>) target(%dma_start3A_33 : memref<128x256xf32, #tpu.memory_space<vmem>>) offsets(%dma_start3A_35 : memref<128xi32, #tpu.memory_space<vmem>>) semaphore(%dma_start3A_40 : memref<!tpu.dma_semaphore, #tpu.memory_space<semaphore_mem>>)
    %dma_start3A_41 = arith.constant 1 : i32
    %dma_start3A_42 = arith.constant 1 : i32
    %dma_start3A_43 = arith.constant 0 : i32
    %dma_start3A_44 = arith.constant 0 : i32
    %dma_start3A_45 = tpu.memref_slice %arg10[%dma_start3A_41, %dma_start3A_43, %dma_start3A_44] : memref<3x128x256xf32, #tpu.memory_space<vmem>> -> memref<1x128x256xf32, #tpu.memory_space<vmem>>
    %dma_start3A_46 = tpu.memref_squeeze %dma_start3A_45 : memref<1x128x256xf32, #tpu.memory_space<vmem>> -> memref<128x256xf32, #tpu.memory_space<vmem>>
    %dma_start3A_47 = arith.constant 128 : i32
    %dma_start3A_48 = tpu.memref_slice %arg8[%dma_start3A_47] : memref<1024xi32, #tpu.memory_space<vmem>> -> memref<128xi32, #tpu.memory_space<vmem>>
    %dma_start3A_49 = arith.constant 0 : i32
    %dma_start3A_50 = arith.constant 0 : i32
    %dma_start3A_51 = tpu.memref_slice %arg2[%dma_start3A_49, %dma_start3A_50] : memref<50000x256xf32, #tpu.memory_space<hbm>> -> memref<50000x256xf32, #tpu.memory_space<hbm>>
    %dma_start3A_52 = tpu.memref_slice %arg11[%dma_start3A_42] : memref<3x!tpu.dma_semaphore, #tpu.memory_space<semaphore_mem>> -> memref<1x!tpu.dma_semaphore, #tpu.memory_space<semaphore_mem>>
    %dma_start3A_53 = tpu.memref_squeeze %dma_start3A_52 : memref<1x!tpu.dma_semaphore, #tpu.memory_space<semaphore_mem>> -> memref<!tpu.dma_semaphore, #tpu.memory_space<semaphore_mem>>
    tpu.enqueue_indirect_dma source(%dma_start3A_51 : memref<50000x256xf32, #tpu.memory_space<hbm>>) target(%dma_start3A_46 : memref<128x256xf32, #tpu.memory_space<vmem>>) offsets(%dma_start3A_48 : memref<128xi32, #tpu.memory_space<vmem>>) semaphore(%dma_start3A_53 : memref<!tpu.dma_semaphore, #tpu.memory_space<semaphore_mem>>)
    %dma_wait3A = arith.constant 0 : i32
    %dma_wait3A_54 = arith.constant 0 : i32
    %dma_wait3A_55 = arith.constant 0 : i32
    %dma_wait3A_56 = arith.constant 0 : i32
    %dma_wait3A_57 = tpu.memref_slice %arg10[%dma_wait3A, %dma_wait3A_55, %dma_wait3A_56] : memref<3x128x256xf32, #tpu.memory_space<vmem>> -> memref<1x128x256xf32, #tpu.memory_space<vmem>>
    %dma_wait3A_58 = tpu.memref_squeeze %dma_wait3A_57 : memref<1x128x256xf32, #tpu.memory_space<vmem>> -> memref<128x256xf32, #tpu.memory_space<vmem>>
    %dma_wait3A_59 = arith.constant 0 : i32
    %dma_wait3A_60 = tpu.memref_slice %arg8[%dma_wait3A_59] : memref<1024xi32, #tpu.memory_space<vmem>> -> memref<128xi32, #tpu.memory_space<vmem>>
    %dma_wait3A_61 = arith.constant 0 : i32
    %dma_wait3A_62 = arith.constant 0 : i32
    %dma_wait3A_63 = tpu.memref_slice %arg2[%dma_wait3A_61, %dma_wait3A_62] : memref<50000x256xf32, #tpu.memory_space<hbm>> -> memref<50000x256xf32, #tpu.memory_space<hbm>>
    %dma_wait3A_64 = tpu.memref_slice %arg11[%dma_wait3A_54] : memref<3x!tpu.dma_semaphore, #tpu.memory_space<semaphore_mem>> -> memref<1x!tpu.dma_semaphore, #tpu.memory_space<semaphore_mem>>
    %dma_wait3A_65 = tpu.memref_squeeze %dma_wait3A_64 : memref<1x!tpu.dma_semaphore, #tpu.memory_space<semaphore_mem>> -> memref<!tpu.dma_semaphore, #tpu.memory_space<semaphore_mem>>
    tpu.wait_indirect_dma semaphore(%dma_wait3A_65 : memref<!tpu.dma_semaphore, #tpu.memory_space<semaphore_mem>>) src(%dma_wait3A_63 : memref<50000x256xf32, #tpu.memory_space<hbm>>) dst(%dma_wait3A_58 : memref<128x256xf32, #tpu.memory_space<vmem>>)
    %add3A_66 = arith.constant 0 : i32
    %add3A_67 = arith.addi %mul3A_6, %add3A_66 : i32
    %dma_start3A_68 = arith.constant 0 : i32
    %dma_start3A_69 = arith.constant 0 : i32
    %dma_start3A_70 = arith.constant 0 : i32
    %dma_start3A_71 = arith.constant 0 : i32
    %dma_start3A_72 = tpu.memref_slice %arg10[%dma_start3A_68, %dma_start3A_70, %dma_start3A_71] : memref<3x128x256xf32, #tpu.memory_space<vmem>> -> memref<1x128x256xf32, #tpu.memory_space<vmem>>
    %dma_start3A_73 = tpu.memref_squeeze %dma_start3A_72 : memref<1x128x256xf32, #tpu.memory_space<vmem>> -> memref<128x256xf32, #tpu.memory_space<vmem>>
    %dma_start3A_74 = arith.constant 0 : i32
    %dma_start3A_75 = tpu.memref_slice %arg6[%add3A_67, %dma_start3A_74] : memref<32768x256xf32, #tpu.memory_space<hbm>> -> memref<128x256xf32, #tpu.memory_space<hbm>>
    %dma_start3A_76 = tpu.memref_slice %arg12[%dma_start3A_69] : memref<3x!tpu.dma_semaphore, #tpu.memory_space<semaphore_mem>> -> memref<1x!tpu.dma_semaphore, #tpu.memory_space<semaphore_mem>>
    %dma_start3A_77 = tpu.memref_squeeze %dma_start3A_76 : memref<1x!tpu.dma_semaphore, #tpu.memory_space<semaphore_mem>> -> memref<!tpu.dma_semaphore, #tpu.memory_space<semaphore_mem>>
    %dma_start3A_78 = arith.constant 0 : i32
    %dma_start3A_79 = tpu.memref_slice %arg6[%add3A_67, %dma_start3A_78] : memref<32768x256xf32, #tpu.memory_space<hbm>> -> memref<128x256xf32, #tpu.memory_space<hbm>>
    %dma_start3A_80 = arith.constant 0 : i32
    %dma_start3A_81 = arith.constant 0 : i32
    %dma_start3A_82 = tpu.memref_slice %arg10[%dma_start3A_68, %dma_start3A_80, %dma_start3A_81] : memref<3x128x256xf32, #tpu.memory_space<vmem>> -> memref<1x128x256xf32, #tpu.memory_space<vmem>>
    %dma_start3A_83 = tpu.memref_squeeze %dma_start3A_82 : memref<1x128x256xf32, #tpu.memory_space<vmem>> -> memref<128x256xf32, #tpu.memory_space<vmem>>
    tpu.enqueue_dma source(%dma_start3A_83 : memref<128x256xf32, #tpu.memory_space<vmem>>) target(%dma_start3A_79 : memref<128x256xf32, #tpu.memory_space<hbm>>) target_semaphore(%dma_start3A_77 : memref<!tpu.dma_semaphore, #tpu.memory_space<semaphore_mem>>)
    %dma_start3A_84 = arith.constant 2 : i32
    %dma_start3A_85 = arith.constant 2 : i32
    %dma_start3A_86 = arith.constant 0 : i32
    %dma_start3A_87 = arith.constant 0 : i32
    %dma_start3A_88 = tpu.memref_slice %arg10[%dma_start3A_84, %dma_start3A_86, %dma_start3A_87] : memref<3x128x256xf32, #tpu.memory_space<vmem>> -> memref<1x128x256xf32, #tpu.memory_space<vmem>>
    %dma_start3A_89 = tpu.memref_squeeze %dma_start3A_88 : memref<1x128x256xf32, #tpu.memory_space<vmem>> -> memref<128x256xf32, #tpu.memory_space<vmem>>
    %dma_start3A_90 = arith.constant 256 : i32
    %dma_start3A_91 = tpu.memref_slice %arg8[%dma_start3A_90] : memref<1024xi32, #tpu.memory_space<vmem>> -> memref<128xi32, #tpu.memory_space<vmem>>
    %dma_start3A_92 = arith.constant 0 : i32
    %dma_start3A_93 = arith.constant 0 : i32
    %dma_start3A_94 = tpu.memref_slice %arg2[%dma_start3A_92, %dma_start3A_93] : memref<50000x256xf32, #tpu.memory_space<hbm>> -> memref<50000x256xf32, #tpu.memory_space<hbm>>
    %dma_start3A_95 = tpu.memref_slice %arg11[%dma_start3A_85] : memref<3x!tpu.dma_semaphore, #tpu.memory_space<semaphore_mem>> -> memref<1x!tpu.dma_semaphore, #tpu.memory_space<semaphore_mem>>
    %dma_start3A_96 = tpu.memref_squeeze %dma_start3A_95 : memref<1x!tpu.dma_semaphore, #tpu.memory_space<semaphore_mem>> -> memref<!tpu.dma_semaphore, #tpu.memory_space<semaphore_mem>>
    tpu.enqueue_indirect_dma source(%dma_start3A_94 : memref<50000x256xf32, #tpu.memory_space<hbm>>) target(%dma_start3A_89 : memref<128x256xf32, #tpu.memory_space<vmem>>) offsets(%dma_start3A_91 : memref<128xi32, #tpu.memory_space<vmem>>) semaphore(%dma_start3A_96 : memref<!tpu.dma_semaphore, #tpu.memory_space<semaphore_mem>>)
    %dma_wait3A_97 = arith.constant 1 : i32
    %dma_wait3A_98 = arith.constant 1 : i32
    %dma_wait3A_99 = arith.constant 0 : i32
    %dma_wait3A_100 = arith.constant 0 : i32
    %dma_wait3A_101 = tpu.memref_slice %arg10[%dma_wait3A_97, %dma_wait3A_99, %dma_wait3A_100] : memref<3x128x256xf32, #tpu.memory_space<vmem>> -> memref<1x128x256xf32, #tpu.memory_space<vmem>>
    %dma_wait3A_102 = tpu.memref_squeeze %dma_wait3A_101 : memref<1x128x256xf32, #tpu.memory_space<vmem>> -> memref<128x256xf32, #tpu.memory_space<vmem>>
    %dma_wait3A_103 = arith.constant 128 : i32
    %dma_wait3A_104 = tpu.memref_slice %arg8[%dma_wait3A_103] : memref<1024xi32, #tpu.memory_space<vmem>> -> memref<128xi32, #tpu.memory_space<vmem>>
    %dma_wait3A_105 = arith.constant 0 : i32
    %dma_wait3A_106 = arith.constant 0 : i32
    %dma_wait3A_107 = tpu.memref_slice %arg2[%dma_wait3A_105, %dma_wait3A_106] : memref<50000x256xf32, #tpu.memory_space<hbm>> -> memref<50000x256xf32, #tpu.memory_space<hbm>>
    %dma_wait3A_108 = tpu.memref_slice %arg11[%dma_wait3A_98] : memref<3x!tpu.dma_semaphore, #tpu.memory_space<semaphore_mem>> -> memref<1x!tpu.dma_semaphore, #tpu.memory_space<semaphore_mem>>
    %dma_wait3A_109 = tpu.memref_squeeze %dma_wait3A_108 : memref<1x!tpu.dma_semaphore, #tpu.memory_space<semaphore_mem>> -> memref<!tpu.dma_semaphore, #tpu.memory_space<semaphore_mem>>
    tpu.wait_indirect_dma semaphore(%dma_wait3A_109 : memref<!tpu.dma_semaphore, #tpu.memory_space<semaphore_mem>>) src(%dma_wait3A_107 : memref<50000x256xf32, #tpu.memory_space<hbm>>) dst(%dma_wait3A_102 : memref<128x256xf32, #tpu.memory_space<vmem>>)
    %add3A_110 = arith.constant 128 : i32
    %add3A_111 = arith.addi %mul3A_8, %add3A_110 : i32
    %dma_start3A_112 = arith.constant 1 : i32
    %dma_start3A_113 = arith.constant 1 : i32
    %dma_start3A_114 = arith.constant 0 : i32
    %dma_start3A_115 = arith.constant 0 : i32
    %dma_start3A_116 = tpu.memref_slice %arg10[%dma_start3A_112, %dma_start3A_114, %dma_start3A_115] : memref<3x128x256xf32, #tpu.memory_space<vmem>> -> memref<1x128x256xf32, #tpu.memory_space<vmem>>
    %dma_start3A_117 = tpu.memref_squeeze %dma_start3A_116 : memref<1x128x256xf32, #tpu.memory_space<vmem>> -> memref<128x256xf32, #tpu.memory_space<vmem>>
    %dma_start3A_118 = arith.constant 0 : i32
    %dma_start3A_119 = tpu.memref_slice %arg6[%add3A_111, %dma_start3A_118] : memref<32768x256xf32, #tpu.memory_space<hbm>> -> memref<128x256xf32, #tpu.memory_space<hbm>>
    %dma_start3A_120 = tpu.memref_slice %arg12[%dma_start3A_113] : memref<3x!tpu.dma_semaphore, #tpu.memory_space<semaphore_mem>> -> memref<1x!tpu.dma_semaphore, #tpu.memory_space<semaphore_mem>>
    %dma_start3A_121 = tpu.memref_squeeze %dma_start3A_120 : memref<1x!tpu.dma_semaphore, #tpu.memory_space<semaphore_mem>> -> memref<!tpu.dma_semaphore, #tpu.memory_space<semaphore_mem>>
    %dma_start3A_122 = arith.constant 0 : i32
    %dma_start3A_123 = tpu.memref_slice %arg6[%add3A_111, %dma_start3A_122] : memref<32768x256xf32, #tpu.memory_space<hbm>> -> memref<128x256xf32, #tpu.memory_space<hbm>>
    %dma_start3A_124 = arith.constant 0 : i32
    %dma_start3A_125 = arith.constant 0 : i32
    %dma_start3A_126 = tpu.memref_slice %arg10[%dma_start3A_112, %dma_start3A_124, %dma_start3A_125] : memref<3x128x256xf32, #tpu.memory_space<vmem>> -> memref<1x128x256xf32, #tpu.memory_space<vmem>>
    %dma_start3A_127 = tpu.memref_squeeze %dma_start3A_126 : memref<1x128x256xf32, #tpu.memory_space<vmem>> -> memref<128x256xf32, #tpu.memory_space<vmem>>
    tpu.enqueue_dma source(%dma_start3A_127 : memref<128x256xf32, #tpu.memory_space<vmem>>) target(%dma_start3A_123 : memref<128x256xf32, #tpu.memory_space<hbm>>) target_semaphore(%dma_start3A_121 : memref<!tpu.dma_semaphore, #tpu.memory_space<semaphore_mem>>)
    %dma_wait3A_128 = arith.constant 0 : i32
    %dma_wait3A_129 = arith.constant 0 : i32
    %dma_wait3A_130 = arith.constant 0 : i32
    %dma_wait3A_131 = arith.constant 0 : i32
    %dma_wait3A_132 = tpu.memref_slice %arg10[%dma_wait3A_128, %dma_wait3A_130, %dma_wait3A_131] : memref<3x128x256xf32, #tpu.memory_space<vmem>> -> memref<1x128x256xf32, #tpu.memory_space<vmem>>
    %dma_wait3A_133 = tpu.memref_squeeze %dma_wait3A_132 : memref<1x128x256xf32, #tpu.memory_space<vmem>> -> memref<128x256xf32, #tpu.memory_space<vmem>>
    %dma_wait3A_134 = arith.constant 0 : i32
    %dma_wait3A_135 = tpu.memref_slice %arg6[%add3A_67, %dma_wait3A_134] : memref<32768x256xf32, #tpu.memory_space<hbm>> -> memref<128x256xf32, #tpu.memory_space<hbm>>
    %dma_wait3A_136 = tpu.memref_slice %arg12[%dma_wait3A_129] : memref<3x!tpu.dma_semaphore, #tpu.memory_space<semaphore_mem>> -> memref<1x!tpu.dma_semaphore, #tpu.memory_space<semaphore_mem>>
    %dma_wait3A_137 = tpu.memref_squeeze %dma_wait3A_136 : memref<1x!tpu.dma_semaphore, #tpu.memory_space<semaphore_mem>> -> memref<!tpu.dma_semaphore, #tpu.memory_space<semaphore_mem>>
    %dma_wait3A_138 = arith.constant 0 : i32
    %dma_wait3A_139 = tpu.memref_slice %arg6[%add3A_67, %dma_wait3A_138] : memref<32768x256xf32, #tpu.memory_space<hbm>> -> memref<128x256xf32, #tpu.memory_space<hbm>>
    %dma_wait3A_140 = arith.constant 0 : i32
    %dma_wait3A_141 = arith.constant 0 : i32
    %dma_wait3A_142 = tpu.memref_slice %arg10[%dma_wait3A_128, %dma_wait3A_140, %dma_wait3A_141] : memref<3x128x256xf32, #tpu.memory_space<vmem>> -> memref<1x128x256xf32, #tpu.memory_space<vmem>>
    %dma_wait3A_143 = tpu.memref_squeeze %dma_wait3A_142 : memref<1x128x256xf32, #tpu.memory_space<vmem>> -> memref<128x256xf32, #tpu.memory_space<vmem>>
    tpu.wait_dma2 semaphore(%dma_wait3A_137 : memref<!tpu.dma_semaphore, #tpu.memory_space<semaphore_mem>>) src(%dma_wait3A_143 : memref<128x256xf32, #tpu.memory_space<vmem>>) dst(%dma_wait3A_139 : memref<128x256xf32, #tpu.memory_space<hbm>>)
    %dma_start3A_144 = arith.constant 0 : i32
    %dma_start3A_145 = arith.constant 0 : i32
    %dma_start3A_146 = arith.constant 0 : i32
    %dma_start3A_147 = arith.constant 0 : i32
    %dma_start3A_148 = tpu.memref_slice %arg10[%dma_start3A_144, %dma_start3A_146, %dma_start3A_147] : memref<3x128x256xf32, #tpu.memory_space<vmem>> -> memref<1x128x256xf32, #tpu.memory_space<vmem>>
    %dma_start3A_149 = tpu.memref_squeeze %dma_start3A_148 : memref<1x128x256xf32, #tpu.memory_space<vmem>> -> memref<128x256xf32, #tpu.memory_space<vmem>>
    %dma_start3A_150 = arith.constant 384 : i32
    %dma_start3A_151 = tpu.memref_slice %arg8[%dma_start3A_150] : memref<1024xi32, #tpu.memory_space<vmem>> -> memref<128xi32, #tpu.memory_space<vmem>>
    %dma_start3A_152 = arith.constant 0 : i32
    %dma_start3A_153 = arith.constant 0 : i32
    %dma_start3A_154 = tpu.memref_slice %arg2[%dma_start3A_152, %dma_start3A_153] : memref<50000x256xf32, #tpu.memory_space<hbm>> -> memref<50000x256xf32, #tpu.memory_space<hbm>>
    %dma_start3A_155 = tpu.memref_slice %arg11[%dma_start3A_145] : memref<3x!tpu.dma_semaphore, #tpu.memory_space<semaphore_mem>> -> memref<1x!tpu.dma_semaphore, #tpu.memory_space<semaphore_mem>>
    %dma_start3A_156 = tpu.memref_squeeze %dma_start3A_155 : memref<1x!tpu.dma_semaphore, #tpu.memory_space<semaphore_mem>> -> memref<!tpu.dma_semaphore, #tpu.memory_space<semaphore_mem>>
    tpu.enqueue_indirect_dma source(%dma_start3A_154 : memref<50000x256xf32, #tpu.memory_space<hbm>>) target(%dma_start3A_149 : memref<128x256xf32, #tpu.memory_space<vmem>>) offsets(%dma_start3A_151 : memref<128xi32, #tpu.memory_space<vmem>>) semaphore(%dma_start3A_156 : memref<!tpu.dma_semaphore, #tpu.memory_space<semaphore_mem>>)
    %dma_wait3A_157 = arith.constant 2 : i32
    %dma_wait3A_158 = arith.constant 2 : i32
    %dma_wait3A_159 = arith.constant 0 : i32
    %dma_wait3A_160 = arith.constant 0 : i32
    %dma_wait3A_161 = tpu.memref_slice %arg10[%dma_wait3A_157, %dma_wait3A_159, %dma_wait3A_160] : memref<3x128x256xf32, #tpu.memory_space<vmem>> -> memref<1x128x256xf32, #tpu.memory_space<vmem>>
    %dma_wait3A_162 = tpu.memref_squeeze %dma_wait3A_161 : memref<1x128x256xf32, #tpu.memory_space<vmem>> -> memref<128x256xf32, #tpu.memory_space<vmem>>
    %dma_wait3A_163 = arith.constant 256 : i32
    %dma_wait3A_164 = tpu.memref_slice %arg8[%dma_wait3A_163] : memref<1024xi32, #tpu.memory_space<vmem>> -> memref<128xi32, #tpu.memory_space<vmem>>
    %dma_wait3A_165 = arith.constant 0 : i32
    %dma_wait3A_166 = arith.constant 0 : i32
    %dma_wait3A_167 = tpu.memref_slice %arg2[%dma_wait3A_165, %dma_wait3A_166] : memref<50000x256xf32, #tpu.memory_space<hbm>> -> memref<50000x256xf32, #tpu.memory_space<hbm>>
    %dma_wait3A_168 = tpu.memref_slice %arg11[%dma_wait3A_158] : memref<3x!tpu.dma_semaphore, #tpu.memory_space<semaphore_mem>> -> memref<1x!tpu.dma_semaphore, #tpu.memory_space<semaphore_mem>>
    %dma_wait3A_169 = tpu.memref_squeeze %dma_wait3A_168 : memref<1x!tpu.dma_semaphore, #tpu.memory_space<semaphore_mem>> -> memref<!tpu.dma_semaphore, #tpu.memory_space<semaphore_mem>>
    tpu.wait_indirect_dma semaphore(%dma_wait3A_169 : memref<!tpu.dma_semaphore, #tpu.memory_space<semaphore_mem>>) src(%dma_wait3A_167 : memref<50000x256xf32, #tpu.memory_space<hbm>>) dst(%dma_wait3A_162 : memref<128x256xf32, #tpu.memory_space<vmem>>)
    %add3A_170 = arith.constant 256 : i32
    %add3A_171 = arith.addi %mul3A_10, %add3A_170 : i32
    %dma_start3A_172 = arith.constant 2 : i32
    %dma_start3A_173 = arith.constant 2 : i32
    %dma_start3A_174 = arith.constant 0 : i32
    %dma_start3A_175 = arith.constant 0 : i32
    %dma_start3A_176 = tpu.memref_slice %arg10[%dma_start3A_172, %dma_start3A_174, %dma_start3A_175] : memref<3x128x256xf32, #tpu.memory_space<vmem>> -> memref<1x128x256xf32, #tpu.memory_space<vmem>>
    %dma_start3A_177 = tpu.memref_squeeze %dma_start3A_176 : memref<1x128x256xf32, #tpu.memory_space<vmem>> -> memref<128x256xf32, #tpu.memory_space<vmem>>
    %dma_start3A_178 = arith.constant 0 : i32
    %dma_start3A_179 = tpu.memref_slice %arg6[%add3A_171, %dma_start3A_178] : memref<32768x256xf32, #tpu.memory_space<hbm>> -> memref<128x256xf32, #tpu.memory_space<hbm>>
    %dma_start3A_180 = tpu.memref_slice %arg12[%dma_start3A_173] : memref<3x!tpu.dma_semaphore, #tpu.memory_space<semaphore_mem>> -> memref<1x!tpu.dma_semaphore, #tpu.memory_space<semaphore_mem>>
    %dma_start3A_181 = tpu.memref_squeeze %dma_start3A_180 : memref<1x!tpu.dma_semaphore, #tpu.memory_space<semaphore_mem>> -> memref<!tpu.dma_semaphore, #tpu.memory_space<semaphore_mem>>
    %dma_start3A_182 = arith.constant 0 : i32
    %dma_start3A_183 = tpu.memref_slice %arg6[%add3A_171, %dma_start3A_182] : memref<32768x256xf32, #tpu.memory_space<hbm>> -> memref<128x256xf32, #tpu.memory_space<hbm>>
    %dma_start3A_184 = arith.constant 0 : i32
    %dma_start3A_185 = arith.constant 0 : i32
    %dma_start3A_186 = tpu.memref_slice %arg10[%dma_start3A_172, %dma_start3A_184, %dma_start3A_185] : memref<3x128x256xf32, #tpu.memory_space<vmem>> -> memref<1x128x256xf32, #tpu.memory_space<vmem>>
    %dma_start3A_187 = tpu.memref_squeeze %dma_start3A_186 : memref<1x128x256xf32, #tpu.memory_space<vmem>> -> memref<128x256xf32, #tpu.memory_space<vmem>>
    tpu.enqueue_dma source(%dma_start3A_187 : memref<128x256xf32, #tpu.memory_space<vmem>>) target(%dma_start3A_183 : memref<128x256xf32, #tpu.memory_space<hbm>>) target_semaphore(%dma_start3A_181 : memref<!tpu.dma_semaphore, #tpu.memory_space<semaphore_mem>>)
    %dma_wait3A_188 = arith.constant 1 : i32
    %dma_wait3A_189 = arith.constant 1 : i32
    %dma_wait3A_190 = arith.constant 0 : i32
    %dma_wait3A_191 = arith.constant 0 : i32
    %dma_wait3A_192 = tpu.memref_slice %arg10[%dma_wait3A_188, %dma_wait3A_190, %dma_wait3A_191] : memref<3x128x256xf32, #tpu.memory_space<vmem>> -> memref<1x128x256xf32, #tpu.memory_space<vmem>>
    %dma_wait3A_193 = tpu.memref_squeeze %dma_wait3A_192 : memref<1x128x256xf32, #tpu.memory_space<vmem>> -> memref<128x256xf32, #tpu.memory_space<vmem>>
    %dma_wait3A_194 = arith.constant 0 : i32
    %dma_wait3A_195 = tpu.memref_slice %arg6[%add3A_111, %dma_wait3A_194] : memref<32768x256xf32, #tpu.memory_space<hbm>> -> memref<128x256xf32, #tpu.memory_space<hbm>>
    %dma_wait3A_196 = tpu.memref_slice %arg12[%dma_wait3A_189] : memref<3x!tpu.dma_semaphore, #tpu.memory_space<semaphore_mem>> -> memref<1x!tpu.dma_semaphore, #tpu.memory_space<semaphore_mem>>
    %dma_wait3A_197 = tpu.memref_squeeze %dma_wait3A_196 : memref<1x!tpu.dma_semaphore, #tpu.memory_space<semaphore_mem>> -> memref<!tpu.dma_semaphore, #tpu.memory_space<semaphore_mem>>
    %dma_wait3A_198 = arith.constant 0 : i32
    %dma_wait3A_199 = tpu.memref_slice %arg6[%add3A_111, %dma_wait3A_198] : memref<32768x256xf32, #tpu.memory_space<hbm>> -> memref<128x256xf32, #tpu.memory_space<hbm>>
    %dma_wait3A_200 = arith.constant 0 : i32
    %dma_wait3A_201 = arith.constant 0 : i32
    %dma_wait3A_202 = tpu.memref_slice %arg10[%dma_wait3A_188, %dma_wait3A_200, %dma_wait3A_201] : memref<3x128x256xf32, #tpu.memory_space<vmem>> -> memref<1x128x256xf32, #tpu.memory_space<vmem>>
    %dma_wait3A_203 = tpu.memref_squeeze %dma_wait3A_202 : memref<1x128x256xf32, #tpu.memory_space<vmem>> -> memref<128x256xf32, #tpu.memory_space<vmem>>
    tpu.wait_dma2 semaphore(%dma_wait3A_197 : memref<!tpu.dma_semaphore, #tpu.memory_space<semaphore_mem>>) src(%dma_wait3A_203 : memref<128x256xf32, #tpu.memory_space<vmem>>) dst(%dma_wait3A_199 : memref<128x256xf32, #tpu.memory_space<hbm>>)
    %dma_start3A_204 = arith.constant 1 : i32
    %dma_start3A_205 = arith.constant 1 : i32
    %dma_start3A_206 = arith.constant 0 : i32
    %dma_start3A_207 = arith.constant 0 : i32
    %dma_start3A_208 = tpu.memref_slice %arg10[%dma_start3A_204, %dma_start3A_206, %dma_start3A_207] : memref<3x128x256xf32, #tpu.memory_space<vmem>> -> memref<1x128x256xf32, #tpu.memory_space<vmem>>
    %dma_start3A_209 = tpu.memref_squeeze %dma_start3A_208 : memref<1x128x256xf32, #tpu.memory_space<vmem>> -> memref<128x256xf32, #tpu.memory_space<vmem>>
    %dma_start3A_210 = arith.constant 512 : i32
    %dma_start3A_211 = tpu.memref_slice %arg8[%dma_start3A_210] : memref<1024xi32, #tpu.memory_space<vmem>> -> memref<128xi32, #tpu.memory_space<vmem>>
    %dma_start3A_212 = arith.constant 0 : i32
    %dma_start3A_213 = arith.constant 0 : i32
    %dma_start3A_214 = tpu.memref_slice %arg2[%dma_start3A_212, %dma_start3A_213] : memref<50000x256xf32, #tpu.memory_space<hbm>> -> memref<50000x256xf32, #tpu.memory_space<hbm>>
    %dma_start3A_215 = tpu.memref_slice %arg11[%dma_start3A_205] : memref<3x!tpu.dma_semaphore, #tpu.memory_space<semaphore_mem>> -> memref<1x!tpu.dma_semaphore, #tpu.memory_space<semaphore_mem>>
    %dma_start3A_216 = tpu.memref_squeeze %dma_start3A_215 : memref<1x!tpu.dma_semaphore, #tpu.memory_space<semaphore_mem>> -> memref<!tpu.dma_semaphore, #tpu.memory_space<semaphore_mem>>
    tpu.enqueue_indirect_dma source(%dma_start3A_214 : memref<50000x256xf32, #tpu.memory_space<hbm>>) target(%dma_start3A_209 : memref<128x256xf32, #tpu.memory_space<vmem>>) offsets(%dma_start3A_211 : memref<128xi32, #tpu.memory_space<vmem>>) semaphore(%dma_start3A_216 : memref<!tpu.dma_semaphore, #tpu.memory_space<semaphore_mem>>)
    %dma_wait3A_217 = arith.constant 0 : i32
    %dma_wait3A_218 = arith.constant 0 : i32
    %dma_wait3A_219 = arith.constant 0 : i32
    %dma_wait3A_220 = arith.constant 0 : i32
    %dma_wait3A_221 = tpu.memref_slice %arg10[%dma_wait3A_217, %dma_wait3A_219, %dma_wait3A_220] : memref<3x128x256xf32, #tpu.memory_space<vmem>> -> memref<1x128x256xf32, #tpu.memory_space<vmem>>
    %dma_wait3A_222 = tpu.memref_squeeze %dma_wait3A_221 : memref<1x128x256xf32, #tpu.memory_space<vmem>> -> memref<128x256xf32, #tpu.memory_space<vmem>>
    %dma_wait3A_223 = arith.constant 384 : i32
    %dma_wait3A_224 = tpu.memref_slice %arg8[%dma_wait3A_223] : memref<1024xi32, #tpu.memory_space<vmem>> -> memref<128xi32, #tpu.memory_space<vmem>>
    %dma_wait3A_225 = arith.constant 0 : i32
    %dma_wait3A_226 = arith.constant 0 : i32
    %dma_wait3A_227 = tpu.memref_slice %arg2[%dma_wait3A_225, %dma_wait3A_226] : memref<50000x256xf32, #tpu.memory_space<hbm>> -> memref<50000x256xf32, #tpu.memory_space<hbm>>
    %dma_wait3A_228 = tpu.memref_slice %arg11[%dma_wait3A_218] : memref<3x!tpu.dma_semaphore, #tpu.memory_space<semaphore_mem>> -> memref<1x!tpu.dma_semaphore, #tpu.memory_space<semaphore_mem>>
    %dma_wait3A_229 = tpu.memref_squeeze %dma_wait3A_228 : memref<1x!tpu.dma_semaphore, #tpu.memory_space<semaphore_mem>> -> memref<!tpu.dma_semaphore, #tpu.memory_space<semaphore_mem>>
    tpu.wait_indirect_dma semaphore(%dma_wait3A_229 : memref<!tpu.dma_semaphore, #tpu.memory_space<semaphore_mem>>) src(%dma_wait3A_227 : memref<50000x256xf32, #tpu.memory_space<hbm>>) dst(%dma_wait3A_222 : memref<128x256xf32, #tpu.memory_space<vmem>>)
    %add3A_230 = arith.constant 384 : i32
    %add3A_231 = arith.addi %mul3A_12, %add3A_230 : i32
    %dma_start3A_232 = arith.constant 0 : i32
    %dma_start3A_233 = arith.constant 0 : i32
    %dma_start3A_234 = arith.constant 0 : i32
    %dma_start3A_235 = arith.constant 0 : i32
    %dma_start3A_236 = tpu.memref_slice %arg10[%dma_start3A_232, %dma_start3A_234, %dma_start3A_235] : memref<3x128x256xf32, #tpu.memory_space<vmem>> -> memref<1x128x256xf32, #tpu.memory_space<vmem>>
    %dma_start3A_237 = tpu.memref_squeeze %dma_start3A_236 : memref<1x128x256xf32, #tpu.memory_space<vmem>> -> memref<128x256xf32, #tpu.memory_space<vmem>>
    %dma_start3A_238 = arith.constant 0 : i32
    %dma_start3A_239 = tpu.memref_slice %arg6[%add3A_231, %dma_start3A_238] : memref<32768x256xf32, #tpu.memory_space<hbm>> -> memref<128x256xf32, #tpu.memory_space<hbm>>
    %dma_start3A_240 = tpu.memref_slice %arg12[%dma_start3A_233] : memref<3x!tpu.dma_semaphore, #tpu.memory_space<semaphore_mem>> -> memref<1x!tpu.dma_semaphore, #tpu.memory_space<semaphore_mem>>
    %dma_start3A_241 = tpu.memref_squeeze %dma_start3A_240 : memref<1x!tpu.dma_semaphore, #tpu.memory_space<semaphore_mem>> -> memref<!tpu.dma_semaphore, #tpu.memory_space<semaphore_mem>>
    %dma_start3A_242 = arith.constant 0 : i32
    %dma_start3A_243 = tpu.memref_slice %arg6[%add3A_231, %dma_start3A_242] : memref<32768x256xf32, #tpu.memory_space<hbm>> -> memref<128x256xf32, #tpu.memory_space<hbm>>
    %dma_start3A_244 = arith.constant 0 : i32
    %dma_start3A_245 = arith.constant 0 : i32
    %dma_start3A_246 = tpu.memref_slice %arg10[%dma_start3A_232, %dma_start3A_244, %dma_start3A_245] : memref<3x128x256xf32, #tpu.memory_space<vmem>> -> memref<1x128x256xf32, #tpu.memory_space<vmem>>
    %dma_start3A_247 = tpu.memref_squeeze %dma_start3A_246 : memref<1x128x256xf32, #tpu.memory_space<vmem>> -> memref<128x256xf32, #tpu.memory_space<vmem>>
    tpu.enqueue_dma source(%dma_start3A_247 : memref<128x256xf32, #tpu.memory_space<vmem>>) target(%dma_start3A_243 : memref<128x256xf32, #tpu.memory_space<hbm>>) target_semaphore(%dma_start3A_241 : memref<!tpu.dma_semaphore, #tpu.memory_space<semaphore_mem>>)
    %dma_wait3A_248 = arith.constant 2 : i32
    %dma_wait3A_249 = arith.constant 2 : i32
    %dma_wait3A_250 = arith.constant 0 : i32
    %dma_wait3A_251 = arith.constant 0 : i32
    %dma_wait3A_252 = tpu.memref_slice %arg10[%dma_wait3A_248, %dma_wait3A_250, %dma_wait3A_251] : memref<3x128x256xf32, #tpu.memory_space<vmem>> -> memref<1x128x256xf32, #tpu.memory_space<vmem>>
    %dma_wait3A_253 = tpu.memref_squeeze %dma_wait3A_252 : memref<1x128x256xf32, #tpu.memory_space<vmem>> -> memref<128x256xf32, #tpu.memory_space<vmem>>
    %dma_wait3A_254 = arith.constant 0 : i32
    %dma_wait3A_255 = tpu.memref_slice %arg6[%add3A_171, %dma_wait3A_254] : memref<32768x256xf32, #tpu.memory_space<hbm>> -> memref<128x256xf32, #tpu.memory_space<hbm>>
    %dma_wait3A_256 = tpu.memref_slice %arg12[%dma_wait3A_249] : memref<3x!tpu.dma_semaphore, #tpu.memory_space<semaphore_mem>> -> memref<1x!tpu.dma_semaphore, #tpu.memory_space<semaphore_mem>>
    %dma_wait3A_257 = tpu.memref_squeeze %dma_wait3A_256 : memref<1x!tpu.dma_semaphore, #tpu.memory_space<semaphore_mem>> -> memref<!tpu.dma_semaphore, #tpu.memory_space<semaphore_mem>>
    %dma_wait3A_258 = arith.constant 0 : i32
    %dma_wait3A_259 = tpu.memref_slice %arg6[%add3A_171, %dma_wait3A_258] : memref<32768x256xf32, #tpu.memory_space<hbm>> -> memref<128x256xf32, #tpu.memory_space<hbm>>
    %dma_wait3A_260 = arith.constant 0 : i32
    %dma_wait3A_261 = arith.constant 0 : i32
    %dma_wait3A_262 = tpu.memref_slice %arg10[%dma_wait3A_248, %dma_wait3A_260, %dma_wait3A_261] : memref<3x128x256xf32, #tpu.memory_space<vmem>> -> memref<1x128x256xf32, #tpu.memory_space<vmem>>
    %dma_wait3A_263 = tpu.memref_squeeze %dma_wait3A_262 : memref<1x128x256xf32, #tpu.memory_space<vmem>> -> memref<128x256xf32, #tpu.memory_space<vmem>>
    tpu.wait_dma2 semaphore(%dma_wait3A_257 : memref<!tpu.dma_semaphore, #tpu.memory_space<semaphore_mem>>) src(%dma_wait3A_263 : memref<128x256xf32, #tpu.memory_space<vmem>>) dst(%dma_wait3A_259 : memref<128x256xf32, #tpu.memory_space<hbm>>)
    %dma_start3A_264 = arith.constant 2 : i32
    %dma_start3A_265 = arith.constant 2 : i32
    %dma_start3A_266 = arith.constant 0 : i32
    %dma_start3A_267 = arith.constant 0 : i32
    %dma_start3A_268 = tpu.memref_slice %arg10[%dma_start3A_264, %dma_start3A_266, %dma_start3A_267] : memref<3x128x256xf32, #tpu.memory_space<vmem>> -> memref<1x128x256xf32, #tpu.memory_space<vmem>>
    %dma_start3A_269 = tpu.memref_squeeze %dma_start3A_268 : memref<1x128x256xf32, #tpu.memory_space<vmem>> -> memref<128x256xf32, #tpu.memory_space<vmem>>
    %dma_start3A_270 = arith.constant 640 : i32
    %dma_start3A_271 = tpu.memref_slice %arg8[%dma_start3A_270] : memref<1024xi32, #tpu.memory_space<vmem>> -> memref<128xi32, #tpu.memory_space<vmem>>
    %dma_start3A_272 = arith.constant 0 : i32
    %dma_start3A_273 = arith.constant 0 : i32
    %dma_start3A_274 = tpu.memref_slice %arg2[%dma_start3A_272, %dma_start3A_273] : memref<50000x256xf32, #tpu.memory_space<hbm>> -> memref<50000x256xf32, #tpu.memory_space<hbm>>
    %dma_start3A_275 = tpu.memref_slice %arg11[%dma_start3A_265] : memref<3x!tpu.dma_semaphore, #tpu.memory_space<semaphore_mem>> -> memref<1x!tpu.dma_semaphore, #tpu.memory_space<semaphore_mem>>
    %dma_start3A_276 = tpu.memref_squeeze %dma_start3A_275 : memref<1x!tpu.dma_semaphore, #tpu.memory_space<semaphore_mem>> -> memref<!tpu.dma_semaphore, #tpu.memory_space<semaphore_mem>>
    tpu.enqueue_indirect_dma source(%dma_start3A_274 : memref<50000x256xf32, #tpu.memory_space<hbm>>) target(%dma_start3A_269 : memref<128x256xf32, #tpu.memory_space<vmem>>) offsets(%dma_start3A_271 : memref<128xi32, #tpu.memory_space<vmem>>) semaphore(%dma_start3A_276 : memref<!tpu.dma_semaphore, #tpu.memory_space<semaphore_mem>>)
    %dma_wait3A_277 = arith.constant 1 : i32
    %dma_wait3A_278 = arith.constant 1 : i32
    %dma_wait3A_279 = arith.constant 0 : i32
    %dma_wait3A_280 = arith.constant 0 : i32
    %dma_wait3A_281 = tpu.memref_slice %arg10[%dma_wait3A_277, %dma_wait3A_279, %dma_wait3A_280] : memref<3x128x256xf32, #tpu.memory_space<vmem>> -> memref<1x128x256xf32, #tpu.memory_space<vmem>>
    %dma_wait3A_282 = tpu.memref_squeeze %dma_wait3A_281 : memref<1x128x256xf32, #tpu.memory_space<vmem>> -> memref<128x256xf32, #tpu.memory_space<vmem>>
    %dma_wait3A_283 = arith.constant 512 : i32
    %dma_wait3A_284 = tpu.memref_slice %arg8[%dma_wait3A_283] : memref<1024xi32, #tpu.memory_space<vmem>> -> memref<128xi32, #tpu.memory_space<vmem>>
    %dma_wait3A_285 = arith.constant 0 : i32
    %dma_wait3A_286 = arith.constant 0 : i32
    %dma_wait3A_287 = tpu.memref_slice %arg2[%dma_wait3A_285, %dma_wait3A_286] : memref<50000x256xf32, #tpu.memory_space<hbm>> -> memref<50000x256xf32, #tpu.memory_space<hbm>>
    %dma_wait3A_288 = tpu.memref_slice %arg11[%dma_wait3A_278] : memref<3x!tpu.dma_semaphore, #tpu.memory_space<semaphore_mem>> -> memref<1x!tpu.dma_semaphore, #tpu.memory_space<semaphore_mem>>
    %dma_wait3A_289 = tpu.memref_squeeze %dma_wait3A_288 : memref<1x!tpu.dma_semaphore, #tpu.memory_space<semaphore_mem>> -> memref<!tpu.dma_semaphore, #tpu.memory_space<semaphore_mem>>
    tpu.wait_indirect_dma semaphore(%dma_wait3A_289 : memref<!tpu.dma_semaphore, #tpu.memory_space<semaphore_mem>>) src(%dma_wait3A_287 : memref<50000x256xf32, #tpu.memory_space<hbm>>) dst(%dma_wait3A_282 : memref<128x256xf32, #tpu.memory_space<vmem>>)
    %add3A_290 = arith.constant 512 : i32
    %add3A_291 = arith.addi %mul3A_14, %add3A_290 : i32
    %dma_start3A_292 = arith.constant 1 : i32
    %dma_start3A_293 = arith.constant 1 : i32
    %dma_start3A_294 = arith.constant 0 : i32
    %dma_start3A_295 = arith.constant 0 : i32
    %dma_start3A_296 = tpu.memref_slice %arg10[%dma_start3A_292, %dma_start3A_294, %dma_start3A_295] : memref<3x128x256xf32, #tpu.memory_space<vmem>> -> memref<1x128x256xf32, #tpu.memory_space<vmem>>
    %dma_start3A_297 = tpu.memref_squeeze %dma_start3A_296 : memref<1x128x256xf32, #tpu.memory_space<vmem>> -> memref<128x256xf32, #tpu.memory_space<vmem>>
    %dma_start3A_298 = arith.constant 0 : i32
    %dma_start3A_299 = tpu.memref_slice %arg6[%add3A_291, %dma_start3A_298] : memref<32768x256xf32, #tpu.memory_space<hbm>> -> memref<128x256xf32, #tpu.memory_space<hbm>>
    %dma_start3A_300 = tpu.memref_slice %arg12[%dma_start3A_293] : memref<3x!tpu.dma_semaphore, #tpu.memory_space<semaphore_mem>> -> memref<1x!tpu.dma_semaphore, #tpu.memory_space<semaphore_mem>>
    %dma_start3A_301 = tpu.memref_squeeze %dma_start3A_300 : memref<1x!tpu.dma_semaphore, #tpu.memory_space<semaphore_mem>> -> memref<!tpu.dma_semaphore, #tpu.memory_space<semaphore_mem>>
    %dma_start3A_302 = arith.constant 0 : i32
    %dma_start3A_303 = tpu.memref_slice %arg6[%add3A_291, %dma_start3A_302] : memref<32768x256xf32, #tpu.memory_space<hbm>> -> memref<128x256xf32, #tpu.memory_space<hbm>>
    %dma_start3A_304 = arith.constant 0 : i32
    %dma_start3A_305 = arith.constant 0 : i32
    %dma_start3A_306 = tpu.memref_slice %arg10[%dma_start3A_292, %dma_start3A_304, %dma_start3A_305] : memref<3x128x256xf32, #tpu.memory_space<vmem>> -> memref<1x128x256xf32, #tpu.memory_space<vmem>>
    %dma_start3A_307 = tpu.memref_squeeze %dma_start3A_306 : memref<1x128x256xf32, #tpu.memory_space<vmem>> -> memref<128x256xf32, #tpu.memory_space<vmem>>
    tpu.enqueue_dma source(%dma_start3A_307 : memref<128x256xf32, #tpu.memory_space<vmem>>) target(%dma_start3A_303 : memref<128x256xf32, #tpu.memory_space<hbm>>) target_semaphore(%dma_start3A_301 : memref<!tpu.dma_semaphore, #tpu.memory_space<semaphore_mem>>)
    %dma_wait3A_308 = arith.constant 0 : i32
    %dma_wait3A_309 = arith.constant 0 : i32
    %dma_wait3A_310 = arith.constant 0 : i32
    %dma_wait3A_311 = arith.constant 0 : i32
    %dma_wait3A_312 = tpu.memref_slice %arg10[%dma_wait3A_308, %dma_wait3A_310, %dma_wait3A_311] : memref<3x128x256xf32, #tpu.memory_space<vmem>> -> memref<1x128x256xf32, #tpu.memory_space<vmem>>
    %dma_wait3A_313 = tpu.memref_squeeze %dma_wait3A_312 : memref<1x128x256xf32, #tpu.memory_space<vmem>> -> memref<128x256xf32, #tpu.memory_space<vmem>>
    %dma_wait3A_314 = arith.constant 0 : i32
    %dma_wait3A_315 = tpu.memref_slice %arg6[%add3A_231, %dma_wait3A_314] : memref<32768x256xf32, #tpu.memory_space<hbm>> -> memref<128x256xf32, #tpu.memory_space<hbm>>
    %dma_wait3A_316 = tpu.memref_slice %arg12[%dma_wait3A_309] : memref<3x!tpu.dma_semaphore, #tpu.memory_space<semaphore_mem>> -> memref<1x!tpu.dma_semaphore, #tpu.memory_space<semaphore_mem>>
    %dma_wait3A_317 = tpu.memref_squeeze %dma_wait3A_316 : memref<1x!tpu.dma_semaphore, #tpu.memory_space<semaphore_mem>> -> memref<!tpu.dma_semaphore, #tpu.memory_space<semaphore_mem>>
    %dma_wait3A_318 = arith.constant 0 : i32
    %dma_wait3A_319 = tpu.memref_slice %arg6[%add3A_231, %dma_wait3A_318] : memref<32768x256xf32, #tpu.memory_space<hbm>> -> memref<128x256xf32, #tpu.memory_space<hbm>>
    %dma_wait3A_320 = arith.constant 0 : i32
    %dma_wait3A_321 = arith.constant 0 : i32
    %dma_wait3A_322 = tpu.memref_slice %arg10[%dma_wait3A_308, %dma_wait3A_320, %dma_wait3A_321] : memref<3x128x256xf32, #tpu.memory_space<vmem>> -> memref<1x128x256xf32, #tpu.memory_space<vmem>>
    %dma_wait3A_323 = tpu.memref_squeeze %dma_wait3A_322 : memref<1x128x256xf32, #tpu.memory_space<vmem>> -> memref<128x256xf32, #tpu.memory_space<vmem>>
    tpu.wait_dma2 semaphore(%dma_wait3A_317 : memref<!tpu.dma_semaphore, #tpu.memory_space<semaphore_mem>>) src(%dma_wait3A_323 : memref<128x256xf32, #tpu.memory_space<vmem>>) dst(%dma_wait3A_319 : memref<128x256xf32, #tpu.memory_space<hbm>>)
    %dma_start3A_324 = arith.constant 0 : i32
    %dma_start3A_325 = arith.constant 0 : i32
    %dma_start3A_326 = arith.constant 0 : i32
    %dma_start3A_327 = arith.constant 0 : i32
    %dma_start3A_328 = tpu.memref_slice %arg10[%dma_start3A_324, %dma_start3A_326, %dma_start3A_327] : memref<3x128x256xf32, #tpu.memory_space<vmem>> -> memref<1x128x256xf32, #tpu.memory_space<vmem>>
    %dma_start3A_329 = tpu.memref_squeeze %dma_start3A_328 : memref<1x128x256xf32, #tpu.memory_space<vmem>> -> memref<128x256xf32, #tpu.memory_space<vmem>>
    %dma_start3A_330 = arith.constant 768 : i32
    %dma_start3A_331 = tpu.memref_slice %arg8[%dma_start3A_330] : memref<1024xi32, #tpu.memory_space<vmem>> -> memref<128xi32, #tpu.memory_space<vmem>>
    %dma_start3A_332 = arith.constant 0 : i32
    %dma_start3A_333 = arith.constant 0 : i32
    %dma_start3A_334 = tpu.memref_slice %arg2[%dma_start3A_332, %dma_start3A_333] : memref<50000x256xf32, #tpu.memory_space<hbm>> -> memref<50000x256xf32, #tpu.memory_space<hbm>>
    %dma_start3A_335 = tpu.memref_slice %arg11[%dma_start3A_325] : memref<3x!tpu.dma_semaphore, #tpu.memory_space<semaphore_mem>> -> memref<1x!tpu.dma_semaphore, #tpu.memory_space<semaphore_mem>>
    %dma_start3A_336 = tpu.memref_squeeze %dma_start3A_335 : memref<1x!tpu.dma_semaphore, #tpu.memory_space<semaphore_mem>> -> memref<!tpu.dma_semaphore, #tpu.memory_space<semaphore_mem>>
    tpu.enqueue_indirect_dma source(%dma_start3A_334 : memref<50000x256xf32, #tpu.memory_space<hbm>>) target(%dma_start3A_329 : memref<128x256xf32, #tpu.memory_space<vmem>>) offsets(%dma_start3A_331 : memref<128xi32, #tpu.memory_space<vmem>>) semaphore(%dma_start3A_336 : memref<!tpu.dma_semaphore, #tpu.memory_space<semaphore_mem>>)
    %dma_wait3A_337 = arith.constant 2 : i32
    %dma_wait3A_338 = arith.constant 2 : i32
    %dma_wait3A_339 = arith.constant 0 : i32
    %dma_wait3A_340 = arith.constant 0 : i32
    %dma_wait3A_341 = tpu.memref_slice %arg10[%dma_wait3A_337, %dma_wait3A_339, %dma_wait3A_340] : memref<3x128x256xf32, #tpu.memory_space<vmem>> -> memref<1x128x256xf32, #tpu.memory_space<vmem>>
    %dma_wait3A_342 = tpu.memref_squeeze %dma_wait3A_341 : memref<1x128x256xf32, #tpu.memory_space<vmem>> -> memref<128x256xf32, #tpu.memory_space<vmem>>
    %dma_wait3A_343 = arith.constant 640 : i32
    %dma_wait3A_344 = tpu.memref_slice %arg8[%dma_wait3A_343] : memref<1024xi32, #tpu.memory_space<vmem>> -> memref<128xi32, #tpu.memory_space<vmem>>
    %dma_wait3A_345 = arith.constant 0 : i32
    %dma_wait3A_346 = arith.constant 0 : i32
    %dma_wait3A_347 = tpu.memref_slice %arg2[%dma_wait3A_345, %dma_wait3A_346] : memref<50000x256xf32, #tpu.memory_space<hbm>> -> memref<50000x256xf32, #tpu.memory_space<hbm>>
    %dma_wait3A_348 = tpu.memref_slice %arg11[%dma_wait3A_338] : memref<3x!tpu.dma_semaphore, #tpu.memory_space<semaphore_mem>> -> memref<1x!tpu.dma_semaphore, #tpu.memory_space<semaphore_mem>>
    %dma_wait3A_349 = tpu.memref_squeeze %dma_wait3A_348 : memref<1x!tpu.dma_semaphore, #tpu.memory_space<semaphore_mem>> -> memref<!tpu.dma_semaphore, #tpu.memory_space<semaphore_mem>>
    tpu.wait_indirect_dma semaphore(%dma_wait3A_349 : memref<!tpu.dma_semaphore, #tpu.memory_space<semaphore_mem>>) src(%dma_wait3A_347 : memref<50000x256xf32, #tpu.memory_space<hbm>>) dst(%dma_wait3A_342 : memref<128x256xf32, #tpu.memory_space<vmem>>)
    %add3A_350 = arith.constant 640 : i32
    %add3A_351 = arith.addi %mul3A_16, %add3A_350 : i32
    %dma_start3A_352 = arith.constant 2 : i32
    %dma_start3A_353 = arith.constant 2 : i32
    %dma_start3A_354 = arith.constant 0 : i32
    %dma_start3A_355 = arith.constant 0 : i32
    %dma_start3A_356 = tpu.memref_slice %arg10[%dma_start3A_352, %dma_start3A_354, %dma_start3A_355] : memref<3x128x256xf32, #tpu.memory_space<vmem>> -> memref<1x128x256xf32, #tpu.memory_space<vmem>>
    %dma_start3A_357 = tpu.memref_squeeze %dma_start3A_356 : memref<1x128x256xf32, #tpu.memory_space<vmem>> -> memref<128x256xf32, #tpu.memory_space<vmem>>
    %dma_start3A_358 = arith.constant 0 : i32
    %dma_start3A_359 = tpu.memref_slice %arg6[%add3A_351, %dma_start3A_358] : memref<32768x256xf32, #tpu.memory_space<hbm>> -> memref<128x256xf32, #tpu.memory_space<hbm>>
    %dma_start3A_360 = tpu.memref_slice %arg12[%dma_start3A_353] : memref<3x!tpu.dma_semaphore, #tpu.memory_space<semaphore_mem>> -> memref<1x!tpu.dma_semaphore, #tpu.memory_space<semaphore_mem>>
    %dma_start3A_361 = tpu.memref_squeeze %dma_start3A_360 : memref<1x!tpu.dma_semaphore, #tpu.memory_space<semaphore_mem>> -> memref<!tpu.dma_semaphore, #tpu.memory_space<semaphore_mem>>
    %dma_start3A_362 = arith.constant 0 : i32
    %dma_start3A_363 = tpu.memref_slice %arg6[%add3A_351, %dma_start3A_362] : memref<32768x256xf32, #tpu.memory_space<hbm>> -> memref<128x256xf32, #tpu.memory_space<hbm>>
    %dma_start3A_364 = arith.constant 0 : i32
    %dma_start3A_365 = arith.constant 0 : i32
    %dma_start3A_366 = tpu.memref_slice %arg10[%dma_start3A_352, %dma_start3A_364, %dma_start3A_365] : memref<3x128x256xf32, #tpu.memory_space<vmem>> -> memref<1x128x256xf32, #tpu.memory_space<vmem>>
    %dma_start3A_367 = tpu.memref_squeeze %dma_start3A_366 : memref<1x128x256xf32, #tpu.memory_space<vmem>> -> memref<128x256xf32, #tpu.memory_space<vmem>>
    tpu.enqueue_dma source(%dma_start3A_367 : memref<128x256xf32, #tpu.memory_space<vmem>>) target(%dma_start3A_363 : memref<128x256xf32, #tpu.memory_space<hbm>>) target_semaphore(%dma_start3A_361 : memref<!tpu.dma_semaphore, #tpu.memory_space<semaphore_mem>>)
    %dma_wait3A_368 = arith.constant 1 : i32
    %dma_wait3A_369 = arith.constant 1 : i32
    %dma_wait3A_370 = arith.constant 0 : i32
    %dma_wait3A_371 = arith.constant 0 : i32
    %dma_wait3A_372 = tpu.memref_slice %arg10[%dma_wait3A_368, %dma_wait3A_370, %dma_wait3A_371] : memref<3x128x256xf32, #tpu.memory_space<vmem>> -> memref<1x128x256xf32, #tpu.memory_space<vmem>>
    %dma_wait3A_373 = tpu.memref_squeeze %dma_wait3A_372 : memref<1x128x256xf32, #tpu.memory_space<vmem>> -> memref<128x256xf32, #tpu.memory_space<vmem>>
    %dma_wait3A_374 = arith.constant 0 : i32
    %dma_wait3A_375 = tpu.memref_slice %arg6[%add3A_291, %dma_wait3A_374] : memref<32768x256xf32, #tpu.memory_space<hbm>> -> memref<128x256xf32, #tpu.memory_space<hbm>>
    %dma_wait3A_376 = tpu.memref_slice %arg12[%dma_wait3A_369] : memref<3x!tpu.dma_semaphore, #tpu.memory_space<semaphore_mem>> -> memref<1x!tpu.dma_semaphore, #tpu.memory_space<semaphore_mem>>
    %dma_wait3A_377 = tpu.memref_squeeze %dma_wait3A_376 : memref<1x!tpu.dma_semaphore, #tpu.memory_space<semaphore_mem>> -> memref<!tpu.dma_semaphore, #tpu.memory_space<semaphore_mem>>
    %dma_wait3A_378 = arith.constant 0 : i32
    %dma_wait3A_379 = tpu.memref_slice %arg6[%add3A_291, %dma_wait3A_378] : memref<32768x256xf32, #tpu.memory_space<hbm>> -> memref<128x256xf32, #tpu.memory_space<hbm>>
    %dma_wait3A_380 = arith.constant 0 : i32
    %dma_wait3A_381 = arith.constant 0 : i32
    %dma_wait3A_382 = tpu.memref_slice %arg10[%dma_wait3A_368, %dma_wait3A_380, %dma_wait3A_381] : memref<3x128x256xf32, #tpu.memory_space<vmem>> -> memref<1x128x256xf32, #tpu.memory_space<vmem>>
    %dma_wait3A_383 = tpu.memref_squeeze %dma_wait3A_382 : memref<1x128x256xf32, #tpu.memory_space<vmem>> -> memref<128x256xf32, #tpu.memory_space<vmem>>
    tpu.wait_dma2 semaphore(%dma_wait3A_377 : memref<!tpu.dma_semaphore, #tpu.memory_space<semaphore_mem>>) src(%dma_wait3A_383 : memref<128x256xf32, #tpu.memory_space<vmem>>) dst(%dma_wait3A_379 : memref<128x256xf32, #tpu.memory_space<hbm>>)
    %dma_start3A_384 = arith.constant 1 : i32
    %dma_start3A_385 = arith.constant 1 : i32
    %dma_start3A_386 = arith.constant 0 : i32
    %dma_start3A_387 = arith.constant 0 : i32
    %dma_start3A_388 = tpu.memref_slice %arg10[%dma_start3A_384, %dma_start3A_386, %dma_start3A_387] : memref<3x128x256xf32, #tpu.memory_space<vmem>> -> memref<1x128x256xf32, #tpu.memory_space<vmem>>
    %dma_start3A_389 = tpu.memref_squeeze %dma_start3A_388 : memref<1x128x256xf32, #tpu.memory_space<vmem>> -> memref<128x256xf32, #tpu.memory_space<vmem>>
    %dma_start3A_390 = arith.constant 896 : i32
    %dma_start3A_391 = tpu.memref_slice %arg8[%dma_start3A_390] : memref<1024xi32, #tpu.memory_space<vmem>> -> memref<128xi32, #tpu.memory_space<vmem>>
    %dma_start3A_392 = arith.constant 0 : i32
    %dma_start3A_393 = arith.constant 0 : i32
    %dma_start3A_394 = tpu.memref_slice %arg2[%dma_start3A_392, %dma_start3A_393] : memref<50000x256xf32, #tpu.memory_space<hbm>> -> memref<50000x256xf32, #tpu.memory_space<hbm>>
    %dma_start3A_395 = tpu.memref_slice %arg11[%dma_start3A_385] : memref<3x!tpu.dma_semaphore, #tpu.memory_space<semaphore_mem>> -> memref<1x!tpu.dma_semaphore, #tpu.memory_space<semaphore_mem>>
    %dma_start3A_396 = tpu.memref_squeeze %dma_start3A_395 : memref<1x!tpu.dma_semaphore, #tpu.memory_space<semaphore_mem>> -> memref<!tpu.dma_semaphore, #tpu.memory_space<semaphore_mem>>
    tpu.enqueue_indirect_dma source(%dma_start3A_394 : memref<50000x256xf32, #tpu.memory_space<hbm>>) target(%dma_start3A_389 : memref<128x256xf32, #tpu.memory_space<vmem>>) offsets(%dma_start3A_391 : memref<128xi32, #tpu.memory_space<vmem>>) semaphore(%dma_start3A_396 : memref<!tpu.dma_semaphore, #tpu.memory_space<semaphore_mem>>)
    %dma_wait3A_397 = arith.constant 0 : i32
    %dma_wait3A_398 = arith.constant 0 : i32
    %dma_wait3A_399 = arith.constant 0 : i32
    %dma_wait3A_400 = arith.constant 0 : i32
    %dma_wait3A_401 = tpu.memref_slice %arg10[%dma_wait3A_397, %dma_wait3A_399, %dma_wait3A_400] : memref<3x128x256xf32, #tpu.memory_space<vmem>> -> memref<1x128x256xf32, #tpu.memory_space<vmem>>
    %dma_wait3A_402 = tpu.memref_squeeze %dma_wait3A_401 : memref<1x128x256xf32, #tpu.memory_space<vmem>> -> memref<128x256xf32, #tpu.memory_space<vmem>>
    %dma_wait3A_403 = arith.constant 768 : i32
    %dma_wait3A_404 = tpu.memref_slice %arg8[%dma_wait3A_403] : memref<1024xi32, #tpu.memory_space<vmem>> -> memref<128xi32, #tpu.memory_space<vmem>>
    %dma_wait3A_405 = arith.constant 0 : i32
    %dma_wait3A_406 = arith.constant 0 : i32
    %dma_wait3A_407 = tpu.memref_slice %arg2[%dma_wait3A_405, %dma_wait3A_406] : memref<50000x256xf32, #tpu.memory_space<hbm>> -> memref<50000x256xf32, #tpu.memory_space<hbm>>
    %dma_wait3A_408 = tpu.memref_slice %arg11[%dma_wait3A_398] : memref<3x!tpu.dma_semaphore, #tpu.memory_space<semaphore_mem>> -> memref<1x!tpu.dma_semaphore, #tpu.memory_space<semaphore_mem>>
    %dma_wait3A_409 = tpu.memref_squeeze %dma_wait3A_408 : memref<1x!tpu.dma_semaphore, #tpu.memory_space<semaphore_mem>> -> memref<!tpu.dma_semaphore, #tpu.memory_space<semaphore_mem>>
    tpu.wait_indirect_dma semaphore(%dma_wait3A_409 : memref<!tpu.dma_semaphore, #tpu.memory_space<semaphore_mem>>) src(%dma_wait3A_407 : memref<50000x256xf32, #tpu.memory_space<hbm>>) dst(%dma_wait3A_402 : memref<128x256xf32, #tpu.memory_space<vmem>>)
    %add3A_410 = arith.constant 768 : i32
    %add3A_411 = arith.addi %mul3A_18, %add3A_410 : i32
    %dma_start3A_412 = arith.constant 0 : i32
    %dma_start3A_413 = arith.constant 0 : i32
    %dma_start3A_414 = arith.constant 0 : i32
    %dma_start3A_415 = arith.constant 0 : i32
    %dma_start3A_416 = tpu.memref_slice %arg10[%dma_start3A_412, %dma_start3A_414, %dma_start3A_415] : memref<3x128x256xf32, #tpu.memory_space<vmem>> -> memref<1x128x256xf32, #tpu.memory_space<vmem>>
    %dma_start3A_417 = tpu.memref_squeeze %dma_start3A_416 : memref<1x128x256xf32, #tpu.memory_space<vmem>> -> memref<128x256xf32, #tpu.memory_space<vmem>>
    %dma_start3A_418 = arith.constant 0 : i32
    %dma_start3A_419 = tpu.memref_slice %arg6[%add3A_411, %dma_start3A_418] : memref<32768x256xf32, #tpu.memory_space<hbm>> -> memref<128x256xf32, #tpu.memory_space<hbm>>
    %dma_start3A_420 = tpu.memref_slice %arg12[%dma_start3A_413] : memref<3x!tpu.dma_semaphore, #tpu.memory_space<semaphore_mem>> -> memref<1x!tpu.dma_semaphore, #tpu.memory_space<semaphore_mem>>
    %dma_start3A_421 = tpu.memref_squeeze %dma_start3A_420 : memref<1x!tpu.dma_semaphore, #tpu.memory_space<semaphore_mem>> -> memref<!tpu.dma_semaphore, #tpu.memory_space<semaphore_mem>>
    %dma_start3A_422 = arith.constant 0 : i32
    %dma_start3A_423 = tpu.memref_slice %arg6[%add3A_411, %dma_start3A_422] : memref<32768x256xf32, #tpu.memory_space<hbm>> -> memref<128x256xf32, #tpu.memory_space<hbm>>
    %dma_start3A_424 = arith.constant 0 : i32
    %dma_start3A_425 = arith.constant 0 : i32
    %dma_start3A_426 = tpu.memref_slice %arg10[%dma_start3A_412, %dma_start3A_424, %dma_start3A_425] : memref<3x128x256xf32, #tpu.memory_space<vmem>> -> memref<1x128x256xf32, #tpu.memory_space<vmem>>
    %dma_start3A_427 = tpu.memref_squeeze %dma_start3A_426 : memref<1x128x256xf32, #tpu.memory_space<vmem>> -> memref<128x256xf32, #tpu.memory_space<vmem>>
    tpu.enqueue_dma source(%dma_start3A_427 : memref<128x256xf32, #tpu.memory_space<vmem>>) target(%dma_start3A_423 : memref<128x256xf32, #tpu.memory_space<hbm>>) target_semaphore(%dma_start3A_421 : memref<!tpu.dma_semaphore, #tpu.memory_space<semaphore_mem>>)
    %dma_wait3A_428 = arith.constant 2 : i32
    %dma_wait3A_429 = arith.constant 2 : i32
    %dma_wait3A_430 = arith.constant 0 : i32
    %dma_wait3A_431 = arith.constant 0 : i32
    %dma_wait3A_432 = tpu.memref_slice %arg10[%dma_wait3A_428, %dma_wait3A_430, %dma_wait3A_431] : memref<3x128x256xf32, #tpu.memory_space<vmem>> -> memref<1x128x256xf32, #tpu.memory_space<vmem>>
    %dma_wait3A_433 = tpu.memref_squeeze %dma_wait3A_432 : memref<1x128x256xf32, #tpu.memory_space<vmem>> -> memref<128x256xf32, #tpu.memory_space<vmem>>
    %dma_wait3A_434 = arith.constant 0 : i32
    %dma_wait3A_435 = tpu.memref_slice %arg6[%add3A_351, %dma_wait3A_434] : memref<32768x256xf32, #tpu.memory_space<hbm>> -> memref<128x256xf32, #tpu.memory_space<hbm>>
    %dma_wait3A_436 = tpu.memref_slice %arg12[%dma_wait3A_429] : memref<3x!tpu.dma_semaphore, #tpu.memory_space<semaphore_mem>> -> memref<1x!tpu.dma_semaphore, #tpu.memory_space<semaphore_mem>>
    %dma_wait3A_437 = tpu.memref_squeeze %dma_wait3A_436 : memref<1x!tpu.dma_semaphore, #tpu.memory_space<semaphore_mem>> -> memref<!tpu.dma_semaphore, #tpu.memory_space<semaphore_mem>>
    %dma_wait3A_438 = arith.constant 0 : i32
    %dma_wait3A_439 = tpu.memref_slice %arg6[%add3A_351, %dma_wait3A_438] : memref<32768x256xf32, #tpu.memory_space<hbm>> -> memref<128x256xf32, #tpu.memory_space<hbm>>
    %dma_wait3A_440 = arith.constant 0 : i32
    %dma_wait3A_441 = arith.constant 0 : i32
    %dma_wait3A_442 = tpu.memref_slice %arg10[%dma_wait3A_428, %dma_wait3A_440, %dma_wait3A_441] : memref<3x128x256xf32, #tpu.memory_space<vmem>> -> memref<1x128x256xf32, #tpu.memory_space<vmem>>
    %dma_wait3A_443 = tpu.memref_squeeze %dma_wait3A_442 : memref<1x128x256xf32, #tpu.memory_space<vmem>> -> memref<128x256xf32, #tpu.memory_space<vmem>>
    tpu.wait_dma2 semaphore(%dma_wait3A_437 : memref<!tpu.dma_semaphore, #tpu.memory_space<semaphore_mem>>) src(%dma_wait3A_443 : memref<128x256xf32, #tpu.memory_space<vmem>>) dst(%dma_wait3A_439 : memref<128x256xf32, #tpu.memory_space<hbm>>)
    %dma_start3A_444 = arith.constant 2 : i32
    %dma_start3A_445 = arith.constant 2 : i32
    %dma_start3A_446 = arith.constant 0 : i32
    %dma_start3A_447 = arith.constant 0 : i32
    %dma_start3A_448 = tpu.memref_slice %arg10[%dma_start3A_444, %dma_start3A_446, %dma_start3A_447] : memref<3x128x256xf32, #tpu.memory_space<vmem>> -> memref<1x128x256xf32, #tpu.memory_space<vmem>>
    %dma_start3A_449 = tpu.memref_squeeze %dma_start3A_448 : memref<1x128x256xf32, #tpu.memory_space<vmem>> -> memref<128x256xf32, #tpu.memory_space<vmem>>
    %dma_start3A_450 = arith.constant 0 : i32
    %dma_start3A_451 = tpu.memref_slice %arg9[%dma_start3A_450] : memref<512xi32, #tpu.memory_space<vmem>> -> memref<128xi32, #tpu.memory_space<vmem>>
    %dma_start3A_452 = arith.constant 0 : i32
    %dma_start3A_453 = arith.constant 0 : i32
    %dma_start3A_454 = tpu.memref_slice %arg3[%dma_start3A_452, %dma_start3A_453] : memref<500x256xf32, #tpu.memory_space<hbm>> -> memref<500x256xf32, #tpu.memory_space<hbm>>
    %dma_start3A_455 = tpu.memref_slice %arg11[%dma_start3A_445] : memref<3x!tpu.dma_semaphore, #tpu.memory_space<semaphore_mem>> -> memref<1x!tpu.dma_semaphore, #tpu.memory_space<semaphore_mem>>
    %dma_start3A_456 = tpu.memref_squeeze %dma_start3A_455 : memref<1x!tpu.dma_semaphore, #tpu.memory_space<semaphore_mem>> -> memref<!tpu.dma_semaphore, #tpu.memory_space<semaphore_mem>>
    tpu.enqueue_indirect_dma source(%dma_start3A_454 : memref<500x256xf32, #tpu.memory_space<hbm>>) target(%dma_start3A_449 : memref<128x256xf32, #tpu.memory_space<vmem>>) offsets(%dma_start3A_451 : memref<128xi32, #tpu.memory_space<vmem>>) semaphore(%dma_start3A_456 : memref<!tpu.dma_semaphore, #tpu.memory_space<semaphore_mem>>)
    %dma_wait3A_457 = arith.constant 1 : i32
    %dma_wait3A_458 = arith.constant 1 : i32
    %dma_wait3A_459 = arith.constant 0 : i32
    %dma_wait3A_460 = arith.constant 0 : i32
    %dma_wait3A_461 = tpu.memref_slice %arg10[%dma_wait3A_457, %dma_wait3A_459, %dma_wait3A_460] : memref<3x128x256xf32, #tpu.memory_space<vmem>> -> memref<1x128x256xf32, #tpu.memory_space<vmem>>
    %dma_wait3A_462 = tpu.memref_squeeze %dma_wait3A_461 : memref<1x128x256xf32, #tpu.memory_space<vmem>> -> memref<128x256xf32, #tpu.memory_space<vmem>>
    %dma_wait3A_463 = arith.constant 896 : i32
    %dma_wait3A_464 = tpu.memref_slice %arg8[%dma_wait3A_463] : memref<1024xi32, #tpu.memory_space<vmem>> -> memref<128xi32, #tpu.memory_space<vmem>>
    %dma_wait3A_465 = arith.constant 0 : i32
    %dma_wait3A_466 = arith.constant 0 : i32
    %dma_wait3A_467 = tpu.memref_slice %arg2[%dma_wait3A_465, %dma_wait3A_466] : memref<50000x256xf32, #tpu.memory_space<hbm>> -> memref<50000x256xf32, #tpu.memory_space<hbm>>
    %dma_wait3A_468 = tpu.memref_slice %arg11[%dma_wait3A_458] : memref<3x!tpu.dma_semaphore, #tpu.memory_space<semaphore_mem>> -> memref<1x!tpu.dma_semaphore, #tpu.memory_space<semaphore_mem>>
    %dma_wait3A_469 = tpu.memref_squeeze %dma_wait3A_468 : memref<1x!tpu.dma_semaphore, #tpu.memory_space<semaphore_mem>> -> memref<!tpu.dma_semaphore, #tpu.memory_space<semaphore_mem>>
    tpu.wait_indirect_dma semaphore(%dma_wait3A_469 : memref<!tpu.dma_semaphore, #tpu.memory_space<semaphore_mem>>) src(%dma_wait3A_467 : memref<50000x256xf32, #tpu.memory_space<hbm>>) dst(%dma_wait3A_462 : memref<128x256xf32, #tpu.memory_space<vmem>>)
    %add3A_470 = arith.constant 896 : i32
    %add3A_471 = arith.addi %mul3A_20, %add3A_470 : i32
    %dma_start3A_472 = arith.constant 1 : i32
    %dma_start3A_473 = arith.constant 1 : i32
    %dma_start3A_474 = arith.constant 0 : i32
    %dma_start3A_475 = arith.constant 0 : i32
    %dma_start3A_476 = tpu.memref_slice %arg10[%dma_start3A_472, %dma_start3A_474, %dma_start3A_475] : memref<3x128x256xf32, #tpu.memory_space<vmem>> -> memref<1x128x256xf32, #tpu.memory_space<vmem>>
    %dma_start3A_477 = tpu.memref_squeeze %dma_start3A_476 : memref<1x128x256xf32, #tpu.memory_space<vmem>> -> memref<128x256xf32, #tpu.memory_space<vmem>>
    %dma_start3A_478 = arith.constant 0 : i32
    %dma_start3A_479 = tpu.memref_slice %arg6[%add3A_471, %dma_start3A_478] : memref<32768x256xf32, #tpu.memory_space<hbm>> -> memref<128x256xf32, #tpu.memory_space<hbm>>
    %dma_start3A_480 = tpu.memref_slice %arg12[%dma_start3A_473] : memref<3x!tpu.dma_semaphore, #tpu.memory_space<semaphore_mem>> -> memref<1x!tpu.dma_semaphore, #tpu.memory_space<semaphore_mem>>
    %dma_start3A_481 = tpu.memref_squeeze %dma_start3A_480 : memref<1x!tpu.dma_semaphore, #tpu.memory_space<semaphore_mem>> -> memref<!tpu.dma_semaphore, #tpu.memory_space<semaphore_mem>>
    %dma_start3A_482 = arith.constant 0 : i32
    %dma_start3A_483 = tpu.memref_slice %arg6[%add3A_471, %dma_start3A_482] : memref<32768x256xf32, #tpu.memory_space<hbm>> -> memref<128x256xf32, #tpu.memory_space<hbm>>
    %dma_start3A_484 = arith.constant 0 : i32
    %dma_start3A_485 = arith.constant 0 : i32
    %dma_start3A_486 = tpu.memref_slice %arg10[%dma_start3A_472, %dma_start3A_484, %dma_start3A_485] : memref<3x128x256xf32, #tpu.memory_space<vmem>> -> memref<1x128x256xf32, #tpu.memory_space<vmem>>
    %dma_start3A_487 = tpu.memref_squeeze %dma_start3A_486 : memref<1x128x256xf32, #tpu.memory_space<vmem>> -> memref<128x256xf32, #tpu.memory_space<vmem>>
    tpu.enqueue_dma source(%dma_start3A_487 : memref<128x256xf32, #tpu.memory_space<vmem>>) target(%dma_start3A_483 : memref<128x256xf32, #tpu.memory_space<hbm>>) target_semaphore(%dma_start3A_481 : memref<!tpu.dma_semaphore, #tpu.memory_space<semaphore_mem>>)
    %dma_wait3A_488 = arith.constant 0 : i32
    %dma_wait3A_489 = arith.constant 0 : i32
    %dma_wait3A_490 = arith.constant 0 : i32
    %dma_wait3A_491 = arith.constant 0 : i32
    %dma_wait3A_492 = tpu.memref_slice %arg10[%dma_wait3A_488, %dma_wait3A_490, %dma_wait3A_491] : memref<3x128x256xf32, #tpu.memory_space<vmem>> -> memref<1x128x256xf32, #tpu.memory_space<vmem>>
    %dma_wait3A_493 = tpu.memref_squeeze %dma_wait3A_492 : memref<1x128x256xf32, #tpu.memory_space<vmem>> -> memref<128x256xf32, #tpu.memory_space<vmem>>
    %dma_wait3A_494 = arith.constant 0 : i32
    %dma_wait3A_495 = tpu.memref_slice %arg6[%add3A_411, %dma_wait3A_494] : memref<32768x256xf32, #tpu.memory_space<hbm>> -> memref<128x256xf32, #tpu.memory_space<hbm>>
    %dma_wait3A_496 = tpu.memref_slice %arg12[%dma_wait3A_489] : memref<3x!tpu.dma_semaphore, #tpu.memory_space<semaphore_mem>> -> memref<1x!tpu.dma_semaphore, #tpu.memory_space<semaphore_mem>>
    %dma_wait3A_497 = tpu.memref_squeeze %dma_wait3A_496 : memref<1x!tpu.dma_semaphore, #tpu.memory_space<semaphore_mem>> -> memref<!tpu.dma_semaphore, #tpu.memory_space<semaphore_mem>>
    %dma_wait3A_498 = arith.constant 0 : i32
    %dma_wait3A_499 = tpu.memref_slice %arg6[%add3A_411, %dma_wait3A_498] : memref<32768x256xf32, #tpu.memory_space<hbm>> -> memref<128x256xf32, #tpu.memory_space<hbm>>
    %dma_wait3A_500 = arith.constant 0 : i32
    %dma_wait3A_501 = arith.constant 0 : i32
    %dma_wait3A_502 = tpu.memref_slice %arg10[%dma_wait3A_488, %dma_wait3A_500, %dma_wait3A_501] : memref<3x128x256xf32, #tpu.memory_space<vmem>> -> memref<1x128x256xf32, #tpu.memory_space<vmem>>
    %dma_wait3A_503 = tpu.memref_squeeze %dma_wait3A_502 : memref<1x128x256xf32, #tpu.memory_space<vmem>> -> memref<128x256xf32, #tpu.memory_space<vmem>>
    tpu.wait_dma2 semaphore(%dma_wait3A_497 : memref<!tpu.dma_semaphore, #tpu.memory_space<semaphore_mem>>) src(%dma_wait3A_503 : memref<128x256xf32, #tpu.memory_space<vmem>>) dst(%dma_wait3A_499 : memref<128x256xf32, #tpu.memory_space<hbm>>)
    %dma_start3A_504 = arith.constant 0 : i32
    %dma_start3A_505 = arith.constant 0 : i32
    %dma_start3A_506 = arith.constant 0 : i32
    %dma_start3A_507 = arith.constant 0 : i32
    %dma_start3A_508 = tpu.memref_slice %arg10[%dma_start3A_504, %dma_start3A_506, %dma_start3A_507] : memref<3x128x256xf32, #tpu.memory_space<vmem>> -> memref<1x128x256xf32, #tpu.memory_space<vmem>>
    %dma_start3A_509 = tpu.memref_squeeze %dma_start3A_508 : memref<1x128x256xf32, #tpu.memory_space<vmem>> -> memref<128x256xf32, #tpu.memory_space<vmem>>
    %dma_start3A_510 = arith.constant 128 : i32
    %dma_start3A_511 = tpu.memref_slice %arg9[%dma_start3A_510] : memref<512xi32, #tpu.memory_space<vmem>> -> memref<128xi32, #tpu.memory_space<vmem>>
    %dma_start3A_512 = arith.constant 0 : i32
    %dma_start3A_513 = arith.constant 0 : i32
    %dma_start3A_514 = tpu.memref_slice %arg3[%dma_start3A_512, %dma_start3A_513] : memref<500x256xf32, #tpu.memory_space<hbm>> -> memref<500x256xf32, #tpu.memory_space<hbm>>
    %dma_start3A_515 = tpu.memref_slice %arg11[%dma_start3A_505] : memref<3x!tpu.dma_semaphore, #tpu.memory_space<semaphore_mem>> -> memref<1x!tpu.dma_semaphore, #tpu.memory_space<semaphore_mem>>
    %dma_start3A_516 = tpu.memref_squeeze %dma_start3A_515 : memref<1x!tpu.dma_semaphore, #tpu.memory_space<semaphore_mem>> -> memref<!tpu.dma_semaphore, #tpu.memory_space<semaphore_mem>>
    tpu.enqueue_indirect_dma source(%dma_start3A_514 : memref<500x256xf32, #tpu.memory_space<hbm>>) target(%dma_start3A_509 : memref<128x256xf32, #tpu.memory_space<vmem>>) offsets(%dma_start3A_511 : memref<128xi32, #tpu.memory_space<vmem>>) semaphore(%dma_start3A_516 : memref<!tpu.dma_semaphore, #tpu.memory_space<semaphore_mem>>)
    %dma_wait3A_517 = arith.constant 2 : i32
    %dma_wait3A_518 = arith.constant 2 : i32
    %dma_wait3A_519 = arith.constant 0 : i32
    %dma_wait3A_520 = arith.constant 0 : i32
    %dma_wait3A_521 = tpu.memref_slice %arg10[%dma_wait3A_517, %dma_wait3A_519, %dma_wait3A_520] : memref<3x128x256xf32, #tpu.memory_space<vmem>> -> memref<1x128x256xf32, #tpu.memory_space<vmem>>
    %dma_wait3A_522 = tpu.memref_squeeze %dma_wait3A_521 : memref<1x128x256xf32, #tpu.memory_space<vmem>> -> memref<128x256xf32, #tpu.memory_space<vmem>>
    %dma_wait3A_523 = arith.constant 0 : i32
    %dma_wait3A_524 = tpu.memref_slice %arg9[%dma_wait3A_523] : memref<512xi32, #tpu.memory_space<vmem>> -> memref<128xi32, #tpu.memory_space<vmem>>
    %dma_wait3A_525 = arith.constant 0 : i32
    %dma_wait3A_526 = arith.constant 0 : i32
    %dma_wait3A_527 = tpu.memref_slice %arg3[%dma_wait3A_525, %dma_wait3A_526] : memref<500x256xf32, #tpu.memory_space<hbm>> -> memref<500x256xf32, #tpu.memory_space<hbm>>
    %dma_wait3A_528 = tpu.memref_slice %arg11[%dma_wait3A_518] : memref<3x!tpu.dma_semaphore, #tpu.memory_space<semaphore_mem>> -> memref<1x!tpu.dma_semaphore, #tpu.memory_space<semaphore_mem>>
    %dma_wait3A_529 = tpu.memref_squeeze %dma_wait3A_528 : memref<1x!tpu.dma_semaphore, #tpu.memory_space<semaphore_mem>> -> memref<!tpu.dma_semaphore, #tpu.memory_space<semaphore_mem>>
    tpu.wait_indirect_dma semaphore(%dma_wait3A_529 : memref<!tpu.dma_semaphore, #tpu.memory_space<semaphore_mem>>) src(%dma_wait3A_527 : memref<500x256xf32, #tpu.memory_space<hbm>>) dst(%dma_wait3A_522 : memref<128x256xf32, #tpu.memory_space<vmem>>)
    %add3A_530 = arith.constant 0 : i32
    %add3A_531 = arith.addi %mul3A_22, %add3A_530 : i32
    %dma_start3A_532 = arith.constant 2 : i32
    %dma_start3A_533 = arith.constant 2 : i32
    %dma_start3A_534 = arith.constant 0 : i32
    %dma_start3A_535 = arith.constant 0 : i32
    %dma_start3A_536 = tpu.memref_slice %arg10[%dma_start3A_532, %dma_start3A_534, %dma_start3A_535] : memref<3x128x256xf32, #tpu.memory_space<vmem>> -> memref<1x128x256xf32, #tpu.memory_space<vmem>>
    %dma_start3A_537 = tpu.memref_squeeze %dma_start3A_536 : memref<1x128x256xf32, #tpu.memory_space<vmem>> -> memref<128x256xf32, #tpu.memory_space<vmem>>
    %dma_start3A_538 = arith.constant 0 : i32
    %dma_start3A_539 = tpu.memref_slice %arg7[%add3A_531, %dma_start3A_538] : memref<16384x256xf32, #tpu.memory_space<hbm>> -> memref<128x256xf32, #tpu.memory_space<hbm>>
    %dma_start3A_540 = tpu.memref_slice %arg12[%dma_start3A_533] : memref<3x!tpu.dma_semaphore, #tpu.memory_space<semaphore_mem>> -> memref<1x!tpu.dma_semaphore, #tpu.memory_space<semaphore_mem>>
    %dma_start3A_541 = tpu.memref_squeeze %dma_start3A_540 : memref<1x!tpu.dma_semaphore, #tpu.memory_space<semaphore_mem>> -> memref<!tpu.dma_semaphore, #tpu.memory_space<semaphore_mem>>
    %dma_start3A_542 = arith.constant 0 : i32
    %dma_start3A_543 = tpu.memref_slice %arg7[%add3A_531, %dma_start3A_542] : memref<16384x256xf32, #tpu.memory_space<hbm>> -> memref<128x256xf32, #tpu.memory_space<hbm>>
    %dma_start3A_544 = arith.constant 0 : i32
    %dma_start3A_545 = arith.constant 0 : i32
    %dma_start3A_546 = tpu.memref_slice %arg10[%dma_start3A_532, %dma_start3A_544, %dma_start3A_545] : memref<3x128x256xf32, #tpu.memory_space<vmem>> -> memref<1x128x256xf32, #tpu.memory_space<vmem>>
    %dma_start3A_547 = tpu.memref_squeeze %dma_start3A_546 : memref<1x128x256xf32, #tpu.memory_space<vmem>> -> memref<128x256xf32, #tpu.memory_space<vmem>>
    tpu.enqueue_dma source(%dma_start3A_547 : memref<128x256xf32, #tpu.memory_space<vmem>>) target(%dma_start3A_543 : memref<128x256xf32, #tpu.memory_space<hbm>>) target_semaphore(%dma_start3A_541 : memref<!tpu.dma_semaphore, #tpu.memory_space<semaphore_mem>>)
    %dma_wait3A_548 = arith.constant 1 : i32
    %dma_wait3A_549 = arith.constant 1 : i32
    %dma_wait3A_550 = arith.constant 0 : i32
    %dma_wait3A_551 = arith.constant 0 : i32
    %dma_wait3A_552 = tpu.memref_slice %arg10[%dma_wait3A_548, %dma_wait3A_550, %dma_wait3A_551] : memref<3x128x256xf32, #tpu.memory_space<vmem>> -> memref<1x128x256xf32, #tpu.memory_space<vmem>>
    %dma_wait3A_553 = tpu.memref_squeeze %dma_wait3A_552 : memref<1x128x256xf32, #tpu.memory_space<vmem>> -> memref<128x256xf32, #tpu.memory_space<vmem>>
    %dma_wait3A_554 = arith.constant 0 : i32
    %dma_wait3A_555 = tpu.memref_slice %arg6[%add3A_471, %dma_wait3A_554] : memref<32768x256xf32, #tpu.memory_space<hbm>> -> memref<128x256xf32, #tpu.memory_space<hbm>>
    %dma_wait3A_556 = tpu.memref_slice %arg12[%dma_wait3A_549] : memref<3x!tpu.dma_semaphore, #tpu.memory_space<semaphore_mem>> -> memref<1x!tpu.dma_semaphore, #tpu.memory_space<semaphore_mem>>
    %dma_wait3A_557 = tpu.memref_squeeze %dma_wait3A_556 : memref<1x!tpu.dma_semaphore, #tpu.memory_space<semaphore_mem>> -> memref<!tpu.dma_semaphore, #tpu.memory_space<semaphore_mem>>
    %dma_wait3A_558 = arith.constant 0 : i32
    %dma_wait3A_559 = tpu.memref_slice %arg6[%add3A_471, %dma_wait3A_558] : memref<32768x256xf32, #tpu.memory_space<hbm>> -> memref<128x256xf32, #tpu.memory_space<hbm>>
    %dma_wait3A_560 = arith.constant 0 : i32
    %dma_wait3A_561 = arith.constant 0 : i32
    %dma_wait3A_562 = tpu.memref_slice %arg10[%dma_wait3A_548, %dma_wait3A_560, %dma_wait3A_561] : memref<3x128x256xf32, #tpu.memory_space<vmem>> -> memref<1x128x256xf32, #tpu.memory_space<vmem>>
    %dma_wait3A_563 = tpu.memref_squeeze %dma_wait3A_562 : memref<1x128x256xf32, #tpu.memory_space<vmem>> -> memref<128x256xf32, #tpu.memory_space<vmem>>
    tpu.wait_dma2 semaphore(%dma_wait3A_557 : memref<!tpu.dma_semaphore, #tpu.memory_space<semaphore_mem>>) src(%dma_wait3A_563 : memref<128x256xf32, #tpu.memory_space<vmem>>) dst(%dma_wait3A_559 : memref<128x256xf32, #tpu.memory_space<hbm>>)
    %dma_start3A_564 = arith.constant 1 : i32
    %dma_start3A_565 = arith.constant 1 : i32
    %dma_start3A_566 = arith.constant 0 : i32
    %dma_start3A_567 = arith.constant 0 : i32
    %dma_start3A_568 = tpu.memref_slice %arg10[%dma_start3A_564, %dma_start3A_566, %dma_start3A_567] : memref<3x128x256xf32, #tpu.memory_space<vmem>> -> memref<1x128x256xf32, #tpu.memory_space<vmem>>
    %dma_start3A_569 = tpu.memref_squeeze %dma_start3A_568 : memref<1x128x256xf32, #tpu.memory_space<vmem>> -> memref<128x256xf32, #tpu.memory_space<vmem>>
    %dma_start3A_570 = arith.constant 256 : i32
    %dma_start3A_571 = tpu.memref_slice %arg9[%dma_start3A_570] : memref<512xi32, #tpu.memory_space<vmem>> -> memref<128xi32, #tpu.memory_space<vmem>>
    %dma_start3A_572 = arith.constant 0 : i32
    %dma_start3A_573 = arith.constant 0 : i32
    %dma_start3A_574 = tpu.memref_slice %arg3[%dma_start3A_572, %dma_start3A_573] : memref<500x256xf32, #tpu.memory_space<hbm>> -> memref<500x256xf32, #tpu.memory_space<hbm>>
    %dma_start3A_575 = tpu.memref_slice %arg11[%dma_start3A_565] : memref<3x!tpu.dma_semaphore, #tpu.memory_space<semaphore_mem>> -> memref<1x!tpu.dma_semaphore, #tpu.memory_space<semaphore_mem>>
    %dma_start3A_576 = tpu.memref_squeeze %dma_start3A_575 : memref<1x!tpu.dma_semaphore, #tpu.memory_space<semaphore_mem>> -> memref<!tpu.dma_semaphore, #tpu.memory_space<semaphore_mem>>
    tpu.enqueue_indirect_dma source(%dma_start3A_574 : memref<500x256xf32, #tpu.memory_space<hbm>>) target(%dma_start3A_569 : memref<128x256xf32, #tpu.memory_space<vmem>>) offsets(%dma_start3A_571 : memref<128xi32, #tpu.memory_space<vmem>>) semaphore(%dma_start3A_576 : memref<!tpu.dma_semaphore, #tpu.memory_space<semaphore_mem>>)
    %dma_wait3A_577 = arith.constant 0 : i32
    %dma_wait3A_578 = arith.constant 0 : i32
    %dma_wait3A_579 = arith.constant 0 : i32
    %dma_wait3A_580 = arith.constant 0 : i32
    %dma_wait3A_581 = tpu.memref_slice %arg10[%dma_wait3A_577, %dma_wait3A_579, %dma_wait3A_580] : memref<3x128x256xf32, #tpu.memory_space<vmem>> -> memref<1x128x256xf32, #tpu.memory_space<vmem>>
    %dma_wait3A_582 = tpu.memref_squeeze %dma_wait3A_581 : memref<1x128x256xf32, #tpu.memory_space<vmem>> -> memref<128x256xf32, #tpu.memory_space<vmem>>
    %dma_wait3A_583 = arith.constant 128 : i32
    %dma_wait3A_584 = tpu.memref_slice %arg9[%dma_wait3A_583] : memref<512xi32, #tpu.memory_space<vmem>> -> memref<128xi32, #tpu.memory_space<vmem>>
    %dma_wait3A_585 = arith.constant 0 : i32
    %dma_wait3A_586 = arith.constant 0 : i32
    %dma_wait3A_587 = tpu.memref_slice %arg3[%dma_wait3A_585, %dma_wait3A_586] : memref<500x256xf32, #tpu.memory_space<hbm>> -> memref<500x256xf32, #tpu.memory_space<hbm>>
    %dma_wait3A_588 = tpu.memref_slice %arg11[%dma_wait3A_578] : memref<3x!tpu.dma_semaphore, #tpu.memory_space<semaphore_mem>> -> memref<1x!tpu.dma_semaphore, #tpu.memory_space<semaphore_mem>>
    %dma_wait3A_589 = tpu.memref_squeeze %dma_wait3A_588 : memref<1x!tpu.dma_semaphore, #tpu.memory_space<semaphore_mem>> -> memref<!tpu.dma_semaphore, #tpu.memory_space<semaphore_mem>>
    tpu.wait_indirect_dma semaphore(%dma_wait3A_589 : memref<!tpu.dma_semaphore, #tpu.memory_space<semaphore_mem>>) src(%dma_wait3A_587 : memref<500x256xf32, #tpu.memory_space<hbm>>) dst(%dma_wait3A_582 : memref<128x256xf32, #tpu.memory_space<vmem>>)
    %add3A_590 = arith.constant 128 : i32
    %add3A_591 = arith.addi %mul3A_24, %add3A_590 : i32
    %dma_start3A_592 = arith.constant 0 : i32
    %dma_start3A_593 = arith.constant 0 : i32
    %dma_start3A_594 = arith.constant 0 : i32
    %dma_start3A_595 = arith.constant 0 : i32
    %dma_start3A_596 = tpu.memref_slice %arg10[%dma_start3A_592, %dma_start3A_594, %dma_start3A_595] : memref<3x128x256xf32, #tpu.memory_space<vmem>> -> memref<1x128x256xf32, #tpu.memory_space<vmem>>
    %dma_start3A_597 = tpu.memref_squeeze %dma_start3A_596 : memref<1x128x256xf32, #tpu.memory_space<vmem>> -> memref<128x256xf32, #tpu.memory_space<vmem>>
    %dma_start3A_598 = arith.constant 0 : i32
    %dma_start3A_599 = tpu.memref_slice %arg7[%add3A_591, %dma_start3A_598] : memref<16384x256xf32, #tpu.memory_space<hbm>> -> memref<128x256xf32, #tpu.memory_space<hbm>>
    %dma_start3A_600 = tpu.memref_slice %arg12[%dma_start3A_593] : memref<3x!tpu.dma_semaphore, #tpu.memory_space<semaphore_mem>> -> memref<1x!tpu.dma_semaphore, #tpu.memory_space<semaphore_mem>>
    %dma_start3A_601 = tpu.memref_squeeze %dma_start3A_600 : memref<1x!tpu.dma_semaphore, #tpu.memory_space<semaphore_mem>> -> memref<!tpu.dma_semaphore, #tpu.memory_space<semaphore_mem>>
    %dma_start3A_602 = arith.constant 0 : i32
    %dma_start3A_603 = tpu.memref_slice %arg7[%add3A_591, %dma_start3A_602] : memref<16384x256xf32, #tpu.memory_space<hbm>> -> memref<128x256xf32, #tpu.memory_space<hbm>>
    %dma_start3A_604 = arith.constant 0 : i32
    %dma_start3A_605 = arith.constant 0 : i32
    %dma_start3A_606 = tpu.memref_slice %arg10[%dma_start3A_592, %dma_start3A_604, %dma_start3A_605] : memref<3x128x256xf32, #tpu.memory_space<vmem>> -> memref<1x128x256xf32, #tpu.memory_space<vmem>>
    %dma_start3A_607 = tpu.memref_squeeze %dma_start3A_606 : memref<1x128x256xf32, #tpu.memory_space<vmem>> -> memref<128x256xf32, #tpu.memory_space<vmem>>
    tpu.enqueue_dma source(%dma_start3A_607 : memref<128x256xf32, #tpu.memory_space<vmem>>) target(%dma_start3A_603 : memref<128x256xf32, #tpu.memory_space<hbm>>) target_semaphore(%dma_start3A_601 : memref<!tpu.dma_semaphore, #tpu.memory_space<semaphore_mem>>)
    %dma_wait3A_608 = arith.constant 2 : i32
    %dma_wait3A_609 = arith.constant 2 : i32
    %dma_wait3A_610 = arith.constant 0 : i32
    %dma_wait3A_611 = arith.constant 0 : i32
    %dma_wait3A_612 = tpu.memref_slice %arg10[%dma_wait3A_608, %dma_wait3A_610, %dma_wait3A_611] : memref<3x128x256xf32, #tpu.memory_space<vmem>> -> memref<1x128x256xf32, #tpu.memory_space<vmem>>
    %dma_wait3A_613 = tpu.memref_squeeze %dma_wait3A_612 : memref<1x128x256xf32, #tpu.memory_space<vmem>> -> memref<128x256xf32, #tpu.memory_space<vmem>>
    %dma_wait3A_614 = arith.constant 0 : i32
    %dma_wait3A_615 = tpu.memref_slice %arg7[%add3A_531, %dma_wait3A_614] : memref<16384x256xf32, #tpu.memory_space<hbm>> -> memref<128x256xf32, #tpu.memory_space<hbm>>
    %dma_wait3A_616 = tpu.memref_slice %arg12[%dma_wait3A_609] : memref<3x!tpu.dma_semaphore, #tpu.memory_space<semaphore_mem>> -> memref<1x!tpu.dma_semaphore, #tpu.memory_space<semaphore_mem>>
    %dma_wait3A_617 = tpu.memref_squeeze %dma_wait3A_616 : memref<1x!tpu.dma_semaphore, #tpu.memory_space<semaphore_mem>> -> memref<!tpu.dma_semaphore, #tpu.memory_space<semaphore_mem>>
    %dma_wait3A_618 = arith.constant 0 : i32
    %dma_wait3A_619 = tpu.memref_slice %arg7[%add3A_531, %dma_wait3A_618] : memref<16384x256xf32, #tpu.memory_space<hbm>> -> memref<128x256xf32, #tpu.memory_space<hbm>>
    %dma_wait3A_620 = arith.constant 0 : i32
    %dma_wait3A_621 = arith.constant 0 : i32
    %dma_wait3A_622 = tpu.memref_slice %arg10[%dma_wait3A_608, %dma_wait3A_620, %dma_wait3A_621] : memref<3x128x256xf32, #tpu.memory_space<vmem>> -> memref<1x128x256xf32, #tpu.memory_space<vmem>>
    %dma_wait3A_623 = tpu.memref_squeeze %dma_wait3A_622 : memref<1x128x256xf32, #tpu.memory_space<vmem>> -> memref<128x256xf32, #tpu.memory_space<vmem>>
    tpu.wait_dma2 semaphore(%dma_wait3A_617 : memref<!tpu.dma_semaphore, #tpu.memory_space<semaphore_mem>>) src(%dma_wait3A_623 : memref<128x256xf32, #tpu.memory_space<vmem>>) dst(%dma_wait3A_619 : memref<128x256xf32, #tpu.memory_space<hbm>>)
    %dma_start3A_624 = arith.constant 2 : i32
    %dma_start3A_625 = arith.constant 2 : i32
    %dma_start3A_626 = arith.constant 0 : i32
    %dma_start3A_627 = arith.constant 0 : i32
    %dma_start3A_628 = tpu.memref_slice %arg10[%dma_start3A_624, %dma_start3A_626, %dma_start3A_627] : memref<3x128x256xf32, #tpu.memory_space<vmem>> -> memref<1x128x256xf32, #tpu.memory_space<vmem>>
    %dma_start3A_629 = tpu.memref_squeeze %dma_start3A_628 : memref<1x128x256xf32, #tpu.memory_space<vmem>> -> memref<128x256xf32, #tpu.memory_space<vmem>>
    %dma_start3A_630 = arith.constant 384 : i32
    %dma_start3A_631 = tpu.memref_slice %arg9[%dma_start3A_630] : memref<512xi32, #tpu.memory_space<vmem>> -> memref<128xi32, #tpu.memory_space<vmem>>
    %dma_start3A_632 = arith.constant 0 : i32
    %dma_start3A_633 = arith.constant 0 : i32
    %dma_start3A_634 = tpu.memref_slice %arg3[%dma_start3A_632, %dma_start3A_633] : memref<500x256xf32, #tpu.memory_space<hbm>> -> memref<500x256xf32, #tpu.memory_space<hbm>>
    %dma_start3A_635 = tpu.memref_slice %arg11[%dma_start3A_625] : memref<3x!tpu.dma_semaphore, #tpu.memory_space<semaphore_mem>> -> memref<1x!tpu.dma_semaphore, #tpu.memory_space<semaphore_mem>>
    %dma_start3A_636 = tpu.memref_squeeze %dma_start3A_635 : memref<1x!tpu.dma_semaphore, #tpu.memory_space<semaphore_mem>> -> memref<!tpu.dma_semaphore, #tpu.memory_space<semaphore_mem>>
    tpu.enqueue_indirect_dma source(%dma_start3A_634 : memref<500x256xf32, #tpu.memory_space<hbm>>) target(%dma_start3A_629 : memref<128x256xf32, #tpu.memory_space<vmem>>) offsets(%dma_start3A_631 : memref<128xi32, #tpu.memory_space<vmem>>) semaphore(%dma_start3A_636 : memref<!tpu.dma_semaphore, #tpu.memory_space<semaphore_mem>>)
    %dma_wait3A_637 = arith.constant 1 : i32
    %dma_wait3A_638 = arith.constant 1 : i32
    %dma_wait3A_639 = arith.constant 0 : i32
    %dma_wait3A_640 = arith.constant 0 : i32
    %dma_wait3A_641 = tpu.memref_slice %arg10[%dma_wait3A_637, %dma_wait3A_639, %dma_wait3A_640] : memref<3x128x256xf32, #tpu.memory_space<vmem>> -> memref<1x128x256xf32, #tpu.memory_space<vmem>>
    %dma_wait3A_642 = tpu.memref_squeeze %dma_wait3A_641 : memref<1x128x256xf32, #tpu.memory_space<vmem>> -> memref<128x256xf32, #tpu.memory_space<vmem>>
    %dma_wait3A_643 = arith.constant 256 : i32
    %dma_wait3A_644 = tpu.memref_slice %arg9[%dma_wait3A_643] : memref<512xi32, #tpu.memory_space<vmem>> -> memref<128xi32, #tpu.memory_space<vmem>>
    %dma_wait3A_645 = arith.constant 0 : i32
    %dma_wait3A_646 = arith.constant 0 : i32
    %dma_wait3A_647 = tpu.memref_slice %arg3[%dma_wait3A_645, %dma_wait3A_646] : memref<500x256xf32, #tpu.memory_space<hbm>> -> memref<500x256xf32, #tpu.memory_space<hbm>>
    %dma_wait3A_648 = tpu.memref_slice %arg11[%dma_wait3A_638] : memref<3x!tpu.dma_semaphore, #tpu.memory_space<semaphore_mem>> -> memref<1x!tpu.dma_semaphore, #tpu.memory_space<semaphore_mem>>
    %dma_wait3A_649 = tpu.memref_squeeze %dma_wait3A_648 : memref<1x!tpu.dma_semaphore, #tpu.memory_space<semaphore_mem>> -> memref<!tpu.dma_semaphore, #tpu.memory_space<semaphore_mem>>
    tpu.wait_indirect_dma semaphore(%dma_wait3A_649 : memref<!tpu.dma_semaphore, #tpu.memory_space<semaphore_mem>>) src(%dma_wait3A_647 : memref<500x256xf32, #tpu.memory_space<hbm>>) dst(%dma_wait3A_642 : memref<128x256xf32, #tpu.memory_space<vmem>>)
    %add3A_650 = arith.constant 256 : i32
    %add3A_651 = arith.addi %mul3A_26, %add3A_650 : i32
    %dma_start3A_652 = arith.constant 1 : i32
    %dma_start3A_653 = arith.constant 1 : i32
    %dma_start3A_654 = arith.constant 0 : i32
    %dma_start3A_655 = arith.constant 0 : i32
    %dma_start3A_656 = tpu.memref_slice %arg10[%dma_start3A_652, %dma_start3A_654, %dma_start3A_655] : memref<3x128x256xf32, #tpu.memory_space<vmem>> -> memref<1x128x256xf32, #tpu.memory_space<vmem>>
    %dma_start3A_657 = tpu.memref_squeeze %dma_start3A_656 : memref<1x128x256xf32, #tpu.memory_space<vmem>> -> memref<128x256xf32, #tpu.memory_space<vmem>>
    %dma_start3A_658 = arith.constant 0 : i32
    %dma_start3A_659 = tpu.memref_slice %arg7[%add3A_651, %dma_start3A_658] : memref<16384x256xf32, #tpu.memory_space<hbm>> -> memref<128x256xf32, #tpu.memory_space<hbm>>
    %dma_start3A_660 = tpu.memref_slice %arg12[%dma_start3A_653] : memref<3x!tpu.dma_semaphore, #tpu.memory_space<semaphore_mem>> -> memref<1x!tpu.dma_semaphore, #tpu.memory_space<semaphore_mem>>
    %dma_start3A_661 = tpu.memref_squeeze %dma_start3A_660 : memref<1x!tpu.dma_semaphore, #tpu.memory_space<semaphore_mem>> -> memref<!tpu.dma_semaphore, #tpu.memory_space<semaphore_mem>>
    %dma_start3A_662 = arith.constant 0 : i32
    %dma_start3A_663 = tpu.memref_slice %arg7[%add3A_651, %dma_start3A_662] : memref<16384x256xf32, #tpu.memory_space<hbm>> -> memref<128x256xf32, #tpu.memory_space<hbm>>
    %dma_start3A_664 = arith.constant 0 : i32
    %dma_start3A_665 = arith.constant 0 : i32
    %dma_start3A_666 = tpu.memref_slice %arg10[%dma_start3A_652, %dma_start3A_664, %dma_start3A_665] : memref<3x128x256xf32, #tpu.memory_space<vmem>> -> memref<1x128x256xf32, #tpu.memory_space<vmem>>
    %dma_start3A_667 = tpu.memref_squeeze %dma_start3A_666 : memref<1x128x256xf32, #tpu.memory_space<vmem>> -> memref<128x256xf32, #tpu.memory_space<vmem>>
    tpu.enqueue_dma source(%dma_start3A_667 : memref<128x256xf32, #tpu.memory_space<vmem>>) target(%dma_start3A_663 : memref<128x256xf32, #tpu.memory_space<hbm>>) target_semaphore(%dma_start3A_661 : memref<!tpu.dma_semaphore, #tpu.memory_space<semaphore_mem>>)
    %dma_wait3A_668 = arith.constant 2 : i32
    %dma_wait3A_669 = arith.constant 2 : i32
    %dma_wait3A_670 = arith.constant 0 : i32
    %dma_wait3A_671 = arith.constant 0 : i32
    %dma_wait3A_672 = tpu.memref_slice %arg10[%dma_wait3A_668, %dma_wait3A_670, %dma_wait3A_671] : memref<3x128x256xf32, #tpu.memory_space<vmem>> -> memref<1x128x256xf32, #tpu.memory_space<vmem>>
    %dma_wait3A_673 = tpu.memref_squeeze %dma_wait3A_672 : memref<1x128x256xf32, #tpu.memory_space<vmem>> -> memref<128x256xf32, #tpu.memory_space<vmem>>
    %dma_wait3A_674 = arith.constant 384 : i32
    %dma_wait3A_675 = tpu.memref_slice %arg9[%dma_wait3A_674] : memref<512xi32, #tpu.memory_space<vmem>> -> memref<128xi32, #tpu.memory_space<vmem>>
    %dma_wait3A_676 = arith.constant 0 : i32
    %dma_wait3A_677 = arith.constant 0 : i32
    %dma_wait3A_678 = tpu.memref_slice %arg3[%dma_wait3A_676, %dma_wait3A_677] : memref<500x256xf32, #tpu.memory_space<hbm>> -> memref<500x256xf32, #tpu.memory_space<hbm>>
    %dma_wait3A_679 = tpu.memref_slice %arg11[%dma_wait3A_669] : memref<3x!tpu.dma_semaphore, #tpu.memory_space<semaphore_mem>> -> memref<1x!tpu.dma_semaphore, #tpu.memory_space<semaphore_mem>>
    %dma_wait3A_680 = tpu.memref_squeeze %dma_wait3A_679 : memref<1x!tpu.dma_semaphore, #tpu.memory_space<semaphore_mem>> -> memref<!tpu.dma_semaphore, #tpu.memory_space<semaphore_mem>>
    tpu.wait_indirect_dma semaphore(%dma_wait3A_680 : memref<!tpu.dma_semaphore, #tpu.memory_space<semaphore_mem>>) src(%dma_wait3A_678 : memref<500x256xf32, #tpu.memory_space<hbm>>) dst(%dma_wait3A_673 : memref<128x256xf32, #tpu.memory_space<vmem>>)
    %add3A_681 = arith.constant 384 : i32
    %add3A_682 = arith.addi %mul3A_28, %add3A_681 : i32
    %dma_start3A_683 = arith.constant 2 : i32
    %dma_start3A_684 = arith.constant 2 : i32
    %dma_start3A_685 = arith.constant 0 : i32
    %dma_start3A_686 = arith.constant 0 : i32
    %dma_start3A_687 = tpu.memref_slice %arg10[%dma_start3A_683, %dma_start3A_685, %dma_start3A_686] : memref<3x128x256xf32, #tpu.memory_space<vmem>> -> memref<1x128x256xf32, #tpu.memory_space<vmem>>
    %dma_start3A_688 = tpu.memref_squeeze %dma_start3A_687 : memref<1x128x256xf32, #tpu.memory_space<vmem>> -> memref<128x256xf32, #tpu.memory_space<vmem>>
    %dma_start3A_689 = arith.constant 0 : i32
    %dma_start3A_690 = tpu.memref_slice %arg7[%add3A_682, %dma_start3A_689] : memref<16384x256xf32, #tpu.memory_space<hbm>> -> memref<128x256xf32, #tpu.memory_space<hbm>>
    %dma_start3A_691 = tpu.memref_slice %arg12[%dma_start3A_684] : memref<3x!tpu.dma_semaphore, #tpu.memory_space<semaphore_mem>> -> memref<1x!tpu.dma_semaphore, #tpu.memory_space<semaphore_mem>>
    %dma_start3A_692 = tpu.memref_squeeze %dma_start3A_691 : memref<1x!tpu.dma_semaphore, #tpu.memory_space<semaphore_mem>> -> memref<!tpu.dma_semaphore, #tpu.memory_space<semaphore_mem>>
    %dma_start3A_693 = arith.constant 0 : i32
    %dma_start3A_694 = tpu.memref_slice %arg7[%add3A_682, %dma_start3A_693] : memref<16384x256xf32, #tpu.memory_space<hbm>> -> memref<128x256xf32, #tpu.memory_space<hbm>>
    %dma_start3A_695 = arith.constant 0 : i32
    %dma_start3A_696 = arith.constant 0 : i32
    %dma_start3A_697 = tpu.memref_slice %arg10[%dma_start3A_683, %dma_start3A_695, %dma_start3A_696] : memref<3x128x256xf32, #tpu.memory_space<vmem>> -> memref<1x128x256xf32, #tpu.memory_space<vmem>>
    %dma_start3A_698 = tpu.memref_squeeze %dma_start3A_697 : memref<1x128x256xf32, #tpu.memory_space<vmem>> -> memref<128x256xf32, #tpu.memory_space<vmem>>
    tpu.enqueue_dma source(%dma_start3A_698 : memref<128x256xf32, #tpu.memory_space<vmem>>) target(%dma_start3A_694 : memref<128x256xf32, #tpu.memory_space<hbm>>) target_semaphore(%dma_start3A_692 : memref<!tpu.dma_semaphore, #tpu.memory_space<semaphore_mem>>)
    %dma_wait3A_699 = arith.constant 0 : i32
    %dma_wait3A_700 = arith.constant 0 : i32
    %dma_wait3A_701 = arith.constant 0 : i32
    %dma_wait3A_702 = arith.constant 0 : i32
    %dma_wait3A_703 = tpu.memref_slice %arg10[%dma_wait3A_699, %dma_wait3A_701, %dma_wait3A_702] : memref<3x128x256xf32, #tpu.memory_space<vmem>> -> memref<1x128x256xf32, #tpu.memory_space<vmem>>
    %dma_wait3A_704 = tpu.memref_squeeze %dma_wait3A_703 : memref<1x128x256xf32, #tpu.memory_space<vmem>> -> memref<128x256xf32, #tpu.memory_space<vmem>>
    %dma_wait3A_705 = arith.constant 0 : i32
    %dma_wait3A_706 = tpu.memref_slice %arg7[%add3A_591, %dma_wait3A_705] : memref<16384x256xf32, #tpu.memory_space<hbm>> -> memref<128x256xf32, #tpu.memory_space<hbm>>
    %dma_wait3A_707 = tpu.memref_slice %arg12[%dma_wait3A_700] : memref<3x!tpu.dma_semaphore, #tpu.memory_space<semaphore_mem>> -> memref<1x!tpu.dma_semaphore, #tpu.memory_space<semaphore_mem>>
    %dma_wait3A_708 = tpu.memref_squeeze %dma_wait3A_707 : memref<1x!tpu.dma_semaphore, #tpu.memory_space<semaphore_mem>> -> memref<!tpu.dma_semaphore, #tpu.memory_space<semaphore_mem>>
    %dma_wait3A_709 = arith.constant 0 : i32
    %dma_wait3A_710 = tpu.memref_slice %arg7[%add3A_591, %dma_wait3A_709] : memref<16384x256xf32, #tpu.memory_space<hbm>> -> memref<128x256xf32, #tpu.memory_space<hbm>>
    %dma_wait3A_711 = arith.constant 0 : i32
    %dma_wait3A_712 = arith.constant 0 : i32
    %dma_wait3A_713 = tpu.memref_slice %arg10[%dma_wait3A_699, %dma_wait3A_711, %dma_wait3A_712] : memref<3x128x256xf32, #tpu.memory_space<vmem>> -> memref<1x128x256xf32, #tpu.memory_space<vmem>>
    %dma_wait3A_714 = tpu.memref_squeeze %dma_wait3A_713 : memref<1x128x256xf32, #tpu.memory_space<vmem>> -> memref<128x256xf32, #tpu.memory_space<vmem>>
    tpu.wait_dma2 semaphore(%dma_wait3A_708 : memref<!tpu.dma_semaphore, #tpu.memory_space<semaphore_mem>>) src(%dma_wait3A_714 : memref<128x256xf32, #tpu.memory_space<vmem>>) dst(%dma_wait3A_710 : memref<128x256xf32, #tpu.memory_space<hbm>>)
    %dma_wait3A_715 = arith.constant 1 : i32
    %dma_wait3A_716 = arith.constant 1 : i32
    %dma_wait3A_717 = arith.constant 0 : i32
    %dma_wait3A_718 = arith.constant 0 : i32
    %dma_wait3A_719 = tpu.memref_slice %arg10[%dma_wait3A_715, %dma_wait3A_717, %dma_wait3A_718] : memref<3x128x256xf32, #tpu.memory_space<vmem>> -> memref<1x128x256xf32, #tpu.memory_space<vmem>>
    %dma_wait3A_720 = tpu.memref_squeeze %dma_wait3A_719 : memref<1x128x256xf32, #tpu.memory_space<vmem>> -> memref<128x256xf32, #tpu.memory_space<vmem>>
    %dma_wait3A_721 = arith.constant 0 : i32
    %dma_wait3A_722 = tpu.memref_slice %arg7[%add3A_651, %dma_wait3A_721] : memref<16384x256xf32, #tpu.memory_space<hbm>> -> memref<128x256xf32, #tpu.memory_space<hbm>>
    %dma_wait3A_723 = tpu.memref_slice %arg12[%dma_wait3A_716] : memref<3x!tpu.dma_semaphore, #tpu.memory_space<semaphore_mem>> -> memref<1x!tpu.dma_semaphore, #tpu.memory_space<semaphore_mem>>
    %dma_wait3A_724 = tpu.memref_squeeze %dma_wait3A_723 : memref<1x!tpu.dma_semaphore, #tpu.memory_space<semaphore_mem>> -> memref<!tpu.dma_semaphore, #tpu.memory_space<semaphore_mem>>
    %dma_wait3A_725 = arith.constant 0 : i32
    %dma_wait3A_726 = tpu.memref_slice %arg7[%add3A_651, %dma_wait3A_725] : memref<16384x256xf32, #tpu.memory_space<hbm>> -> memref<128x256xf32, #tpu.memory_space<hbm>>
    %dma_wait3A_727 = arith.constant 0 : i32
    %dma_wait3A_728 = arith.constant 0 : i32
    %dma_wait3A_729 = tpu.memref_slice %arg10[%dma_wait3A_715, %dma_wait3A_727, %dma_wait3A_728] : memref<3x128x256xf32, #tpu.memory_space<vmem>> -> memref<1x128x256xf32, #tpu.memory_space<vmem>>
    %dma_wait3A_730 = tpu.memref_squeeze %dma_wait3A_729 : memref<1x128x256xf32, #tpu.memory_space<vmem>> -> memref<128x256xf32, #tpu.memory_space<vmem>>
    tpu.wait_dma2 semaphore(%dma_wait3A_724 : memref<!tpu.dma_semaphore, #tpu.memory_space<semaphore_mem>>) src(%dma_wait3A_730 : memref<128x256xf32, #tpu.memory_space<vmem>>) dst(%dma_wait3A_726 : memref<128x256xf32, #tpu.memory_space<hbm>>)
    %dma_wait3A_731 = arith.constant 2 : i32
    %dma_wait3A_732 = arith.constant 2 : i32
    %dma_wait3A_733 = arith.constant 0 : i32
    %dma_wait3A_734 = arith.constant 0 : i32
    %dma_wait3A_735 = tpu.memref_slice %arg10[%dma_wait3A_731, %dma_wait3A_733, %dma_wait3A_734] : memref<3x128x256xf32, #tpu.memory_space<vmem>> -> memref<1x128x256xf32, #tpu.memory_space<vmem>>
    %dma_wait3A_736 = tpu.memref_squeeze %dma_wait3A_735 : memref<1x128x256xf32, #tpu.memory_space<vmem>> -> memref<128x256xf32, #tpu.memory_space<vmem>>
    %dma_wait3A_737 = arith.constant 0 : i32
    %dma_wait3A_738 = tpu.memref_slice %arg7[%add3A_682, %dma_wait3A_737] : memref<16384x256xf32, #tpu.memory_space<hbm>> -> memref<128x256xf32, #tpu.memory_space<hbm>>
    %dma_wait3A_739 = tpu.memref_slice %arg12[%dma_wait3A_732] : memref<3x!tpu.dma_semaphore, #tpu.memory_space<semaphore_mem>> -> memref<1x!tpu.dma_semaphore, #tpu.memory_space<semaphore_mem>>
    %dma_wait3A_740 = tpu.memref_squeeze %dma_wait3A_739 : memref<1x!tpu.dma_semaphore, #tpu.memory_space<semaphore_mem>> -> memref<!tpu.dma_semaphore, #tpu.memory_space<semaphore_mem>>
    %dma_wait3A_741 = arith.constant 0 : i32
    %dma_wait3A_742 = tpu.memref_slice %arg7[%add3A_682, %dma_wait3A_741] : memref<16384x256xf32, #tpu.memory_space<hbm>> -> memref<128x256xf32, #tpu.memory_space<hbm>>
    %dma_wait3A_743 = arith.constant 0 : i32
    %dma_wait3A_744 = arith.constant 0 : i32
    %dma_wait3A_745 = tpu.memref_slice %arg10[%dma_wait3A_731, %dma_wait3A_743, %dma_wait3A_744] : memref<3x128x256xf32, #tpu.memory_space<vmem>> -> memref<1x128x256xf32, #tpu.memory_space<vmem>>
    %dma_wait3A_746 = tpu.memref_squeeze %dma_wait3A_745 : memref<1x128x256xf32, #tpu.memory_space<vmem>> -> memref<128x256xf32, #tpu.memory_space<vmem>>
    tpu.wait_dma2 semaphore(%dma_wait3A_740 : memref<!tpu.dma_semaphore, #tpu.memory_space<semaphore_mem>>) src(%dma_wait3A_746 : memref<128x256xf32, #tpu.memory_space<vmem>>) dst(%dma_wait3A_742 : memref<128x256xf32, #tpu.memory_space<hbm>>)
    return
  }
}

#map = affine_map<(d0, d1) -> (0, 0)>
#map1 = affine_map<(d0, d1) -> (0)>
module attributes {stable_mosaic.version = 14 : i64} {
  func.func @k(%arg0: i32, %arg1: i32, %arg2: memref<50000x256xf32, #tpu.memory_space<hbm>>, %arg3: memref<500x256xf32, #tpu.memory_space<hbm>>, %arg4: memref<32768xi32, #tpu.memory_space<hbm>>, %arg5: memref<32768xi32, #tpu.memory_space<hbm>>, %arg6: memref<32768x256xf32, #tpu.memory_space<hbm>>, %arg7: memref<32768x256xf32, #tpu.memory_space<hbm>>, %arg8: memref<1024xi32, #tpu.memory_space<vmem>>, %arg9: memref<1024xi32, #tpu.memory_space<vmem>>, %arg10: memref<3x128x256xf32, #tpu.memory_space<vmem>>, %arg11: memref<3x!tpu.dma_semaphore, #tpu.memory_space<semaphore_mem>>, %arg12: memref<3x!tpu.dma_semaphore, #tpu.memory_space<semaphore_mem>>) attributes {dimension_semantics = [#tpu.dimension_semantics<core_parallel>, #tpu.dimension_semantics<subcore_parallel>], iteration_bounds = array<i64: 2, 16>, scalar_prefetch = 0 : i64, scratch_operands = 5 : i64, tpu.core_type = #tpu.core_type<sc_vector_subcore>, window_params = [{transform_indices = #map}, {transform_indices = #map}, {transform_indices = #map1}, {transform_indices = #map1}, {transform_indices = #map}, {transform_indices = #map}]} {
    %mul3A = arith.constant 2 : i32
    %mul3A_0 = arith.muli %arg1, %mul3A : i32
    %add3A = arith.addi %mul3A_0, %arg0 : i32
    %mul3A_1 = arith.constant 1024 : i32
    %mul3A_2 = arith.muli %add3A, %mul3A_1 : i32
    "tpu.region"() ({
      %run_scoped3A = tpu.sem_alloc : memref<!tpu.dma_semaphore, #tpu.memory_space<semaphore_mem>>
      %dma_start3A_995 = tpu.memref_slice %arg4[%mul3A_2] : memref<32768xi32, #tpu.memory_space<hbm>> -> memref<1024xi32, #tpu.memory_space<hbm>>
      %dma_start3A_996 = tpu.memref_slice %arg4[%mul3A_2] : memref<32768xi32, #tpu.memory_space<hbm>> -> memref<1024xi32, #tpu.memory_space<hbm>>
      tpu.enqueue_dma source(%dma_start3A_996 : memref<1024xi32, #tpu.memory_space<hbm>>) target(%arg8 : memref<1024xi32, #tpu.memory_space<vmem>>) target_semaphore(%run_scoped3A : memref<!tpu.dma_semaphore, #tpu.memory_space<semaphore_mem>>)
      %dma_wait3A_997 = tpu.memref_slice %arg4[%mul3A_2] : memref<32768xi32, #tpu.memory_space<hbm>> -> memref<1024xi32, #tpu.memory_space<hbm>>
      %dma_wait3A_998 = tpu.memref_slice %arg4[%mul3A_2] : memref<32768xi32, #tpu.memory_space<hbm>> -> memref<1024xi32, #tpu.memory_space<hbm>>
      tpu.wait_dma2 semaphore(%run_scoped3A : memref<!tpu.dma_semaphore, #tpu.memory_space<semaphore_mem>>) src(%dma_wait3A_998 : memref<1024xi32, #tpu.memory_space<hbm>>) dst(%arg8 : memref<1024xi32, #tpu.memory_space<vmem>>)
      tpu.yield
    }) : () -> ()
    %mul3A_3 = arith.constant 1024 : i32
    %mul3A_4 = arith.muli %add3A, %mul3A_3 : i32
    "tpu.region"() ({
      %run_scoped3A = tpu.sem_alloc : memref<!tpu.dma_semaphore, #tpu.memory_space<semaphore_mem>>
      %dma_start3A_995 = tpu.memref_slice %arg5[%mul3A_4] : memref<32768xi32, #tpu.memory_space<hbm>> -> memref<1024xi32, #tpu.memory_space<hbm>>
      %dma_start3A_996 = tpu.memref_slice %arg5[%mul3A_4] : memref<32768xi32, #tpu.memory_space<hbm>> -> memref<1024xi32, #tpu.memory_space<hbm>>
      tpu.enqueue_dma source(%dma_start3A_996 : memref<1024xi32, #tpu.memory_space<hbm>>) target(%arg9 : memref<1024xi32, #tpu.memory_space<vmem>>) target_semaphore(%run_scoped3A : memref<!tpu.dma_semaphore, #tpu.memory_space<semaphore_mem>>)
      %dma_wait3A_997 = tpu.memref_slice %arg5[%mul3A_4] : memref<32768xi32, #tpu.memory_space<hbm>> -> memref<1024xi32, #tpu.memory_space<hbm>>
      %dma_wait3A_998 = tpu.memref_slice %arg5[%mul3A_4] : memref<32768xi32, #tpu.memory_space<hbm>> -> memref<1024xi32, #tpu.memory_space<hbm>>
      tpu.wait_dma2 semaphore(%run_scoped3A : memref<!tpu.dma_semaphore, #tpu.memory_space<semaphore_mem>>) src(%dma_wait3A_998 : memref<1024xi32, #tpu.memory_space<hbm>>) dst(%arg9 : memref<1024xi32, #tpu.memory_space<vmem>>)
      tpu.yield
    }) : () -> ()
    %mul3A_5 = arith.constant 1024 : i32
    %mul3A_6 = arith.muli %add3A, %mul3A_5 : i32
    %mul3A_7 = arith.constant 1024 : i32
    %mul3A_8 = arith.muli %add3A, %mul3A_7 : i32
    %mul3A_9 = arith.constant 1024 : i32
    %mul3A_10 = arith.muli %add3A, %mul3A_9 : i32
    %mul3A_11 = arith.constant 1024 : i32
    %mul3A_12 = arith.muli %add3A, %mul3A_11 : i32
    %mul3A_13 = arith.constant 1024 : i32
    %mul3A_14 = arith.muli %add3A, %mul3A_13 : i32
    %mul3A_15 = arith.constant 1024 : i32
    %mul3A_16 = arith.muli %add3A, %mul3A_15 : i32
    %mul3A_17 = arith.constant 1024 : i32
    %mul3A_18 = arith.muli %add3A, %mul3A_17 : i32
    %mul3A_19 = arith.constant 1024 : i32
    %mul3A_20 = arith.muli %add3A, %mul3A_19 : i32
    %mul3A_21 = arith.constant 1024 : i32
    %mul3A_22 = arith.muli %add3A, %mul3A_21 : i32
    %mul3A_23 = arith.constant 1024 : i32
    %mul3A_24 = arith.muli %add3A, %mul3A_23 : i32
    %mul3A_25 = arith.constant 1024 : i32
    %mul3A_26 = arith.muli %add3A, %mul3A_25 : i32
    %mul3A_27 = arith.constant 1024 : i32
    %mul3A_28 = arith.muli %add3A, %mul3A_27 : i32
    %mul3A_29 = arith.constant 1024 : i32
    %mul3A_30 = arith.muli %add3A, %mul3A_29 : i32
    %mul3A_31 = arith.constant 1024 : i32
    %mul3A_32 = arith.muli %add3A, %mul3A_31 : i32
    %mul3A_33 = arith.constant 1024 : i32
    %mul3A_34 = arith.muli %add3A, %mul3A_33 : i32
    %mul3A_35 = arith.constant 1024 : i32
    %mul3A_36 = arith.muli %add3A, %mul3A_35 : i32
    %dma_start3A = arith.constant 0 : i32
    %dma_start3A_37 = arith.constant 0 : i32
    %dma_start3A_38 = arith.constant 0 : i32
    %dma_start3A_39 = arith.constant 0 : i32
    %dma_start3A_40 = tpu.memref_slice %arg10[%dma_start3A, %dma_start3A_38, %dma_start3A_39] : memref<3x128x256xf32, #tpu.memory_space<vmem>> -> memref<1x128x256xf32, #tpu.memory_space<vmem>>
    %dma_start3A_41 = tpu.memref_squeeze %dma_start3A_40 : memref<1x128x256xf32, #tpu.memory_space<vmem>> -> memref<128x256xf32, #tpu.memory_space<vmem>>
    %dma_start3A_42 = arith.constant 0 : i32
    %dma_start3A_43 = tpu.memref_slice %arg8[%dma_start3A_42] : memref<1024xi32, #tpu.memory_space<vmem>> -> memref<128xi32, #tpu.memory_space<vmem>>
    %dma_start3A_44 = arith.constant 0 : i32
    %dma_start3A_45 = arith.constant 0 : i32
    %dma_start3A_46 = tpu.memref_slice %arg2[%dma_start3A_44, %dma_start3A_45] : memref<50000x256xf32, #tpu.memory_space<hbm>> -> memref<50000x256xf32, #tpu.memory_space<hbm>>
    %dma_start3A_47 = tpu.memref_slice %arg11[%dma_start3A_37] : memref<3x!tpu.dma_semaphore, #tpu.memory_space<semaphore_mem>> -> memref<1x!tpu.dma_semaphore, #tpu.memory_space<semaphore_mem>>
    %dma_start3A_48 = tpu.memref_squeeze %dma_start3A_47 : memref<1x!tpu.dma_semaphore, #tpu.memory_space<semaphore_mem>> -> memref<!tpu.dma_semaphore, #tpu.memory_space<semaphore_mem>>
    tpu.enqueue_indirect_dma source(%dma_start3A_46 : memref<50000x256xf32, #tpu.memory_space<hbm>>) target(%dma_start3A_41 : memref<128x256xf32, #tpu.memory_space<vmem>>) offsets(%dma_start3A_43 : memref<128xi32, #tpu.memory_space<vmem>>) semaphore(%dma_start3A_48 : memref<!tpu.dma_semaphore, #tpu.memory_space<semaphore_mem>>)
    %dma_start3A_49 = arith.constant 1 : i32
    %dma_start3A_50 = arith.constant 1 : i32
    %dma_start3A_51 = arith.constant 0 : i32
    %dma_start3A_52 = arith.constant 0 : i32
    %dma_start3A_53 = tpu.memref_slice %arg10[%dma_start3A_49, %dma_start3A_51, %dma_start3A_52] : memref<3x128x256xf32, #tpu.memory_space<vmem>> -> memref<1x128x256xf32, #tpu.memory_space<vmem>>
    %dma_start3A_54 = tpu.memref_squeeze %dma_start3A_53 : memref<1x128x256xf32, #tpu.memory_space<vmem>> -> memref<128x256xf32, #tpu.memory_space<vmem>>
    %dma_start3A_55 = arith.constant 128 : i32
    %dma_start3A_56 = tpu.memref_slice %arg8[%dma_start3A_55] : memref<1024xi32, #tpu.memory_space<vmem>> -> memref<128xi32, #tpu.memory_space<vmem>>
    %dma_start3A_57 = arith.constant 0 : i32
    %dma_start3A_58 = arith.constant 0 : i32
    %dma_start3A_59 = tpu.memref_slice %arg2[%dma_start3A_57, %dma_start3A_58] : memref<50000x256xf32, #tpu.memory_space<hbm>> -> memref<50000x256xf32, #tpu.memory_space<hbm>>
    %dma_start3A_60 = tpu.memref_slice %arg11[%dma_start3A_50] : memref<3x!tpu.dma_semaphore, #tpu.memory_space<semaphore_mem>> -> memref<1x!tpu.dma_semaphore, #tpu.memory_space<semaphore_mem>>
    %dma_start3A_61 = tpu.memref_squeeze %dma_start3A_60 : memref<1x!tpu.dma_semaphore, #tpu.memory_space<semaphore_mem>> -> memref<!tpu.dma_semaphore, #tpu.memory_space<semaphore_mem>>
    tpu.enqueue_indirect_dma source(%dma_start3A_59 : memref<50000x256xf32, #tpu.memory_space<hbm>>) target(%dma_start3A_54 : memref<128x256xf32, #tpu.memory_space<vmem>>) offsets(%dma_start3A_56 : memref<128xi32, #tpu.memory_space<vmem>>) semaphore(%dma_start3A_61 : memref<!tpu.dma_semaphore, #tpu.memory_space<semaphore_mem>>)
    %dma_wait3A = arith.constant 0 : i32
    %dma_wait3A_62 = arith.constant 0 : i32
    %dma_wait3A_63 = arith.constant 0 : i32
    %dma_wait3A_64 = arith.constant 0 : i32
    %dma_wait3A_65 = tpu.memref_slice %arg10[%dma_wait3A, %dma_wait3A_63, %dma_wait3A_64] : memref<3x128x256xf32, #tpu.memory_space<vmem>> -> memref<1x128x256xf32, #tpu.memory_space<vmem>>
    %dma_wait3A_66 = tpu.memref_squeeze %dma_wait3A_65 : memref<1x128x256xf32, #tpu.memory_space<vmem>> -> memref<128x256xf32, #tpu.memory_space<vmem>>
    %dma_wait3A_67 = arith.constant 0 : i32
    %dma_wait3A_68 = tpu.memref_slice %arg8[%dma_wait3A_67] : memref<1024xi32, #tpu.memory_space<vmem>> -> memref<128xi32, #tpu.memory_space<vmem>>
    %dma_wait3A_69 = arith.constant 0 : i32
    %dma_wait3A_70 = arith.constant 0 : i32
    %dma_wait3A_71 = tpu.memref_slice %arg2[%dma_wait3A_69, %dma_wait3A_70] : memref<50000x256xf32, #tpu.memory_space<hbm>> -> memref<50000x256xf32, #tpu.memory_space<hbm>>
    %dma_wait3A_72 = tpu.memref_slice %arg11[%dma_wait3A_62] : memref<3x!tpu.dma_semaphore, #tpu.memory_space<semaphore_mem>> -> memref<1x!tpu.dma_semaphore, #tpu.memory_space<semaphore_mem>>
    %dma_wait3A_73 = tpu.memref_squeeze %dma_wait3A_72 : memref<1x!tpu.dma_semaphore, #tpu.memory_space<semaphore_mem>> -> memref<!tpu.dma_semaphore, #tpu.memory_space<semaphore_mem>>
    tpu.wait_indirect_dma semaphore(%dma_wait3A_73 : memref<!tpu.dma_semaphore, #tpu.memory_space<semaphore_mem>>) src(%dma_wait3A_71 : memref<50000x256xf32, #tpu.memory_space<hbm>>) dst(%dma_wait3A_66 : memref<128x256xf32, #tpu.memory_space<vmem>>)
    %add3A_74 = arith.constant 0 : i32
    %add3A_75 = arith.addi %mul3A_6, %add3A_74 : i32
    %dma_start3A_76 = arith.constant 0 : i32
    %dma_start3A_77 = arith.constant 0 : i32
    %dma_start3A_78 = arith.constant 0 : i32
    %dma_start3A_79 = arith.constant 0 : i32
    %dma_start3A_80 = tpu.memref_slice %arg10[%dma_start3A_76, %dma_start3A_78, %dma_start3A_79] : memref<3x128x256xf32, #tpu.memory_space<vmem>> -> memref<1x128x256xf32, #tpu.memory_space<vmem>>
    %dma_start3A_81 = tpu.memref_squeeze %dma_start3A_80 : memref<1x128x256xf32, #tpu.memory_space<vmem>> -> memref<128x256xf32, #tpu.memory_space<vmem>>
    %dma_start3A_82 = arith.constant 0 : i32
    %dma_start3A_83 = tpu.memref_slice %arg6[%add3A_75, %dma_start3A_82] : memref<32768x256xf32, #tpu.memory_space<hbm>> -> memref<128x256xf32, #tpu.memory_space<hbm>>
    %dma_start3A_84 = tpu.memref_slice %arg12[%dma_start3A_77] : memref<3x!tpu.dma_semaphore, #tpu.memory_space<semaphore_mem>> -> memref<1x!tpu.dma_semaphore, #tpu.memory_space<semaphore_mem>>
    %dma_start3A_85 = tpu.memref_squeeze %dma_start3A_84 : memref<1x!tpu.dma_semaphore, #tpu.memory_space<semaphore_mem>> -> memref<!tpu.dma_semaphore, #tpu.memory_space<semaphore_mem>>
    %dma_start3A_86 = arith.constant 0 : i32
    %dma_start3A_87 = tpu.memref_slice %arg6[%add3A_75, %dma_start3A_86] : memref<32768x256xf32, #tpu.memory_space<hbm>> -> memref<128x256xf32, #tpu.memory_space<hbm>>
    %dma_start3A_88 = arith.constant 0 : i32
    %dma_start3A_89 = arith.constant 0 : i32
    %dma_start3A_90 = tpu.memref_slice %arg10[%dma_start3A_76, %dma_start3A_88, %dma_start3A_89] : memref<3x128x256xf32, #tpu.memory_space<vmem>> -> memref<1x128x256xf32, #tpu.memory_space<vmem>>
    %dma_start3A_91 = tpu.memref_squeeze %dma_start3A_90 : memref<1x128x256xf32, #tpu.memory_space<vmem>> -> memref<128x256xf32, #tpu.memory_space<vmem>>
    tpu.enqueue_dma source(%dma_start3A_91 : memref<128x256xf32, #tpu.memory_space<vmem>>) target(%dma_start3A_87 : memref<128x256xf32, #tpu.memory_space<hbm>>) target_semaphore(%dma_start3A_85 : memref<!tpu.dma_semaphore, #tpu.memory_space<semaphore_mem>>)
    %dma_start3A_92 = arith.constant 2 : i32
    %dma_start3A_93 = arith.constant 2 : i32
    %dma_start3A_94 = arith.constant 0 : i32
    %dma_start3A_95 = arith.constant 0 : i32
    %dma_start3A_96 = tpu.memref_slice %arg10[%dma_start3A_92, %dma_start3A_94, %dma_start3A_95] : memref<3x128x256xf32, #tpu.memory_space<vmem>> -> memref<1x128x256xf32, #tpu.memory_space<vmem>>
    %dma_start3A_97 = tpu.memref_squeeze %dma_start3A_96 : memref<1x128x256xf32, #tpu.memory_space<vmem>> -> memref<128x256xf32, #tpu.memory_space<vmem>>
    %dma_start3A_98 = arith.constant 256 : i32
    %dma_start3A_99 = tpu.memref_slice %arg8[%dma_start3A_98] : memref<1024xi32, #tpu.memory_space<vmem>> -> memref<128xi32, #tpu.memory_space<vmem>>
    %dma_start3A_100 = arith.constant 0 : i32
    %dma_start3A_101 = arith.constant 0 : i32
    %dma_start3A_102 = tpu.memref_slice %arg2[%dma_start3A_100, %dma_start3A_101] : memref<50000x256xf32, #tpu.memory_space<hbm>> -> memref<50000x256xf32, #tpu.memory_space<hbm>>
    %dma_start3A_103 = tpu.memref_slice %arg11[%dma_start3A_93] : memref<3x!tpu.dma_semaphore, #tpu.memory_space<semaphore_mem>> -> memref<1x!tpu.dma_semaphore, #tpu.memory_space<semaphore_mem>>
    %dma_start3A_104 = tpu.memref_squeeze %dma_start3A_103 : memref<1x!tpu.dma_semaphore, #tpu.memory_space<semaphore_mem>> -> memref<!tpu.dma_semaphore, #tpu.memory_space<semaphore_mem>>
    tpu.enqueue_indirect_dma source(%dma_start3A_102 : memref<50000x256xf32, #tpu.memory_space<hbm>>) target(%dma_start3A_97 : memref<128x256xf32, #tpu.memory_space<vmem>>) offsets(%dma_start3A_99 : memref<128xi32, #tpu.memory_space<vmem>>) semaphore(%dma_start3A_104 : memref<!tpu.dma_semaphore, #tpu.memory_space<semaphore_mem>>)
    %dma_wait3A_105 = arith.constant 1 : i32
    %dma_wait3A_106 = arith.constant 1 : i32
    %dma_wait3A_107 = arith.constant 0 : i32
    %dma_wait3A_108 = arith.constant 0 : i32
    %dma_wait3A_109 = tpu.memref_slice %arg10[%dma_wait3A_105, %dma_wait3A_107, %dma_wait3A_108] : memref<3x128x256xf32, #tpu.memory_space<vmem>> -> memref<1x128x256xf32, #tpu.memory_space<vmem>>
    %dma_wait3A_110 = tpu.memref_squeeze %dma_wait3A_109 : memref<1x128x256xf32, #tpu.memory_space<vmem>> -> memref<128x256xf32, #tpu.memory_space<vmem>>
    %dma_wait3A_111 = arith.constant 128 : i32
    %dma_wait3A_112 = tpu.memref_slice %arg8[%dma_wait3A_111] : memref<1024xi32, #tpu.memory_space<vmem>> -> memref<128xi32, #tpu.memory_space<vmem>>
    %dma_wait3A_113 = arith.constant 0 : i32
    %dma_wait3A_114 = arith.constant 0 : i32
    %dma_wait3A_115 = tpu.memref_slice %arg2[%dma_wait3A_113, %dma_wait3A_114] : memref<50000x256xf32, #tpu.memory_space<hbm>> -> memref<50000x256xf32, #tpu.memory_space<hbm>>
    %dma_wait3A_116 = tpu.memref_slice %arg11[%dma_wait3A_106] : memref<3x!tpu.dma_semaphore, #tpu.memory_space<semaphore_mem>> -> memref<1x!tpu.dma_semaphore, #tpu.memory_space<semaphore_mem>>
    %dma_wait3A_117 = tpu.memref_squeeze %dma_wait3A_116 : memref<1x!tpu.dma_semaphore, #tpu.memory_space<semaphore_mem>> -> memref<!tpu.dma_semaphore, #tpu.memory_space<semaphore_mem>>
    tpu.wait_indirect_dma semaphore(%dma_wait3A_117 : memref<!tpu.dma_semaphore, #tpu.memory_space<semaphore_mem>>) src(%dma_wait3A_115 : memref<50000x256xf32, #tpu.memory_space<hbm>>) dst(%dma_wait3A_110 : memref<128x256xf32, #tpu.memory_space<vmem>>)
    %add3A_118 = arith.constant 128 : i32
    %add3A_119 = arith.addi %mul3A_8, %add3A_118 : i32
    %dma_start3A_120 = arith.constant 1 : i32
    %dma_start3A_121 = arith.constant 1 : i32
    %dma_start3A_122 = arith.constant 0 : i32
    %dma_start3A_123 = arith.constant 0 : i32
    %dma_start3A_124 = tpu.memref_slice %arg10[%dma_start3A_120, %dma_start3A_122, %dma_start3A_123] : memref<3x128x256xf32, #tpu.memory_space<vmem>> -> memref<1x128x256xf32, #tpu.memory_space<vmem>>
    %dma_start3A_125 = tpu.memref_squeeze %dma_start3A_124 : memref<1x128x256xf32, #tpu.memory_space<vmem>> -> memref<128x256xf32, #tpu.memory_space<vmem>>
    %dma_start3A_126 = arith.constant 0 : i32
    %dma_start3A_127 = tpu.memref_slice %arg6[%add3A_119, %dma_start3A_126] : memref<32768x256xf32, #tpu.memory_space<hbm>> -> memref<128x256xf32, #tpu.memory_space<hbm>>
    %dma_start3A_128 = tpu.memref_slice %arg12[%dma_start3A_121] : memref<3x!tpu.dma_semaphore, #tpu.memory_space<semaphore_mem>> -> memref<1x!tpu.dma_semaphore, #tpu.memory_space<semaphore_mem>>
    %dma_start3A_129 = tpu.memref_squeeze %dma_start3A_128 : memref<1x!tpu.dma_semaphore, #tpu.memory_space<semaphore_mem>> -> memref<!tpu.dma_semaphore, #tpu.memory_space<semaphore_mem>>
    %dma_start3A_130 = arith.constant 0 : i32
    %dma_start3A_131 = tpu.memref_slice %arg6[%add3A_119, %dma_start3A_130] : memref<32768x256xf32, #tpu.memory_space<hbm>> -> memref<128x256xf32, #tpu.memory_space<hbm>>
    %dma_start3A_132 = arith.constant 0 : i32
    %dma_start3A_133 = arith.constant 0 : i32
    %dma_start3A_134 = tpu.memref_slice %arg10[%dma_start3A_120, %dma_start3A_132, %dma_start3A_133] : memref<3x128x256xf32, #tpu.memory_space<vmem>> -> memref<1x128x256xf32, #tpu.memory_space<vmem>>
    %dma_start3A_135 = tpu.memref_squeeze %dma_start3A_134 : memref<1x128x256xf32, #tpu.memory_space<vmem>> -> memref<128x256xf32, #tpu.memory_space<vmem>>
    tpu.enqueue_dma source(%dma_start3A_135 : memref<128x256xf32, #tpu.memory_space<vmem>>) target(%dma_start3A_131 : memref<128x256xf32, #tpu.memory_space<hbm>>) target_semaphore(%dma_start3A_129 : memref<!tpu.dma_semaphore, #tpu.memory_space<semaphore_mem>>)
    %dma_wait3A_136 = arith.constant 0 : i32
    %dma_wait3A_137 = arith.constant 0 : i32
    %dma_wait3A_138 = arith.constant 0 : i32
    %dma_wait3A_139 = arith.constant 0 : i32
    %dma_wait3A_140 = tpu.memref_slice %arg10[%dma_wait3A_136, %dma_wait3A_138, %dma_wait3A_139] : memref<3x128x256xf32, #tpu.memory_space<vmem>> -> memref<1x128x256xf32, #tpu.memory_space<vmem>>
    %dma_wait3A_141 = tpu.memref_squeeze %dma_wait3A_140 : memref<1x128x256xf32, #tpu.memory_space<vmem>> -> memref<128x256xf32, #tpu.memory_space<vmem>>
    %dma_wait3A_142 = arith.constant 0 : i32
    %dma_wait3A_143 = tpu.memref_slice %arg6[%add3A_75, %dma_wait3A_142] : memref<32768x256xf32, #tpu.memory_space<hbm>> -> memref<128x256xf32, #tpu.memory_space<hbm>>
    %dma_wait3A_144 = tpu.memref_slice %arg12[%dma_wait3A_137] : memref<3x!tpu.dma_semaphore, #tpu.memory_space<semaphore_mem>> -> memref<1x!tpu.dma_semaphore, #tpu.memory_space<semaphore_mem>>
    %dma_wait3A_145 = tpu.memref_squeeze %dma_wait3A_144 : memref<1x!tpu.dma_semaphore, #tpu.memory_space<semaphore_mem>> -> memref<!tpu.dma_semaphore, #tpu.memory_space<semaphore_mem>>
    %dma_wait3A_146 = arith.constant 0 : i32
    %dma_wait3A_147 = tpu.memref_slice %arg6[%add3A_75, %dma_wait3A_146] : memref<32768x256xf32, #tpu.memory_space<hbm>> -> memref<128x256xf32, #tpu.memory_space<hbm>>
    %dma_wait3A_148 = arith.constant 0 : i32
    %dma_wait3A_149 = arith.constant 0 : i32
    %dma_wait3A_150 = tpu.memref_slice %arg10[%dma_wait3A_136, %dma_wait3A_148, %dma_wait3A_149] : memref<3x128x256xf32, #tpu.memory_space<vmem>> -> memref<1x128x256xf32, #tpu.memory_space<vmem>>
    %dma_wait3A_151 = tpu.memref_squeeze %dma_wait3A_150 : memref<1x128x256xf32, #tpu.memory_space<vmem>> -> memref<128x256xf32, #tpu.memory_space<vmem>>
    tpu.wait_dma2 semaphore(%dma_wait3A_145 : memref<!tpu.dma_semaphore, #tpu.memory_space<semaphore_mem>>) src(%dma_wait3A_151 : memref<128x256xf32, #tpu.memory_space<vmem>>) dst(%dma_wait3A_147 : memref<128x256xf32, #tpu.memory_space<hbm>>)
    %dma_start3A_152 = arith.constant 0 : i32
    %dma_start3A_153 = arith.constant 0 : i32
    %dma_start3A_154 = arith.constant 0 : i32
    %dma_start3A_155 = arith.constant 0 : i32
    %dma_start3A_156 = tpu.memref_slice %arg10[%dma_start3A_152, %dma_start3A_154, %dma_start3A_155] : memref<3x128x256xf32, #tpu.memory_space<vmem>> -> memref<1x128x256xf32, #tpu.memory_space<vmem>>
    %dma_start3A_157 = tpu.memref_squeeze %dma_start3A_156 : memref<1x128x256xf32, #tpu.memory_space<vmem>> -> memref<128x256xf32, #tpu.memory_space<vmem>>
    %dma_start3A_158 = arith.constant 384 : i32
    %dma_start3A_159 = tpu.memref_slice %arg8[%dma_start3A_158] : memref<1024xi32, #tpu.memory_space<vmem>> -> memref<128xi32, #tpu.memory_space<vmem>>
    %dma_start3A_160 = arith.constant 0 : i32
    %dma_start3A_161 = arith.constant 0 : i32
    %dma_start3A_162 = tpu.memref_slice %arg2[%dma_start3A_160, %dma_start3A_161] : memref<50000x256xf32, #tpu.memory_space<hbm>> -> memref<50000x256xf32, #tpu.memory_space<hbm>>
    %dma_start3A_163 = tpu.memref_slice %arg11[%dma_start3A_153] : memref<3x!tpu.dma_semaphore, #tpu.memory_space<semaphore_mem>> -> memref<1x!tpu.dma_semaphore, #tpu.memory_space<semaphore_mem>>
    %dma_start3A_164 = tpu.memref_squeeze %dma_start3A_163 : memref<1x!tpu.dma_semaphore, #tpu.memory_space<semaphore_mem>> -> memref<!tpu.dma_semaphore, #tpu.memory_space<semaphore_mem>>
    tpu.enqueue_indirect_dma source(%dma_start3A_162 : memref<50000x256xf32, #tpu.memory_space<hbm>>) target(%dma_start3A_157 : memref<128x256xf32, #tpu.memory_space<vmem>>) offsets(%dma_start3A_159 : memref<128xi32, #tpu.memory_space<vmem>>) semaphore(%dma_start3A_164 : memref<!tpu.dma_semaphore, #tpu.memory_space<semaphore_mem>>)
    %dma_wait3A_165 = arith.constant 2 : i32
    %dma_wait3A_166 = arith.constant 2 : i32
    %dma_wait3A_167 = arith.constant 0 : i32
    %dma_wait3A_168 = arith.constant 0 : i32
    %dma_wait3A_169 = tpu.memref_slice %arg10[%dma_wait3A_165, %dma_wait3A_167, %dma_wait3A_168] : memref<3x128x256xf32, #tpu.memory_space<vmem>> -> memref<1x128x256xf32, #tpu.memory_space<vmem>>
    %dma_wait3A_170 = tpu.memref_squeeze %dma_wait3A_169 : memref<1x128x256xf32, #tpu.memory_space<vmem>> -> memref<128x256xf32, #tpu.memory_space<vmem>>
    %dma_wait3A_171 = arith.constant 256 : i32
    %dma_wait3A_172 = tpu.memref_slice %arg8[%dma_wait3A_171] : memref<1024xi32, #tpu.memory_space<vmem>> -> memref<128xi32, #tpu.memory_space<vmem>>
    %dma_wait3A_173 = arith.constant 0 : i32
    %dma_wait3A_174 = arith.constant 0 : i32
    %dma_wait3A_175 = tpu.memref_slice %arg2[%dma_wait3A_173, %dma_wait3A_174] : memref<50000x256xf32, #tpu.memory_space<hbm>> -> memref<50000x256xf32, #tpu.memory_space<hbm>>
    %dma_wait3A_176 = tpu.memref_slice %arg11[%dma_wait3A_166] : memref<3x!tpu.dma_semaphore, #tpu.memory_space<semaphore_mem>> -> memref<1x!tpu.dma_semaphore, #tpu.memory_space<semaphore_mem>>
    %dma_wait3A_177 = tpu.memref_squeeze %dma_wait3A_176 : memref<1x!tpu.dma_semaphore, #tpu.memory_space<semaphore_mem>> -> memref<!tpu.dma_semaphore, #tpu.memory_space<semaphore_mem>>
    tpu.wait_indirect_dma semaphore(%dma_wait3A_177 : memref<!tpu.dma_semaphore, #tpu.memory_space<semaphore_mem>>) src(%dma_wait3A_175 : memref<50000x256xf32, #tpu.memory_space<hbm>>) dst(%dma_wait3A_170 : memref<128x256xf32, #tpu.memory_space<vmem>>)
    %add3A_178 = arith.constant 256 : i32
    %add3A_179 = arith.addi %mul3A_10, %add3A_178 : i32
    %dma_start3A_180 = arith.constant 2 : i32
    %dma_start3A_181 = arith.constant 2 : i32
    %dma_start3A_182 = arith.constant 0 : i32
    %dma_start3A_183 = arith.constant 0 : i32
    %dma_start3A_184 = tpu.memref_slice %arg10[%dma_start3A_180, %dma_start3A_182, %dma_start3A_183] : memref<3x128x256xf32, #tpu.memory_space<vmem>> -> memref<1x128x256xf32, #tpu.memory_space<vmem>>
    %dma_start3A_185 = tpu.memref_squeeze %dma_start3A_184 : memref<1x128x256xf32, #tpu.memory_space<vmem>> -> memref<128x256xf32, #tpu.memory_space<vmem>>
    %dma_start3A_186 = arith.constant 0 : i32
    %dma_start3A_187 = tpu.memref_slice %arg6[%add3A_179, %dma_start3A_186] : memref<32768x256xf32, #tpu.memory_space<hbm>> -> memref<128x256xf32, #tpu.memory_space<hbm>>
    %dma_start3A_188 = tpu.memref_slice %arg12[%dma_start3A_181] : memref<3x!tpu.dma_semaphore, #tpu.memory_space<semaphore_mem>> -> memref<1x!tpu.dma_semaphore, #tpu.memory_space<semaphore_mem>>
    %dma_start3A_189 = tpu.memref_squeeze %dma_start3A_188 : memref<1x!tpu.dma_semaphore, #tpu.memory_space<semaphore_mem>> -> memref<!tpu.dma_semaphore, #tpu.memory_space<semaphore_mem>>
    %dma_start3A_190 = arith.constant 0 : i32
    %dma_start3A_191 = tpu.memref_slice %arg6[%add3A_179, %dma_start3A_190] : memref<32768x256xf32, #tpu.memory_space<hbm>> -> memref<128x256xf32, #tpu.memory_space<hbm>>
    %dma_start3A_192 = arith.constant 0 : i32
    %dma_start3A_193 = arith.constant 0 : i32
    %dma_start3A_194 = tpu.memref_slice %arg10[%dma_start3A_180, %dma_start3A_192, %dma_start3A_193] : memref<3x128x256xf32, #tpu.memory_space<vmem>> -> memref<1x128x256xf32, #tpu.memory_space<vmem>>
    %dma_start3A_195 = tpu.memref_squeeze %dma_start3A_194 : memref<1x128x256xf32, #tpu.memory_space<vmem>> -> memref<128x256xf32, #tpu.memory_space<vmem>>
    tpu.enqueue_dma source(%dma_start3A_195 : memref<128x256xf32, #tpu.memory_space<vmem>>) target(%dma_start3A_191 : memref<128x256xf32, #tpu.memory_space<hbm>>) target_semaphore(%dma_start3A_189 : memref<!tpu.dma_semaphore, #tpu.memory_space<semaphore_mem>>)
    %dma_wait3A_196 = arith.constant 1 : i32
    %dma_wait3A_197 = arith.constant 1 : i32
    %dma_wait3A_198 = arith.constant 0 : i32
    %dma_wait3A_199 = arith.constant 0 : i32
    %dma_wait3A_200 = tpu.memref_slice %arg10[%dma_wait3A_196, %dma_wait3A_198, %dma_wait3A_199] : memref<3x128x256xf32, #tpu.memory_space<vmem>> -> memref<1x128x256xf32, #tpu.memory_space<vmem>>
    %dma_wait3A_201 = tpu.memref_squeeze %dma_wait3A_200 : memref<1x128x256xf32, #tpu.memory_space<vmem>> -> memref<128x256xf32, #tpu.memory_space<vmem>>
    %dma_wait3A_202 = arith.constant 0 : i32
    %dma_wait3A_203 = tpu.memref_slice %arg6[%add3A_119, %dma_wait3A_202] : memref<32768x256xf32, #tpu.memory_space<hbm>> -> memref<128x256xf32, #tpu.memory_space<hbm>>
    %dma_wait3A_204 = tpu.memref_slice %arg12[%dma_wait3A_197] : memref<3x!tpu.dma_semaphore, #tpu.memory_space<semaphore_mem>> -> memref<1x!tpu.dma_semaphore, #tpu.memory_space<semaphore_mem>>
    %dma_wait3A_205 = tpu.memref_squeeze %dma_wait3A_204 : memref<1x!tpu.dma_semaphore, #tpu.memory_space<semaphore_mem>> -> memref<!tpu.dma_semaphore, #tpu.memory_space<semaphore_mem>>
    %dma_wait3A_206 = arith.constant 0 : i32
    %dma_wait3A_207 = tpu.memref_slice %arg6[%add3A_119, %dma_wait3A_206] : memref<32768x256xf32, #tpu.memory_space<hbm>> -> memref<128x256xf32, #tpu.memory_space<hbm>>
    %dma_wait3A_208 = arith.constant 0 : i32
    %dma_wait3A_209 = arith.constant 0 : i32
    %dma_wait3A_210 = tpu.memref_slice %arg10[%dma_wait3A_196, %dma_wait3A_208, %dma_wait3A_209] : memref<3x128x256xf32, #tpu.memory_space<vmem>> -> memref<1x128x256xf32, #tpu.memory_space<vmem>>
    %dma_wait3A_211 = tpu.memref_squeeze %dma_wait3A_210 : memref<1x128x256xf32, #tpu.memory_space<vmem>> -> memref<128x256xf32, #tpu.memory_space<vmem>>
    tpu.wait_dma2 semaphore(%dma_wait3A_205 : memref<!tpu.dma_semaphore, #tpu.memory_space<semaphore_mem>>) src(%dma_wait3A_211 : memref<128x256xf32, #tpu.memory_space<vmem>>) dst(%dma_wait3A_207 : memref<128x256xf32, #tpu.memory_space<hbm>>)
    %dma_start3A_212 = arith.constant 1 : i32
    %dma_start3A_213 = arith.constant 1 : i32
    %dma_start3A_214 = arith.constant 0 : i32
    %dma_start3A_215 = arith.constant 0 : i32
    %dma_start3A_216 = tpu.memref_slice %arg10[%dma_start3A_212, %dma_start3A_214, %dma_start3A_215] : memref<3x128x256xf32, #tpu.memory_space<vmem>> -> memref<1x128x256xf32, #tpu.memory_space<vmem>>
    %dma_start3A_217 = tpu.memref_squeeze %dma_start3A_216 : memref<1x128x256xf32, #tpu.memory_space<vmem>> -> memref<128x256xf32, #tpu.memory_space<vmem>>
    %dma_start3A_218 = arith.constant 512 : i32
    %dma_start3A_219 = tpu.memref_slice %arg8[%dma_start3A_218] : memref<1024xi32, #tpu.memory_space<vmem>> -> memref<128xi32, #tpu.memory_space<vmem>>
    %dma_start3A_220 = arith.constant 0 : i32
    %dma_start3A_221 = arith.constant 0 : i32
    %dma_start3A_222 = tpu.memref_slice %arg2[%dma_start3A_220, %dma_start3A_221] : memref<50000x256xf32, #tpu.memory_space<hbm>> -> memref<50000x256xf32, #tpu.memory_space<hbm>>
    %dma_start3A_223 = tpu.memref_slice %arg11[%dma_start3A_213] : memref<3x!tpu.dma_semaphore, #tpu.memory_space<semaphore_mem>> -> memref<1x!tpu.dma_semaphore, #tpu.memory_space<semaphore_mem>>
    %dma_start3A_224 = tpu.memref_squeeze %dma_start3A_223 : memref<1x!tpu.dma_semaphore, #tpu.memory_space<semaphore_mem>> -> memref<!tpu.dma_semaphore, #tpu.memory_space<semaphore_mem>>
    tpu.enqueue_indirect_dma source(%dma_start3A_222 : memref<50000x256xf32, #tpu.memory_space<hbm>>) target(%dma_start3A_217 : memref<128x256xf32, #tpu.memory_space<vmem>>) offsets(%dma_start3A_219 : memref<128xi32, #tpu.memory_space<vmem>>) semaphore(%dma_start3A_224 : memref<!tpu.dma_semaphore, #tpu.memory_space<semaphore_mem>>)
    %dma_wait3A_225 = arith.constant 0 : i32
    %dma_wait3A_226 = arith.constant 0 : i32
    %dma_wait3A_227 = arith.constant 0 : i32
    %dma_wait3A_228 = arith.constant 0 : i32
    %dma_wait3A_229 = tpu.memref_slice %arg10[%dma_wait3A_225, %dma_wait3A_227, %dma_wait3A_228] : memref<3x128x256xf32, #tpu.memory_space<vmem>> -> memref<1x128x256xf32, #tpu.memory_space<vmem>>
    %dma_wait3A_230 = tpu.memref_squeeze %dma_wait3A_229 : memref<1x128x256xf32, #tpu.memory_space<vmem>> -> memref<128x256xf32, #tpu.memory_space<vmem>>
    %dma_wait3A_231 = arith.constant 384 : i32
    %dma_wait3A_232 = tpu.memref_slice %arg8[%dma_wait3A_231] : memref<1024xi32, #tpu.memory_space<vmem>> -> memref<128xi32, #tpu.memory_space<vmem>>
    %dma_wait3A_233 = arith.constant 0 : i32
    %dma_wait3A_234 = arith.constant 0 : i32
    %dma_wait3A_235 = tpu.memref_slice %arg2[%dma_wait3A_233, %dma_wait3A_234] : memref<50000x256xf32, #tpu.memory_space<hbm>> -> memref<50000x256xf32, #tpu.memory_space<hbm>>
    %dma_wait3A_236 = tpu.memref_slice %arg11[%dma_wait3A_226] : memref<3x!tpu.dma_semaphore, #tpu.memory_space<semaphore_mem>> -> memref<1x!tpu.dma_semaphore, #tpu.memory_space<semaphore_mem>>
    %dma_wait3A_237 = tpu.memref_squeeze %dma_wait3A_236 : memref<1x!tpu.dma_semaphore, #tpu.memory_space<semaphore_mem>> -> memref<!tpu.dma_semaphore, #tpu.memory_space<semaphore_mem>>
    tpu.wait_indirect_dma semaphore(%dma_wait3A_237 : memref<!tpu.dma_semaphore, #tpu.memory_space<semaphore_mem>>) src(%dma_wait3A_235 : memref<50000x256xf32, #tpu.memory_space<hbm>>) dst(%dma_wait3A_230 : memref<128x256xf32, #tpu.memory_space<vmem>>)
    %add3A_238 = arith.constant 384 : i32
    %add3A_239 = arith.addi %mul3A_12, %add3A_238 : i32
    %dma_start3A_240 = arith.constant 0 : i32
    %dma_start3A_241 = arith.constant 0 : i32
    %dma_start3A_242 = arith.constant 0 : i32
    %dma_start3A_243 = arith.constant 0 : i32
    %dma_start3A_244 = tpu.memref_slice %arg10[%dma_start3A_240, %dma_start3A_242, %dma_start3A_243] : memref<3x128x256xf32, #tpu.memory_space<vmem>> -> memref<1x128x256xf32, #tpu.memory_space<vmem>>
    %dma_start3A_245 = tpu.memref_squeeze %dma_start3A_244 : memref<1x128x256xf32, #tpu.memory_space<vmem>> -> memref<128x256xf32, #tpu.memory_space<vmem>>
    %dma_start3A_246 = arith.constant 0 : i32
    %dma_start3A_247 = tpu.memref_slice %arg6[%add3A_239, %dma_start3A_246] : memref<32768x256xf32, #tpu.memory_space<hbm>> -> memref<128x256xf32, #tpu.memory_space<hbm>>
    %dma_start3A_248 = tpu.memref_slice %arg12[%dma_start3A_241] : memref<3x!tpu.dma_semaphore, #tpu.memory_space<semaphore_mem>> -> memref<1x!tpu.dma_semaphore, #tpu.memory_space<semaphore_mem>>
    %dma_start3A_249 = tpu.memref_squeeze %dma_start3A_248 : memref<1x!tpu.dma_semaphore, #tpu.memory_space<semaphore_mem>> -> memref<!tpu.dma_semaphore, #tpu.memory_space<semaphore_mem>>
    %dma_start3A_250 = arith.constant 0 : i32
    %dma_start3A_251 = tpu.memref_slice %arg6[%add3A_239, %dma_start3A_250] : memref<32768x256xf32, #tpu.memory_space<hbm>> -> memref<128x256xf32, #tpu.memory_space<hbm>>
    %dma_start3A_252 = arith.constant 0 : i32
    %dma_start3A_253 = arith.constant 0 : i32
    %dma_start3A_254 = tpu.memref_slice %arg10[%dma_start3A_240, %dma_start3A_252, %dma_start3A_253] : memref<3x128x256xf32, #tpu.memory_space<vmem>> -> memref<1x128x256xf32, #tpu.memory_space<vmem>>
    %dma_start3A_255 = tpu.memref_squeeze %dma_start3A_254 : memref<1x128x256xf32, #tpu.memory_space<vmem>> -> memref<128x256xf32, #tpu.memory_space<vmem>>
    tpu.enqueue_dma source(%dma_start3A_255 : memref<128x256xf32, #tpu.memory_space<vmem>>) target(%dma_start3A_251 : memref<128x256xf32, #tpu.memory_space<hbm>>) target_semaphore(%dma_start3A_249 : memref<!tpu.dma_semaphore, #tpu.memory_space<semaphore_mem>>)
    %dma_wait3A_256 = arith.constant 2 : i32
    %dma_wait3A_257 = arith.constant 2 : i32
    %dma_wait3A_258 = arith.constant 0 : i32
    %dma_wait3A_259 = arith.constant 0 : i32
    %dma_wait3A_260 = tpu.memref_slice %arg10[%dma_wait3A_256, %dma_wait3A_258, %dma_wait3A_259] : memref<3x128x256xf32, #tpu.memory_space<vmem>> -> memref<1x128x256xf32, #tpu.memory_space<vmem>>
    %dma_wait3A_261 = tpu.memref_squeeze %dma_wait3A_260 : memref<1x128x256xf32, #tpu.memory_space<vmem>> -> memref<128x256xf32, #tpu.memory_space<vmem>>
    %dma_wait3A_262 = arith.constant 0 : i32
    %dma_wait3A_263 = tpu.memref_slice %arg6[%add3A_179, %dma_wait3A_262] : memref<32768x256xf32, #tpu.memory_space<hbm>> -> memref<128x256xf32, #tpu.memory_space<hbm>>
    %dma_wait3A_264 = tpu.memref_slice %arg12[%dma_wait3A_257] : memref<3x!tpu.dma_semaphore, #tpu.memory_space<semaphore_mem>> -> memref<1x!tpu.dma_semaphore, #tpu.memory_space<semaphore_mem>>
    %dma_wait3A_265 = tpu.memref_squeeze %dma_wait3A_264 : memref<1x!tpu.dma_semaphore, #tpu.memory_space<semaphore_mem>> -> memref<!tpu.dma_semaphore, #tpu.memory_space<semaphore_mem>>
    %dma_wait3A_266 = arith.constant 0 : i32
    %dma_wait3A_267 = tpu.memref_slice %arg6[%add3A_179, %dma_wait3A_266] : memref<32768x256xf32, #tpu.memory_space<hbm>> -> memref<128x256xf32, #tpu.memory_space<hbm>>
    %dma_wait3A_268 = arith.constant 0 : i32
    %dma_wait3A_269 = arith.constant 0 : i32
    %dma_wait3A_270 = tpu.memref_slice %arg10[%dma_wait3A_256, %dma_wait3A_268, %dma_wait3A_269] : memref<3x128x256xf32, #tpu.memory_space<vmem>> -> memref<1x128x256xf32, #tpu.memory_space<vmem>>
    %dma_wait3A_271 = tpu.memref_squeeze %dma_wait3A_270 : memref<1x128x256xf32, #tpu.memory_space<vmem>> -> memref<128x256xf32, #tpu.memory_space<vmem>>
    tpu.wait_dma2 semaphore(%dma_wait3A_265 : memref<!tpu.dma_semaphore, #tpu.memory_space<semaphore_mem>>) src(%dma_wait3A_271 : memref<128x256xf32, #tpu.memory_space<vmem>>) dst(%dma_wait3A_267 : memref<128x256xf32, #tpu.memory_space<hbm>>)
    %dma_start3A_272 = arith.constant 2 : i32
    %dma_start3A_273 = arith.constant 2 : i32
    %dma_start3A_274 = arith.constant 0 : i32
    %dma_start3A_275 = arith.constant 0 : i32
    %dma_start3A_276 = tpu.memref_slice %arg10[%dma_start3A_272, %dma_start3A_274, %dma_start3A_275] : memref<3x128x256xf32, #tpu.memory_space<vmem>> -> memref<1x128x256xf32, #tpu.memory_space<vmem>>
    %dma_start3A_277 = tpu.memref_squeeze %dma_start3A_276 : memref<1x128x256xf32, #tpu.memory_space<vmem>> -> memref<128x256xf32, #tpu.memory_space<vmem>>
    %dma_start3A_278 = arith.constant 640 : i32
    %dma_start3A_279 = tpu.memref_slice %arg8[%dma_start3A_278] : memref<1024xi32, #tpu.memory_space<vmem>> -> memref<128xi32, #tpu.memory_space<vmem>>
    %dma_start3A_280 = arith.constant 0 : i32
    %dma_start3A_281 = arith.constant 0 : i32
    %dma_start3A_282 = tpu.memref_slice %arg2[%dma_start3A_280, %dma_start3A_281] : memref<50000x256xf32, #tpu.memory_space<hbm>> -> memref<50000x256xf32, #tpu.memory_space<hbm>>
    %dma_start3A_283 = tpu.memref_slice %arg11[%dma_start3A_273] : memref<3x!tpu.dma_semaphore, #tpu.memory_space<semaphore_mem>> -> memref<1x!tpu.dma_semaphore, #tpu.memory_space<semaphore_mem>>
    %dma_start3A_284 = tpu.memref_squeeze %dma_start3A_283 : memref<1x!tpu.dma_semaphore, #tpu.memory_space<semaphore_mem>> -> memref<!tpu.dma_semaphore, #tpu.memory_space<semaphore_mem>>
    tpu.enqueue_indirect_dma source(%dma_start3A_282 : memref<50000x256xf32, #tpu.memory_space<hbm>>) target(%dma_start3A_277 : memref<128x256xf32, #tpu.memory_space<vmem>>) offsets(%dma_start3A_279 : memref<128xi32, #tpu.memory_space<vmem>>) semaphore(%dma_start3A_284 : memref<!tpu.dma_semaphore, #tpu.memory_space<semaphore_mem>>)
    %dma_wait3A_285 = arith.constant 1 : i32
    %dma_wait3A_286 = arith.constant 1 : i32
    %dma_wait3A_287 = arith.constant 0 : i32
    %dma_wait3A_288 = arith.constant 0 : i32
    %dma_wait3A_289 = tpu.memref_slice %arg10[%dma_wait3A_285, %dma_wait3A_287, %dma_wait3A_288] : memref<3x128x256xf32, #tpu.memory_space<vmem>> -> memref<1x128x256xf32, #tpu.memory_space<vmem>>
    %dma_wait3A_290 = tpu.memref_squeeze %dma_wait3A_289 : memref<1x128x256xf32, #tpu.memory_space<vmem>> -> memref<128x256xf32, #tpu.memory_space<vmem>>
    %dma_wait3A_291 = arith.constant 512 : i32
    %dma_wait3A_292 = tpu.memref_slice %arg8[%dma_wait3A_291] : memref<1024xi32, #tpu.memory_space<vmem>> -> memref<128xi32, #tpu.memory_space<vmem>>
    %dma_wait3A_293 = arith.constant 0 : i32
    %dma_wait3A_294 = arith.constant 0 : i32
    %dma_wait3A_295 = tpu.memref_slice %arg2[%dma_wait3A_293, %dma_wait3A_294] : memref<50000x256xf32, #tpu.memory_space<hbm>> -> memref<50000x256xf32, #tpu.memory_space<hbm>>
    %dma_wait3A_296 = tpu.memref_slice %arg11[%dma_wait3A_286] : memref<3x!tpu.dma_semaphore, #tpu.memory_space<semaphore_mem>> -> memref<1x!tpu.dma_semaphore, #tpu.memory_space<semaphore_mem>>
    %dma_wait3A_297 = tpu.memref_squeeze %dma_wait3A_296 : memref<1x!tpu.dma_semaphore, #tpu.memory_space<semaphore_mem>> -> memref<!tpu.dma_semaphore, #tpu.memory_space<semaphore_mem>>
    tpu.wait_indirect_dma semaphore(%dma_wait3A_297 : memref<!tpu.dma_semaphore, #tpu.memory_space<semaphore_mem>>) src(%dma_wait3A_295 : memref<50000x256xf32, #tpu.memory_space<hbm>>) dst(%dma_wait3A_290 : memref<128x256xf32, #tpu.memory_space<vmem>>)
    %add3A_298 = arith.constant 512 : i32
    %add3A_299 = arith.addi %mul3A_14, %add3A_298 : i32
    %dma_start3A_300 = arith.constant 1 : i32
    %dma_start3A_301 = arith.constant 1 : i32
    %dma_start3A_302 = arith.constant 0 : i32
    %dma_start3A_303 = arith.constant 0 : i32
    %dma_start3A_304 = tpu.memref_slice %arg10[%dma_start3A_300, %dma_start3A_302, %dma_start3A_303] : memref<3x128x256xf32, #tpu.memory_space<vmem>> -> memref<1x128x256xf32, #tpu.memory_space<vmem>>
    %dma_start3A_305 = tpu.memref_squeeze %dma_start3A_304 : memref<1x128x256xf32, #tpu.memory_space<vmem>> -> memref<128x256xf32, #tpu.memory_space<vmem>>
    %dma_start3A_306 = arith.constant 0 : i32
    %dma_start3A_307 = tpu.memref_slice %arg6[%add3A_299, %dma_start3A_306] : memref<32768x256xf32, #tpu.memory_space<hbm>> -> memref<128x256xf32, #tpu.memory_space<hbm>>
    %dma_start3A_308 = tpu.memref_slice %arg12[%dma_start3A_301] : memref<3x!tpu.dma_semaphore, #tpu.memory_space<semaphore_mem>> -> memref<1x!tpu.dma_semaphore, #tpu.memory_space<semaphore_mem>>
    %dma_start3A_309 = tpu.memref_squeeze %dma_start3A_308 : memref<1x!tpu.dma_semaphore, #tpu.memory_space<semaphore_mem>> -> memref<!tpu.dma_semaphore, #tpu.memory_space<semaphore_mem>>
    %dma_start3A_310 = arith.constant 0 : i32
    %dma_start3A_311 = tpu.memref_slice %arg6[%add3A_299, %dma_start3A_310] : memref<32768x256xf32, #tpu.memory_space<hbm>> -> memref<128x256xf32, #tpu.memory_space<hbm>>
    %dma_start3A_312 = arith.constant 0 : i32
    %dma_start3A_313 = arith.constant 0 : i32
    %dma_start3A_314 = tpu.memref_slice %arg10[%dma_start3A_300, %dma_start3A_312, %dma_start3A_313] : memref<3x128x256xf32, #tpu.memory_space<vmem>> -> memref<1x128x256xf32, #tpu.memory_space<vmem>>
    %dma_start3A_315 = tpu.memref_squeeze %dma_start3A_314 : memref<1x128x256xf32, #tpu.memory_space<vmem>> -> memref<128x256xf32, #tpu.memory_space<vmem>>
    tpu.enqueue_dma source(%dma_start3A_315 : memref<128x256xf32, #tpu.memory_space<vmem>>) target(%dma_start3A_311 : memref<128x256xf32, #tpu.memory_space<hbm>>) target_semaphore(%dma_start3A_309 : memref<!tpu.dma_semaphore, #tpu.memory_space<semaphore_mem>>)
    %dma_wait3A_316 = arith.constant 0 : i32
    %dma_wait3A_317 = arith.constant 0 : i32
    %dma_wait3A_318 = arith.constant 0 : i32
    %dma_wait3A_319 = arith.constant 0 : i32
    %dma_wait3A_320 = tpu.memref_slice %arg10[%dma_wait3A_316, %dma_wait3A_318, %dma_wait3A_319] : memref<3x128x256xf32, #tpu.memory_space<vmem>> -> memref<1x128x256xf32, #tpu.memory_space<vmem>>
    %dma_wait3A_321 = tpu.memref_squeeze %dma_wait3A_320 : memref<1x128x256xf32, #tpu.memory_space<vmem>> -> memref<128x256xf32, #tpu.memory_space<vmem>>
    %dma_wait3A_322 = arith.constant 0 : i32
    %dma_wait3A_323 = tpu.memref_slice %arg6[%add3A_239, %dma_wait3A_322] : memref<32768x256xf32, #tpu.memory_space<hbm>> -> memref<128x256xf32, #tpu.memory_space<hbm>>
    %dma_wait3A_324 = tpu.memref_slice %arg12[%dma_wait3A_317] : memref<3x!tpu.dma_semaphore, #tpu.memory_space<semaphore_mem>> -> memref<1x!tpu.dma_semaphore, #tpu.memory_space<semaphore_mem>>
    %dma_wait3A_325 = tpu.memref_squeeze %dma_wait3A_324 : memref<1x!tpu.dma_semaphore, #tpu.memory_space<semaphore_mem>> -> memref<!tpu.dma_semaphore, #tpu.memory_space<semaphore_mem>>
    %dma_wait3A_326 = arith.constant 0 : i32
    %dma_wait3A_327 = tpu.memref_slice %arg6[%add3A_239, %dma_wait3A_326] : memref<32768x256xf32, #tpu.memory_space<hbm>> -> memref<128x256xf32, #tpu.memory_space<hbm>>
    %dma_wait3A_328 = arith.constant 0 : i32
    %dma_wait3A_329 = arith.constant 0 : i32
    %dma_wait3A_330 = tpu.memref_slice %arg10[%dma_wait3A_316, %dma_wait3A_328, %dma_wait3A_329] : memref<3x128x256xf32, #tpu.memory_space<vmem>> -> memref<1x128x256xf32, #tpu.memory_space<vmem>>
    %dma_wait3A_331 = tpu.memref_squeeze %dma_wait3A_330 : memref<1x128x256xf32, #tpu.memory_space<vmem>> -> memref<128x256xf32, #tpu.memory_space<vmem>>
    tpu.wait_dma2 semaphore(%dma_wait3A_325 : memref<!tpu.dma_semaphore, #tpu.memory_space<semaphore_mem>>) src(%dma_wait3A_331 : memref<128x256xf32, #tpu.memory_space<vmem>>) dst(%dma_wait3A_327 : memref<128x256xf32, #tpu.memory_space<hbm>>)
    %dma_start3A_332 = arith.constant 0 : i32
    %dma_start3A_333 = arith.constant 0 : i32
    %dma_start3A_334 = arith.constant 0 : i32
    %dma_start3A_335 = arith.constant 0 : i32
    %dma_start3A_336 = tpu.memref_slice %arg10[%dma_start3A_332, %dma_start3A_334, %dma_start3A_335] : memref<3x128x256xf32, #tpu.memory_space<vmem>> -> memref<1x128x256xf32, #tpu.memory_space<vmem>>
    %dma_start3A_337 = tpu.memref_squeeze %dma_start3A_336 : memref<1x128x256xf32, #tpu.memory_space<vmem>> -> memref<128x256xf32, #tpu.memory_space<vmem>>
    %dma_start3A_338 = arith.constant 768 : i32
    %dma_start3A_339 = tpu.memref_slice %arg8[%dma_start3A_338] : memref<1024xi32, #tpu.memory_space<vmem>> -> memref<128xi32, #tpu.memory_space<vmem>>
    %dma_start3A_340 = arith.constant 0 : i32
    %dma_start3A_341 = arith.constant 0 : i32
    %dma_start3A_342 = tpu.memref_slice %arg2[%dma_start3A_340, %dma_start3A_341] : memref<50000x256xf32, #tpu.memory_space<hbm>> -> memref<50000x256xf32, #tpu.memory_space<hbm>>
    %dma_start3A_343 = tpu.memref_slice %arg11[%dma_start3A_333] : memref<3x!tpu.dma_semaphore, #tpu.memory_space<semaphore_mem>> -> memref<1x!tpu.dma_semaphore, #tpu.memory_space<semaphore_mem>>
    %dma_start3A_344 = tpu.memref_squeeze %dma_start3A_343 : memref<1x!tpu.dma_semaphore, #tpu.memory_space<semaphore_mem>> -> memref<!tpu.dma_semaphore, #tpu.memory_space<semaphore_mem>>
    tpu.enqueue_indirect_dma source(%dma_start3A_342 : memref<50000x256xf32, #tpu.memory_space<hbm>>) target(%dma_start3A_337 : memref<128x256xf32, #tpu.memory_space<vmem>>) offsets(%dma_start3A_339 : memref<128xi32, #tpu.memory_space<vmem>>) semaphore(%dma_start3A_344 : memref<!tpu.dma_semaphore, #tpu.memory_space<semaphore_mem>>)
    %dma_wait3A_345 = arith.constant 2 : i32
    %dma_wait3A_346 = arith.constant 2 : i32
    %dma_wait3A_347 = arith.constant 0 : i32
    %dma_wait3A_348 = arith.constant 0 : i32
    %dma_wait3A_349 = tpu.memref_slice %arg10[%dma_wait3A_345, %dma_wait3A_347, %dma_wait3A_348] : memref<3x128x256xf32, #tpu.memory_space<vmem>> -> memref<1x128x256xf32, #tpu.memory_space<vmem>>
    %dma_wait3A_350 = tpu.memref_squeeze %dma_wait3A_349 : memref<1x128x256xf32, #tpu.memory_space<vmem>> -> memref<128x256xf32, #tpu.memory_space<vmem>>
    %dma_wait3A_351 = arith.constant 640 : i32
    %dma_wait3A_352 = tpu.memref_slice %arg8[%dma_wait3A_351] : memref<1024xi32, #tpu.memory_space<vmem>> -> memref<128xi32, #tpu.memory_space<vmem>>
    %dma_wait3A_353 = arith.constant 0 : i32
    %dma_wait3A_354 = arith.constant 0 : i32
    %dma_wait3A_355 = tpu.memref_slice %arg2[%dma_wait3A_353, %dma_wait3A_354] : memref<50000x256xf32, #tpu.memory_space<hbm>> -> memref<50000x256xf32, #tpu.memory_space<hbm>>
    %dma_wait3A_356 = tpu.memref_slice %arg11[%dma_wait3A_346] : memref<3x!tpu.dma_semaphore, #tpu.memory_space<semaphore_mem>> -> memref<1x!tpu.dma_semaphore, #tpu.memory_space<semaphore_mem>>
    %dma_wait3A_357 = tpu.memref_squeeze %dma_wait3A_356 : memref<1x!tpu.dma_semaphore, #tpu.memory_space<semaphore_mem>> -> memref<!tpu.dma_semaphore, #tpu.memory_space<semaphore_mem>>
    tpu.wait_indirect_dma semaphore(%dma_wait3A_357 : memref<!tpu.dma_semaphore, #tpu.memory_space<semaphore_mem>>) src(%dma_wait3A_355 : memref<50000x256xf32, #tpu.memory_space<hbm>>) dst(%dma_wait3A_350 : memref<128x256xf32, #tpu.memory_space<vmem>>)
    %add3A_358 = arith.constant 640 : i32
    %add3A_359 = arith.addi %mul3A_16, %add3A_358 : i32
    %dma_start3A_360 = arith.constant 2 : i32
    %dma_start3A_361 = arith.constant 2 : i32
    %dma_start3A_362 = arith.constant 0 : i32
    %dma_start3A_363 = arith.constant 0 : i32
    %dma_start3A_364 = tpu.memref_slice %arg10[%dma_start3A_360, %dma_start3A_362, %dma_start3A_363] : memref<3x128x256xf32, #tpu.memory_space<vmem>> -> memref<1x128x256xf32, #tpu.memory_space<vmem>>
    %dma_start3A_365 = tpu.memref_squeeze %dma_start3A_364 : memref<1x128x256xf32, #tpu.memory_space<vmem>> -> memref<128x256xf32, #tpu.memory_space<vmem>>
    %dma_start3A_366 = arith.constant 0 : i32
    %dma_start3A_367 = tpu.memref_slice %arg6[%add3A_359, %dma_start3A_366] : memref<32768x256xf32, #tpu.memory_space<hbm>> -> memref<128x256xf32, #tpu.memory_space<hbm>>
    %dma_start3A_368 = tpu.memref_slice %arg12[%dma_start3A_361] : memref<3x!tpu.dma_semaphore, #tpu.memory_space<semaphore_mem>> -> memref<1x!tpu.dma_semaphore, #tpu.memory_space<semaphore_mem>>
    %dma_start3A_369 = tpu.memref_squeeze %dma_start3A_368 : memref<1x!tpu.dma_semaphore, #tpu.memory_space<semaphore_mem>> -> memref<!tpu.dma_semaphore, #tpu.memory_space<semaphore_mem>>
    %dma_start3A_370 = arith.constant 0 : i32
    %dma_start3A_371 = tpu.memref_slice %arg6[%add3A_359, %dma_start3A_370] : memref<32768x256xf32, #tpu.memory_space<hbm>> -> memref<128x256xf32, #tpu.memory_space<hbm>>
    %dma_start3A_372 = arith.constant 0 : i32
    %dma_start3A_373 = arith.constant 0 : i32
    %dma_start3A_374 = tpu.memref_slice %arg10[%dma_start3A_360, %dma_start3A_372, %dma_start3A_373] : memref<3x128x256xf32, #tpu.memory_space<vmem>> -> memref<1x128x256xf32, #tpu.memory_space<vmem>>
    %dma_start3A_375 = tpu.memref_squeeze %dma_start3A_374 : memref<1x128x256xf32, #tpu.memory_space<vmem>> -> memref<128x256xf32, #tpu.memory_space<vmem>>
    tpu.enqueue_dma source(%dma_start3A_375 : memref<128x256xf32, #tpu.memory_space<vmem>>) target(%dma_start3A_371 : memref<128x256xf32, #tpu.memory_space<hbm>>) target_semaphore(%dma_start3A_369 : memref<!tpu.dma_semaphore, #tpu.memory_space<semaphore_mem>>)
    %dma_wait3A_376 = arith.constant 1 : i32
    %dma_wait3A_377 = arith.constant 1 : i32
    %dma_wait3A_378 = arith.constant 0 : i32
    %dma_wait3A_379 = arith.constant 0 : i32
    %dma_wait3A_380 = tpu.memref_slice %arg10[%dma_wait3A_376, %dma_wait3A_378, %dma_wait3A_379] : memref<3x128x256xf32, #tpu.memory_space<vmem>> -> memref<1x128x256xf32, #tpu.memory_space<vmem>>
    %dma_wait3A_381 = tpu.memref_squeeze %dma_wait3A_380 : memref<1x128x256xf32, #tpu.memory_space<vmem>> -> memref<128x256xf32, #tpu.memory_space<vmem>>
    %dma_wait3A_382 = arith.constant 0 : i32
    %dma_wait3A_383 = tpu.memref_slice %arg6[%add3A_299, %dma_wait3A_382] : memref<32768x256xf32, #tpu.memory_space<hbm>> -> memref<128x256xf32, #tpu.memory_space<hbm>>
    %dma_wait3A_384 = tpu.memref_slice %arg12[%dma_wait3A_377] : memref<3x!tpu.dma_semaphore, #tpu.memory_space<semaphore_mem>> -> memref<1x!tpu.dma_semaphore, #tpu.memory_space<semaphore_mem>>
    %dma_wait3A_385 = tpu.memref_squeeze %dma_wait3A_384 : memref<1x!tpu.dma_semaphore, #tpu.memory_space<semaphore_mem>> -> memref<!tpu.dma_semaphore, #tpu.memory_space<semaphore_mem>>
    %dma_wait3A_386 = arith.constant 0 : i32
    %dma_wait3A_387 = tpu.memref_slice %arg6[%add3A_299, %dma_wait3A_386] : memref<32768x256xf32, #tpu.memory_space<hbm>> -> memref<128x256xf32, #tpu.memory_space<hbm>>
    %dma_wait3A_388 = arith.constant 0 : i32
    %dma_wait3A_389 = arith.constant 0 : i32
    %dma_wait3A_390 = tpu.memref_slice %arg10[%dma_wait3A_376, %dma_wait3A_388, %dma_wait3A_389] : memref<3x128x256xf32, #tpu.memory_space<vmem>> -> memref<1x128x256xf32, #tpu.memory_space<vmem>>
    %dma_wait3A_391 = tpu.memref_squeeze %dma_wait3A_390 : memref<1x128x256xf32, #tpu.memory_space<vmem>> -> memref<128x256xf32, #tpu.memory_space<vmem>>
    tpu.wait_dma2 semaphore(%dma_wait3A_385 : memref<!tpu.dma_semaphore, #tpu.memory_space<semaphore_mem>>) src(%dma_wait3A_391 : memref<128x256xf32, #tpu.memory_space<vmem>>) dst(%dma_wait3A_387 : memref<128x256xf32, #tpu.memory_space<hbm>>)
    %dma_start3A_392 = arith.constant 1 : i32
    %dma_start3A_393 = arith.constant 1 : i32
    %dma_start3A_394 = arith.constant 0 : i32
    %dma_start3A_395 = arith.constant 0 : i32
    %dma_start3A_396 = tpu.memref_slice %arg10[%dma_start3A_392, %dma_start3A_394, %dma_start3A_395] : memref<3x128x256xf32, #tpu.memory_space<vmem>> -> memref<1x128x256xf32, #tpu.memory_space<vmem>>
    %dma_start3A_397 = tpu.memref_squeeze %dma_start3A_396 : memref<1x128x256xf32, #tpu.memory_space<vmem>> -> memref<128x256xf32, #tpu.memory_space<vmem>>
    %dma_start3A_398 = arith.constant 896 : i32
    %dma_start3A_399 = tpu.memref_slice %arg8[%dma_start3A_398] : memref<1024xi32, #tpu.memory_space<vmem>> -> memref<128xi32, #tpu.memory_space<vmem>>
    %dma_start3A_400 = arith.constant 0 : i32
    %dma_start3A_401 = arith.constant 0 : i32
    %dma_start3A_402 = tpu.memref_slice %arg2[%dma_start3A_400, %dma_start3A_401] : memref<50000x256xf32, #tpu.memory_space<hbm>> -> memref<50000x256xf32, #tpu.memory_space<hbm>>
    %dma_start3A_403 = tpu.memref_slice %arg11[%dma_start3A_393] : memref<3x!tpu.dma_semaphore, #tpu.memory_space<semaphore_mem>> -> memref<1x!tpu.dma_semaphore, #tpu.memory_space<semaphore_mem>>
    %dma_start3A_404 = tpu.memref_squeeze %dma_start3A_403 : memref<1x!tpu.dma_semaphore, #tpu.memory_space<semaphore_mem>> -> memref<!tpu.dma_semaphore, #tpu.memory_space<semaphore_mem>>
    tpu.enqueue_indirect_dma source(%dma_start3A_402 : memref<50000x256xf32, #tpu.memory_space<hbm>>) target(%dma_start3A_397 : memref<128x256xf32, #tpu.memory_space<vmem>>) offsets(%dma_start3A_399 : memref<128xi32, #tpu.memory_space<vmem>>) semaphore(%dma_start3A_404 : memref<!tpu.dma_semaphore, #tpu.memory_space<semaphore_mem>>)
    %dma_wait3A_405 = arith.constant 0 : i32
    %dma_wait3A_406 = arith.constant 0 : i32
    %dma_wait3A_407 = arith.constant 0 : i32
    %dma_wait3A_408 = arith.constant 0 : i32
    %dma_wait3A_409 = tpu.memref_slice %arg10[%dma_wait3A_405, %dma_wait3A_407, %dma_wait3A_408] : memref<3x128x256xf32, #tpu.memory_space<vmem>> -> memref<1x128x256xf32, #tpu.memory_space<vmem>>
    %dma_wait3A_410 = tpu.memref_squeeze %dma_wait3A_409 : memref<1x128x256xf32, #tpu.memory_space<vmem>> -> memref<128x256xf32, #tpu.memory_space<vmem>>
    %dma_wait3A_411 = arith.constant 768 : i32
    %dma_wait3A_412 = tpu.memref_slice %arg8[%dma_wait3A_411] : memref<1024xi32, #tpu.memory_space<vmem>> -> memref<128xi32, #tpu.memory_space<vmem>>
    %dma_wait3A_413 = arith.constant 0 : i32
    %dma_wait3A_414 = arith.constant 0 : i32
    %dma_wait3A_415 = tpu.memref_slice %arg2[%dma_wait3A_413, %dma_wait3A_414] : memref<50000x256xf32, #tpu.memory_space<hbm>> -> memref<50000x256xf32, #tpu.memory_space<hbm>>
    %dma_wait3A_416 = tpu.memref_slice %arg11[%dma_wait3A_406] : memref<3x!tpu.dma_semaphore, #tpu.memory_space<semaphore_mem>> -> memref<1x!tpu.dma_semaphore, #tpu.memory_space<semaphore_mem>>
    %dma_wait3A_417 = tpu.memref_squeeze %dma_wait3A_416 : memref<1x!tpu.dma_semaphore, #tpu.memory_space<semaphore_mem>> -> memref<!tpu.dma_semaphore, #tpu.memory_space<semaphore_mem>>
    tpu.wait_indirect_dma semaphore(%dma_wait3A_417 : memref<!tpu.dma_semaphore, #tpu.memory_space<semaphore_mem>>) src(%dma_wait3A_415 : memref<50000x256xf32, #tpu.memory_space<hbm>>) dst(%dma_wait3A_410 : memref<128x256xf32, #tpu.memory_space<vmem>>)
    %add3A_418 = arith.constant 768 : i32
    %add3A_419 = arith.addi %mul3A_18, %add3A_418 : i32
    %dma_start3A_420 = arith.constant 0 : i32
    %dma_start3A_421 = arith.constant 0 : i32
    %dma_start3A_422 = arith.constant 0 : i32
    %dma_start3A_423 = arith.constant 0 : i32
    %dma_start3A_424 = tpu.memref_slice %arg10[%dma_start3A_420, %dma_start3A_422, %dma_start3A_423] : memref<3x128x256xf32, #tpu.memory_space<vmem>> -> memref<1x128x256xf32, #tpu.memory_space<vmem>>
    %dma_start3A_425 = tpu.memref_squeeze %dma_start3A_424 : memref<1x128x256xf32, #tpu.memory_space<vmem>> -> memref<128x256xf32, #tpu.memory_space<vmem>>
    %dma_start3A_426 = arith.constant 0 : i32
    %dma_start3A_427 = tpu.memref_slice %arg6[%add3A_419, %dma_start3A_426] : memref<32768x256xf32, #tpu.memory_space<hbm>> -> memref<128x256xf32, #tpu.memory_space<hbm>>
    %dma_start3A_428 = tpu.memref_slice %arg12[%dma_start3A_421] : memref<3x!tpu.dma_semaphore, #tpu.memory_space<semaphore_mem>> -> memref<1x!tpu.dma_semaphore, #tpu.memory_space<semaphore_mem>>
    %dma_start3A_429 = tpu.memref_squeeze %dma_start3A_428 : memref<1x!tpu.dma_semaphore, #tpu.memory_space<semaphore_mem>> -> memref<!tpu.dma_semaphore, #tpu.memory_space<semaphore_mem>>
    %dma_start3A_430 = arith.constant 0 : i32
    %dma_start3A_431 = tpu.memref_slice %arg6[%add3A_419, %dma_start3A_430] : memref<32768x256xf32, #tpu.memory_space<hbm>> -> memref<128x256xf32, #tpu.memory_space<hbm>>
    %dma_start3A_432 = arith.constant 0 : i32
    %dma_start3A_433 = arith.constant 0 : i32
    %dma_start3A_434 = tpu.memref_slice %arg10[%dma_start3A_420, %dma_start3A_432, %dma_start3A_433] : memref<3x128x256xf32, #tpu.memory_space<vmem>> -> memref<1x128x256xf32, #tpu.memory_space<vmem>>
    %dma_start3A_435 = tpu.memref_squeeze %dma_start3A_434 : memref<1x128x256xf32, #tpu.memory_space<vmem>> -> memref<128x256xf32, #tpu.memory_space<vmem>>
    tpu.enqueue_dma source(%dma_start3A_435 : memref<128x256xf32, #tpu.memory_space<vmem>>) target(%dma_start3A_431 : memref<128x256xf32, #tpu.memory_space<hbm>>) target_semaphore(%dma_start3A_429 : memref<!tpu.dma_semaphore, #tpu.memory_space<semaphore_mem>>)
    %dma_wait3A_436 = arith.constant 2 : i32
    %dma_wait3A_437 = arith.constant 2 : i32
    %dma_wait3A_438 = arith.constant 0 : i32
    %dma_wait3A_439 = arith.constant 0 : i32
    %dma_wait3A_440 = tpu.memref_slice %arg10[%dma_wait3A_436, %dma_wait3A_438, %dma_wait3A_439] : memref<3x128x256xf32, #tpu.memory_space<vmem>> -> memref<1x128x256xf32, #tpu.memory_space<vmem>>
    %dma_wait3A_441 = tpu.memref_squeeze %dma_wait3A_440 : memref<1x128x256xf32, #tpu.memory_space<vmem>> -> memref<128x256xf32, #tpu.memory_space<vmem>>
    %dma_wait3A_442 = arith.constant 0 : i32
    %dma_wait3A_443 = tpu.memref_slice %arg6[%add3A_359, %dma_wait3A_442] : memref<32768x256xf32, #tpu.memory_space<hbm>> -> memref<128x256xf32, #tpu.memory_space<hbm>>
    %dma_wait3A_444 = tpu.memref_slice %arg12[%dma_wait3A_437] : memref<3x!tpu.dma_semaphore, #tpu.memory_space<semaphore_mem>> -> memref<1x!tpu.dma_semaphore, #tpu.memory_space<semaphore_mem>>
    %dma_wait3A_445 = tpu.memref_squeeze %dma_wait3A_444 : memref<1x!tpu.dma_semaphore, #tpu.memory_space<semaphore_mem>> -> memref<!tpu.dma_semaphore, #tpu.memory_space<semaphore_mem>>
    %dma_wait3A_446 = arith.constant 0 : i32
    %dma_wait3A_447 = tpu.memref_slice %arg6[%add3A_359, %dma_wait3A_446] : memref<32768x256xf32, #tpu.memory_space<hbm>> -> memref<128x256xf32, #tpu.memory_space<hbm>>
    %dma_wait3A_448 = arith.constant 0 : i32
    %dma_wait3A_449 = arith.constant 0 : i32
    %dma_wait3A_450 = tpu.memref_slice %arg10[%dma_wait3A_436, %dma_wait3A_448, %dma_wait3A_449] : memref<3x128x256xf32, #tpu.memory_space<vmem>> -> memref<1x128x256xf32, #tpu.memory_space<vmem>>
    %dma_wait3A_451 = tpu.memref_squeeze %dma_wait3A_450 : memref<1x128x256xf32, #tpu.memory_space<vmem>> -> memref<128x256xf32, #tpu.memory_space<vmem>>
    tpu.wait_dma2 semaphore(%dma_wait3A_445 : memref<!tpu.dma_semaphore, #tpu.memory_space<semaphore_mem>>) src(%dma_wait3A_451 : memref<128x256xf32, #tpu.memory_space<vmem>>) dst(%dma_wait3A_447 : memref<128x256xf32, #tpu.memory_space<hbm>>)
    %dma_start3A_452 = arith.constant 2 : i32
    %dma_start3A_453 = arith.constant 2 : i32
    %dma_start3A_454 = arith.constant 0 : i32
    %dma_start3A_455 = arith.constant 0 : i32
    %dma_start3A_456 = tpu.memref_slice %arg10[%dma_start3A_452, %dma_start3A_454, %dma_start3A_455] : memref<3x128x256xf32, #tpu.memory_space<vmem>> -> memref<1x128x256xf32, #tpu.memory_space<vmem>>
    %dma_start3A_457 = tpu.memref_squeeze %dma_start3A_456 : memref<1x128x256xf32, #tpu.memory_space<vmem>> -> memref<128x256xf32, #tpu.memory_space<vmem>>
    %dma_start3A_458 = arith.constant 0 : i32
    %dma_start3A_459 = tpu.memref_slice %arg9[%dma_start3A_458] : memref<1024xi32, #tpu.memory_space<vmem>> -> memref<128xi32, #tpu.memory_space<vmem>>
    %dma_start3A_460 = arith.constant 0 : i32
    %dma_start3A_461 = arith.constant 0 : i32
    %dma_start3A_462 = tpu.memref_slice %arg3[%dma_start3A_460, %dma_start3A_461] : memref<500x256xf32, #tpu.memory_space<hbm>> -> memref<500x256xf32, #tpu.memory_space<hbm>>
    %dma_start3A_463 = tpu.memref_slice %arg11[%dma_start3A_453] : memref<3x!tpu.dma_semaphore, #tpu.memory_space<semaphore_mem>> -> memref<1x!tpu.dma_semaphore, #tpu.memory_space<semaphore_mem>>
    %dma_start3A_464 = tpu.memref_squeeze %dma_start3A_463 : memref<1x!tpu.dma_semaphore, #tpu.memory_space<semaphore_mem>> -> memref<!tpu.dma_semaphore, #tpu.memory_space<semaphore_mem>>
    tpu.enqueue_indirect_dma source(%dma_start3A_462 : memref<500x256xf32, #tpu.memory_space<hbm>>) target(%dma_start3A_457 : memref<128x256xf32, #tpu.memory_space<vmem>>) offsets(%dma_start3A_459 : memref<128xi32, #tpu.memory_space<vmem>>) semaphore(%dma_start3A_464 : memref<!tpu.dma_semaphore, #tpu.memory_space<semaphore_mem>>)
    %dma_wait3A_465 = arith.constant 1 : i32
    %dma_wait3A_466 = arith.constant 1 : i32
    %dma_wait3A_467 = arith.constant 0 : i32
    %dma_wait3A_468 = arith.constant 0 : i32
    %dma_wait3A_469 = tpu.memref_slice %arg10[%dma_wait3A_465, %dma_wait3A_467, %dma_wait3A_468] : memref<3x128x256xf32, #tpu.memory_space<vmem>> -> memref<1x128x256xf32, #tpu.memory_space<vmem>>
    %dma_wait3A_470 = tpu.memref_squeeze %dma_wait3A_469 : memref<1x128x256xf32, #tpu.memory_space<vmem>> -> memref<128x256xf32, #tpu.memory_space<vmem>>
    %dma_wait3A_471 = arith.constant 896 : i32
    %dma_wait3A_472 = tpu.memref_slice %arg8[%dma_wait3A_471] : memref<1024xi32, #tpu.memory_space<vmem>> -> memref<128xi32, #tpu.memory_space<vmem>>
    %dma_wait3A_473 = arith.constant 0 : i32
    %dma_wait3A_474 = arith.constant 0 : i32
    %dma_wait3A_475 = tpu.memref_slice %arg2[%dma_wait3A_473, %dma_wait3A_474] : memref<50000x256xf32, #tpu.memory_space<hbm>> -> memref<50000x256xf32, #tpu.memory_space<hbm>>
    %dma_wait3A_476 = tpu.memref_slice %arg11[%dma_wait3A_466] : memref<3x!tpu.dma_semaphore, #tpu.memory_space<semaphore_mem>> -> memref<1x!tpu.dma_semaphore, #tpu.memory_space<semaphore_mem>>
    %dma_wait3A_477 = tpu.memref_squeeze %dma_wait3A_476 : memref<1x!tpu.dma_semaphore, #tpu.memory_space<semaphore_mem>> -> memref<!tpu.dma_semaphore, #tpu.memory_space<semaphore_mem>>
    tpu.wait_indirect_dma semaphore(%dma_wait3A_477 : memref<!tpu.dma_semaphore, #tpu.memory_space<semaphore_mem>>) src(%dma_wait3A_475 : memref<50000x256xf32, #tpu.memory_space<hbm>>) dst(%dma_wait3A_470 : memref<128x256xf32, #tpu.memory_space<vmem>>)
    %add3A_478 = arith.constant 896 : i32
    %add3A_479 = arith.addi %mul3A_20, %add3A_478 : i32
    %dma_start3A_480 = arith.constant 1 : i32
    %dma_start3A_481 = arith.constant 1 : i32
    %dma_start3A_482 = arith.constant 0 : i32
    %dma_start3A_483 = arith.constant 0 : i32
    %dma_start3A_484 = tpu.memref_slice %arg10[%dma_start3A_480, %dma_start3A_482, %dma_start3A_483] : memref<3x128x256xf32, #tpu.memory_space<vmem>> -> memref<1x128x256xf32, #tpu.memory_space<vmem>>
    %dma_start3A_485 = tpu.memref_squeeze %dma_start3A_484 : memref<1x128x256xf32, #tpu.memory_space<vmem>> -> memref<128x256xf32, #tpu.memory_space<vmem>>
    %dma_start3A_486 = arith.constant 0 : i32
    %dma_start3A_487 = tpu.memref_slice %arg6[%add3A_479, %dma_start3A_486] : memref<32768x256xf32, #tpu.memory_space<hbm>> -> memref<128x256xf32, #tpu.memory_space<hbm>>
    %dma_start3A_488 = tpu.memref_slice %arg12[%dma_start3A_481] : memref<3x!tpu.dma_semaphore, #tpu.memory_space<semaphore_mem>> -> memref<1x!tpu.dma_semaphore, #tpu.memory_space<semaphore_mem>>
    %dma_start3A_489 = tpu.memref_squeeze %dma_start3A_488 : memref<1x!tpu.dma_semaphore, #tpu.memory_space<semaphore_mem>> -> memref<!tpu.dma_semaphore, #tpu.memory_space<semaphore_mem>>
    %dma_start3A_490 = arith.constant 0 : i32
    %dma_start3A_491 = tpu.memref_slice %arg6[%add3A_479, %dma_start3A_490] : memref<32768x256xf32, #tpu.memory_space<hbm>> -> memref<128x256xf32, #tpu.memory_space<hbm>>
    %dma_start3A_492 = arith.constant 0 : i32
    %dma_start3A_493 = arith.constant 0 : i32
    %dma_start3A_494 = tpu.memref_slice %arg10[%dma_start3A_480, %dma_start3A_492, %dma_start3A_493] : memref<3x128x256xf32, #tpu.memory_space<vmem>> -> memref<1x128x256xf32, #tpu.memory_space<vmem>>
    %dma_start3A_495 = tpu.memref_squeeze %dma_start3A_494 : memref<1x128x256xf32, #tpu.memory_space<vmem>> -> memref<128x256xf32, #tpu.memory_space<vmem>>
    tpu.enqueue_dma source(%dma_start3A_495 : memref<128x256xf32, #tpu.memory_space<vmem>>) target(%dma_start3A_491 : memref<128x256xf32, #tpu.memory_space<hbm>>) target_semaphore(%dma_start3A_489 : memref<!tpu.dma_semaphore, #tpu.memory_space<semaphore_mem>>)
    %dma_wait3A_496 = arith.constant 0 : i32
    %dma_wait3A_497 = arith.constant 0 : i32
    %dma_wait3A_498 = arith.constant 0 : i32
    %dma_wait3A_499 = arith.constant 0 : i32
    %dma_wait3A_500 = tpu.memref_slice %arg10[%dma_wait3A_496, %dma_wait3A_498, %dma_wait3A_499] : memref<3x128x256xf32, #tpu.memory_space<vmem>> -> memref<1x128x256xf32, #tpu.memory_space<vmem>>
    %dma_wait3A_501 = tpu.memref_squeeze %dma_wait3A_500 : memref<1x128x256xf32, #tpu.memory_space<vmem>> -> memref<128x256xf32, #tpu.memory_space<vmem>>
    %dma_wait3A_502 = arith.constant 0 : i32
    %dma_wait3A_503 = tpu.memref_slice %arg6[%add3A_419, %dma_wait3A_502] : memref<32768x256xf32, #tpu.memory_space<hbm>> -> memref<128x256xf32, #tpu.memory_space<hbm>>
    %dma_wait3A_504 = tpu.memref_slice %arg12[%dma_wait3A_497] : memref<3x!tpu.dma_semaphore, #tpu.memory_space<semaphore_mem>> -> memref<1x!tpu.dma_semaphore, #tpu.memory_space<semaphore_mem>>
    %dma_wait3A_505 = tpu.memref_squeeze %dma_wait3A_504 : memref<1x!tpu.dma_semaphore, #tpu.memory_space<semaphore_mem>> -> memref<!tpu.dma_semaphore, #tpu.memory_space<semaphore_mem>>
    %dma_wait3A_506 = arith.constant 0 : i32
    %dma_wait3A_507 = tpu.memref_slice %arg6[%add3A_419, %dma_wait3A_506] : memref<32768x256xf32, #tpu.memory_space<hbm>> -> memref<128x256xf32, #tpu.memory_space<hbm>>
    %dma_wait3A_508 = arith.constant 0 : i32
    %dma_wait3A_509 = arith.constant 0 : i32
    %dma_wait3A_510 = tpu.memref_slice %arg10[%dma_wait3A_496, %dma_wait3A_508, %dma_wait3A_509] : memref<3x128x256xf32, #tpu.memory_space<vmem>> -> memref<1x128x256xf32, #tpu.memory_space<vmem>>
    %dma_wait3A_511 = tpu.memref_squeeze %dma_wait3A_510 : memref<1x128x256xf32, #tpu.memory_space<vmem>> -> memref<128x256xf32, #tpu.memory_space<vmem>>
    tpu.wait_dma2 semaphore(%dma_wait3A_505 : memref<!tpu.dma_semaphore, #tpu.memory_space<semaphore_mem>>) src(%dma_wait3A_511 : memref<128x256xf32, #tpu.memory_space<vmem>>) dst(%dma_wait3A_507 : memref<128x256xf32, #tpu.memory_space<hbm>>)
    %dma_start3A_512 = arith.constant 0 : i32
    %dma_start3A_513 = arith.constant 0 : i32
    %dma_start3A_514 = arith.constant 0 : i32
    %dma_start3A_515 = arith.constant 0 : i32
    %dma_start3A_516 = tpu.memref_slice %arg10[%dma_start3A_512, %dma_start3A_514, %dma_start3A_515] : memref<3x128x256xf32, #tpu.memory_space<vmem>> -> memref<1x128x256xf32, #tpu.memory_space<vmem>>
    %dma_start3A_517 = tpu.memref_squeeze %dma_start3A_516 : memref<1x128x256xf32, #tpu.memory_space<vmem>> -> memref<128x256xf32, #tpu.memory_space<vmem>>
    %dma_start3A_518 = arith.constant 128 : i32
    %dma_start3A_519 = tpu.memref_slice %arg9[%dma_start3A_518] : memref<1024xi32, #tpu.memory_space<vmem>> -> memref<128xi32, #tpu.memory_space<vmem>>
    %dma_start3A_520 = arith.constant 0 : i32
    %dma_start3A_521 = arith.constant 0 : i32
    %dma_start3A_522 = tpu.memref_slice %arg3[%dma_start3A_520, %dma_start3A_521] : memref<500x256xf32, #tpu.memory_space<hbm>> -> memref<500x256xf32, #tpu.memory_space<hbm>>
    %dma_start3A_523 = tpu.memref_slice %arg11[%dma_start3A_513] : memref<3x!tpu.dma_semaphore, #tpu.memory_space<semaphore_mem>> -> memref<1x!tpu.dma_semaphore, #tpu.memory_space<semaphore_mem>>
    %dma_start3A_524 = tpu.memref_squeeze %dma_start3A_523 : memref<1x!tpu.dma_semaphore, #tpu.memory_space<semaphore_mem>> -> memref<!tpu.dma_semaphore, #tpu.memory_space<semaphore_mem>>
    tpu.enqueue_indirect_dma source(%dma_start3A_522 : memref<500x256xf32, #tpu.memory_space<hbm>>) target(%dma_start3A_517 : memref<128x256xf32, #tpu.memory_space<vmem>>) offsets(%dma_start3A_519 : memref<128xi32, #tpu.memory_space<vmem>>) semaphore(%dma_start3A_524 : memref<!tpu.dma_semaphore, #tpu.memory_space<semaphore_mem>>)
    %dma_wait3A_525 = arith.constant 2 : i32
    %dma_wait3A_526 = arith.constant 2 : i32
    %dma_wait3A_527 = arith.constant 0 : i32
    %dma_wait3A_528 = arith.constant 0 : i32
    %dma_wait3A_529 = tpu.memref_slice %arg10[%dma_wait3A_525, %dma_wait3A_527, %dma_wait3A_528] : memref<3x128x256xf32, #tpu.memory_space<vmem>> -> memref<1x128x256xf32, #tpu.memory_space<vmem>>
    %dma_wait3A_530 = tpu.memref_squeeze %dma_wait3A_529 : memref<1x128x256xf32, #tpu.memory_space<vmem>> -> memref<128x256xf32, #tpu.memory_space<vmem>>
    %dma_wait3A_531 = arith.constant 0 : i32
    %dma_wait3A_532 = tpu.memref_slice %arg9[%dma_wait3A_531] : memref<1024xi32, #tpu.memory_space<vmem>> -> memref<128xi32, #tpu.memory_space<vmem>>
    %dma_wait3A_533 = arith.constant 0 : i32
    %dma_wait3A_534 = arith.constant 0 : i32
    %dma_wait3A_535 = tpu.memref_slice %arg3[%dma_wait3A_533, %dma_wait3A_534] : memref<500x256xf32, #tpu.memory_space<hbm>> -> memref<500x256xf32, #tpu.memory_space<hbm>>
    %dma_wait3A_536 = tpu.memref_slice %arg11[%dma_wait3A_526] : memref<3x!tpu.dma_semaphore, #tpu.memory_space<semaphore_mem>> -> memref<1x!tpu.dma_semaphore, #tpu.memory_space<semaphore_mem>>
    %dma_wait3A_537 = tpu.memref_squeeze %dma_wait3A_536 : memref<1x!tpu.dma_semaphore, #tpu.memory_space<semaphore_mem>> -> memref<!tpu.dma_semaphore, #tpu.memory_space<semaphore_mem>>
    tpu.wait_indirect_dma semaphore(%dma_wait3A_537 : memref<!tpu.dma_semaphore, #tpu.memory_space<semaphore_mem>>) src(%dma_wait3A_535 : memref<500x256xf32, #tpu.memory_space<hbm>>) dst(%dma_wait3A_530 : memref<128x256xf32, #tpu.memory_space<vmem>>)
    %add3A_538 = arith.constant 0 : i32
    %add3A_539 = arith.addi %mul3A_22, %add3A_538 : i32
    %dma_start3A_540 = arith.constant 2 : i32
    %dma_start3A_541 = arith.constant 2 : i32
    %dma_start3A_542 = arith.constant 0 : i32
    %dma_start3A_543 = arith.constant 0 : i32
    %dma_start3A_544 = tpu.memref_slice %arg10[%dma_start3A_540, %dma_start3A_542, %dma_start3A_543] : memref<3x128x256xf32, #tpu.memory_space<vmem>> -> memref<1x128x256xf32, #tpu.memory_space<vmem>>
    %dma_start3A_545 = tpu.memref_squeeze %dma_start3A_544 : memref<1x128x256xf32, #tpu.memory_space<vmem>> -> memref<128x256xf32, #tpu.memory_space<vmem>>
    %dma_start3A_546 = arith.constant 0 : i32
    %dma_start3A_547 = tpu.memref_slice %arg7[%add3A_539, %dma_start3A_546] : memref<32768x256xf32, #tpu.memory_space<hbm>> -> memref<128x256xf32, #tpu.memory_space<hbm>>
    %dma_start3A_548 = tpu.memref_slice %arg12[%dma_start3A_541] : memref<3x!tpu.dma_semaphore, #tpu.memory_space<semaphore_mem>> -> memref<1x!tpu.dma_semaphore, #tpu.memory_space<semaphore_mem>>
    %dma_start3A_549 = tpu.memref_squeeze %dma_start3A_548 : memref<1x!tpu.dma_semaphore, #tpu.memory_space<semaphore_mem>> -> memref<!tpu.dma_semaphore, #tpu.memory_space<semaphore_mem>>
    %dma_start3A_550 = arith.constant 0 : i32
    %dma_start3A_551 = tpu.memref_slice %arg7[%add3A_539, %dma_start3A_550] : memref<32768x256xf32, #tpu.memory_space<hbm>> -> memref<128x256xf32, #tpu.memory_space<hbm>>
    %dma_start3A_552 = arith.constant 0 : i32
    %dma_start3A_553 = arith.constant 0 : i32
    %dma_start3A_554 = tpu.memref_slice %arg10[%dma_start3A_540, %dma_start3A_552, %dma_start3A_553] : memref<3x128x256xf32, #tpu.memory_space<vmem>> -> memref<1x128x256xf32, #tpu.memory_space<vmem>>
    %dma_start3A_555 = tpu.memref_squeeze %dma_start3A_554 : memref<1x128x256xf32, #tpu.memory_space<vmem>> -> memref<128x256xf32, #tpu.memory_space<vmem>>
    tpu.enqueue_dma source(%dma_start3A_555 : memref<128x256xf32, #tpu.memory_space<vmem>>) target(%dma_start3A_551 : memref<128x256xf32, #tpu.memory_space<hbm>>) target_semaphore(%dma_start3A_549 : memref<!tpu.dma_semaphore, #tpu.memory_space<semaphore_mem>>)
    %dma_wait3A_556 = arith.constant 1 : i32
    %dma_wait3A_557 = arith.constant 1 : i32
    %dma_wait3A_558 = arith.constant 0 : i32
    %dma_wait3A_559 = arith.constant 0 : i32
    %dma_wait3A_560 = tpu.memref_slice %arg10[%dma_wait3A_556, %dma_wait3A_558, %dma_wait3A_559] : memref<3x128x256xf32, #tpu.memory_space<vmem>> -> memref<1x128x256xf32, #tpu.memory_space<vmem>>
    %dma_wait3A_561 = tpu.memref_squeeze %dma_wait3A_560 : memref<1x128x256xf32, #tpu.memory_space<vmem>> -> memref<128x256xf32, #tpu.memory_space<vmem>>
    %dma_wait3A_562 = arith.constant 0 : i32
    %dma_wait3A_563 = tpu.memref_slice %arg6[%add3A_479, %dma_wait3A_562] : memref<32768x256xf32, #tpu.memory_space<hbm>> -> memref<128x256xf32, #tpu.memory_space<hbm>>
    %dma_wait3A_564 = tpu.memref_slice %arg12[%dma_wait3A_557] : memref<3x!tpu.dma_semaphore, #tpu.memory_space<semaphore_mem>> -> memref<1x!tpu.dma_semaphore, #tpu.memory_space<semaphore_mem>>
    %dma_wait3A_565 = tpu.memref_squeeze %dma_wait3A_564 : memref<1x!tpu.dma_semaphore, #tpu.memory_space<semaphore_mem>> -> memref<!tpu.dma_semaphore, #tpu.memory_space<semaphore_mem>>
    %dma_wait3A_566 = arith.constant 0 : i32
    %dma_wait3A_567 = tpu.memref_slice %arg6[%add3A_479, %dma_wait3A_566] : memref<32768x256xf32, #tpu.memory_space<hbm>> -> memref<128x256xf32, #tpu.memory_space<hbm>>
    %dma_wait3A_568 = arith.constant 0 : i32
    %dma_wait3A_569 = arith.constant 0 : i32
    %dma_wait3A_570 = tpu.memref_slice %arg10[%dma_wait3A_556, %dma_wait3A_568, %dma_wait3A_569] : memref<3x128x256xf32, #tpu.memory_space<vmem>> -> memref<1x128x256xf32, #tpu.memory_space<vmem>>
    %dma_wait3A_571 = tpu.memref_squeeze %dma_wait3A_570 : memref<1x128x256xf32, #tpu.memory_space<vmem>> -> memref<128x256xf32, #tpu.memory_space<vmem>>
    tpu.wait_dma2 semaphore(%dma_wait3A_565 : memref<!tpu.dma_semaphore, #tpu.memory_space<semaphore_mem>>) src(%dma_wait3A_571 : memref<128x256xf32, #tpu.memory_space<vmem>>) dst(%dma_wait3A_567 : memref<128x256xf32, #tpu.memory_space<hbm>>)
    %dma_start3A_572 = arith.constant 1 : i32
    %dma_start3A_573 = arith.constant 1 : i32
    %dma_start3A_574 = arith.constant 0 : i32
    %dma_start3A_575 = arith.constant 0 : i32
    %dma_start3A_576 = tpu.memref_slice %arg10[%dma_start3A_572, %dma_start3A_574, %dma_start3A_575] : memref<3x128x256xf32, #tpu.memory_space<vmem>> -> memref<1x128x256xf32, #tpu.memory_space<vmem>>
    %dma_start3A_577 = tpu.memref_squeeze %dma_start3A_576 : memref<1x128x256xf32, #tpu.memory_space<vmem>> -> memref<128x256xf32, #tpu.memory_space<vmem>>
    %dma_start3A_578 = arith.constant 256 : i32
    %dma_start3A_579 = tpu.memref_slice %arg9[%dma_start3A_578] : memref<1024xi32, #tpu.memory_space<vmem>> -> memref<128xi32, #tpu.memory_space<vmem>>
    %dma_start3A_580 = arith.constant 0 : i32
    %dma_start3A_581 = arith.constant 0 : i32
    %dma_start3A_582 = tpu.memref_slice %arg3[%dma_start3A_580, %dma_start3A_581] : memref<500x256xf32, #tpu.memory_space<hbm>> -> memref<500x256xf32, #tpu.memory_space<hbm>>
    %dma_start3A_583 = tpu.memref_slice %arg11[%dma_start3A_573] : memref<3x!tpu.dma_semaphore, #tpu.memory_space<semaphore_mem>> -> memref<1x!tpu.dma_semaphore, #tpu.memory_space<semaphore_mem>>
    %dma_start3A_584 = tpu.memref_squeeze %dma_start3A_583 : memref<1x!tpu.dma_semaphore, #tpu.memory_space<semaphore_mem>> -> memref<!tpu.dma_semaphore, #tpu.memory_space<semaphore_mem>>
    tpu.enqueue_indirect_dma source(%dma_start3A_582 : memref<500x256xf32, #tpu.memory_space<hbm>>) target(%dma_start3A_577 : memref<128x256xf32, #tpu.memory_space<vmem>>) offsets(%dma_start3A_579 : memref<128xi32, #tpu.memory_space<vmem>>) semaphore(%dma_start3A_584 : memref<!tpu.dma_semaphore, #tpu.memory_space<semaphore_mem>>)
    %dma_wait3A_585 = arith.constant 0 : i32
    %dma_wait3A_586 = arith.constant 0 : i32
    %dma_wait3A_587 = arith.constant 0 : i32
    %dma_wait3A_588 = arith.constant 0 : i32
    %dma_wait3A_589 = tpu.memref_slice %arg10[%dma_wait3A_585, %dma_wait3A_587, %dma_wait3A_588] : memref<3x128x256xf32, #tpu.memory_space<vmem>> -> memref<1x128x256xf32, #tpu.memory_space<vmem>>
    %dma_wait3A_590 = tpu.memref_squeeze %dma_wait3A_589 : memref<1x128x256xf32, #tpu.memory_space<vmem>> -> memref<128x256xf32, #tpu.memory_space<vmem>>
    %dma_wait3A_591 = arith.constant 128 : i32
    %dma_wait3A_592 = tpu.memref_slice %arg9[%dma_wait3A_591] : memref<1024xi32, #tpu.memory_space<vmem>> -> memref<128xi32, #tpu.memory_space<vmem>>
    %dma_wait3A_593 = arith.constant 0 : i32
    %dma_wait3A_594 = arith.constant 0 : i32
    %dma_wait3A_595 = tpu.memref_slice %arg3[%dma_wait3A_593, %dma_wait3A_594] : memref<500x256xf32, #tpu.memory_space<hbm>> -> memref<500x256xf32, #tpu.memory_space<hbm>>
    %dma_wait3A_596 = tpu.memref_slice %arg11[%dma_wait3A_586] : memref<3x!tpu.dma_semaphore, #tpu.memory_space<semaphore_mem>> -> memref<1x!tpu.dma_semaphore, #tpu.memory_space<semaphore_mem>>
    %dma_wait3A_597 = tpu.memref_squeeze %dma_wait3A_596 : memref<1x!tpu.dma_semaphore, #tpu.memory_space<semaphore_mem>> -> memref<!tpu.dma_semaphore, #tpu.memory_space<semaphore_mem>>
    tpu.wait_indirect_dma semaphore(%dma_wait3A_597 : memref<!tpu.dma_semaphore, #tpu.memory_space<semaphore_mem>>) src(%dma_wait3A_595 : memref<500x256xf32, #tpu.memory_space<hbm>>) dst(%dma_wait3A_590 : memref<128x256xf32, #tpu.memory_space<vmem>>)
    %add3A_598 = arith.constant 128 : i32
    %add3A_599 = arith.addi %mul3A_24, %add3A_598 : i32
    %dma_start3A_600 = arith.constant 0 : i32
    %dma_start3A_601 = arith.constant 0 : i32
    %dma_start3A_602 = arith.constant 0 : i32
    %dma_start3A_603 = arith.constant 0 : i32
    %dma_start3A_604 = tpu.memref_slice %arg10[%dma_start3A_600, %dma_start3A_602, %dma_start3A_603] : memref<3x128x256xf32, #tpu.memory_space<vmem>> -> memref<1x128x256xf32, #tpu.memory_space<vmem>>
    %dma_start3A_605 = tpu.memref_squeeze %dma_start3A_604 : memref<1x128x256xf32, #tpu.memory_space<vmem>> -> memref<128x256xf32, #tpu.memory_space<vmem>>
    %dma_start3A_606 = arith.constant 0 : i32
    %dma_start3A_607 = tpu.memref_slice %arg7[%add3A_599, %dma_start3A_606] : memref<32768x256xf32, #tpu.memory_space<hbm>> -> memref<128x256xf32, #tpu.memory_space<hbm>>
    %dma_start3A_608 = tpu.memref_slice %arg12[%dma_start3A_601] : memref<3x!tpu.dma_semaphore, #tpu.memory_space<semaphore_mem>> -> memref<1x!tpu.dma_semaphore, #tpu.memory_space<semaphore_mem>>
    %dma_start3A_609 = tpu.memref_squeeze %dma_start3A_608 : memref<1x!tpu.dma_semaphore, #tpu.memory_space<semaphore_mem>> -> memref<!tpu.dma_semaphore, #tpu.memory_space<semaphore_mem>>
    %dma_start3A_610 = arith.constant 0 : i32
    %dma_start3A_611 = tpu.memref_slice %arg7[%add3A_599, %dma_start3A_610] : memref<32768x256xf32, #tpu.memory_space<hbm>> -> memref<128x256xf32, #tpu.memory_space<hbm>>
    %dma_start3A_612 = arith.constant 0 : i32
    %dma_start3A_613 = arith.constant 0 : i32
    %dma_start3A_614 = tpu.memref_slice %arg10[%dma_start3A_600, %dma_start3A_612, %dma_start3A_613] : memref<3x128x256xf32, #tpu.memory_space<vmem>> -> memref<1x128x256xf32, #tpu.memory_space<vmem>>
    %dma_start3A_615 = tpu.memref_squeeze %dma_start3A_614 : memref<1x128x256xf32, #tpu.memory_space<vmem>> -> memref<128x256xf32, #tpu.memory_space<vmem>>
    tpu.enqueue_dma source(%dma_start3A_615 : memref<128x256xf32, #tpu.memory_space<vmem>>) target(%dma_start3A_611 : memref<128x256xf32, #tpu.memory_space<hbm>>) target_semaphore(%dma_start3A_609 : memref<!tpu.dma_semaphore, #tpu.memory_space<semaphore_mem>>)
    %dma_wait3A_616 = arith.constant 2 : i32
    %dma_wait3A_617 = arith.constant 2 : i32
    %dma_wait3A_618 = arith.constant 0 : i32
    %dma_wait3A_619 = arith.constant 0 : i32
    %dma_wait3A_620 = tpu.memref_slice %arg10[%dma_wait3A_616, %dma_wait3A_618, %dma_wait3A_619] : memref<3x128x256xf32, #tpu.memory_space<vmem>> -> memref<1x128x256xf32, #tpu.memory_space<vmem>>
    %dma_wait3A_621 = tpu.memref_squeeze %dma_wait3A_620 : memref<1x128x256xf32, #tpu.memory_space<vmem>> -> memref<128x256xf32, #tpu.memory_space<vmem>>
    %dma_wait3A_622 = arith.constant 0 : i32
    %dma_wait3A_623 = tpu.memref_slice %arg7[%add3A_539, %dma_wait3A_622] : memref<32768x256xf32, #tpu.memory_space<hbm>> -> memref<128x256xf32, #tpu.memory_space<hbm>>
    %dma_wait3A_624 = tpu.memref_slice %arg12[%dma_wait3A_617] : memref<3x!tpu.dma_semaphore, #tpu.memory_space<semaphore_mem>> -> memref<1x!tpu.dma_semaphore, #tpu.memory_space<semaphore_mem>>
    %dma_wait3A_625 = tpu.memref_squeeze %dma_wait3A_624 : memref<1x!tpu.dma_semaphore, #tpu.memory_space<semaphore_mem>> -> memref<!tpu.dma_semaphore, #tpu.memory_space<semaphore_mem>>
    %dma_wait3A_626 = arith.constant 0 : i32
    %dma_wait3A_627 = tpu.memref_slice %arg7[%add3A_539, %dma_wait3A_626] : memref<32768x256xf32, #tpu.memory_space<hbm>> -> memref<128x256xf32, #tpu.memory_space<hbm>>
    %dma_wait3A_628 = arith.constant 0 : i32
    %dma_wait3A_629 = arith.constant 0 : i32
    %dma_wait3A_630 = tpu.memref_slice %arg10[%dma_wait3A_616, %dma_wait3A_628, %dma_wait3A_629] : memref<3x128x256xf32, #tpu.memory_space<vmem>> -> memref<1x128x256xf32, #tpu.memory_space<vmem>>
    %dma_wait3A_631 = tpu.memref_squeeze %dma_wait3A_630 : memref<1x128x256xf32, #tpu.memory_space<vmem>> -> memref<128x256xf32, #tpu.memory_space<vmem>>
    tpu.wait_dma2 semaphore(%dma_wait3A_625 : memref<!tpu.dma_semaphore, #tpu.memory_space<semaphore_mem>>) src(%dma_wait3A_631 : memref<128x256xf32, #tpu.memory_space<vmem>>) dst(%dma_wait3A_627 : memref<128x256xf32, #tpu.memory_space<hbm>>)
    %dma_start3A_632 = arith.constant 2 : i32
    %dma_start3A_633 = arith.constant 2 : i32
    %dma_start3A_634 = arith.constant 0 : i32
    %dma_start3A_635 = arith.constant 0 : i32
    %dma_start3A_636 = tpu.memref_slice %arg10[%dma_start3A_632, %dma_start3A_634, %dma_start3A_635] : memref<3x128x256xf32, #tpu.memory_space<vmem>> -> memref<1x128x256xf32, #tpu.memory_space<vmem>>
    %dma_start3A_637 = tpu.memref_squeeze %dma_start3A_636 : memref<1x128x256xf32, #tpu.memory_space<vmem>> -> memref<128x256xf32, #tpu.memory_space<vmem>>
    %dma_start3A_638 = arith.constant 384 : i32
    %dma_start3A_639 = tpu.memref_slice %arg9[%dma_start3A_638] : memref<1024xi32, #tpu.memory_space<vmem>> -> memref<128xi32, #tpu.memory_space<vmem>>
    %dma_start3A_640 = arith.constant 0 : i32
    %dma_start3A_641 = arith.constant 0 : i32
    %dma_start3A_642 = tpu.memref_slice %arg3[%dma_start3A_640, %dma_start3A_641] : memref<500x256xf32, #tpu.memory_space<hbm>> -> memref<500x256xf32, #tpu.memory_space<hbm>>
    %dma_start3A_643 = tpu.memref_slice %arg11[%dma_start3A_633] : memref<3x!tpu.dma_semaphore, #tpu.memory_space<semaphore_mem>> -> memref<1x!tpu.dma_semaphore, #tpu.memory_space<semaphore_mem>>
    %dma_start3A_644 = tpu.memref_squeeze %dma_start3A_643 : memref<1x!tpu.dma_semaphore, #tpu.memory_space<semaphore_mem>> -> memref<!tpu.dma_semaphore, #tpu.memory_space<semaphore_mem>>
    tpu.enqueue_indirect_dma source(%dma_start3A_642 : memref<500x256xf32, #tpu.memory_space<hbm>>) target(%dma_start3A_637 : memref<128x256xf32, #tpu.memory_space<vmem>>) offsets(%dma_start3A_639 : memref<128xi32, #tpu.memory_space<vmem>>) semaphore(%dma_start3A_644 : memref<!tpu.dma_semaphore, #tpu.memory_space<semaphore_mem>>)
    %dma_wait3A_645 = arith.constant 1 : i32
    %dma_wait3A_646 = arith.constant 1 : i32
    %dma_wait3A_647 = arith.constant 0 : i32
    %dma_wait3A_648 = arith.constant 0 : i32
    %dma_wait3A_649 = tpu.memref_slice %arg10[%dma_wait3A_645, %dma_wait3A_647, %dma_wait3A_648] : memref<3x128x256xf32, #tpu.memory_space<vmem>> -> memref<1x128x256xf32, #tpu.memory_space<vmem>>
    %dma_wait3A_650 = tpu.memref_squeeze %dma_wait3A_649 : memref<1x128x256xf32, #tpu.memory_space<vmem>> -> memref<128x256xf32, #tpu.memory_space<vmem>>
    %dma_wait3A_651 = arith.constant 256 : i32
    %dma_wait3A_652 = tpu.memref_slice %arg9[%dma_wait3A_651] : memref<1024xi32, #tpu.memory_space<vmem>> -> memref<128xi32, #tpu.memory_space<vmem>>
    %dma_wait3A_653 = arith.constant 0 : i32
    %dma_wait3A_654 = arith.constant 0 : i32
    %dma_wait3A_655 = tpu.memref_slice %arg3[%dma_wait3A_653, %dma_wait3A_654] : memref<500x256xf32, #tpu.memory_space<hbm>> -> memref<500x256xf32, #tpu.memory_space<hbm>>
    %dma_wait3A_656 = tpu.memref_slice %arg11[%dma_wait3A_646] : memref<3x!tpu.dma_semaphore, #tpu.memory_space<semaphore_mem>> -> memref<1x!tpu.dma_semaphore, #tpu.memory_space<semaphore_mem>>
    %dma_wait3A_657 = tpu.memref_squeeze %dma_wait3A_656 : memref<1x!tpu.dma_semaphore, #tpu.memory_space<semaphore_mem>> -> memref<!tpu.dma_semaphore, #tpu.memory_space<semaphore_mem>>
    tpu.wait_indirect_dma semaphore(%dma_wait3A_657 : memref<!tpu.dma_semaphore, #tpu.memory_space<semaphore_mem>>) src(%dma_wait3A_655 : memref<500x256xf32, #tpu.memory_space<hbm>>) dst(%dma_wait3A_650 : memref<128x256xf32, #tpu.memory_space<vmem>>)
    %add3A_658 = arith.constant 256 : i32
    %add3A_659 = arith.addi %mul3A_26, %add3A_658 : i32
    %dma_start3A_660 = arith.constant 1 : i32
    %dma_start3A_661 = arith.constant 1 : i32
    %dma_start3A_662 = arith.constant 0 : i32
    %dma_start3A_663 = arith.constant 0 : i32
    %dma_start3A_664 = tpu.memref_slice %arg10[%dma_start3A_660, %dma_start3A_662, %dma_start3A_663] : memref<3x128x256xf32, #tpu.memory_space<vmem>> -> memref<1x128x256xf32, #tpu.memory_space<vmem>>
    %dma_start3A_665 = tpu.memref_squeeze %dma_start3A_664 : memref<1x128x256xf32, #tpu.memory_space<vmem>> -> memref<128x256xf32, #tpu.memory_space<vmem>>
    %dma_start3A_666 = arith.constant 0 : i32
    %dma_start3A_667 = tpu.memref_slice %arg7[%add3A_659, %dma_start3A_666] : memref<32768x256xf32, #tpu.memory_space<hbm>> -> memref<128x256xf32, #tpu.memory_space<hbm>>
    %dma_start3A_668 = tpu.memref_slice %arg12[%dma_start3A_661] : memref<3x!tpu.dma_semaphore, #tpu.memory_space<semaphore_mem>> -> memref<1x!tpu.dma_semaphore, #tpu.memory_space<semaphore_mem>>
    %dma_start3A_669 = tpu.memref_squeeze %dma_start3A_668 : memref<1x!tpu.dma_semaphore, #tpu.memory_space<semaphore_mem>> -> memref<!tpu.dma_semaphore, #tpu.memory_space<semaphore_mem>>
    %dma_start3A_670 = arith.constant 0 : i32
    %dma_start3A_671 = tpu.memref_slice %arg7[%add3A_659, %dma_start3A_670] : memref<32768x256xf32, #tpu.memory_space<hbm>> -> memref<128x256xf32, #tpu.memory_space<hbm>>
    %dma_start3A_672 = arith.constant 0 : i32
    %dma_start3A_673 = arith.constant 0 : i32
    %dma_start3A_674 = tpu.memref_slice %arg10[%dma_start3A_660, %dma_start3A_672, %dma_start3A_673] : memref<3x128x256xf32, #tpu.memory_space<vmem>> -> memref<1x128x256xf32, #tpu.memory_space<vmem>>
    %dma_start3A_675 = tpu.memref_squeeze %dma_start3A_674 : memref<1x128x256xf32, #tpu.memory_space<vmem>> -> memref<128x256xf32, #tpu.memory_space<vmem>>
    tpu.enqueue_dma source(%dma_start3A_675 : memref<128x256xf32, #tpu.memory_space<vmem>>) target(%dma_start3A_671 : memref<128x256xf32, #tpu.memory_space<hbm>>) target_semaphore(%dma_start3A_669 : memref<!tpu.dma_semaphore, #tpu.memory_space<semaphore_mem>>)
    %dma_wait3A_676 = arith.constant 0 : i32
    %dma_wait3A_677 = arith.constant 0 : i32
    %dma_wait3A_678 = arith.constant 0 : i32
    %dma_wait3A_679 = arith.constant 0 : i32
    %dma_wait3A_680 = tpu.memref_slice %arg10[%dma_wait3A_676, %dma_wait3A_678, %dma_wait3A_679] : memref<3x128x256xf32, #tpu.memory_space<vmem>> -> memref<1x128x256xf32, #tpu.memory_space<vmem>>
    %dma_wait3A_681 = tpu.memref_squeeze %dma_wait3A_680 : memref<1x128x256xf32, #tpu.memory_space<vmem>> -> memref<128x256xf32, #tpu.memory_space<vmem>>
    %dma_wait3A_682 = arith.constant 0 : i32
    %dma_wait3A_683 = tpu.memref_slice %arg7[%add3A_599, %dma_wait3A_682] : memref<32768x256xf32, #tpu.memory_space<hbm>> -> memref<128x256xf32, #tpu.memory_space<hbm>>
    %dma_wait3A_684 = tpu.memref_slice %arg12[%dma_wait3A_677] : memref<3x!tpu.dma_semaphore, #tpu.memory_space<semaphore_mem>> -> memref<1x!tpu.dma_semaphore, #tpu.memory_space<semaphore_mem>>
    %dma_wait3A_685 = tpu.memref_squeeze %dma_wait3A_684 : memref<1x!tpu.dma_semaphore, #tpu.memory_space<semaphore_mem>> -> memref<!tpu.dma_semaphore, #tpu.memory_space<semaphore_mem>>
    %dma_wait3A_686 = arith.constant 0 : i32
    %dma_wait3A_687 = tpu.memref_slice %arg7[%add3A_599, %dma_wait3A_686] : memref<32768x256xf32, #tpu.memory_space<hbm>> -> memref<128x256xf32, #tpu.memory_space<hbm>>
    %dma_wait3A_688 = arith.constant 0 : i32
    %dma_wait3A_689 = arith.constant 0 : i32
    %dma_wait3A_690 = tpu.memref_slice %arg10[%dma_wait3A_676, %dma_wait3A_688, %dma_wait3A_689] : memref<3x128x256xf32, #tpu.memory_space<vmem>> -> memref<1x128x256xf32, #tpu.memory_space<vmem>>
    %dma_wait3A_691 = tpu.memref_squeeze %dma_wait3A_690 : memref<1x128x256xf32, #tpu.memory_space<vmem>> -> memref<128x256xf32, #tpu.memory_space<vmem>>
    tpu.wait_dma2 semaphore(%dma_wait3A_685 : memref<!tpu.dma_semaphore, #tpu.memory_space<semaphore_mem>>) src(%dma_wait3A_691 : memref<128x256xf32, #tpu.memory_space<vmem>>) dst(%dma_wait3A_687 : memref<128x256xf32, #tpu.memory_space<hbm>>)
    %dma_start3A_692 = arith.constant 0 : i32
    %dma_start3A_693 = arith.constant 0 : i32
    %dma_start3A_694 = arith.constant 0 : i32
    %dma_start3A_695 = arith.constant 0 : i32
    %dma_start3A_696 = tpu.memref_slice %arg10[%dma_start3A_692, %dma_start3A_694, %dma_start3A_695] : memref<3x128x256xf32, #tpu.memory_space<vmem>> -> memref<1x128x256xf32, #tpu.memory_space<vmem>>
    %dma_start3A_697 = tpu.memref_squeeze %dma_start3A_696 : memref<1x128x256xf32, #tpu.memory_space<vmem>> -> memref<128x256xf32, #tpu.memory_space<vmem>>
    %dma_start3A_698 = arith.constant 512 : i32
    %dma_start3A_699 = tpu.memref_slice %arg9[%dma_start3A_698] : memref<1024xi32, #tpu.memory_space<vmem>> -> memref<128xi32, #tpu.memory_space<vmem>>
    %dma_start3A_700 = arith.constant 0 : i32
    %dma_start3A_701 = arith.constant 0 : i32
    %dma_start3A_702 = tpu.memref_slice %arg3[%dma_start3A_700, %dma_start3A_701] : memref<500x256xf32, #tpu.memory_space<hbm>> -> memref<500x256xf32, #tpu.memory_space<hbm>>
    %dma_start3A_703 = tpu.memref_slice %arg11[%dma_start3A_693] : memref<3x!tpu.dma_semaphore, #tpu.memory_space<semaphore_mem>> -> memref<1x!tpu.dma_semaphore, #tpu.memory_space<semaphore_mem>>
    %dma_start3A_704 = tpu.memref_squeeze %dma_start3A_703 : memref<1x!tpu.dma_semaphore, #tpu.memory_space<semaphore_mem>> -> memref<!tpu.dma_semaphore, #tpu.memory_space<semaphore_mem>>
    tpu.enqueue_indirect_dma source(%dma_start3A_702 : memref<500x256xf32, #tpu.memory_space<hbm>>) target(%dma_start3A_697 : memref<128x256xf32, #tpu.memory_space<vmem>>) offsets(%dma_start3A_699 : memref<128xi32, #tpu.memory_space<vmem>>) semaphore(%dma_start3A_704 : memref<!tpu.dma_semaphore, #tpu.memory_space<semaphore_mem>>)
    %dma_wait3A_705 = arith.constant 2 : i32
    %dma_wait3A_706 = arith.constant 2 : i32
    %dma_wait3A_707 = arith.constant 0 : i32
    %dma_wait3A_708 = arith.constant 0 : i32
    %dma_wait3A_709 = tpu.memref_slice %arg10[%dma_wait3A_705, %dma_wait3A_707, %dma_wait3A_708] : memref<3x128x256xf32, #tpu.memory_space<vmem>> -> memref<1x128x256xf32, #tpu.memory_space<vmem>>
    %dma_wait3A_710 = tpu.memref_squeeze %dma_wait3A_709 : memref<1x128x256xf32, #tpu.memory_space<vmem>> -> memref<128x256xf32, #tpu.memory_space<vmem>>
    %dma_wait3A_711 = arith.constant 384 : i32
    %dma_wait3A_712 = tpu.memref_slice %arg9[%dma_wait3A_711] : memref<1024xi32, #tpu.memory_space<vmem>> -> memref<128xi32, #tpu.memory_space<vmem>>
    %dma_wait3A_713 = arith.constant 0 : i32
    %dma_wait3A_714 = arith.constant 0 : i32
    %dma_wait3A_715 = tpu.memref_slice %arg3[%dma_wait3A_713, %dma_wait3A_714] : memref<500x256xf32, #tpu.memory_space<hbm>> -> memref<500x256xf32, #tpu.memory_space<hbm>>
    %dma_wait3A_716 = tpu.memref_slice %arg11[%dma_wait3A_706] : memref<3x!tpu.dma_semaphore, #tpu.memory_space<semaphore_mem>> -> memref<1x!tpu.dma_semaphore, #tpu.memory_space<semaphore_mem>>
    %dma_wait3A_717 = tpu.memref_squeeze %dma_wait3A_716 : memref<1x!tpu.dma_semaphore, #tpu.memory_space<semaphore_mem>> -> memref<!tpu.dma_semaphore, #tpu.memory_space<semaphore_mem>>
    tpu.wait_indirect_dma semaphore(%dma_wait3A_717 : memref<!tpu.dma_semaphore, #tpu.memory_space<semaphore_mem>>) src(%dma_wait3A_715 : memref<500x256xf32, #tpu.memory_space<hbm>>) dst(%dma_wait3A_710 : memref<128x256xf32, #tpu.memory_space<vmem>>)
    %add3A_718 = arith.constant 384 : i32
    %add3A_719 = arith.addi %mul3A_28, %add3A_718 : i32
    %dma_start3A_720 = arith.constant 2 : i32
    %dma_start3A_721 = arith.constant 2 : i32
    %dma_start3A_722 = arith.constant 0 : i32
    %dma_start3A_723 = arith.constant 0 : i32
    %dma_start3A_724 = tpu.memref_slice %arg10[%dma_start3A_720, %dma_start3A_722, %dma_start3A_723] : memref<3x128x256xf32, #tpu.memory_space<vmem>> -> memref<1x128x256xf32, #tpu.memory_space<vmem>>
    %dma_start3A_725 = tpu.memref_squeeze %dma_start3A_724 : memref<1x128x256xf32, #tpu.memory_space<vmem>> -> memref<128x256xf32, #tpu.memory_space<vmem>>
    %dma_start3A_726 = arith.constant 0 : i32
    %dma_start3A_727 = tpu.memref_slice %arg7[%add3A_719, %dma_start3A_726] : memref<32768x256xf32, #tpu.memory_space<hbm>> -> memref<128x256xf32, #tpu.memory_space<hbm>>
    %dma_start3A_728 = tpu.memref_slice %arg12[%dma_start3A_721] : memref<3x!tpu.dma_semaphore, #tpu.memory_space<semaphore_mem>> -> memref<1x!tpu.dma_semaphore, #tpu.memory_space<semaphore_mem>>
    %dma_start3A_729 = tpu.memref_squeeze %dma_start3A_728 : memref<1x!tpu.dma_semaphore, #tpu.memory_space<semaphore_mem>> -> memref<!tpu.dma_semaphore, #tpu.memory_space<semaphore_mem>>
    %dma_start3A_730 = arith.constant 0 : i32
    %dma_start3A_731 = tpu.memref_slice %arg7[%add3A_719, %dma_start3A_730] : memref<32768x256xf32, #tpu.memory_space<hbm>> -> memref<128x256xf32, #tpu.memory_space<hbm>>
    %dma_start3A_732 = arith.constant 0 : i32
    %dma_start3A_733 = arith.constant 0 : i32
    %dma_start3A_734 = tpu.memref_slice %arg10[%dma_start3A_720, %dma_start3A_732, %dma_start3A_733] : memref<3x128x256xf32, #tpu.memory_space<vmem>> -> memref<1x128x256xf32, #tpu.memory_space<vmem>>
    %dma_start3A_735 = tpu.memref_squeeze %dma_start3A_734 : memref<1x128x256xf32, #tpu.memory_space<vmem>> -> memref<128x256xf32, #tpu.memory_space<vmem>>
    tpu.enqueue_dma source(%dma_start3A_735 : memref<128x256xf32, #tpu.memory_space<vmem>>) target(%dma_start3A_731 : memref<128x256xf32, #tpu.memory_space<hbm>>) target_semaphore(%dma_start3A_729 : memref<!tpu.dma_semaphore, #tpu.memory_space<semaphore_mem>>)
    %dma_wait3A_736 = arith.constant 1 : i32
    %dma_wait3A_737 = arith.constant 1 : i32
    %dma_wait3A_738 = arith.constant 0 : i32
    %dma_wait3A_739 = arith.constant 0 : i32
    %dma_wait3A_740 = tpu.memref_slice %arg10[%dma_wait3A_736, %dma_wait3A_738, %dma_wait3A_739] : memref<3x128x256xf32, #tpu.memory_space<vmem>> -> memref<1x128x256xf32, #tpu.memory_space<vmem>>
    %dma_wait3A_741 = tpu.memref_squeeze %dma_wait3A_740 : memref<1x128x256xf32, #tpu.memory_space<vmem>> -> memref<128x256xf32, #tpu.memory_space<vmem>>
    %dma_wait3A_742 = arith.constant 0 : i32
    %dma_wait3A_743 = tpu.memref_slice %arg7[%add3A_659, %dma_wait3A_742] : memref<32768x256xf32, #tpu.memory_space<hbm>> -> memref<128x256xf32, #tpu.memory_space<hbm>>
    %dma_wait3A_744 = tpu.memref_slice %arg12[%dma_wait3A_737] : memref<3x!tpu.dma_semaphore, #tpu.memory_space<semaphore_mem>> -> memref<1x!tpu.dma_semaphore, #tpu.memory_space<semaphore_mem>>
    %dma_wait3A_745 = tpu.memref_squeeze %dma_wait3A_744 : memref<1x!tpu.dma_semaphore, #tpu.memory_space<semaphore_mem>> -> memref<!tpu.dma_semaphore, #tpu.memory_space<semaphore_mem>>
    %dma_wait3A_746 = arith.constant 0 : i32
    %dma_wait3A_747 = tpu.memref_slice %arg7[%add3A_659, %dma_wait3A_746] : memref<32768x256xf32, #tpu.memory_space<hbm>> -> memref<128x256xf32, #tpu.memory_space<hbm>>
    %dma_wait3A_748 = arith.constant 0 : i32
    %dma_wait3A_749 = arith.constant 0 : i32
    %dma_wait3A_750 = tpu.memref_slice %arg10[%dma_wait3A_736, %dma_wait3A_748, %dma_wait3A_749] : memref<3x128x256xf32, #tpu.memory_space<vmem>> -> memref<1x128x256xf32, #tpu.memory_space<vmem>>
    %dma_wait3A_751 = tpu.memref_squeeze %dma_wait3A_750 : memref<1x128x256xf32, #tpu.memory_space<vmem>> -> memref<128x256xf32, #tpu.memory_space<vmem>>
    tpu.wait_dma2 semaphore(%dma_wait3A_745 : memref<!tpu.dma_semaphore, #tpu.memory_space<semaphore_mem>>) src(%dma_wait3A_751 : memref<128x256xf32, #tpu.memory_space<vmem>>) dst(%dma_wait3A_747 : memref<128x256xf32, #tpu.memory_space<hbm>>)
    %dma_start3A_752 = arith.constant 1 : i32
    %dma_start3A_753 = arith.constant 1 : i32
    %dma_start3A_754 = arith.constant 0 : i32
    %dma_start3A_755 = arith.constant 0 : i32
    %dma_start3A_756 = tpu.memref_slice %arg10[%dma_start3A_752, %dma_start3A_754, %dma_start3A_755] : memref<3x128x256xf32, #tpu.memory_space<vmem>> -> memref<1x128x256xf32, #tpu.memory_space<vmem>>
    %dma_start3A_757 = tpu.memref_squeeze %dma_start3A_756 : memref<1x128x256xf32, #tpu.memory_space<vmem>> -> memref<128x256xf32, #tpu.memory_space<vmem>>
    %dma_start3A_758 = arith.constant 640 : i32
    %dma_start3A_759 = tpu.memref_slice %arg9[%dma_start3A_758] : memref<1024xi32, #tpu.memory_space<vmem>> -> memref<128xi32, #tpu.memory_space<vmem>>
    %dma_start3A_760 = arith.constant 0 : i32
    %dma_start3A_761 = arith.constant 0 : i32
    %dma_start3A_762 = tpu.memref_slice %arg3[%dma_start3A_760, %dma_start3A_761] : memref<500x256xf32, #tpu.memory_space<hbm>> -> memref<500x256xf32, #tpu.memory_space<hbm>>
    %dma_start3A_763 = tpu.memref_slice %arg11[%dma_start3A_753] : memref<3x!tpu.dma_semaphore, #tpu.memory_space<semaphore_mem>> -> memref<1x!tpu.dma_semaphore, #tpu.memory_space<semaphore_mem>>
    %dma_start3A_764 = tpu.memref_squeeze %dma_start3A_763 : memref<1x!tpu.dma_semaphore, #tpu.memory_space<semaphore_mem>> -> memref<!tpu.dma_semaphore, #tpu.memory_space<semaphore_mem>>
    tpu.enqueue_indirect_dma source(%dma_start3A_762 : memref<500x256xf32, #tpu.memory_space<hbm>>) target(%dma_start3A_757 : memref<128x256xf32, #tpu.memory_space<vmem>>) offsets(%dma_start3A_759 : memref<128xi32, #tpu.memory_space<vmem>>) semaphore(%dma_start3A_764 : memref<!tpu.dma_semaphore, #tpu.memory_space<semaphore_mem>>)
    %dma_wait3A_765 = arith.constant 0 : i32
    %dma_wait3A_766 = arith.constant 0 : i32
    %dma_wait3A_767 = arith.constant 0 : i32
    %dma_wait3A_768 = arith.constant 0 : i32
    %dma_wait3A_769 = tpu.memref_slice %arg10[%dma_wait3A_765, %dma_wait3A_767, %dma_wait3A_768] : memref<3x128x256xf32, #tpu.memory_space<vmem>> -> memref<1x128x256xf32, #tpu.memory_space<vmem>>
    %dma_wait3A_770 = tpu.memref_squeeze %dma_wait3A_769 : memref<1x128x256xf32, #tpu.memory_space<vmem>> -> memref<128x256xf32, #tpu.memory_space<vmem>>
    %dma_wait3A_771 = arith.constant 512 : i32
    %dma_wait3A_772 = tpu.memref_slice %arg9[%dma_wait3A_771] : memref<1024xi32, #tpu.memory_space<vmem>> -> memref<128xi32, #tpu.memory_space<vmem>>
    %dma_wait3A_773 = arith.constant 0 : i32
    %dma_wait3A_774 = arith.constant 0 : i32
    %dma_wait3A_775 = tpu.memref_slice %arg3[%dma_wait3A_773, %dma_wait3A_774] : memref<500x256xf32, #tpu.memory_space<hbm>> -> memref<500x256xf32, #tpu.memory_space<hbm>>
    %dma_wait3A_776 = tpu.memref_slice %arg11[%dma_wait3A_766] : memref<3x!tpu.dma_semaphore, #tpu.memory_space<semaphore_mem>> -> memref<1x!tpu.dma_semaphore, #tpu.memory_space<semaphore_mem>>
    %dma_wait3A_777 = tpu.memref_squeeze %dma_wait3A_776 : memref<1x!tpu.dma_semaphore, #tpu.memory_space<semaphore_mem>> -> memref<!tpu.dma_semaphore, #tpu.memory_space<semaphore_mem>>
    tpu.wait_indirect_dma semaphore(%dma_wait3A_777 : memref<!tpu.dma_semaphore, #tpu.memory_space<semaphore_mem>>) src(%dma_wait3A_775 : memref<500x256xf32, #tpu.memory_space<hbm>>) dst(%dma_wait3A_770 : memref<128x256xf32, #tpu.memory_space<vmem>>)
    %add3A_778 = arith.constant 512 : i32
    %add3A_779 = arith.addi %mul3A_30, %add3A_778 : i32
    %dma_start3A_780 = arith.constant 0 : i32
    %dma_start3A_781 = arith.constant 0 : i32
    %dma_start3A_782 = arith.constant 0 : i32
    %dma_start3A_783 = arith.constant 0 : i32
    %dma_start3A_784 = tpu.memref_slice %arg10[%dma_start3A_780, %dma_start3A_782, %dma_start3A_783] : memref<3x128x256xf32, #tpu.memory_space<vmem>> -> memref<1x128x256xf32, #tpu.memory_space<vmem>>
    %dma_start3A_785 = tpu.memref_squeeze %dma_start3A_784 : memref<1x128x256xf32, #tpu.memory_space<vmem>> -> memref<128x256xf32, #tpu.memory_space<vmem>>
    %dma_start3A_786 = arith.constant 0 : i32
    %dma_start3A_787 = tpu.memref_slice %arg7[%add3A_779, %dma_start3A_786] : memref<32768x256xf32, #tpu.memory_space<hbm>> -> memref<128x256xf32, #tpu.memory_space<hbm>>
    %dma_start3A_788 = tpu.memref_slice %arg12[%dma_start3A_781] : memref<3x!tpu.dma_semaphore, #tpu.memory_space<semaphore_mem>> -> memref<1x!tpu.dma_semaphore, #tpu.memory_space<semaphore_mem>>
    %dma_start3A_789 = tpu.memref_squeeze %dma_start3A_788 : memref<1x!tpu.dma_semaphore, #tpu.memory_space<semaphore_mem>> -> memref<!tpu.dma_semaphore, #tpu.memory_space<semaphore_mem>>
    %dma_start3A_790 = arith.constant 0 : i32
    %dma_start3A_791 = tpu.memref_slice %arg7[%add3A_779, %dma_start3A_790] : memref<32768x256xf32, #tpu.memory_space<hbm>> -> memref<128x256xf32, #tpu.memory_space<hbm>>
    %dma_start3A_792 = arith.constant 0 : i32
    %dma_start3A_793 = arith.constant 0 : i32
    %dma_start3A_794 = tpu.memref_slice %arg10[%dma_start3A_780, %dma_start3A_792, %dma_start3A_793] : memref<3x128x256xf32, #tpu.memory_space<vmem>> -> memref<1x128x256xf32, #tpu.memory_space<vmem>>
    %dma_start3A_795 = tpu.memref_squeeze %dma_start3A_794 : memref<1x128x256xf32, #tpu.memory_space<vmem>> -> memref<128x256xf32, #tpu.memory_space<vmem>>
    tpu.enqueue_dma source(%dma_start3A_795 : memref<128x256xf32, #tpu.memory_space<vmem>>) target(%dma_start3A_791 : memref<128x256xf32, #tpu.memory_space<hbm>>) target_semaphore(%dma_start3A_789 : memref<!tpu.dma_semaphore, #tpu.memory_space<semaphore_mem>>)
    %dma_wait3A_796 = arith.constant 2 : i32
    %dma_wait3A_797 = arith.constant 2 : i32
    %dma_wait3A_798 = arith.constant 0 : i32
    %dma_wait3A_799 = arith.constant 0 : i32
    %dma_wait3A_800 = tpu.memref_slice %arg10[%dma_wait3A_796, %dma_wait3A_798, %dma_wait3A_799] : memref<3x128x256xf32, #tpu.memory_space<vmem>> -> memref<1x128x256xf32, #tpu.memory_space<vmem>>
    %dma_wait3A_801 = tpu.memref_squeeze %dma_wait3A_800 : memref<1x128x256xf32, #tpu.memory_space<vmem>> -> memref<128x256xf32, #tpu.memory_space<vmem>>
    %dma_wait3A_802 = arith.constant 0 : i32
    %dma_wait3A_803 = tpu.memref_slice %arg7[%add3A_719, %dma_wait3A_802] : memref<32768x256xf32, #tpu.memory_space<hbm>> -> memref<128x256xf32, #tpu.memory_space<hbm>>
    %dma_wait3A_804 = tpu.memref_slice %arg12[%dma_wait3A_797] : memref<3x!tpu.dma_semaphore, #tpu.memory_space<semaphore_mem>> -> memref<1x!tpu.dma_semaphore, #tpu.memory_space<semaphore_mem>>
    %dma_wait3A_805 = tpu.memref_squeeze %dma_wait3A_804 : memref<1x!tpu.dma_semaphore, #tpu.memory_space<semaphore_mem>> -> memref<!tpu.dma_semaphore, #tpu.memory_space<semaphore_mem>>
    %dma_wait3A_806 = arith.constant 0 : i32
    %dma_wait3A_807 = tpu.memref_slice %arg7[%add3A_719, %dma_wait3A_806] : memref<32768x256xf32, #tpu.memory_space<hbm>> -> memref<128x256xf32, #tpu.memory_space<hbm>>
    %dma_wait3A_808 = arith.constant 0 : i32
    %dma_wait3A_809 = arith.constant 0 : i32
    %dma_wait3A_810 = tpu.memref_slice %arg10[%dma_wait3A_796, %dma_wait3A_808, %dma_wait3A_809] : memref<3x128x256xf32, #tpu.memory_space<vmem>> -> memref<1x128x256xf32, #tpu.memory_space<vmem>>
    %dma_wait3A_811 = tpu.memref_squeeze %dma_wait3A_810 : memref<1x128x256xf32, #tpu.memory_space<vmem>> -> memref<128x256xf32, #tpu.memory_space<vmem>>
    tpu.wait_dma2 semaphore(%dma_wait3A_805 : memref<!tpu.dma_semaphore, #tpu.memory_space<semaphore_mem>>) src(%dma_wait3A_811 : memref<128x256xf32, #tpu.memory_space<vmem>>) dst(%dma_wait3A_807 : memref<128x256xf32, #tpu.memory_space<hbm>>)
    %dma_start3A_812 = arith.constant 2 : i32
    %dma_start3A_813 = arith.constant 2 : i32
    %dma_start3A_814 = arith.constant 0 : i32
    %dma_start3A_815 = arith.constant 0 : i32
    %dma_start3A_816 = tpu.memref_slice %arg10[%dma_start3A_812, %dma_start3A_814, %dma_start3A_815] : memref<3x128x256xf32, #tpu.memory_space<vmem>> -> memref<1x128x256xf32, #tpu.memory_space<vmem>>
    %dma_start3A_817 = tpu.memref_squeeze %dma_start3A_816 : memref<1x128x256xf32, #tpu.memory_space<vmem>> -> memref<128x256xf32, #tpu.memory_space<vmem>>
    %dma_start3A_818 = arith.constant 768 : i32
    %dma_start3A_819 = tpu.memref_slice %arg9[%dma_start3A_818] : memref<1024xi32, #tpu.memory_space<vmem>> -> memref<128xi32, #tpu.memory_space<vmem>>
    %dma_start3A_820 = arith.constant 0 : i32
    %dma_start3A_821 = arith.constant 0 : i32
    %dma_start3A_822 = tpu.memref_slice %arg3[%dma_start3A_820, %dma_start3A_821] : memref<500x256xf32, #tpu.memory_space<hbm>> -> memref<500x256xf32, #tpu.memory_space<hbm>>
    %dma_start3A_823 = tpu.memref_slice %arg11[%dma_start3A_813] : memref<3x!tpu.dma_semaphore, #tpu.memory_space<semaphore_mem>> -> memref<1x!tpu.dma_semaphore, #tpu.memory_space<semaphore_mem>>
    %dma_start3A_824 = tpu.memref_squeeze %dma_start3A_823 : memref<1x!tpu.dma_semaphore, #tpu.memory_space<semaphore_mem>> -> memref<!tpu.dma_semaphore, #tpu.memory_space<semaphore_mem>>
    tpu.enqueue_indirect_dma source(%dma_start3A_822 : memref<500x256xf32, #tpu.memory_space<hbm>>) target(%dma_start3A_817 : memref<128x256xf32, #tpu.memory_space<vmem>>) offsets(%dma_start3A_819 : memref<128xi32, #tpu.memory_space<vmem>>) semaphore(%dma_start3A_824 : memref<!tpu.dma_semaphore, #tpu.memory_space<semaphore_mem>>)
    %dma_wait3A_825 = arith.constant 1 : i32
    %dma_wait3A_826 = arith.constant 1 : i32
    %dma_wait3A_827 = arith.constant 0 : i32
    %dma_wait3A_828 = arith.constant 0 : i32
    %dma_wait3A_829 = tpu.memref_slice %arg10[%dma_wait3A_825, %dma_wait3A_827, %dma_wait3A_828] : memref<3x128x256xf32, #tpu.memory_space<vmem>> -> memref<1x128x256xf32, #tpu.memory_space<vmem>>
    %dma_wait3A_830 = tpu.memref_squeeze %dma_wait3A_829 : memref<1x128x256xf32, #tpu.memory_space<vmem>> -> memref<128x256xf32, #tpu.memory_space<vmem>>
    %dma_wait3A_831 = arith.constant 640 : i32
    %dma_wait3A_832 = tpu.memref_slice %arg9[%dma_wait3A_831] : memref<1024xi32, #tpu.memory_space<vmem>> -> memref<128xi32, #tpu.memory_space<vmem>>
    %dma_wait3A_833 = arith.constant 0 : i32
    %dma_wait3A_834 = arith.constant 0 : i32
    %dma_wait3A_835 = tpu.memref_slice %arg3[%dma_wait3A_833, %dma_wait3A_834] : memref<500x256xf32, #tpu.memory_space<hbm>> -> memref<500x256xf32, #tpu.memory_space<hbm>>
    %dma_wait3A_836 = tpu.memref_slice %arg11[%dma_wait3A_826] : memref<3x!tpu.dma_semaphore, #tpu.memory_space<semaphore_mem>> -> memref<1x!tpu.dma_semaphore, #tpu.memory_space<semaphore_mem>>
    %dma_wait3A_837 = tpu.memref_squeeze %dma_wait3A_836 : memref<1x!tpu.dma_semaphore, #tpu.memory_space<semaphore_mem>> -> memref<!tpu.dma_semaphore, #tpu.memory_space<semaphore_mem>>
    tpu.wait_indirect_dma semaphore(%dma_wait3A_837 : memref<!tpu.dma_semaphore, #tpu.memory_space<semaphore_mem>>) src(%dma_wait3A_835 : memref<500x256xf32, #tpu.memory_space<hbm>>) dst(%dma_wait3A_830 : memref<128x256xf32, #tpu.memory_space<vmem>>)
    %add3A_838 = arith.constant 640 : i32
    %add3A_839 = arith.addi %mul3A_32, %add3A_838 : i32
    %dma_start3A_840 = arith.constant 1 : i32
    %dma_start3A_841 = arith.constant 1 : i32
    %dma_start3A_842 = arith.constant 0 : i32
    %dma_start3A_843 = arith.constant 0 : i32
    %dma_start3A_844 = tpu.memref_slice %arg10[%dma_start3A_840, %dma_start3A_842, %dma_start3A_843] : memref<3x128x256xf32, #tpu.memory_space<vmem>> -> memref<1x128x256xf32, #tpu.memory_space<vmem>>
    %dma_start3A_845 = tpu.memref_squeeze %dma_start3A_844 : memref<1x128x256xf32, #tpu.memory_space<vmem>> -> memref<128x256xf32, #tpu.memory_space<vmem>>
    %dma_start3A_846 = arith.constant 0 : i32
    %dma_start3A_847 = tpu.memref_slice %arg7[%add3A_839, %dma_start3A_846] : memref<32768x256xf32, #tpu.memory_space<hbm>> -> memref<128x256xf32, #tpu.memory_space<hbm>>
    %dma_start3A_848 = tpu.memref_slice %arg12[%dma_start3A_841] : memref<3x!tpu.dma_semaphore, #tpu.memory_space<semaphore_mem>> -> memref<1x!tpu.dma_semaphore, #tpu.memory_space<semaphore_mem>>
    %dma_start3A_849 = tpu.memref_squeeze %dma_start3A_848 : memref<1x!tpu.dma_semaphore, #tpu.memory_space<semaphore_mem>> -> memref<!tpu.dma_semaphore, #tpu.memory_space<semaphore_mem>>
    %dma_start3A_850 = arith.constant 0 : i32
    %dma_start3A_851 = tpu.memref_slice %arg7[%add3A_839, %dma_start3A_850] : memref<32768x256xf32, #tpu.memory_space<hbm>> -> memref<128x256xf32, #tpu.memory_space<hbm>>
    %dma_start3A_852 = arith.constant 0 : i32
    %dma_start3A_853 = arith.constant 0 : i32
    %dma_start3A_854 = tpu.memref_slice %arg10[%dma_start3A_840, %dma_start3A_852, %dma_start3A_853] : memref<3x128x256xf32, #tpu.memory_space<vmem>> -> memref<1x128x256xf32, #tpu.memory_space<vmem>>
    %dma_start3A_855 = tpu.memref_squeeze %dma_start3A_854 : memref<1x128x256xf32, #tpu.memory_space<vmem>> -> memref<128x256xf32, #tpu.memory_space<vmem>>
    tpu.enqueue_dma source(%dma_start3A_855 : memref<128x256xf32, #tpu.memory_space<vmem>>) target(%dma_start3A_851 : memref<128x256xf32, #tpu.memory_space<hbm>>) target_semaphore(%dma_start3A_849 : memref<!tpu.dma_semaphore, #tpu.memory_space<semaphore_mem>>)
    %dma_wait3A_856 = arith.constant 0 : i32
    %dma_wait3A_857 = arith.constant 0 : i32
    %dma_wait3A_858 = arith.constant 0 : i32
    %dma_wait3A_859 = arith.constant 0 : i32
    %dma_wait3A_860 = tpu.memref_slice %arg10[%dma_wait3A_856, %dma_wait3A_858, %dma_wait3A_859] : memref<3x128x256xf32, #tpu.memory_space<vmem>> -> memref<1x128x256xf32, #tpu.memory_space<vmem>>
    %dma_wait3A_861 = tpu.memref_squeeze %dma_wait3A_860 : memref<1x128x256xf32, #tpu.memory_space<vmem>> -> memref<128x256xf32, #tpu.memory_space<vmem>>
    %dma_wait3A_862 = arith.constant 0 : i32
    %dma_wait3A_863 = tpu.memref_slice %arg7[%add3A_779, %dma_wait3A_862] : memref<32768x256xf32, #tpu.memory_space<hbm>> -> memref<128x256xf32, #tpu.memory_space<hbm>>
    %dma_wait3A_864 = tpu.memref_slice %arg12[%dma_wait3A_857] : memref<3x!tpu.dma_semaphore, #tpu.memory_space<semaphore_mem>> -> memref<1x!tpu.dma_semaphore, #tpu.memory_space<semaphore_mem>>
    %dma_wait3A_865 = tpu.memref_squeeze %dma_wait3A_864 : memref<1x!tpu.dma_semaphore, #tpu.memory_space<semaphore_mem>> -> memref<!tpu.dma_semaphore, #tpu.memory_space<semaphore_mem>>
    %dma_wait3A_866 = arith.constant 0 : i32
    %dma_wait3A_867 = tpu.memref_slice %arg7[%add3A_779, %dma_wait3A_866] : memref<32768x256xf32, #tpu.memory_space<hbm>> -> memref<128x256xf32, #tpu.memory_space<hbm>>
    %dma_wait3A_868 = arith.constant 0 : i32
    %dma_wait3A_869 = arith.constant 0 : i32
    %dma_wait3A_870 = tpu.memref_slice %arg10[%dma_wait3A_856, %dma_wait3A_868, %dma_wait3A_869] : memref<3x128x256xf32, #tpu.memory_space<vmem>> -> memref<1x128x256xf32, #tpu.memory_space<vmem>>
    %dma_wait3A_871 = tpu.memref_squeeze %dma_wait3A_870 : memref<1x128x256xf32, #tpu.memory_space<vmem>> -> memref<128x256xf32, #tpu.memory_space<vmem>>
    tpu.wait_dma2 semaphore(%dma_wait3A_865 : memref<!tpu.dma_semaphore, #tpu.memory_space<semaphore_mem>>) src(%dma_wait3A_871 : memref<128x256xf32, #tpu.memory_space<vmem>>) dst(%dma_wait3A_867 : memref<128x256xf32, #tpu.memory_space<hbm>>)
    %dma_start3A_872 = arith.constant 0 : i32
    %dma_start3A_873 = arith.constant 0 : i32
    %dma_start3A_874 = arith.constant 0 : i32
    %dma_start3A_875 = arith.constant 0 : i32
    %dma_start3A_876 = tpu.memref_slice %arg10[%dma_start3A_872, %dma_start3A_874, %dma_start3A_875] : memref<3x128x256xf32, #tpu.memory_space<vmem>> -> memref<1x128x256xf32, #tpu.memory_space<vmem>>
    %dma_start3A_877 = tpu.memref_squeeze %dma_start3A_876 : memref<1x128x256xf32, #tpu.memory_space<vmem>> -> memref<128x256xf32, #tpu.memory_space<vmem>>
    %dma_start3A_878 = arith.constant 896 : i32
    %dma_start3A_879 = tpu.memref_slice %arg9[%dma_start3A_878] : memref<1024xi32, #tpu.memory_space<vmem>> -> memref<128xi32, #tpu.memory_space<vmem>>
    %dma_start3A_880 = arith.constant 0 : i32
    %dma_start3A_881 = arith.constant 0 : i32
    %dma_start3A_882 = tpu.memref_slice %arg3[%dma_start3A_880, %dma_start3A_881] : memref<500x256xf32, #tpu.memory_space<hbm>> -> memref<500x256xf32, #tpu.memory_space<hbm>>
    %dma_start3A_883 = tpu.memref_slice %arg11[%dma_start3A_873] : memref<3x!tpu.dma_semaphore, #tpu.memory_space<semaphore_mem>> -> memref<1x!tpu.dma_semaphore, #tpu.memory_space<semaphore_mem>>
    %dma_start3A_884 = tpu.memref_squeeze %dma_start3A_883 : memref<1x!tpu.dma_semaphore, #tpu.memory_space<semaphore_mem>> -> memref<!tpu.dma_semaphore, #tpu.memory_space<semaphore_mem>>
    tpu.enqueue_indirect_dma source(%dma_start3A_882 : memref<500x256xf32, #tpu.memory_space<hbm>>) target(%dma_start3A_877 : memref<128x256xf32, #tpu.memory_space<vmem>>) offsets(%dma_start3A_879 : memref<128xi32, #tpu.memory_space<vmem>>) semaphore(%dma_start3A_884 : memref<!tpu.dma_semaphore, #tpu.memory_space<semaphore_mem>>)
    %dma_wait3A_885 = arith.constant 2 : i32
    %dma_wait3A_886 = arith.constant 2 : i32
    %dma_wait3A_887 = arith.constant 0 : i32
    %dma_wait3A_888 = arith.constant 0 : i32
    %dma_wait3A_889 = tpu.memref_slice %arg10[%dma_wait3A_885, %dma_wait3A_887, %dma_wait3A_888] : memref<3x128x256xf32, #tpu.memory_space<vmem>> -> memref<1x128x256xf32, #tpu.memory_space<vmem>>
    %dma_wait3A_890 = tpu.memref_squeeze %dma_wait3A_889 : memref<1x128x256xf32, #tpu.memory_space<vmem>> -> memref<128x256xf32, #tpu.memory_space<vmem>>
    %dma_wait3A_891 = arith.constant 768 : i32
    %dma_wait3A_892 = tpu.memref_slice %arg9[%dma_wait3A_891] : memref<1024xi32, #tpu.memory_space<vmem>> -> memref<128xi32, #tpu.memory_space<vmem>>
    %dma_wait3A_893 = arith.constant 0 : i32
    %dma_wait3A_894 = arith.constant 0 : i32
    %dma_wait3A_895 = tpu.memref_slice %arg3[%dma_wait3A_893, %dma_wait3A_894] : memref<500x256xf32, #tpu.memory_space<hbm>> -> memref<500x256xf32, #tpu.memory_space<hbm>>
    %dma_wait3A_896 = tpu.memref_slice %arg11[%dma_wait3A_886] : memref<3x!tpu.dma_semaphore, #tpu.memory_space<semaphore_mem>> -> memref<1x!tpu.dma_semaphore, #tpu.memory_space<semaphore_mem>>
    %dma_wait3A_897 = tpu.memref_squeeze %dma_wait3A_896 : memref<1x!tpu.dma_semaphore, #tpu.memory_space<semaphore_mem>> -> memref<!tpu.dma_semaphore, #tpu.memory_space<semaphore_mem>>
    tpu.wait_indirect_dma semaphore(%dma_wait3A_897 : memref<!tpu.dma_semaphore, #tpu.memory_space<semaphore_mem>>) src(%dma_wait3A_895 : memref<500x256xf32, #tpu.memory_space<hbm>>) dst(%dma_wait3A_890 : memref<128x256xf32, #tpu.memory_space<vmem>>)
    %add3A_898 = arith.constant 768 : i32
    %add3A_899 = arith.addi %mul3A_34, %add3A_898 : i32
    %dma_start3A_900 = arith.constant 2 : i32
    %dma_start3A_901 = arith.constant 2 : i32
    %dma_start3A_902 = arith.constant 0 : i32
    %dma_start3A_903 = arith.constant 0 : i32
    %dma_start3A_904 = tpu.memref_slice %arg10[%dma_start3A_900, %dma_start3A_902, %dma_start3A_903] : memref<3x128x256xf32, #tpu.memory_space<vmem>> -> memref<1x128x256xf32, #tpu.memory_space<vmem>>
    %dma_start3A_905 = tpu.memref_squeeze %dma_start3A_904 : memref<1x128x256xf32, #tpu.memory_space<vmem>> -> memref<128x256xf32, #tpu.memory_space<vmem>>
    %dma_start3A_906 = arith.constant 0 : i32
    %dma_start3A_907 = tpu.memref_slice %arg7[%add3A_899, %dma_start3A_906] : memref<32768x256xf32, #tpu.memory_space<hbm>> -> memref<128x256xf32, #tpu.memory_space<hbm>>
    %dma_start3A_908 = tpu.memref_slice %arg12[%dma_start3A_901] : memref<3x!tpu.dma_semaphore, #tpu.memory_space<semaphore_mem>> -> memref<1x!tpu.dma_semaphore, #tpu.memory_space<semaphore_mem>>
    %dma_start3A_909 = tpu.memref_squeeze %dma_start3A_908 : memref<1x!tpu.dma_semaphore, #tpu.memory_space<semaphore_mem>> -> memref<!tpu.dma_semaphore, #tpu.memory_space<semaphore_mem>>
    %dma_start3A_910 = arith.constant 0 : i32
    %dma_start3A_911 = tpu.memref_slice %arg7[%add3A_899, %dma_start3A_910] : memref<32768x256xf32, #tpu.memory_space<hbm>> -> memref<128x256xf32, #tpu.memory_space<hbm>>
    %dma_start3A_912 = arith.constant 0 : i32
    %dma_start3A_913 = arith.constant 0 : i32
    %dma_start3A_914 = tpu.memref_slice %arg10[%dma_start3A_900, %dma_start3A_912, %dma_start3A_913] : memref<3x128x256xf32, #tpu.memory_space<vmem>> -> memref<1x128x256xf32, #tpu.memory_space<vmem>>
    %dma_start3A_915 = tpu.memref_squeeze %dma_start3A_914 : memref<1x128x256xf32, #tpu.memory_space<vmem>> -> memref<128x256xf32, #tpu.memory_space<vmem>>
    tpu.enqueue_dma source(%dma_start3A_915 : memref<128x256xf32, #tpu.memory_space<vmem>>) target(%dma_start3A_911 : memref<128x256xf32, #tpu.memory_space<hbm>>) target_semaphore(%dma_start3A_909 : memref<!tpu.dma_semaphore, #tpu.memory_space<semaphore_mem>>)
    %dma_wait3A_916 = arith.constant 0 : i32
    %dma_wait3A_917 = arith.constant 0 : i32
    %dma_wait3A_918 = arith.constant 0 : i32
    %dma_wait3A_919 = arith.constant 0 : i32
    %dma_wait3A_920 = tpu.memref_slice %arg10[%dma_wait3A_916, %dma_wait3A_918, %dma_wait3A_919] : memref<3x128x256xf32, #tpu.memory_space<vmem>> -> memref<1x128x256xf32, #tpu.memory_space<vmem>>
    %dma_wait3A_921 = tpu.memref_squeeze %dma_wait3A_920 : memref<1x128x256xf32, #tpu.memory_space<vmem>> -> memref<128x256xf32, #tpu.memory_space<vmem>>
    %dma_wait3A_922 = arith.constant 896 : i32
    %dma_wait3A_923 = tpu.memref_slice %arg9[%dma_wait3A_922] : memref<1024xi32, #tpu.memory_space<vmem>> -> memref<128xi32, #tpu.memory_space<vmem>>
    %dma_wait3A_924 = arith.constant 0 : i32
    %dma_wait3A_925 = arith.constant 0 : i32
    %dma_wait3A_926 = tpu.memref_slice %arg3[%dma_wait3A_924, %dma_wait3A_925] : memref<500x256xf32, #tpu.memory_space<hbm>> -> memref<500x256xf32, #tpu.memory_space<hbm>>
    %dma_wait3A_927 = tpu.memref_slice %arg11[%dma_wait3A_917] : memref<3x!tpu.dma_semaphore, #tpu.memory_space<semaphore_mem>> -> memref<1x!tpu.dma_semaphore, #tpu.memory_space<semaphore_mem>>
    %dma_wait3A_928 = tpu.memref_squeeze %dma_wait3A_927 : memref<1x!tpu.dma_semaphore, #tpu.memory_space<semaphore_mem>> -> memref<!tpu.dma_semaphore, #tpu.memory_space<semaphore_mem>>
    tpu.wait_indirect_dma semaphore(%dma_wait3A_928 : memref<!tpu.dma_semaphore, #tpu.memory_space<semaphore_mem>>) src(%dma_wait3A_926 : memref<500x256xf32, #tpu.memory_space<hbm>>) dst(%dma_wait3A_921 : memref<128x256xf32, #tpu.memory_space<vmem>>)
    %add3A_929 = arith.constant 896 : i32
    %add3A_930 = arith.addi %mul3A_36, %add3A_929 : i32
    %dma_start3A_931 = arith.constant 0 : i32
    %dma_start3A_932 = arith.constant 0 : i32
    %dma_start3A_933 = arith.constant 0 : i32
    %dma_start3A_934 = arith.constant 0 : i32
    %dma_start3A_935 = tpu.memref_slice %arg10[%dma_start3A_931, %dma_start3A_933, %dma_start3A_934] : memref<3x128x256xf32, #tpu.memory_space<vmem>> -> memref<1x128x256xf32, #tpu.memory_space<vmem>>
    %dma_start3A_936 = tpu.memref_squeeze %dma_start3A_935 : memref<1x128x256xf32, #tpu.memory_space<vmem>> -> memref<128x256xf32, #tpu.memory_space<vmem>>
    %dma_start3A_937 = arith.constant 0 : i32
    %dma_start3A_938 = tpu.memref_slice %arg7[%add3A_930, %dma_start3A_937] : memref<32768x256xf32, #tpu.memory_space<hbm>> -> memref<128x256xf32, #tpu.memory_space<hbm>>
    %dma_start3A_939 = tpu.memref_slice %arg12[%dma_start3A_932] : memref<3x!tpu.dma_semaphore, #tpu.memory_space<semaphore_mem>> -> memref<1x!tpu.dma_semaphore, #tpu.memory_space<semaphore_mem>>
    %dma_start3A_940 = tpu.memref_squeeze %dma_start3A_939 : memref<1x!tpu.dma_semaphore, #tpu.memory_space<semaphore_mem>> -> memref<!tpu.dma_semaphore, #tpu.memory_space<semaphore_mem>>
    %dma_start3A_941 = arith.constant 0 : i32
    %dma_start3A_942 = tpu.memref_slice %arg7[%add3A_930, %dma_start3A_941] : memref<32768x256xf32, #tpu.memory_space<hbm>> -> memref<128x256xf32, #tpu.memory_space<hbm>>
    %dma_start3A_943 = arith.constant 0 : i32
    %dma_start3A_944 = arith.constant 0 : i32
    %dma_start3A_945 = tpu.memref_slice %arg10[%dma_start3A_931, %dma_start3A_943, %dma_start3A_944] : memref<3x128x256xf32, #tpu.memory_space<vmem>> -> memref<1x128x256xf32, #tpu.memory_space<vmem>>
    %dma_start3A_946 = tpu.memref_squeeze %dma_start3A_945 : memref<1x128x256xf32, #tpu.memory_space<vmem>> -> memref<128x256xf32, #tpu.memory_space<vmem>>
    tpu.enqueue_dma source(%dma_start3A_946 : memref<128x256xf32, #tpu.memory_space<vmem>>) target(%dma_start3A_942 : memref<128x256xf32, #tpu.memory_space<hbm>>) target_semaphore(%dma_start3A_940 : memref<!tpu.dma_semaphore, #tpu.memory_space<semaphore_mem>>)
    %dma_wait3A_947 = arith.constant 1 : i32
    %dma_wait3A_948 = arith.constant 1 : i32
    %dma_wait3A_949 = arith.constant 0 : i32
    %dma_wait3A_950 = arith.constant 0 : i32
    %dma_wait3A_951 = tpu.memref_slice %arg10[%dma_wait3A_947, %dma_wait3A_949, %dma_wait3A_950] : memref<3x128x256xf32, #tpu.memory_space<vmem>> -> memref<1x128x256xf32, #tpu.memory_space<vmem>>
    %dma_wait3A_952 = tpu.memref_squeeze %dma_wait3A_951 : memref<1x128x256xf32, #tpu.memory_space<vmem>> -> memref<128x256xf32, #tpu.memory_space<vmem>>
    %dma_wait3A_953 = arith.constant 0 : i32
    %dma_wait3A_954 = tpu.memref_slice %arg7[%add3A_839, %dma_wait3A_953] : memref<32768x256xf32, #tpu.memory_space<hbm>> -> memref<128x256xf32, #tpu.memory_space<hbm>>
    %dma_wait3A_955 = tpu.memref_slice %arg12[%dma_wait3A_948] : memref<3x!tpu.dma_semaphore, #tpu.memory_space<semaphore_mem>> -> memref<1x!tpu.dma_semaphore, #tpu.memory_space<semaphore_mem>>
    %dma_wait3A_956 = tpu.memref_squeeze %dma_wait3A_955 : memref<1x!tpu.dma_semaphore, #tpu.memory_space<semaphore_mem>> -> memref<!tpu.dma_semaphore, #tpu.memory_space<semaphore_mem>>
    %dma_wait3A_957 = arith.constant 0 : i32
    %dma_wait3A_958 = tpu.memref_slice %arg7[%add3A_839, %dma_wait3A_957] : memref<32768x256xf32, #tpu.memory_space<hbm>> -> memref<128x256xf32, #tpu.memory_space<hbm>>
    %dma_wait3A_959 = arith.constant 0 : i32
    %dma_wait3A_960 = arith.constant 0 : i32
    %dma_wait3A_961 = tpu.memref_slice %arg10[%dma_wait3A_947, %dma_wait3A_959, %dma_wait3A_960] : memref<3x128x256xf32, #tpu.memory_space<vmem>> -> memref<1x128x256xf32, #tpu.memory_space<vmem>>
    %dma_wait3A_962 = tpu.memref_squeeze %dma_wait3A_961 : memref<1x128x256xf32, #tpu.memory_space<vmem>> -> memref<128x256xf32, #tpu.memory_space<vmem>>
    tpu.wait_dma2 semaphore(%dma_wait3A_956 : memref<!tpu.dma_semaphore, #tpu.memory_space<semaphore_mem>>) src(%dma_wait3A_962 : memref<128x256xf32, #tpu.memory_space<vmem>>) dst(%dma_wait3A_958 : memref<128x256xf32, #tpu.memory_space<hbm>>)
    %dma_wait3A_963 = arith.constant 2 : i32
    %dma_wait3A_964 = arith.constant 2 : i32
    %dma_wait3A_965 = arith.constant 0 : i32
    %dma_wait3A_966 = arith.constant 0 : i32
    %dma_wait3A_967 = tpu.memref_slice %arg10[%dma_wait3A_963, %dma_wait3A_965, %dma_wait3A_966] : memref<3x128x256xf32, #tpu.memory_space<vmem>> -> memref<1x128x256xf32, #tpu.memory_space<vmem>>
    %dma_wait3A_968 = tpu.memref_squeeze %dma_wait3A_967 : memref<1x128x256xf32, #tpu.memory_space<vmem>> -> memref<128x256xf32, #tpu.memory_space<vmem>>
    %dma_wait3A_969 = arith.constant 0 : i32
    %dma_wait3A_970 = tpu.memref_slice %arg7[%add3A_899, %dma_wait3A_969] : memref<32768x256xf32, #tpu.memory_space<hbm>> -> memref<128x256xf32, #tpu.memory_space<hbm>>
    %dma_wait3A_971 = tpu.memref_slice %arg12[%dma_wait3A_964] : memref<3x!tpu.dma_semaphore, #tpu.memory_space<semaphore_mem>> -> memref<1x!tpu.dma_semaphore, #tpu.memory_space<semaphore_mem>>
    %dma_wait3A_972 = tpu.memref_squeeze %dma_wait3A_971 : memref<1x!tpu.dma_semaphore, #tpu.memory_space<semaphore_mem>> -> memref<!tpu.dma_semaphore, #tpu.memory_space<semaphore_mem>>
    %dma_wait3A_973 = arith.constant 0 : i32
    %dma_wait3A_974 = tpu.memref_slice %arg7[%add3A_899, %dma_wait3A_973] : memref<32768x256xf32, #tpu.memory_space<hbm>> -> memref<128x256xf32, #tpu.memory_space<hbm>>
    %dma_wait3A_975 = arith.constant 0 : i32
    %dma_wait3A_976 = arith.constant 0 : i32
    %dma_wait3A_977 = tpu.memref_slice %arg10[%dma_wait3A_963, %dma_wait3A_975, %dma_wait3A_976] : memref<3x128x256xf32, #tpu.memory_space<vmem>> -> memref<1x128x256xf32, #tpu.memory_space<vmem>>
    %dma_wait3A_978 = tpu.memref_squeeze %dma_wait3A_977 : memref<1x128x256xf32, #tpu.memory_space<vmem>> -> memref<128x256xf32, #tpu.memory_space<vmem>>
    tpu.wait_dma2 semaphore(%dma_wait3A_972 : memref<!tpu.dma_semaphore, #tpu.memory_space<semaphore_mem>>) src(%dma_wait3A_978 : memref<128x256xf32, #tpu.memory_space<vmem>>) dst(%dma_wait3A_974 : memref<128x256xf32, #tpu.memory_space<hbm>>)
    %dma_wait3A_979 = arith.constant 0 : i32
    %dma_wait3A_980 = arith.constant 0 : i32
    %dma_wait3A_981 = arith.constant 0 : i32
    %dma_wait3A_982 = arith.constant 0 : i32
    %dma_wait3A_983 = tpu.memref_slice %arg10[%dma_wait3A_979, %dma_wait3A_981, %dma_wait3A_982] : memref<3x128x256xf32, #tpu.memory_space<vmem>> -> memref<1x128x256xf32, #tpu.memory_space<vmem>>
    %dma_wait3A_984 = tpu.memref_squeeze %dma_wait3A_983 : memref<1x128x256xf32, #tpu.memory_space<vmem>> -> memref<128x256xf32, #tpu.memory_space<vmem>>
    %dma_wait3A_985 = arith.constant 0 : i32
    %dma_wait3A_986 = tpu.memref_slice %arg7[%add3A_930, %dma_wait3A_985] : memref<32768x256xf32, #tpu.memory_space<hbm>> -> memref<128x256xf32, #tpu.memory_space<hbm>>
    %dma_wait3A_987 = tpu.memref_slice %arg12[%dma_wait3A_980] : memref<3x!tpu.dma_semaphore, #tpu.memory_space<semaphore_mem>> -> memref<1x!tpu.dma_semaphore, #tpu.memory_space<semaphore_mem>>
    %dma_wait3A_988 = tpu.memref_squeeze %dma_wait3A_987 : memref<1x!tpu.dma_semaphore, #tpu.memory_space<semaphore_mem>> -> memref<!tpu.dma_semaphore, #tpu.memory_space<semaphore_mem>>
    %dma_wait3A_989 = arith.constant 0 : i32
    %dma_wait3A_990 = tpu.memref_slice %arg7[%add3A_930, %dma_wait3A_989] : memref<32768x256xf32, #tpu.memory_space<hbm>> -> memref<128x256xf32, #tpu.memory_space<hbm>>
    %dma_wait3A_991 = arith.constant 0 : i32
    %dma_wait3A_992 = arith.constant 0 : i32
    %dma_wait3A_993 = tpu.memref_slice %arg10[%dma_wait3A_979, %dma_wait3A_991, %dma_wait3A_992] : memref<3x128x256xf32, #tpu.memory_space<vmem>> -> memref<1x128x256xf32, #tpu.memory_space<vmem>>
    %dma_wait3A_994 = tpu.memref_squeeze %dma_wait3A_993 : memref<1x128x256xf32, #tpu.memory_space<vmem>> -> memref<128x256xf32, #tpu.memory_space<vmem>>
    tpu.wait_dma2 semaphore(%dma_wait3A_988 : memref<!tpu.dma_semaphore, #tpu.memory_space<semaphore_mem>>) src(%dma_wait3A_994 : memref<128x256xf32, #tpu.memory_space<vmem>>) dst(%dma_wait3A_990 : memref<128x256xf32, #tpu.memory_space<hbm>>)
    return
  }
}

module attributes {stable_mosaic.version = 14 : i64} {
  func.func @_mlp_agg_body(%arg0: i32, %arg1: memref<128xi32, #tpu.memory_space<smem>>, %arg2: memref<256x256xf32, #tpu.memory_space<vmem>>, %arg3: memref<256x256xf32, #tpu.memory_space<vmem>>, %arg4: memref<1x1x256xi32, #tpu.memory_space<vmem>>, %arg5: memref<256x256xf32, #tpu.memory_space<vmem>>, %arg6: memref<256x256xf32, #tpu.memory_space<vmem>>, %arg7: memref<1x256xf32, #tpu.memory_space<vmem>>, %arg8: memref<256x256xf32, #tpu.memory_space<vmem>>, %arg9: memref<1x256xf32, #tpu.memory_space<vmem>>, %arg10: memref<256x256xf32, #tpu.memory_space<vmem>>, %arg11: memref<1x256xf32, #tpu.memory_space<vmem>>, %arg12: memref<1x256xf32, #tpu.memory_space<vmem>>, %arg13: memref<16640x384xf32, #tpu.memory_space<vmem>>) attributes {dimension_semantics = [#tpu.dimension_semantics<arbitrary>], iteration_bounds = array<i64: 128>, scalar_prefetch = 1 : i64, scratch_operands = 0 : i64, tpu.core_type = #tpu.core_type<tc>, window_params = [{transform_indices = @transform_0, window_bounds = array<i64: 256, 256>}, {transform_indices = @transform_1, window_bounds = array<i64: 256, 256>}, {transform_indices = @transform_2, window_bounds = array<i64: 1, 1, 256>}, {pipeline_mode = #tpu.pipeline_mode<synchronous>, transform_indices = @transform_3, window_bounds = array<i64: 256, 256>}, {pipeline_mode = #tpu.pipeline_mode<synchronous>, transform_indices = @transform_4, window_bounds = array<i64: 256, 256>}, {pipeline_mode = #tpu.pipeline_mode<synchronous>, transform_indices = @transform_5, window_bounds = array<i64: 1, 256>}, {pipeline_mode = #tpu.pipeline_mode<synchronous>, transform_indices = @transform_6, window_bounds = array<i64: 256, 256>}, {pipeline_mode = #tpu.pipeline_mode<synchronous>, transform_indices = @transform_7, window_bounds = array<i64: 1, 256>}, {pipeline_mode = #tpu.pipeline_mode<synchronous>, transform_indices = @transform_8, window_bounds = array<i64: 256, 256>}, {pipeline_mode = #tpu.pipeline_mode<synchronous>, transform_indices = @transform_9, window_bounds = array<i64: 1, 256>}, {pipeline_mode = #tpu.pipeline_mode<synchronous>, transform_indices = @transform_10, window_bounds = array<i64: 1, 256>}, {pipeline_mode = #tpu.pipeline_mode<synchronous>, transform_indices = @transform_11, window_bounds = array<i64: 16640, 384>}]} {
    %get3A = arith.constant 0 : index
    %get3A_0 = arith.constant 0 : index
    %get3A_1 = vector.load %arg2[%get3A, %get3A_0] : memref<256x256xf32, #tpu.memory_space<vmem>>, vector<256x256xf32>
    %get3A_2 = arith.constant 0 : index
    %get3A_3 = arith.constant 0 : index
    %get3A_4 = vector.load %arg5[%get3A_2, %get3A_3] : memref<256x256xf32, #tpu.memory_space<vmem>>, vector<256x256xf32>
    %dot_general3A = arith.constant dense<0.000000e+00> : vector<256x256xf32>
    %dot_general3A_5 = tpu.matmul %get3A_1, %get3A_4, %dot_general3A {dimension_numbers = #tpu.dot_dimension_numbers<[1], [0], [0], [1], [0, 0, 1, 1], [], []>, transpose_lhs_hint = false} : vector<256x256xf32>, vector<256x256xf32>, vector<256x256xf32> -> vector<256x256xf32>
    %get3A_6 = arith.constant 0 : index
    %get3A_7 = arith.constant 0 : index
    %get3A_8 = vector.load %arg3[%get3A_6, %get3A_7] : memref<256x256xf32, #tpu.memory_space<vmem>>, vector<256x256xf32>
    %get3A_9 = arith.constant 0 : index
    %get3A_10 = arith.constant 0 : index
    %get3A_11 = vector.load %arg6[%get3A_9, %get3A_10] : memref<256x256xf32, #tpu.memory_space<vmem>>, vector<256x256xf32>
    %dot_general3A_12 = arith.constant dense<0.000000e+00> : vector<256x256xf32>
    %dot_general3A_13 = tpu.matmul %get3A_8, %get3A_11, %dot_general3A_12 {dimension_numbers = #tpu.dot_dimension_numbers<[1], [0], [0], [1], [0, 0, 1, 1], [], []>, transpose_lhs_hint = false} : vector<256x256xf32>, vector<256x256xf32>, vector<256x256xf32> -> vector<256x256xf32>
    %add3A = arith.addf %dot_general3A_5, %dot_general3A_13 : vector<256x256xf32>
    %get3A_14 = arith.constant 0 : index
    %get3A_15 = arith.constant 0 : index
    %get3A_16 = vector.load %arg7[%get3A_14, %get3A_15] : memref<1x256xf32, #tpu.memory_space<vmem>>, vector<1x256xf32>
    %add3A_17 = vector.broadcast %get3A_16 : vector<1x256xf32> to vector<256x256xf32>
    %add3A_18 = arith.addf %add3A, %add3A_17 : vector<256x256xf32>
    %max3A = arith.constant 0.000000e+00 : f32
    %max3A_19 = vector.broadcast %max3A : f32 to vector<256x256xf32>
    %max3A_20 = arith.maximumf %add3A_18, %max3A_19 : vector<256x256xf32>
    %get3A_21 = arith.constant 0 : index
    %get3A_22 = arith.constant 0 : index
    %get3A_23 = vector.load %arg8[%get3A_21, %get3A_22] : memref<256x256xf32, #tpu.memory_space<vmem>>, vector<256x256xf32>
    %dot_general3A_24 = arith.constant dense<0.000000e+00> : vector<256x256xf32>
    %dot_general3A_25 = tpu.matmul %max3A_20, %get3A_23, %dot_general3A_24 {dimension_numbers = #tpu.dot_dimension_numbers<[1], [0], [0], [1], [0, 0, 1, 1], [], []>, transpose_lhs_hint = false} : vector<256x256xf32>, vector<256x256xf32>, vector<256x256xf32> -> vector<256x256xf32>
    %get3A_26 = arith.constant 0 : index
    %get3A_27 = arith.constant 0 : index
    %get3A_28 = vector.load %arg9[%get3A_26, %get3A_27] : memref<1x256xf32, #tpu.memory_space<vmem>>, vector<1x256xf32>
    %add3A_29 = vector.broadcast %get3A_28 : vector<1x256xf32> to vector<256x256xf32>
    %add3A_30 = arith.addf %dot_general3A_25, %add3A_29 : vector<256x256xf32>
    %get3A_31 = arith.constant 0 : index
    %get3A_32 = arith.constant 0 : index
    %get3A_33 = vector.load %arg12[%get3A_31, %get3A_32] : memref<1x256xf32, #tpu.memory_space<vmem>>, vector<1x256xf32>
    %get3A_34 = arith.constant 0 : index
    %get3A_35 = arith.constant 0 : index
    %get3A_36 = vector.load %arg10[%get3A_34, %get3A_35] : memref<256x256xf32, #tpu.memory_space<vmem>>, vector<256x256xf32>
    %dot_general3A_37 = arith.constant dense<0.000000e+00> : vector<256x256xf32>
    %dot_general3A_38 = tpu.matmul %add3A_30, %get3A_36, %dot_general3A_37 {dimension_numbers = #tpu.dot_dimension_numbers<[1], [0], [0], [1], [0, 0, 1, 1], [], []>, transpose_lhs_hint = false} : vector<256x256xf32>, vector<256x256xf32>, vector<256x256xf32> -> vector<256x256xf32>
    %get3A_39 = arith.constant 0 : index
    %get3A_40 = arith.constant 0 : index
    %get3A_41 = vector.load %arg11[%get3A_39, %get3A_40] : memref<1x256xf32, #tpu.memory_space<vmem>>, vector<1x256xf32>
    %add3A_42 = vector.broadcast %get3A_41 : vector<1x256xf32> to vector<256x256xf32>
    %add3A_43 = arith.addf %dot_general3A_38, %add3A_42 : vector<256x256xf32>
    %tanh3A = math.tanh %add3A_43 : vector<256x256xf32>
    %mul3A = vector.broadcast %get3A_33 : vector<1x256xf32> to vector<256x256xf32>
    %mul3A_44 = arith.mulf %tanh3A, %mul3A : vector<256x256xf32>
    %reduce_sum3A = arith.constant dense<0.000000e+00> : vector<256xf32>
    %reduce_sum3A_45 = vector.multi_reduction <add>, %mul3A_44, %reduce_sum3A [1] : vector<256x256xf32> to vector<256xf32>
    %broadcast_in_dim3A = vector.shape_cast %reduce_sum3A_45 : vector<256xf32> to vector<256x1xf32>
    %abs3A = math.absf %get3A_33 : vector<1x256xf32>
    %reduce_sum3A_46 = vector.shape_cast %abs3A : vector<1x256xf32> to vector<1x1x256xf32>
    %reduce_sum3A_47 = arith.constant dense<0.000000e+00> : vector<1xf32>
    %reduce_sum3A_48 = vector.multi_reduction <add>, %reduce_sum3A_46, %reduce_sum3A_47 [1, 2] : vector<1x1x256xf32> to vector<1xf32>
    %reduce_sum3A_49 = vector.shape_cast %reduce_sum3A_48 : vector<1xf32> to vector<1x1x1xf32>
    %reduce_sum3A_50 = vector.extract %reduce_sum3A_49[0, 0, 0] : f32 from vector<1x1x1xf32>
    %sub3A = vector.broadcast %reduce_sum3A_50 : f32 to vector<256x1xf32>
    %sub3A_51 = arith.subf %broadcast_in_dim3A, %sub3A : vector<256x1xf32>
    %exp3A = math.exp %sub3A_51 : vector<256x1xf32>
    %get3A_52 = arith.constant 0 : index
    %get3A_53 = arith.constant 0 : index
    %get3A_54 = arith.constant 0 : index
    %get3A_55 = vector.load %arg4[%get3A_52, %get3A_53, %get3A_54] : memref<1x1x256xi32, #tpu.memory_space<vmem>>, vector<1x1x256xi32>
    %get3A_56 = vector.shape_cast %get3A_55 : vector<1x1x256xi32> to vector<1x256xi32>
    %get3A_57 = arith.index_cast %arg0 : i32 to index
    %get3A_58 = memref.load %arg1[%get3A_57] : memref<128xi32, #tpu.memory_space<smem>>
    %jit3A = arith.constant 8 : i32
    %div3A = arith.divsi %get3A_58, %jit3A : i32
    %sign3A = arith.constant 0 : i32
    %sign3A_59 = arith.cmpi sgt, %get3A_58, %sign3A : i32
    %sign3A_60 = arith.extui %sign3A_59 : i1 to i32
    %sign3A_61 = arith.constant 0 : i32
    %sign3A_62 = arith.cmpi slt, %get3A_58, %sign3A_61 : i32
    %sign3A_63 = arith.extui %sign3A_62 : i1 to i32
    %sign3A_64 = arith.subi %sign3A_60, %sign3A_63 : i32
    %sign3A_65 = arith.constant 0 : i32
    %sign3A_66 = arith.cmpi sgt, %jit3A, %sign3A_65 : i32
    %sign3A_67 = arith.extui %sign3A_66 : i1 to i32
    %sign3A_68 = arith.constant 0 : i32
    %sign3A_69 = arith.cmpi slt, %jit3A, %sign3A_68 : i32
    %sign3A_70 = arith.extui %sign3A_69 : i1 to i32
    %sign3A_71 = arith.subi %sign3A_67, %sign3A_70 : i32
    %ne3A = arith.cmpi ne, %sign3A_64, %sign3A_71 : i32
    %rem3A = arith.remsi %get3A_58, %jit3A : i32
    %ne3A_72 = arith.constant 0 : i32
    %ne3A_73 = arith.cmpi ne, %rem3A, %ne3A_72 : i32
    %and3A = arith.andi %ne3A, %ne3A_73 : i1
    %sub3A_74 = arith.constant 1 : i32
    %sub3A_75 = arith.subi %div3A, %sub3A_74 : i32
    %select_n3A = arith.select %and3A, %sub3A_75, %div3A : i32
    %mul3A_76 = arith.constant 8 : i32
    %mul3A_77 = arith.muli %select_n3A, %mul3A_76 : i32
    %multiple_of3A = tpu.assume_multiple %mul3A_77, 8 : i32
    %iota3A = tpu.iota {dimensions = array<i32: 0>} : vector<264x256xi32>
    %sub3A_78 = vector.broadcast %multiple_of3A : i32 to vector<1x256xi32>
    %sub3A_79 = arith.subi %get3A_56, %sub3A_78 : vector<1x256xi32>
    %eq3A = vector.broadcast %sub3A_79 : vector<1x256xi32> to vector<264x256xi32>
    %eq3A_80 = arith.cmpi eq, %iota3A, %eq3A : vector<264x256xi32>
    %convert_element_type3A = arith.extui %eq3A_80 : vector<264x256xi1> to vector<264x256xi32>
    %convert_element_type3A_81 = arith.sitofp %convert_element_type3A : vector<264x256xi32> to vector<264x256xf32>
    %mul3A_82 = vector.broadcast %exp3A : vector<256x1xf32> to vector<256x256xf32>
    %mul3A_83 = arith.mulf %mul3A_82, %add3A_30 : vector<256x256xf32>
    %broadcast_in_dim3A_84 = vector.shape_cast %exp3A : vector<256x1xf32> to vector<256x1xf32>
    %broadcast_in_dim3A_85 = vector.broadcast %broadcast_in_dim3A_84 : vector<256x1xf32> to vector<256x128xf32>
    %concatenate3A = tpu.concatenate %mul3A_83, %broadcast_in_dim3A_85 in 1 : vector<256x256xf32>, vector<256x128xf32> -> vector<256x384xf32>
    %dot_general3A_86 = arith.constant dense<0.000000e+00> : vector<264x384xf32>
    %dot_general3A_87 = tpu.matmul %convert_element_type3A_81, %concatenate3A, %dot_general3A_86 {dimension_numbers = #tpu.dot_dimension_numbers<[1], [0], [0], [1], [0, 0, 1, 1], [], []>, transpose_lhs_hint = false} : vector<264x256xf32>, vector<256x384xf32>, vector<264x384xf32> -> vector<264x384xf32>
    %eq3A_88 = arith.constant 0 : i32
    %eq3A_89 = arith.cmpi eq, %arg0, %eq3A_88 : i32
    %sub3A_90 = arith.constant 1 : i32
    %sub3A_91 = arith.subi %arg0, %sub3A_90 : i32
    %max3A_92 = arith.constant 0 : i32
    %max3A_93 = arith.maxsi %sub3A_91, %max3A_92 : i32
    %get3A_94 = arith.index_cast %max3A_93 : i32 to index
    %get3A_95 = memref.load %arg1[%get3A_94] : memref<128xi32, #tpu.memory_space<smem>>
    %jit3A_96 = arith.constant 8 : i32
    %div3A_97 = arith.divsi %get3A_95, %jit3A_96 : i32
    %sign3A_98 = arith.constant 0 : i32
    %sign3A_99 = arith.cmpi sgt, %get3A_95, %sign3A_98 : i32
    %sign3A_100 = arith.extui %sign3A_99 : i1 to i32
    %sign3A_101 = arith.constant 0 : i32
    %sign3A_102 = arith.cmpi slt, %get3A_95, %sign3A_101 : i32
    %sign3A_103 = arith.extui %sign3A_102 : i1 to i32
    %sign3A_104 = arith.subi %sign3A_100, %sign3A_103 : i32
    %sign3A_105 = arith.constant 0 : i32
    %sign3A_106 = arith.cmpi sgt, %jit3A_96, %sign3A_105 : i32
    %sign3A_107 = arith.extui %sign3A_106 : i1 to i32
    %sign3A_108 = arith.constant 0 : i32
    %sign3A_109 = arith.cmpi slt, %jit3A_96, %sign3A_108 : i32
    %sign3A_110 = arith.extui %sign3A_109 : i1 to i32
    %sign3A_111 = arith.subi %sign3A_107, %sign3A_110 : i32
    %ne3A_112 = arith.cmpi ne, %sign3A_104, %sign3A_111 : i32
    %rem3A_113 = arith.remsi %get3A_95, %jit3A_96 : i32
    %ne3A_114 = arith.constant 0 : i32
    %ne3A_115 = arith.cmpi ne, %rem3A_113, %ne3A_114 : i32
    %and3A_116 = arith.andi %ne3A_112, %ne3A_115 : i1
    %sub3A_117 = arith.constant 1 : i32
    %sub3A_118 = arith.subi %div3A_97, %sub3A_117 : i32
    %select_n3A_119 = arith.select %and3A_116, %sub3A_118, %div3A_97 : i32
    %mul3A_120 = arith.constant 8 : i32
    %mul3A_121 = arith.muli %select_n3A_119, %mul3A_120 : i32
    %add3A_122 = arith.constant 264 : i32
    %add3A_123 = arith.addi %mul3A_121, %add3A_122 : i32
    %jit3A_124 = arith.constant 0 : i32
    %select_n3A_125 = arith.select %eq3A_89, %jit3A_124, %add3A_123 : i32
    %iota3A_126 = tpu.iota {dimensions = array<i32: 0>} : vector<264x1xi32>
    %add3A_127 = vector.broadcast %multiple_of3A : i32 to vector<264x1xi32>
    %add3A_128 = arith.addi %add3A_127, %iota3A_126 : vector<264x1xi32>
    %get3A_129 = arith.index_cast %multiple_of3A : i32 to index
    %get3A_130 = arith.constant 0 : index
    %get3A_131 = vector.load %arg13[%get3A_129, %get3A_130] : memref<16640x384xf32, #tpu.memory_space<vmem>>, vector<264x384xf32>
    %lt3A = vector.broadcast %select_n3A_125 : i32 to vector<264x1xi32>
    %lt3A_132 = arith.cmpi slt, %add3A_128, %lt3A : vector<264x1xi32>
    %jit3A_133 = arith.constant 0.000000e+00 : f32
    %broadcast_in_dim3A_134 = vector.shape_cast %lt3A_132 : vector<264x1xi1> to vector<264x1xi1>
    %broadcast_in_dim3A_135 = vector.broadcast %broadcast_in_dim3A_134 : vector<264x1xi1> to vector<264x384xi1>
    %broadcast_in_dim3A_136 = vector.broadcast %jit3A_133 : f32 to vector<264x384xf32>
    %select_n3A_137 = arith.select %broadcast_in_dim3A_135, %get3A_131, %broadcast_in_dim3A_136 : vector<264x384xi1>, vector<264x384xf32>
    %add3A_138 = arith.addf %select_n3A_137, %dot_general3A_87 : vector<264x384xf32>
    %swap3A = arith.index_cast %multiple_of3A : i32 to index
    %swap3A_139 = arith.constant 0 : index
    %swap3A_140 = vector.load %arg13[%swap3A, %swap3A_139] : memref<16640x384xf32, #tpu.memory_space<vmem>>, vector<264x384xf32>
    tpu.vector_store %arg13[%swap3A, %swap3A_139], %add3A_138 {strides = array<i32>} : memref<16640x384xf32, #tpu.memory_space<vmem>>, vector<264x384xf32>,
    return
  }
  func.func @transform_0(%arg0: i32, %arg1: memref<128xi32, #tpu.memory_space<smem>>) -> (i32, i32) {
    %c0_i32 = arith.constant 0 : i32
    %c0_i32_0 = arith.constant 0 : i32
    return %arg0, %c0_i32 : i32, i32
  }
  func.func @transform_1(%arg0: i32, %arg1: memref<128xi32, #tpu.memory_space<smem>>) -> (i32, i32) {
    %c0_i32 = arith.constant 0 : i32
    %c0_i32_0 = arith.constant 0 : i32
    return %arg0, %c0_i32 : i32, i32
  }
  func.func @transform_2(%arg0: i32, %arg1: memref<128xi32, #tpu.memory_space<smem>>) -> (i32, i32, i32) {
    %c0_i32 = arith.constant 0 : i32
    %c0_i32_0 = arith.constant 0 : i32
    %c0_i32_1 = arith.constant 0 : i32
    return %arg0, %c0_i32, %c0_i32_0 : i32, i32, i32
  }
  func.func @transform_3(%arg0: i32, %arg1: memref<128xi32, #tpu.memory_space<smem>>) -> (i32, i32) {
    %c0_i32 = arith.constant 0 : i32
    %c0_i32_0 = arith.constant 0 : i32
    %c0_i32_1 = arith.constant 0 : i32
    return %c0_i32, %c0_i32_0 : i32, i32
  }
  func.func @transform_4(%arg0: i32, %arg1: memref<128xi32, #tpu.memory_space<smem>>) -> (i32, i32) {
    %c0_i32 = arith.constant 0 : i32
    %c0_i32_0 = arith.constant 0 : i32
    %c0_i32_1 = arith.constant 0 : i32
    return %c0_i32, %c0_i32_0 : i32, i32
  }
  func.func @transform_5(%arg0: i32, %arg1: memref<128xi32, #tpu.memory_space<smem>>) -> (i32, i32) {
    %c0_i32 = arith.constant 0 : i32
    %c0_i32_0 = arith.constant 0 : i32
    %c0_i32_1 = arith.constant 0 : i32
    return %c0_i32, %c0_i32_0 : i32, i32
  }
  func.func @transform_6(%arg0: i32, %arg1: memref<128xi32, #tpu.memory_space<smem>>) -> (i32, i32) {
    %c0_i32 = arith.constant 0 : i32
    %c0_i32_0 = arith.constant 0 : i32
    %c0_i32_1 = arith.constant 0 : i32
    return %c0_i32, %c0_i32_0 : i32, i32
  }
  func.func @transform_7(%arg0: i32, %arg1: memref<128xi32, #tpu.memory_space<smem>>) -> (i32, i32) {
    %c0_i32 = arith.constant 0 : i32
    %c0_i32_0 = arith.constant 0 : i32
    %c0_i32_1 = arith.constant 0 : i32
    return %c0_i32, %c0_i32_0 : i32, i32
  }
  func.func @transform_8(%arg0: i32, %arg1: memref<128xi32, #tpu.memory_space<smem>>) -> (i32, i32) {
    %c0_i32 = arith.constant 0 : i32
    %c0_i32_0 = arith.constant 0 : i32
    %c0_i32_1 = arith.constant 0 : i32
    return %c0_i32, %c0_i32_0 : i32, i32
  }
  func.func @transform_9(%arg0: i32, %arg1: memref<128xi32, #tpu.memory_space<smem>>) -> (i32, i32) {
    %c0_i32 = arith.constant 0 : i32
    %c0_i32_0 = arith.constant 0 : i32
    %c0_i32_1 = arith.constant 0 : i32
    return %c0_i32, %c0_i32_0 : i32, i32
  }
  func.func @transform_10(%arg0: i32, %arg1: memref<128xi32, #tpu.memory_space<smem>>) -> (i32, i32) {
    %c0_i32 = arith.constant 0 : i32
    %c0_i32_0 = arith.constant 0 : i32
    %c0_i32_1 = arith.constant 0 : i32
    return %c0_i32, %c0_i32_0 : i32, i32
  }
  func.func @transform_11(%arg0: i32, %arg1: memref<128xi32, #tpu.memory_space<smem>>) -> (i32, i32) {
    %c0_i32 = arith.constant 0 : i32
    %c0_i32_0 = arith.constant 0 : i32
    %c0_i32_1 = arith.constant 0 : i32
    return %c0_i32, %c0_i32_0 : i32, i32
  }
}

module attributes {stable_mosaic.version = 14 : i64} {
  func.func @_proj_body(%arg0: i32, %arg1: memref<256x256xf32, #tpu.memory_space<vmem>>, %arg2: memref<256x256xf32, #tpu.memory_space<vmem>>, %arg3: memref<256x256xf32, #tpu.memory_space<vmem>>, %arg4: memref<256x384xf32, #tpu.memory_space<vmem>>, %arg5: memref<256x256xf32, #tpu.memory_space<vmem>>, %arg6: memref<256x256xf32, #tpu.memory_space<vmem>>, %arg7: memref<256x256xf32, #tpu.memory_space<vmem>>, %arg8: memref<256x256xf32, #tpu.memory_space<vmem>>, %arg9: memref<1x256xf32, #tpu.memory_space<vmem>>, %arg10: memref<256x256xf32, #tpu.memory_space<vmem>>) attributes {dimension_semantics = [#tpu.dimension_semantics<arbitrary>], iteration_bounds = array<i64: 64>, scalar_prefetch = 0 : i64, scratch_operands = 0 : i64, tpu.core_type = #tpu.core_type<tc>, window_params = [{transform_indices = @transform_0, window_bounds = array<i64: 256, 256>}, {transform_indices = @transform_1, window_bounds = array<i64: 256, 256>}, {transform_indices = @transform_2, window_bounds = array<i64: 256, 256>}, {transform_indices = @transform_3, window_bounds = array<i64: 256, 384>}, {pipeline_mode = #tpu.pipeline_mode<synchronous>, transform_indices = @transform_4, window_bounds = array<i64: 256, 256>}, {pipeline_mode = #tpu.pipeline_mode<synchronous>, transform_indices = @transform_5, window_bounds = array<i64: 256, 256>}, {pipeline_mode = #tpu.pipeline_mode<synchronous>, transform_indices = @transform_6, window_bounds = array<i64: 256, 256>}, {pipeline_mode = #tpu.pipeline_mode<synchronous>, transform_indices = @transform_7, window_bounds = array<i64: 256, 256>}, {pipeline_mode = #tpu.pipeline_mode<synchronous>, transform_indices = @transform_8, window_bounds = array<i64: 1, 256>}, {transform_indices = @transform_9, window_bounds = array<i64: 256, 256>}]} {
    %get3A = arith.constant 0 : index
    %get3A_0 = arith.constant 0 : index
    %get3A_1 = vector.load %arg4[%get3A, %get3A_0] : memref<256x384xf32, #tpu.memory_space<vmem>>, vector<256x384xf32>
    %slice3A = vector.extract_strided_slice %get3A_1 {offsets = [0, 0], sizes = [256, 256], strides = [1, 1]} : vector<256x384xf32> to vector<256x256xf32>
    %slice3A_2 = vector.extract_strided_slice %get3A_1 {offsets = [0, 256], sizes = [256, 1], strides = [1, 1]} : vector<256x384xf32> to vector<256x1xf32>
    %div3A = vector.broadcast %slice3A_2 : vector<256x1xf32> to vector<256x256xf32>
    %div3A_3 = arith.divf %slice3A, %div3A : vector<256x256xf32>
    %get3A_4 = arith.constant 0 : index
    %get3A_5 = arith.constant 0 : index
    %get3A_6 = vector.load %arg1[%get3A_4, %get3A_5] : memref<256x256xf32, #tpu.memory_space<vmem>>, vector<256x256xf32>
    %get3A_7 = arith.constant 0 : index
    %get3A_8 = arith.constant 0 : index
    %get3A_9 = vector.load %arg5[%get3A_7, %get3A_8] : memref<256x256xf32, #tpu.memory_space<vmem>>, vector<256x256xf32>
    %dot_general3A = arith.constant dense<0.000000e+00> : vector<256x256xf32>
    %dot_general3A_10 = tpu.matmul %get3A_6, %get3A_9, %dot_general3A {dimension_numbers = #tpu.dot_dimension_numbers<[1], [0], [0], [1], [0, 0, 1, 1], [], []>, transpose_lhs_hint = false} : vector<256x256xf32>, vector<256x256xf32>, vector<256x256xf32> -> vector<256x256xf32>
    %get3A_11 = arith.constant 0 : index
    %get3A_12 = arith.constant 0 : index
    %get3A_13 = vector.load %arg2[%get3A_11, %get3A_12] : memref<256x256xf32, #tpu.memory_space<vmem>>, vector<256x256xf32>
    %get3A_14 = arith.constant 0 : index
    %get3A_15 = arith.constant 0 : index
    %get3A_16 = vector.load %arg6[%get3A_14, %get3A_15] : memref<256x256xf32, #tpu.memory_space<vmem>>, vector<256x256xf32>
    %dot_general3A_17 = arith.constant dense<0.000000e+00> : vector<256x256xf32>
    %dot_general3A_18 = tpu.matmul %get3A_13, %get3A_16, %dot_general3A_17 {dimension_numbers = #tpu.dot_dimension_numbers<[1], [0], [0], [1], [0, 0, 1, 1], [], []>, transpose_lhs_hint = false} : vector<256x256xf32>, vector<256x256xf32>, vector<256x256xf32> -> vector<256x256xf32>
    %add3A = arith.addf %dot_general3A_10, %dot_general3A_18 : vector<256x256xf32>
    %get3A_19 = arith.constant 0 : index
    %get3A_20 = arith.constant 0 : index
    %get3A_21 = vector.load %arg3[%get3A_19, %get3A_20] : memref<256x256xf32, #tpu.memory_space<vmem>>, vector<256x256xf32>
    %get3A_22 = arith.constant 0 : index
    %get3A_23 = arith.constant 0 : index
    %get3A_24 = vector.load %arg7[%get3A_22, %get3A_23] : memref<256x256xf32, #tpu.memory_space<vmem>>, vector<256x256xf32>
    %dot_general3A_25 = arith.constant dense<0.000000e+00> : vector<256x256xf32>
    %dot_general3A_26 = tpu.matmul %get3A_21, %get3A_24, %dot_general3A_25 {dimension_numbers = #tpu.dot_dimension_numbers<[1], [0], [0], [1], [0, 0, 1, 1], [], []>, transpose_lhs_hint = false} : vector<256x256xf32>, vector<256x256xf32>, vector<256x256xf32> -> vector<256x256xf32>
    %add3A_27 = arith.addf %add3A, %dot_general3A_26 : vector<256x256xf32>
    %get3A_28 = arith.constant 0 : index
    %get3A_29 = arith.constant 0 : index
    %get3A_30 = vector.load %arg8[%get3A_28, %get3A_29] : memref<256x256xf32, #tpu.memory_space<vmem>>, vector<256x256xf32>
    %dot_general3A_31 = arith.constant dense<0.000000e+00> : vector<256x256xf32>
    %dot_general3A_32 = tpu.matmul %div3A_3, %get3A_30, %dot_general3A_31 {dimension_numbers = #tpu.dot_dimension_numbers<[1], [0], [0], [1], [0, 0, 1, 1], [], []>, transpose_lhs_hint = false} : vector<256x256xf32>, vector<256x256xf32>, vector<256x256xf32> -> vector<256x256xf32>
    %add3A_33 = arith.addf %add3A_27, %dot_general3A_32 : vector<256x256xf32>
    %get3A_34 = arith.constant 0 : index
    %get3A_35 = arith.constant 0 : index
    %get3A_36 = vector.load %arg9[%get3A_34, %get3A_35] : memref<1x256xf32, #tpu.memory_space<vmem>>, vector<1x256xf32>
    %add3A_37 = vector.broadcast %get3A_36 : vector<1x256xf32> to vector<256x256xf32>
    %add3A_38 = arith.addf %add3A_33, %add3A_37 : vector<256x256xf32>
    %swap3A = arith.constant 0 : index
    %swap3A_39 = arith.constant 0 : index
    %swap3A_40 = vector.load %arg10[%swap3A, %swap3A_39] : memref<256x256xf32, #tpu.memory_space<vmem>>, vector<256x256xf32>
    tpu.vector_store %arg10[%swap3A, %swap3A_39], %add3A_38 {strides = array<i32>} : memref<256x256xf32, #tpu.memory_space<vmem>>, vector<256x256xf32>,
    return
  }
  func.func @transform_0(%arg0: i32) -> (i32, i32) {
    %c0_i32 = arith.constant 0 : i32
    %c0_i32_0 = arith.constant 0 : i32
    return %arg0, %c0_i32 : i32, i32
  }
  func.func @transform_1(%arg0: i32) -> (i32, i32) {
    %c0_i32 = arith.constant 0 : i32
    %c0_i32_0 = arith.constant 0 : i32
    return %arg0, %c0_i32 : i32, i32
  }
  func.func @transform_2(%arg0: i32) -> (i32, i32) {
    %add3A = arith.constant 64 : i32
    %add3A_0 = arith.addi %arg0, %add3A : i32
    %c0_i32 = arith.constant 0 : i32
    %c0_i32_1 = arith.constant 0 : i32
    return %add3A_0, %c0_i32 : i32, i32
  }
  func.func @transform_3(%arg0: i32) -> (i32, i32) {
    %c0_i32 = arith.constant 0 : i32
    %c0_i32_0 = arith.constant 0 : i32
    return %arg0, %c0_i32 : i32, i32
  }
  func.func @transform_4(%arg0: i32) -> (i32, i32) {
    %c0_i32 = arith.constant 0 : i32
    %c0_i32_0 = arith.constant 0 : i32
    %c0_i32_1 = arith.constant 0 : i32
    return %c0_i32, %c0_i32_0 : i32, i32
  }
  func.func @transform_5(%arg0: i32) -> (i32, i32) {
    %c0_i32 = arith.constant 0 : i32
    %c0_i32_0 = arith.constant 0 : i32
    %c0_i32_1 = arith.constant 0 : i32
    return %c0_i32, %c0_i32_0 : i32, i32
  }
  func.func @transform_6(%arg0: i32) -> (i32, i32) {
    %c0_i32 = arith.constant 0 : i32
    %c0_i32_0 = arith.constant 0 : i32
    %c0_i32_1 = arith.constant 0 : i32
    return %c0_i32, %c0_i32_0 : i32, i32
  }
  func.func @transform_7(%arg0: i32) -> (i32, i32) {
    %c0_i32 = arith.constant 0 : i32
    %c0_i32_0 = arith.constant 0 : i32
    %c0_i32_1 = arith.constant 0 : i32
    return %c0_i32, %c0_i32_0 : i32, i32
  }
  func.func @transform_8(%arg0: i32) -> (i32, i32) {
    %c0_i32 = arith.constant 0 : i32
    %c0_i32_0 = arith.constant 0 : i32
    %c0_i32_1 = arith.constant 0 : i32
    return %c0_i32, %c0_i32_0 : i32, i32
  }
  func.func @transform_9(%arg0: i32) -> (i32, i32) {
    %c0_i32 = arith.constant 0 : i32
    %c0_i32_0 = arith.constant 0 : i32
    return %arg0, %c0_i32 : i32, i32
  }
}

</mosaic_0001>

<sc_bundles>
// kernel: kernel.6.cloned.1.call-start
scs
__scs_entry_jumppad:
0x0: {  	(pc) =	sbr.rel $0x88, $3  }
0x1: {  	(tag) =	ssettag $0x0;
	lr =	simm.s32 $0x1  }
0x2: {  	[smem:$0x3F90] =	sst lr;
	_ =	strace $0xD0000000  }
0x3: {  	_ = 	snop  }
0x4: {  	_ = 	snop  }
0x5: {  	_ = 	snop  }
0x6: {  	_ = 	snop  }
0x7: {  	_ = 	snop  }
__scs_overlays_trampoline_lowered:
0x8: {  	[smem:$0x3F9F] =	sst s0  }
0x9: {  	[smem:$0x3FA0] =	sst s1  }
0xa: {  	[smem:$0x3FA1] =	sst s2  }
0xb: {  	[smem:$0x3FA2] =	sst s3  }
0xc: {  	[smem:$0x3FA3] =	sst s4  }
0xd: {  	[smem:$0x3FA4] =	sst s5  }
0xe: {  	[smem:$0x3FA5] =	sst s6  }
0xf: {  	[smem:$0x3FA6] =	sst s7  }
0x10: {  	[smem:$0x3FA7] =	sst s8  }
0x11: {  	[smem:$0x3FA8] =	sst s9;
	s0 =	simm.s32 @!p0 $0x0  }
0x12: {  	s1 =	sld [smem:$0x3F8E];
	s0 =	simm.s32 @p0 $0x1  }
0x13: {  	[smem:$0x3FA9] =	sst s0;
	s0 =	simm.s32 @!p1 $0x0  }
0x14: {  	s2 =	sld [smem:$0x3F8D];
	s0 =	simm.s32 @p1 $0x1  }
0x15: {  	[smem:$0x3FAA] =	sst s0;
	s0 =	simm.s32 @!p2 $0x0  }
0x16: {  	s3 =	sld [smem:$0x3FDB];
	s0 =	simm.s32 @p2 $0x1  }
0x17: {  	s4 =	simm.s32 $0x1BF5;
	[smem:$0x3FAC] =	sst s0  }
0x18: {  	s0 =	sld [smem:$0x3F8F];
	_ =	swait.ge [sflag:s4], $0x0  }
0x19: {  	s7 =	sld [smem:$0x3F90]  }
0x1a: {  	s8 =	sadd.s32 $0xFFFFE003, lr  }
0x1b: {  	s9 =	sadd.s32 $0xFFFFFEF7, lr;
	s5 =	simm.s32 $0xFFFFFFFF;
	p2 =	slt.u32 s8, $0xFFFFF086  }
0x1c: {  	p1 =	slt.u32 s9, $0xF7A;
	s5 =	simm.s32 @!p2 $0x0  }
0x1d: {  	s5 =	simm.s32 @p1 $0x1;
	p0 =	seq.s32 s7, s2  }
0x1e: {  	s7 =	smul.u32 @!p0 $0xF7A, s2;
	p2 =	seq.s32 @!p0 s5, $0x0  }
0x1f: {  	s9 =	smul.u32 $0xF7A, s1;
	s8 =	simm.s32 @!p0 $0x1BF5;
	p2 =	por !p2, p0  }
0x20: {  	[sflag:s8] =	ssyncset.s32 @!p0 $0xFFFFF086;
	s6 =	sadd.s32 @!p0 s3, s7;
	s7 =	simm.s32 @!p0 $0x108  }
0x21: {  	s3 =	sadd.s32 s3, s9;
	s6 =	sadd.s32 @!p0 $0x88, s6;
	s7 =	simm.s32 @p2 $0x1082  }
0x22: {  	[simem:s7], [sflag:s8] =	dma.local @!p0 [hbm:s6], $0xF7A  }
0x23: {  	s9 =	sor.u32 $0xD0000000, s2;
	s6 =	simm.s32 $0x108;
	_ =	swait.ge @!p0 [sflag:s8], $0x0  }
0x24: {  	s3 =	sadd.s32 $0x88, s3;
	s6 =	simm.s32 @!p1 $0x1082;
	[sflag:s4] =	ssyncset.s32 $0xFFFFF086  }
0x25: {  	[simem:s6], [sflag:s4] =	dma.local [hbm:s3], $0xF7A  }
0x26: {  	[smem:$0x3F90] =	sst s1;
	(tag) =	ssettag s2;
	_ =	strace s9  }
0x27: {  	s1 =	sld [smem:$0x3FA0]  }
0x28: {  	s2 =	sld [smem:$0x3FA1]  }
0x29: {  	s4 =	sld [smem:$0x3FA3]  }
0x2a: {  	p0 =	seq.s32 s5, $0x0;
	s5 =	sld [smem:$0x3FA4]  }
0x2b: {  	s6 =	sld [smem:$0x3FA5]  }
0x2c: {  	s7 =	sld [smem:$0x3FA6]  }
0x2d: {  	s3 =	simm.s32 $0x108;
	s8 =	sld [smem:$0x3FA7]  }
0x2e: {  	s3 =	simm.s32 @!p0 $0x1082;
	s9 =	sld [smem:$0x3FA8]  }
0x2f: {  	lr =	sadd.s32 s0, s3;
	s0 =	sld [smem:$0x3F9F]  }
0x30: {  	s3 =	sld [smem:$0x3FA2]  }
0x31: {  	[smem:$0x3FAB] =	sst s10  }
0x32: {  	s10 =	sld [smem:$0x3FA9];
	_ =	sdelay $0x3  }
0x33: {  	p0 =	seq.s32 s10, $0x1;
	s10 =	sld [smem:$0x3FAB];
	_ =	sdelay $0x3  }
0x34: {  	[smem:$0x3FAB] =	sst s10  }
0x35: {  	s10 =	sld [smem:$0x3FAA];
	_ =	sdelay $0x3  }
0x36: {  	p1 =	seq.s32 s10, $0x1;
	s10 =	sld [smem:$0x3FAB];
	_ =	sdelay $0x3  }
0x37: {  	[smem:$0x3FAB] =	sst s10  }
0x38: {  	s10 =	sld [smem:$0x3FAC]  }
0x39: {  	_ = 	snop;
	(pc) =	sbr.ind lr, $3  }
0x3a: {  	_ = 	snop  }
0x3b: {  	_ = 	snop  }
0x3c: {  	p2 =	seq.s32 s10, $0x1;
	s10 =	sld [smem:$0x3FAB]  }
0x3d: {  	_ =	shalt  }
0x3e: {  	_ =	shalt  }
0x3f: {  	_ =	shalt  }
0x40: {  	_ =	shalt  }
0x41: {  	_ =	shalt  }
0x42: {  	_ =	shalt  }
0x43: {  	_ =	shalt  }
0x44: {  	_ =	shalt  }
0x45: {  	_ =	shalt  }
0x46: {  	_ =	shalt  }
0x47: {  	_ =	shalt  }
0x48: {  	_ =	shalt  }
0x49: {  	_ =	shalt  }
0x4a: {  	_ =	shalt  }
0x4b: {  	_ =	shalt  }
0x4c: {  	_ =	shalt  }
0x4d: {  	_ =	shalt  }
0x4e: {  	_ =	shalt  }
0x4f: {  	_ =	shalt  }
0x50: {  	_ =	shalt  }
0x51: {  	_ =	shalt  }
0x52: {  	_ =	shalt  }
0x53: {  	_ =	shalt  }
0x54: {  	_ =	shalt  }
0x55: {  	_ =	shalt  }
0x56: {  	_ =	shalt  }
0x57: {  	_ =	shalt  }
0x58: {  	_ =	shalt  }
0x59: {  	_ =	shalt  }
0x5a: {  	_ =	shalt  }
0x5b: {  	_ =	shalt  }
0x5c: {  	_ =	shalt  }
0x5d: {  	_ =	shalt  }
0x5e: {  	_ =	shalt  }
0x5f: {  	_ =	shalt  }
0x60: {  	_ =	shalt  }
0x61: {  	_ =	shalt  }
0x62: {  	_ =	shalt  }
0x63: {  	_ =	shalt  }
0x64: {  	_ =	shalt  }
0x65: {  	_ =	shalt  }
0x66: {  	_ =	shalt  }
0x67: {  	_ =	shalt  }
0x68: {  	_ =	shalt  }
0x69: {  	_ =	shalt  }
0x6a: {  	_ =	shalt  }
0x6b: {  	_ =	shalt  }
0x6c: {  	_ =	shalt  }
0x6d: {  	_ =	shalt  }
0x6e: {  	_ =	shalt  }
0x6f: {  	_ =	shalt  }
0x70: {  	_ =	shalt  }
0x71: {  	_ =	shalt  }
0x72: {  	_ =	shalt  }
0x73: {  	_ =	shalt  }
0x74: {  	_ =	shalt  }
0x75: {  	_ =	shalt  }
0x76: {  	_ =	shalt  }
0x77: {  	_ =	shalt  }
0x78: {  	_ =	shalt  }
0x79: {  	_ =	shalt  }
0x7a: {  	_ =	shalt  }
0x7b: {  	_ =	shalt  }
0x7c: {  	_ =	shalt  }
0x7d: {  	_ =	shalt  }
0x7e: {  	_ =	shalt  }
0x7f: {  	_ =	shalt  }
0x80: {  	_ =	shalt  }
0x81: {  	_ =	shalt  }
0x82: {  	_ =	shalt  }
0x83: {  	_ =	shalt  }
0x84: {  	_ =	shalt  }
0x85: {  	_ =	shalt  }
0x86: {  	_ =	shalt  }
0x87: {  	_ =	shalt  }
.Lfunc_end0:
.L_simem_size_0:
called_computation_lowered:
.L_overlay_start_0:
0x88: {  	s2 =	sld [smem:$0x3FD9]  }
0x89: {  	s3 =	sld [smem:$0x3FFE];
	_ =	sdelay $0x1  }
0x8a: {  	s1 =	srdreg.scid  }
0x8b: {  	s0 =	sand.u32 $0x1, s1  }
0x8c: {  	s17 =	sshll.u32 s0, $0xA;
	s2 =	sadd.s32 s3, s2  }
0x8d: {  	s2 =	sadd.s32 s2, s17  }
0x8e: {  	[smem:$0x3FB7] =	sst s2  }
0x8f: {  	_ = 	snop  }
0x90: {  	s2 =	sld [smem:$0x3FC6]  }
0x91: {  	s18 =	sld [smem:$0x3FC5]  }
0x92: {  	s4 =	sld [smem:$0x3FC3]  }
0x93: {  	s5 =	sld [smem:$0x3FC2];
	(tm) =	ssettm $0x1  }
0x94: {  	s6 =	sld [smem:$0x3FFB];
	_ =	sdelay $0x3  }
0x95: {  	_ =	strace s6  }
0x96: {  	s6 =	sld [smem:$0x3FFC];
	_ =	sdelay $0x3  }
0x97: {  	_ =	strace s6  }
0x98: {  	s6 =	sld [smem:$0x3FFD];
	_ =	sdelay $0x3  }
0x99: {  	_ =	strace s6  }
0x9a: {  	_ =	strace $0x8FFFFFFF  }
0x9b: {  	s19 =	sld [smem:$0x3FDB];
	_ =	sdelay $0x1  }
0x9c: {  	s7 =	simm.s32 $_scs_section_size  }
0x9d: {  	s8 =	simm.s32 $_size__tile_overlayer_lowered;
	s9 =	simm.s32 $_tile_overlayer_lowered  }
0x9e: {  	s22 =	simm.s32 $0x1BFF;
	s21 =	sshll.u32 s9, $0x1;
	s6 =	sadd.s32 s7, s19  }
0x9f: {  	s10 =	simm.s32 $0x0;
	s20 =	sshll.u32 s8, $0x1;
	s8 =	sadd.s32 s21, s6  }
0xa0: {  	[timem:s10], [sflag:s22] =	dma.local [hbm:s8], s20  }
0xa1: {  	_ =	swait.ge [sflag:s22], s20  }
0xa2: {  	s7 =	ssub.s32 $0x0, s20;
	[sflag:s22] =	ssyncset.done $0x0  }
0xa3: {  	[sflag:s22] =	ssyncadd.s32 s7;
	_ =	sdelay $0x1  }
0xa4: {  	s23 =	simm.s32 $0x1B8B  }
0xa5: {  	_ =	swait.ge [sflag:s23], $0x1  }
0xa6: {  	[sflag:s23] =	ssyncset.done $0x0  }
0xa7: {  	s25 =	simm.s32 $0x1B8E;
	s24 =	sld [smem:$0x3FFE];
	[sflag:s23] =	ssyncadd.s32 $0xFFFFFFFF  }
0xa8: {  	s26 =	simm.s32 $execute0_lowered;
	[smem:$0x3FD2] =	sst s25  }
0xa9: {  	s8 =	sshll.u32 s26, $0x1;
	_ =	strace $0x80000046;
	[dreg:$0x1] =	wrdreg $0xFFFFFFFF  }
0xaa: {  	s28 =	simm.s32 $_size_execute0_lowered;
	s6 =	sadd.s32 s6, s8;
	[dreg:$0x0] =	wrdreg $0x0  }
0xab: {  	s8 =	sshll.u32 s28, $0x1;
	[dreg:$0x2] =	wrdreg s6  }
0xac: {  	[dreg:$0x3] =	wrdreg s8  }
0xad: {  	[dreg:$0x4] =	wrdreg $0xC0  }
0xae: {  	_ =	task [dreg:s10], $0x5FFFF  }
0xaf: {  	[dreg:$0x1] =	wrdreg $0xFFFFFFFF  }
0xb0: {  	[dreg:$0x0] =	wrdreg $0x60  }
0xb1: {  	[dreg:$0x2] =	wrdreg s4  }
0xb2: {  	[dreg:$0x3] =	wrdreg s5  }
0xb3: {  	[dreg:$0x4] =	wrdreg s18  }
0xb4: {  	[dreg:$0x5] =	wrdreg s2  }
0xb5: {  	[dreg:$0x6] =	wrdreg s24  }
0xb6: {  	[dreg:$0x7] =	wrdreg $0x9  }
0xb7: {  	_ =	task.clear_ibuf [dreg:s10], $0x8FFFF;
	_ =	strace $0x90000046  }
0xb8: {  	s29 =	simm.s32 $0x9;
	_ =	strace $0x80000048  }
0xb9: {  	_ =	swait.ge [sflag:s29], $0x1  }
0xba: {  	[sflag:s29] =	ssyncadd.s32 $0xFFFFFFFF  }
0xbb: {  	_ =	strace $0x90000048  }
0xbc: {  	_ =	sfence  }
0xbd: {  	s30 =	sld [smem:$0x0];
	_ =	sdelay $0x2  }
0xbe: {  	s31 =	sshll.u32 s1, $0xD;
	s1 =	sshrl.u32 s1, $0x2  }
0xbf: {  	s3 =	sand.u32 $0x4000, s31;
	s1 =	sadd.s32 s1, s30  }
0xc0: {  	s0 =	sor.u32 s3, s0;
	s1 =	sshll.u32 s1, $0x11  }
0xc1: {  	s0 =	sor.u32 s1, s0  }
0xc2: {  	s0 =	sadd.s32 $0x8F2B, s0  }
0xc3: {  	[sflag:s0] =	ssyncadd.remote.s32 $0x1  }
0xc4: {  	_ =	sfence.sel $0xFFFF  }
0xc5: {  	[dreg:$0x0] =	wrdreg $0xFFFFFFFF;
	(pc) =	sbr.abs _section_cstart, $3  }
0xc6: {  	[dreg:$0x1] =	wrdreg $0xFFFFFFFF  }
0xc7: {  	_ =	task.clear_ibuf [dreg:s10], $0x2FFFF;
	_ =	strace $0x9FFFFFFF  }
0xc8: {  	(tm) =	ssettm $0x7FFFFFFF  }
0xc9: {  	_ =	shalt  }
tec
execute0_lowered:
.L_overlay_start_1:
0x0: {  	(tag) =	ssettag $0x1  }
0x1: {  	s0 =	rddreg [dreg:$0x0]  }
0x2: {  	s2 =	rddreg [dreg:$0x1];
	s3 =	srdreg.scid  }
0x3: {  	s1 =	rddreg [dreg:$0x2];
	s4 =	stileid.u32;
	s3 =	sand.u32 $0x1, s3  }
0x4: {  	s5 =	rddreg [dreg:$0x3];
	s7 =	sshll.u32 s4, $0xB;
	s8 =	sshll.u32 s3, $0xA  }
0x5: {  	s6 =	rddreg [dreg:$0x4];
	s4 =	simm.s32 $0x0;
	s7 =	sor.u32 s8, s7  }
0x6: {  	s31 =	simm.s32 $0x1;
	[smem:$0x7FF] =	sst s4;
	s8 =	sshrl.u32 s7, $0x3  }
0x7: {  	s9 =	sadd.s32 $0x2E00, s6;
	_ =	strace $0x80000047;
	s1 =	sadd.s32 s1, s8  }
0x8: {  	s24 =	sshll.u32 s7, $0x5;
	s23 =	sadd.s32 s5, s8;
	[dreg:$0x6] =	wrdreg s1  }
0x9: {  	s6 =	sadd.s32 $0x102E00, s6;
	s25 =	sadd.s32 s9, s24;
	[dreg:$0x7] =	wrdreg s23  }
0xa: {  	s7 =	sor.u32 $0x1000, s24;
	s18 =	sadd.s32 s6, s24;
	[dreg:$0x8] =	wrdreg s25  }
0xb: {  	s30 =	sor.u32 $0x2000, s24;
	s26 =	sadd.s32 s9, s7;
	[dreg:$0x10] =	wrdreg s18  }
0xc: {  	s10 =	sor.u32 $0x3000, s24;
	s12 =	sadd.s32 s9, s30;
	[dreg:$0x9] =	wrdreg s26  }
0xd: {  	s11 =	sor.u32 $0x4000, s24;
	s13 =	sadd.s32 s9, s10;
	[dreg:$0xa] =	wrdreg s12  }
0xe: {  	s28 =	simm.s32 $0x5;
	s14 =	sadd.s32 s9, s11;
	[dreg:$0xb] =	wrdreg s13  }
0xf: {  	s29 =	simm.s32 $0x6;
	s19 =	sadd.s32 s6, s7;
	[dreg:$0xc] =	wrdreg s14  }
0x10: {  	s3 =	ssub.s32 $0x2, s3;
	s20 =	sadd.s32 s6, s30;
	[dreg:$0x11] =	wrdreg s19  }
0x11: {  	s21 =	sadd.s32 s6, s10;
	s22 =	sadd.s32 s6, s11;
	[dreg:$0x12] =	wrdreg s20  }
0x12: {  	s25 =	sshrl.u32 s3, $0x1;
	s30 =	simm.s32 $0x400;
	[dreg:$0x13] =	wrdreg s21  }
0x13: {  	s7 =	simm.s32 $0x800;
	s12 =	sor.u32 $0x5000, s24;
	[dreg:$0x14] =	wrdreg s22  }
0x14: {  	s13 =	sor.u32 $0x6000, s24;
	[dreg:$0x18] =	wrdreg s30;
	s15 =	sadd.s32 s9, s12  }
0x15: {  	s14 =	sor.u32 $0x7000, s24;
	s16 =	sadd.s32 s9, s13;
	[dreg:$0xd] =	wrdreg s15  }
0x16: {  	s3 =	ssub.s32 s3, s25;
	s17 =	sadd.s32 s9, s14;
	[dreg:$0xe] =	wrdreg s16  }
0x17: {  	s25 =	simm.s32 $0x4;
	s23 =	sadd.s32 s6, s12;
	[dreg:$0xf] =	wrdreg s17  }
0x18: {  	v2 =	vlaneseq.u32;
	s24 =	sadd.s32 s6, s13;
	s26 =	sadd.s32 s6, s14;
	[dreg:$0x15] =	wrdreg s23  }
0x19: {  	vm0 =	vmmov $0xffff;
	v1 =	vshrl.u32 v2, $0x3;
	s5 =	smax.u32 s3, $0x1;
	s3 =	simm.s32 $0x8800;
	[dreg:$0x16] =	wrdreg s24  }
0x1a: {  	v0 =	vand.u32 $0x7, v2;
	v2 =	vor.u32 $0x8, v2;
	v1 =	vmul.u32 $0x8, v1;
	[dreg:$0x17] =	wrdreg s26;
	s24 =	simm.s32 $0x2;
	s26 =	simm.s32 $0x3  }
.LBB2_1:
0x1b: {  	s30 =	rddreg [dreg:$0x6];
	s6 =	simm.s32 $0x7  }
0x1c: {  	[tilespmem:s4], [sflag:$0x7] =	stream.linear.gather [hbm4b:s30+s4], $0x400, $0x38;
	[tilespmem:$0x18800] =	vst v63  }
0x1d: {  	_ =	swait.ge [sflag:s6], $0x400  }
0x1e: {  	s13 =	rddreg [dreg:$0x7];
	[sflag:s6] =	ssyncset.done $0x0  }
0x1f: {  	s1 =	rddreg [dreg:$0x18];
	[sflag:s6] =	ssyncadd.s32 $0xFFFFFC00  }
0x20: {  	[tilespmem:s1], [sflag:$0x7] =	stream.linear.gather [hbm4b:s13+s4], $0x400, $0x38;
	[tilespmem:$0x18800] =	vst v63  }
0x21: {  	_ =	swait.ge [sflag:s6], $0x400  }
0x22: {  	[sflag:s6] =	ssyncset.done $0x0  }
0x23: {  	[sflag:s6] =	ssyncadd.s32 $0xFFFFFC00  }
0x24: {  	v3 =	vld [tilespmem:$0x0];
	_ =	sdelay $0x4  }
0x25: {  	v4 =	vshll.u32 v3, $0x1  }
0x26: {  	v3 =	vand.u32 $0x7, v3;
	v4 =	vand.u32 $0xFFFFFFF0, v4  }
0x27: {  	v3 =	vor.u32 v3, v4  }
0x28: {  	v4 =	vperm.xlane v3, v0;
	_ =	sdelay $0x1  }
0x29: {  	v3 =	vperm.xlane v3, v2;
	v4 =	vadd.s32 v1, v4;
	_ =	sdelay $0x1  }
0x2a: {  	v3 =	vadd.s32 v1, v3;
	_ =	sdelay $0x2  }
0x2b: {  	[tilespmem:s7], [sflag:$0x1] =	stream.indirect_vreg.gather [hbm4b:s0+s4], $0x80, v4, vm0, $0xb8;
	[tilespmem:$0x18800] =	vst v63  }
0x2c: {  	s14 =	simm.s32 $0x1000  }
0x2d: {  	[tilespmem:s14], [sflag:$0x1] =	stream.indirect_vreg.gather [hbm4b:s0+s4], $0x80, v3, vm0, $0xb8;
	[tilespmem:$0x18800] =	vst v63  }
0x2e: {  	v3 =	vld [tilespmem:$0x10];
	_ =	sdelay $0x4  }
0x2f: {  	v49 =	vshll.u32 v3, $0x1  }
0x30: {  	v3 =	vand.u32 $0x7, v3;
	v4 =	vand.u32 $0xFFFFFFF0, v49  }
0x31: {  	v3 =	vor.u32 v3, v4  }
0x32: {  	v4 =	vperm.xlane v3, v0;
	_ =	sdelay $0x1  }
0x33: {  	v3 =	vperm.xlane v3, v2;
	v4 =	vadd.s32 v1, v4;
	_ =	sdelay $0x1  }
0x34: {  	v3 =	vadd.s32 v1, v3;
	_ =	sdelay $0x1  }
0x35: {  	s15 =	simm.s32 $0x1800  }
0x36: {  	[tilespmem:s15], [sflag:$0x1] =	stream.indirect_vreg.gather [hbm4b:s0+s4], $0x80, v4, vm0, $0xb8;
	[tilespmem:$0x18800] =	vst v63  }
0x37: {  	s16 =	simm.s32 $0x2000  }
0x38: {  	[tilespmem:s16], [sflag:$0x1] =	stream.indirect_vreg.gather [hbm4b:s0+s4], $0x80, v3, vm0, $0xb8;
	[tilespmem:$0x18800] =	vst v63  }
0x39: {  	v3 =	vld [tilespmem:$0x20];
	_ =	sdelay $0x4  }
0x3a: {  	v50 =	vshll.u32 v3, $0x1  }
0x3b: {  	v3 =	vand.u32 $0x7, v3;
	v4 =	vand.u32 $0xFFFFFFF0, v50  }
0x3c: {  	v3 =	vor.u32 v3, v4  }
0x3d: {  	v4 =	vperm.xlane v3, v0;
	_ =	sdelay $0x1  }
0x3e: {  	v3 =	vperm.xlane v3, v2;
	v4 =	vadd.s32 v1, v4;
	_ =	sdelay $0x1  }
0x3f: {  	v3 =	vadd.s32 v1, v3;
	_ =	sdelay $0x1  }
0x40: {  	s17 =	simm.s32 $0x2800  }
0x41: {  	[tilespmem:s17], [sflag:$0x1] =	stream.indirect_vreg.gather [hbm4b:s0+s4], $0x80, v4, vm0, $0xb8;
	[tilespmem:$0x18800] =	vst v63  }
0x42: {  	s18 =	simm.s32 $0x3000  }
0x43: {  	[tilespmem:s18], [sflag:$0x1] =	stream.indirect_vreg.gather [hbm4b:s0+s4], $0x80, v3, vm0, $0xb8;
	[tilespmem:$0x18800] =	vst v63  }
0x44: {  	v3 =	vld [tilespmem:$0x30];
	_ =	sdelay $0x4  }
0x45: {  	v51 =	vshll.u32 v3, $0x1  }
0x46: {  	v3 =	vand.u32 $0x7, v3;
	v4 =	vand.u32 $0xFFFFFFF0, v51  }
0x47: {  	v3 =	vor.u32 v3, v4  }
0x48: {  	v4 =	vperm.xlane v3, v0;
	_ =	sdelay $0x1  }
0x49: {  	v3 =	vperm.xlane v3, v2;
	v4 =	vadd.s32 v1, v4;
	_ =	sdelay $0x1  }
0x4a: {  	v3 =	vadd.s32 v1, v3;
	_ =	sdelay $0x1  }
0x4b: {  	s19 =	simm.s32 $0x3800  }
0x4c: {  	[tilespmem:s19], [sflag:$0x1] =	stream.indirect_vreg.gather [hbm4b:s0+s4], $0x80, v4, vm0, $0xb8;
	[tilespmem:$0x18800] =	vst v63  }
0x4d: {  	s20 =	simm.s32 $0x4000  }
0x4e: {  	[tilespmem:s20], [sflag:$0x1] =	stream.indirect_vreg.gather [hbm4b:s0+s4], $0x80, v3, vm0, $0xb8;
	[tilespmem:$0x18800] =	vst v63  }
0x4f: {  	v3 =	vld [tilespmem:$0x40];
	_ =	sdelay $0x4  }
0x50: {  	v52 =	vshll.u32 v3, $0x1  }
0x51: {  	v3 =	vand.u32 $0x7, v3;
	v4 =	vand.u32 $0xFFFFFFF0, v52  }
0x52: {  	v3 =	vor.u32 v3, v4  }
0x53: {  	v4 =	vperm.xlane v3, v0;
	_ =	sdelay $0x1  }
0x54: {  	v3 =	vperm.xlane v3, v2;
	v4 =	vadd.s32 v1, v4;
	_ =	sdelay $0x1  }
0x55: {  	v3 =	vadd.s32 v1, v3;
	_ =	sdelay $0x1  }
0x56: {  	s30 =	simm.s32 $0x4800  }
0x57: {  	[tilespmem:s30], [sflag:$0x1] =	stream.indirect_vreg.gather [hbm4b:s0+s4], $0x80, v4, vm0, $0xb8;
	[tilespmem:$0x18800] =	vst v63  }
0x58: {  	s6 =	simm.s32 $0x5000  }
0x59: {  	[tilespmem:s6], [sflag:$0x1] =	stream.indirect_vreg.gather [hbm4b:s0+s4], $0x80, v3, vm0, $0xb8;
	[tilespmem:$0x18800] =	vst v63  }
0x5a: {  	v3 =	vld [tilespmem:$0x50];
	_ =	sdelay $0x4  }
0x5b: {  	v53 =	vshll.u32 v3, $0x1  }
0x5c: {  	v3 =	vand.u32 $0x7, v3;
	v4 =	vand.u32 $0xFFFFFFF0, v53  }
0x5d: {  	v3 =	vor.u32 v3, v4  }
0x5e: {  	v4 =	vperm.xlane v3, v0;
	_ =	sdelay $0x1  }
0x5f: {  	v3 =	vperm.xlane v3, v2;
	v4 =	vadd.s32 v1, v4;
	_ =	sdelay $0x1  }
0x60: {  	v3 =	vadd.s32 v1, v3;
	_ =	sdelay $0x1  }
0x61: {  	s9 =	simm.s32 $0x5800  }
0x62: {  	[tilespmem:s9], [sflag:$0x1] =	stream.indirect_vreg.gather [hbm4b:s0+s4], $0x80, v4, vm0, $0xb8;
	[tilespmem:$0x18800] =	vst v63  }
0x63: {  	s10 =	simm.s32 $0x6000  }
0x64: {  	[tilespmem:s10], [sflag:$0x1] =	stream.indirect_vreg.gather [hbm4b:s0+s4], $0x80, v3, vm0, $0xb8;
	[tilespmem:$0x18800] =	vst v63  }
0x65: {  	v3 =	vld [tilespmem:$0x60];
	_ =	sdelay $0x4  }
0x66: {  	v54 =	vshll.u32 v3, $0x1  }
0x67: {  	v3 =	vand.u32 $0x7, v3;
	v4 =	vand.u32 $0xFFFFFFF0, v54  }
0x68: {  	v3 =	vor.u32 v3, v4  }
0x69: {  	v4 =	vperm.xlane v3, v0;
	_ =	sdelay $0x1  }
0x6a: {  	v3 =	vperm.xlane v3, v2;
	v4 =	vadd.s32 v1, v4;
	_ =	sdelay $0x1  }
0x6b: {  	v3 =	vadd.s32 v1, v3;
	_ =	sdelay $0x1  }
0x6c: {  	s11 =	simm.s32 $0x6800  }
0x6d: {  	[tilespmem:s11], [sflag:$0x1] =	stream.indirect_vreg.gather [hbm4b:s0+s4], $0x80, v4, vm0, $0xb8;
	[tilespmem:$0x18800] =	vst v63  }
0x6e: {  	s18 =	simm.s32 $0x7000  }
0x6f: {  	[tilespmem:s18], [sflag:$0x1] =	stream.indirect_vreg.gather [hbm4b:s0+s4], $0x80, v3, vm0, $0xb8;
	[tilespmem:$0x18800] =	vst v63  }
0x70: {  	v3 =	vld [tilespmem:$0x70];
	_ =	sdelay $0x4  }
0x71: {  	v55 =	vshll.u32 v3, $0x1  }
0x72: {  	v3 =	vand.u32 $0x7, v3;
	v4 =	vand.u32 $0xFFFFFFF0, v55  }
0x73: {  	v3 =	vor.u32 v3, v4  }
0x74: {  	v4 =	vperm.xlane v3, v0;
	_ =	sdelay $0x1  }
0x75: {  	v3 =	vperm.xlane v3, v2;
	v4 =	vadd.s32 v1, v4;
	_ =	sdelay $0x1  }
0x76: {  	v3 =	vadd.s32 v1, v3;
	_ =	sdelay $0x1  }
0x77: {  	s19 =	simm.s32 $0x7800  }
0x78: {  	[tilespmem:s19], [sflag:$0x1] =	stream.indirect_vreg.gather [hbm4b:s0+s4], $0x80, v4, vm0, $0xb8;
	[tilespmem:$0x18800] =	vst v63  }
0x79: {  	s20 =	simm.s32 $0x8000  }
0x7a: {  	[tilespmem:s20], [sflag:$0x1] =	stream.indirect_vreg.gather [hbm4b:s0+s4], $0x80, v3, vm0, $0xb8;
	[tilespmem:$0x18800] =	vst v63  }
0x7b: {  	v3 =	vld [tilespmem:$0x80];
	_ =	sdelay $0x4  }
0x7c: {  	v56 =	vshll.u32 v3, $0x1  }
0x7d: {  	v3 =	vand.u32 $0x7, v3;
	v4 =	vand.u32 $0xFFFFFFF0, v56  }
0x7e: {  	v3 =	vor.u32 v3, v4  }
0x7f: {  	v4 =	vperm.xlane v3, v0;
	_ =	sdelay $0x1  }
0x80: {  	v3 =	vperm.xlane v3, v2;
	v4 =	vadd.s32 v1, v4;
	_ =	sdelay $0x1  }
0x81: {  	v3 =	vadd.s32 v1, v3;
	_ =	sdelay $0x2  }
0x82: {  	[tilespmem:s3], [sflag:$0x2] =	stream.indirect_vreg.gather [hbm4b:s0+s4], $0x80, v4, vm0, $0xb8;
	[tilespmem:$0x18800] =	vst v63  }
0x83: {  	s30 =	simm.s32 $0x9000  }
0x84: {  	[tilespmem:s30], [sflag:$0x2] =	stream.indirect_vreg.gather [hbm4b:s0+s4], $0x80, v3, vm0, $0xb8;
	[tilespmem:$0x18800] =	vst v63  }
0x85: {  	v3 =	vld [tilespmem:$0x90];
	_ =	sdelay $0x4  }
0x86: {  	v57 =	vshll.u32 v3, $0x1  }
0x87: {  	v3 =	vand.u32 $0x7, v3;
	v4 =	vand.u32 $0xFFFFFFF0, v57  }
0x88: {  	v3 =	vor.u32 v3, v4  }
0x89: {  	v4 =	vperm.xlane v3, v0;
	_ =	sdelay $0x1  }
0x8a: {  	v3 =	vperm.xlane v3, v2;
	v4 =	vadd.s32 v1, v4;
	_ =	sdelay $0x1  }
0x8b: {  	v3 =	vadd.s32 v1, v3;
	_ =	sdelay $0x1  }
0x8c: {  	s6 =	simm.s32 $0x9800  }
0x8d: {  	[tilespmem:s6], [sflag:$0x2] =	stream.indirect_vreg.gather [hbm4b:s0+s4], $0x80, v4, vm0, $0xb8;
	[tilespmem:$0x18800] =	vst v63  }
0x8e: {  	s30 =	simm.s32 $0xA000  }
0x8f: {  	[tilespmem:s30], [sflag:$0x2] =	stream.indirect_vreg.gather [hbm4b:s0+s4], $0x80, v3, vm0, $0xb8;
	[tilespmem:$0x18800] =	vst v63  }
0x90: {  	v3 =	vld [tilespmem:$0xA0];
	_ =	sdelay $0x4  }
0x91: {  	v58 =	vshll.u32 v3, $0x1  }
0x92: {  	v3 =	vand.u32 $0x7, v3;
	v4 =	vand.u32 $0xFFFFFFF0, v58  }
0x93: {  	v3 =	vor.u32 v3, v4  }
0x94: {  	v4 =	vperm.xlane v3, v0;
	_ =	sdelay $0x1  }
0x95: {  	v3 =	vperm.xlane v3, v2;
	v4 =	vadd.s32 v1, v4;
	_ =	sdelay $0x1  }
0x96: {  	v3 =	vadd.s32 v1, v3;
	_ =	sdelay $0x1  }
0x97: {  	s6 =	simm.s32 $0xA800  }
0x98: {  	[tilespmem:s6], [sflag:$0x2] =	stream.indirect_vreg.gather [hbm4b:s0+s4], $0x80, v4, vm0, $0xb8;
	[tilespmem:$0x18800] =	vst v63  }
0x99: {  	s6 =	simm.s32 $0xB000  }
0x9a: {  	[tilespmem:s6], [sflag:$0x2] =	stream.indirect_vreg.gather [hbm4b:s0+s4], $0x80, v3, vm0, $0xb8;
	[tilespmem:$0x18800] =	vst v63  }
0x9b: {  	v3 =	vld [tilespmem:$0xB0];
	_ =	sdelay $0x4  }
0x9c: {  	v59 =	vshll.u32 v3, $0x1  }
0x9d: {  	v3 =	vand.u32 $0x7, v3;
	v4 =	vand.u32 $0xFFFFFFF0, v59  }
0x9e: {  	v3 =	vor.u32 v3, v4  }
0x9f: {  	v4 =	vperm.xlane v3, v0;
	_ =	sdelay $0x1  }
0xa0: {  	v3 =	vperm.xlane v3, v2;
	v4 =	vadd.s32 v1, v4;
	_ =	sdelay $0x1  }
0xa1: {  	v3 =	vadd.s32 v1, v3;
	_ =	sdelay $0x1  }
0xa2: {  	s6 =	simm.s32 $0xB800  }
0xa3: {  	[tilespmem:s6], [sflag:$0x2] =	stream.indirect_vreg.gather [hbm4b:s0+s4], $0x80, v4, vm0, $0xb8;
	[tilespmem:$0x18800] =	vst v63  }
0xa4: {  	s6 =	simm.s32 $0xC000  }
0xa5: {  	[tilespmem:s6], [sflag:$0x2] =	stream.indirect_vreg.gather [hbm4b:s0+s4], $0x80, v3, vm0, $0xb8;
	[tilespmem:$0x18800] =	vst v63  }
0xa6: {  	v3 =	vld [tilespmem:$0xC0];
	_ =	sdelay $0x4  }
0xa7: {  	v60 =	vshll.u32 v3, $0x1  }
0xa8: {  	v3 =	vand.u32 $0x7, v3;
	v4 =	vand.u32 $0xFFFFFFF0, v60  }
0xa9: {  	v3 =	vor.u32 v3, v4  }
0xaa: {  	v4 =	vperm.xlane v3, v0;
	_ =	sdelay $0x1  }
0xab: {  	v3 =	vperm.xlane v3, v2;
	v4 =	vadd.s32 v1, v4;
	_ =	sdelay $0x1  }
0xac: {  	v3 =	vadd.s32 v1, v3;
	_ =	sdelay $0x1  }
0xad: {  	s6 =	simm.s32 $0xC800  }
0xae: {  	[tilespmem:s6], [sflag:$0x2] =	stream.indirect_vreg.gather [hbm4b:s0+s4], $0x80, v4, vm0, $0xb8;
	[tilespmem:$0x18800] =	vst v63  }
0xaf: {  	s6 =	simm.s32 $0xD000  }
0xb0: {  	[tilespmem:s6], [sflag:$0x2] =	stream.indirect_vreg.gather [hbm4b:s0+s4], $0x80, v3, vm0, $0xb8;
	[tilespmem:$0x18800] =	vst v63  }
0xb1: {  	v3 =	vld [tilespmem:$0xD0];
	_ =	sdelay $0x4  }
0xb2: {  	v61 =	vshll.u32 v3, $0x1  }
0xb3: {  	v3 =	vand.u32 $0x7, v3;
	v4 =	vand.u32 $0xFFFFFFF0, v61  }
0xb4: {  	v3 =	vor.u32 v3, v4  }
0xb5: {  	v4 =	vperm.xlane v3, v0;
	_ =	sdelay $0x1  }
0xb6: {  	v3 =	vperm.xlane v3, v2;
	v4 =	vadd.s32 v1, v4;
	_ =	sdelay $0x1  }
0xb7: {  	v3 =	vadd.s32 v1, v3;
	_ =	sdelay $0x1  }
0xb8: {  	s6 =	simm.s32 $0xD800  }
0xb9: {  	[tilespmem:s6], [sflag:$0x2] =	stream.indirect_vreg.gather [hbm4b:s0+s4], $0x80, v4, vm0, $0xb8;
	[tilespmem:$0x18800] =	vst v63  }
0xba: {  	s6 =	simm.s32 $0xE000  }
0xbb: {  	[tilespmem:s6], [sflag:$0x2] =	stream.indirect_vreg.gather [hbm4b:s0+s4], $0x80, v3, vm0, $0xb8;
	[tilespmem:$0x18800] =	vst v63  }
0xbc: {  	v3 =	vld [tilespmem:$0xE0];
	_ =	sdelay $0x4  }
0xbd: {  	v62 =	vshll.u32 v3, $0x1  }
0xbe: {  	v3 =	vand.u32 $0x7, v3;
	v4 =	vand.u32 $0xFFFFFFF0, v62  }
0xbf: {  	v3 =	vor.u32 v3, v4  }
0xc0: {  	v4 =	vperm.xlane v3, v0;
	_ =	sdelay $0x1  }
0xc1: {  	v3 =	vperm.xlane v3, v2;
	v4 =	vadd.s32 v1, v4;
	_ =	sdelay $0x1  }
0xc2: {  	v3 =	vadd.s32 v1, v3;
	_ =	sdelay $0x1  }
0xc3: {  	s6 =	simm.s32 $0xE800  }
0xc4: {  	[tilespmem:s6], [sflag:$0x2] =	stream.indirect_vreg.gather [hbm4b:s0+s4], $0x80, v4, vm0, $0xb8;
	[tilespmem:$0x18800] =	vst v63  }
0xc5: {  	s6 =	simm.s32 $0xF000  }
0xc6: {  	[tilespmem:s6], [sflag:$0x2] =	stream.indirect_vreg.gather [hbm4b:s0+s4], $0x80, v3, vm0, $0xb8;
	[tilespmem:$0x18800] =	vst v63  }
0xc7: {  	v3 =	vld [tilespmem:$0xF0];
	_ =	sdelay $0x4  }
0xc8: {  	v63 =	vshll.u32 v3, $0x1  }
0xc9: {  	v3 =	vand.u32 $0x7, v3;
	v4 =	vand.u32 $0xFFFFFFF0, v63  }
0xca: {  	v3 =	vor.u32 v3, v4  }
0xcb: {  	v4 =	vperm.xlane v3, v0;
	_ =	sdelay $0x1  }
0xcc: {  	v3 =	vperm.xlane v3, v2;
	v4 =	vadd.s32 v1, v4;
	_ =	sdelay $0x1  }
0xcd: {  	v3 =	vadd.s32 v1, v3;
	_ =	sdelay $0x1  }
0xce: {  	s6 =	simm.s32 $0xF800  }
0xcf: {  	[tilespmem:s6], [sflag:$0x2] =	stream.indirect_vreg.gather [hbm4b:s0+s4], $0x80, v4, vm0, $0xb8;
	[tilespmem:$0x18800] =	vst v63  }
0xd0: {  	s6 =	simm.s32 $0x10000  }
0xd1: {  	[tilespmem:s6], [sflag:$0x2] =	stream.indirect_vreg.gather [hbm4b:s0+s4], $0x80, v3, vm0, $0xb8;
	[tilespmem:$0x18800] =	vst v63  }
0xd2: {  	_ =	swait.ge [sflag:s31], $0x8000  }
0xd3: {  	[sflag:s31] =	ssyncset.done $0x0  }
0xd4: {  	s6 =	rddreg [dreg:$0x8];
	[sflag:s31] =	ssyncadd.s32 $0xFFFF8000  }
0xd5: {  	[hbm4b:s6+s4] =	stream.linear.scatter [tilespmem:s7], [sflag:$0x4], $0x8000, $0x38;
	[tilespmem:$0x18800] =	vst v63  }
0xd6: {  	v3 =	vld [tilespmem:$0x100];
	_ =	sdelay $0x4  }
0xd7: {  	v8 =	vshll.u32 v3, $0x1  }
0xd8: {  	v3 =	vand.u32 $0x7, v3;
	v4 =	vand.u32 $0xFFFFFFF0, v8  }
0xd9: {  	v3 =	vor.u32 v3, v4  }
0xda: {  	v4 =	vperm.xlane v3, v0;
	_ =	sdelay $0x1  }
0xdb: {  	v3 =	vperm.xlane v3, v2;
	v4 =	vadd.s32 v1, v4;
	_ =	sdelay $0x1  }
0xdc: {  	v3 =	vadd.s32 v1, v3;
	_ =	sdelay $0x1  }
0xdd: {  	s6 =	simm.s32 $0x10800  }
0xde: {  	[tilespmem:s6], [sflag:$0x3] =	stream.indirect_vreg.gather [hbm4b:s0+s4], $0x80, v4, vm0, $0xb8;
	[tilespmem:$0x18800] =	vst v63  }
0xdf: {  	s1 =	simm.s32 $0x11000  }
0xe0: {  	[tilespmem:s1], [sflag:$0x3] =	stream.indirect_vreg.gather [hbm4b:s0+s4], $0x80, v3, vm0, $0xb8;
	[tilespmem:$0x18800] =	vst v63  }
0xe1: {  	v3 =	vld [tilespmem:$0x110];
	_ =	sdelay $0x4  }
0xe2: {  	v9 =	vshll.u32 v3, $0x1  }
0xe3: {  	v3 =	vand.u32 $0x7, v3;
	v4 =	vand.u32 $0xFFFFFFF0, v9  }
0xe4: {  	v3 =	vor.u32 v3, v4  }
0xe5: {  	v4 =	vperm.xlane v3, v0;
	_ =	sdelay $0x1  }
0xe6: {  	v3 =	vperm.xlane v3, v2;
	v4 =	vadd.s32 v1, v4;
	_ =	sdelay $0x1  }
0xe7: {  	v3 =	vadd.s32 v1, v3;
	_ =	sdelay $0x1  }
0xe8: {  	s1 =	simm.s32 $0x11800  }
0xe9: {  	[tilespmem:s1], [sflag:$0x3] =	stream.indirect_vreg.gather [hbm4b:s0+s4], $0x80, v4, vm0, $0xb8;
	[tilespmem:$0x18800] =	vst v63  }
0xea: {  	s1 =	simm.s32 $0x12000  }
0xeb: {  	[tilespmem:s1], [sflag:$0x3] =	stream.indirect_vreg.gather [hbm4b:s0+s4], $0x80, v3, vm0, $0xb8;
	[tilespmem:$0x18800] =	vst v63  }
0xec: {  	v3 =	vld [tilespmem:$0x120];
	_ =	sdelay $0x4  }
0xed: {  	v10 =	vshll.u32 v3, $0x1  }
0xee: {  	v3 =	vand.u32 $0x7, v3;
	v4 =	vand.u32 $0xFFFFFFF0, v10  }
0xef: {  	v3 =	vor.u32 v3, v4  }
0xf0: {  	v4 =	vperm.xlane v3, v0;
	_ =	sdelay $0x1  }
0xf1: {  	v3 =	vperm.xlane v3, v2;
	v4 =	vadd.s32 v1, v4;
	_ =	sdelay $0x1  }
0xf2: {  	v3 =	vadd.s32 v1, v3;
	_ =	sdelay $0x1  }
0xf3: {  	s1 =	simm.s32 $0x12800  }
0xf4: {  	[tilespmem:s1], [sflag:$0x3] =	stream.indirect_vreg.gather [hbm4b:s0+s4], $0x80, v4, vm0, $0xb8;
	[tilespmem:$0x18800] =	vst v63  }
0xf5: {  	s1 =	simm.s32 $0x13000  }
0xf6: {  	[tilespmem:s1], [sflag:$0x3] =	stream.indirect_vreg.gather [hbm4b:s0+s4], $0x80, v3, vm0, $0xb8;
	[tilespmem:$0x18800] =	vst v63  }
0xf7: {  	v3 =	vld [tilespmem:$0x130];
	_ =	sdelay $0x4  }
0xf8: {  	v11 =	vshll.u32 v3, $0x1  }
0xf9: {  	v3 =	vand.u32 $0x7, v3;
	v4 =	vand.u32 $0xFFFFFFF0, v11  }
0xfa: {  	v3 =	vor.u32 v3, v4  }
0xfb: {  	v4 =	vperm.xlane v3, v0;
	_ =	sdelay $0x1  }
0xfc: {  	v3 =	vperm.xlane v3, v2;
	v4 =	vadd.s32 v1, v4;
	_ =	sdelay $0x1  }
0xfd: {  	v3 =	vadd.s32 v1, v3;
	_ =	sdelay $0x1  }
0xfe: {  	s1 =	simm.s32 $0x13800  }
0xff: {  	[tilespmem:s1], [sflag:$0x3] =	stream.indirect_vreg.gather [hbm4b:s0+s4], $0x80, v4, vm0, $0xb8;
	[tilespmem:$0x18800] =	vst v63  }
0x100: {  	s1 =	simm.s32 $0x14000  }
0x101: {  	[tilespmem:s1], [sflag:$0x3] =	stream.indirect_vreg.gather [hbm4b:s0+s4], $0x80, v3, vm0, $0xb8;
	[tilespmem:$0x18800] =	vst v63  }
0x102: {  	v3 =	vld [tilespmem:$0x140];
	_ =	sdelay $0x4  }
0x103: {  	v12 =	vshll.u32 v3, $0x1  }
0x104: {  	v3 =	vand.u32 $0x7, v3;
	v4 =	vand.u32 $0xFFFFFFF0, v12  }
0x105: {  	v3 =	vor.u32 v3, v4  }
0x106: {  	v4 =	vperm.xlane v3, v0;
	_ =	sdelay $0x1  }
0x107: {  	v3 =	vperm.xlane v3, v2;
	v4 =	vadd.s32 v1, v4;
	_ =	sdelay $0x1  }
0x108: {  	v3 =	vadd.s32 v1, v3;
	_ =	sdelay $0x1  }
0x109: {  	s1 =	simm.s32 $0x14800  }
0x10a: {  	[tilespmem:s1], [sflag:$0x3] =	stream.indirect_vreg.gather [hbm4b:s0+s4], $0x80, v4, vm0, $0xb8;
	[tilespmem:$0x18800] =	vst v63  }
0x10b: {  	s1 =	simm.s32 $0x15000  }
0x10c: {  	[tilespmem:s1], [sflag:$0x3] =	stream.indirect_vreg.gather [hbm4b:s0+s4], $0x80, v3, vm0, $0xb8;
	[tilespmem:$0x18800] =	vst v63  }
0x10d: {  	v3 =	vld [tilespmem:$0x150];
	_ =	sdelay $0x4  }
0x10e: {  	v13 =	vshll.u32 v3, $0x1  }
0x10f: {  	v3 =	vand.u32 $0x7, v3;
	v4 =	vand.u32 $0xFFFFFFF0, v13  }
0x110: {  	v3 =	vor.u32 v3, v4  }
0x111: {  	v4 =	vperm.xlane v3, v0;
	_ =	sdelay $0x1  }
0x112: {  	v3 =	vperm.xlane v3, v2;
	v4 =	vadd.s32 v1, v4;
	_ =	sdelay $0x1  }
0x113: {  	v3 =	vadd.s32 v1, v3;
	_ =	sdelay $0x1  }
0x114: {  	s1 =	simm.s32 $0x15800  }
0x115: {  	[tilespmem:s1], [sflag:$0x3] =	stream.indirect_vreg.gather [hbm4b:s0+s4], $0x80, v4, vm0, $0xb8;
	[tilespmem:$0x18800] =	vst v63  }
0x116: {  	s1 =	simm.s32 $0x16000  }
0x117: {  	[tilespmem:s1], [sflag:$0x3] =	stream.indirect_vreg.gather [hbm4b:s0+s4], $0x80, v3, vm0, $0xb8;
	[tilespmem:$0x18800] =	vst v63  }
0x118: {  	v3 =	vld [tilespmem:$0x160];
	_ =	sdelay $0x4  }
0x119: {  	v14 =	vshll.u32 v3, $0x1  }
0x11a: {  	v3 =	vand.u32 $0x7, v3;
	v4 =	vand.u32 $0xFFFFFFF0, v14  }
0x11b: {  	v3 =	vor.u32 v3, v4  }
0x11c: {  	v4 =	vperm.xlane v3, v0;
	_ =	sdelay $0x1  }
0x11d: {  	v3 =	vperm.xlane v3, v2;
	v4 =	vadd.s32 v1, v4;
	_ =	sdelay $0x1  }
0x11e: {  	v3 =	vadd.s32 v1, v3;
	_ =	sdelay $0x1  }
0x11f: {  	s1 =	simm.s32 $0x16800  }
0x120: {  	[tilespmem:s1], [sflag:$0x3] =	stream.indirect_vreg.gather [hbm4b:s0+s4], $0x80, v4, vm0, $0xb8;
	[tilespmem:$0x18800] =	vst v63  }
0x121: {  	s1 =	simm.s32 $0x17000  }
0x122: {  	[tilespmem:s1], [sflag:$0x3] =	stream.indirect_vreg.gather [hbm4b:s0+s4], $0x80, v3, vm0, $0xb8;
	[tilespmem:$0x18800] =	vst v63  }
0x123: {  	v3 =	vld [tilespmem:$0x170];
	_ =	sdelay $0x4  }
0x124: {  	v15 =	vshll.u32 v3, $0x1  }
0x125: {  	v3 =	vand.u32 $0x7, v3;
	v4 =	vand.u32 $0xFFFFFFF0, v15  }
0x126: {  	v3 =	vor.u32 v3, v4  }
0x127: {  	v4 =	vperm.xlane v3, v0;
	_ =	sdelay $0x1  }
0x128: {  	v3 =	vperm.xlane v3, v2;
	v4 =	vadd.s32 v1, v4;
	_ =	sdelay $0x1  }
0x129: {  	v3 =	vadd.s32 v1, v3;
	_ =	sdelay $0x1  }
0x12a: {  	s1 =	simm.s32 $0x17800  }
0x12b: {  	[tilespmem:s1], [sflag:$0x3] =	stream.indirect_vreg.gather [hbm4b:s0+s4], $0x80, v4, vm0, $0xb8;
	[tilespmem:$0x18800] =	vst v63  }
0x12c: {  	s1 =	simm.s32 $0x18000  }
0x12d: {  	[tilespmem:s1], [sflag:$0x3] =	stream.indirect_vreg.gather [hbm4b:s0+s4], $0x80, v3, vm0, $0xb8;
	[tilespmem:$0x18800] =	vst v63  }
0x12e: {  	_ =	swait.ge [sflag:s24], $0x8000  }
0x12f: {  	[sflag:s24] =	ssyncset.done $0x0  }
0x130: {  	s1 =	rddreg [dreg:$0x9];
	[sflag:s24] =	ssyncadd.s32 $0xFFFF8000  }
0x131: {  	[hbm4b:s1+s4] =	stream.linear.scatter [tilespmem:s3], [sflag:$0x5], $0x8000, $0x38;
	[tilespmem:$0x18800] =	vst v63  }
0x132: {  	_ =	swait.ge [sflag:s25], $0x8000  }
0x133: {  	[sflag:s25] =	ssyncset.done $0x0  }
0x134: {  	[sflag:s25] =	ssyncadd.s32 $0xFFFF8000  }
0x135: {  	v3 =	vld [tilespmem:$0x180];
	_ =	sdelay $0x4  }
0x136: {  	v16 =	vshll.u32 v3, $0x1  }
0x137: {  	v3 =	vand.u32 $0x7, v3;
	v4 =	vand.u32 $0xFFFFFFF0, v16  }
0x138: {  	v3 =	vor.u32 v3, v4  }
0x139: {  	v4 =	vperm.xlane v3, v0;
	_ =	sdelay $0x1  }
0x13a: {  	v3 =	vperm.xlane v3, v2;
	v4 =	vadd.s32 v1, v4;
	_ =	sdelay $0x1  }
0x13b: {  	v3 =	vadd.s32 v1, v3;
	_ =	sdelay $0x2  }
0x13c: {  	[tilespmem:s7], [sflag:$0x1] =	stream.indirect_vreg.gather [hbm4b:s0+s4], $0x80, v4, vm0, $0xb8;
	[tilespmem:$0x18800] =	vst v63  }
0x13d: {  	s12 =	simm.s32 $0x1000  }
0x13e: {  	[tilespmem:s12], [sflag:$0x1] =	stream.indirect_vreg.gather [hbm4b:s0+s4], $0x80, v3, vm0, $0xb8;
	[tilespmem:$0x18800] =	vst v63  }
0x13f: {  	v3 =	vld [tilespmem:$0x190];
	_ =	sdelay $0x4  }
0x140: {  	v17 =	vshll.u32 v3, $0x1  }
0x141: {  	v3 =	vand.u32 $0x7, v3;
	v4 =	vand.u32 $0xFFFFFFF0, v17  }
0x142: {  	v3 =	vor.u32 v3, v4  }
0x143: {  	v4 =	vperm.xlane v3, v0;
	_ =	sdelay $0x1  }
0x144: {  	v3 =	vperm.xlane v3, v2;
	v4 =	vadd.s32 v1, v4;
	_ =	sdelay $0x1  }
0x145: {  	v3 =	vadd.s32 v1, v3;
	_ =	sdelay $0x1  }
0x146: {  	s23 =	simm.s32 $0x1800  }
0x147: {  	[tilespmem:s23], [sflag:$0x1] =	stream.indirect_vreg.gather [hbm4b:s0+s4], $0x80, v4, vm0, $0xb8;
	[tilespmem:$0x18800] =	vst v63  }
0x148: {  	s13 =	simm.s32 $0x2000  }
0x149: {  	[tilespmem:s13], [sflag:$0x1] =	stream.indirect_vreg.gather [hbm4b:s0+s4], $0x80, v3, vm0, $0xb8;
	[tilespmem:$0x18800] =	vst v63  }
0x14a: {  	v3 =	vld [tilespmem:$0x1A0];
	_ =	sdelay $0x4  }
0x14b: {  	v18 =	vshll.u32 v3, $0x1  }
0x14c: {  	v3 =	vand.u32 $0x7, v3;
	v4 =	vand.u32 $0xFFFFFFF0, v18  }
0x14d: {  	v3 =	vor.u32 v3, v4  }
0x14e: {  	v4 =	vperm.xlane v3, v0;
	_ =	sdelay $0x1  }
0x14f: {  	v3 =	vperm.xlane v3, v2;
	v4 =	vadd.s32 v1, v4;
	_ =	sdelay $0x1  }
0x150: {  	v3 =	vadd.s32 v1, v3;
	_ =	sdelay $0x1  }
0x151: {  	s21 =	simm.s32 $0x2800  }
0x152: {  	[tilespmem:s21], [sflag:$0x1] =	stream.indirect_vreg.gather [hbm4b:s0+s4], $0x80, v4, vm0, $0xb8;
	[tilespmem:$0x18800] =	vst v63  }
0x153: {  	s14 =	simm.s32 $0x3000  }
0x154: {  	[tilespmem:s14], [sflag:$0x1] =	stream.indirect_vreg.gather [hbm4b:s0+s4], $0x80, v3, vm0, $0xb8;
	[tilespmem:$0x18800] =	vst v63  }
0x155: {  	v3 =	vld [tilespmem:$0x1B0];
	_ =	sdelay $0x4  }
0x156: {  	v19 =	vshll.u32 v3, $0x1  }
0x157: {  	v3 =	vand.u32 $0x7, v3;
	v4 =	vand.u32 $0xFFFFFFF0, v19  }
0x158: {  	v3 =	vor.u32 v3, v4  }
0x159: {  	v4 =	vperm.xlane v3, v0;
	_ =	sdelay $0x1  }
0x15a: {  	v3 =	vperm.xlane v3, v2;
	v4 =	vadd.s32 v1, v4;
	_ =	sdelay $0x1  }
0x15b: {  	v3 =	vadd.s32 v1, v3;
	_ =	sdelay $0x1  }
0x15c: {  	s22 =	simm.s32 $0x3800  }
0x15d: {  	[tilespmem:s22], [sflag:$0x1] =	stream.indirect_vreg.gather [hbm4b:s0+s4], $0x80, v4, vm0, $0xb8;
	[tilespmem:$0x18800] =	vst v63  }
0x15e: {  	s15 =	simm.s32 $0x4000  }
0x15f: {  	[tilespmem:s15], [sflag:$0x1] =	stream.indirect_vreg.gather [hbm4b:s0+s4], $0x80, v3, vm0, $0xb8;
	[tilespmem:$0x18800] =	vst v63  }
0x160: {  	v3 =	vld [tilespmem:$0x1C0];
	_ =	sdelay $0x4  }
0x161: {  	v20 =	vshll.u32 v3, $0x1  }
0x162: {  	v3 =	vand.u32 $0x7, v3;
	v4 =	vand.u32 $0xFFFFFFF0, v20  }
0x163: {  	v3 =	vor.u32 v3, v4  }
0x164: {  	v4 =	vperm.xlane v3, v0;
	_ =	sdelay $0x1  }
0x165: {  	v3 =	vperm.xlane v3, v2;
	v4 =	vadd.s32 v1, v4;
	_ =	sdelay $0x1  }
0x166: {  	v3 =	vadd.s32 v1, v3;
	_ =	sdelay $0x1  }
0x167: {  	s8 =	simm.s32 $0x4800  }
0x168: {  	[tilespmem:s8], [sflag:$0x1] =	stream.indirect_vreg.gather [hbm4b:s0+s4], $0x80, v4, vm0, $0xb8;
	[tilespmem:$0x18800] =	vst v63  }
0x169: {  	s16 =	simm.s32 $0x5000  }
0x16a: {  	[tilespmem:s16], [sflag:$0x1] =	stream.indirect_vreg.gather [hbm4b:s0+s4], $0x80, v3, vm0, $0xb8;
	[tilespmem:$0x18800] =	vst v63  }
0x16b: {  	v3 =	vld [tilespmem:$0x1D0];
	_ =	sdelay $0x4  }
0x16c: {  	v21 =	vshll.u32 v3, $0x1  }
0x16d: {  	v3 =	vand.u32 $0x7, v3;
	v4 =	vand.u32 $0xFFFFFFF0, v21  }
0x16e: {  	v3 =	vor.u32 v3, v4  }
0x16f: {  	v4 =	vperm.xlane v3, v0;
	_ =	sdelay $0x1  }
0x170: {  	v3 =	vperm.xlane v3, v2;
	v4 =	vadd.s32 v1, v4;
	_ =	sdelay $0x1  }
0x171: {  	v3 =	vadd.s32 v1, v3;
	_ =	sdelay $0x1  }
0x172: {  	s9 =	simm.s32 $0x5800  }
0x173: {  	[tilespmem:s9], [sflag:$0x1] =	stream.indirect_vreg.gather [hbm4b:s0+s4], $0x80, v4, vm0, $0xb8;
	[tilespmem:$0x18800] =	vst v63  }
0x174: {  	s17 =	simm.s32 $0x6000  }
0x175: {  	[tilespmem:s17], [sflag:$0x1] =	stream.indirect_vreg.gather [hbm4b:s0+s4], $0x80, v3, vm0, $0xb8;
	[tilespmem:$0x18800] =	vst v63  }
0x176: {  	v3 =	vld [tilespmem:$0x1E0];
	_ =	sdelay $0x4  }
0x177: {  	v22 =	vshll.u32 v3, $0x1  }
0x178: {  	v3 =	vand.u32 $0x7, v3;
	v4 =	vand.u32 $0xFFFFFFF0, v22  }
0x179: {  	v3 =	vor.u32 v3, v4  }
0x17a: {  	v4 =	vperm.xlane v3, v0;
	_ =	sdelay $0x1  }
0x17b: {  	v3 =	vperm.xlane v3, v2;
	v4 =	vadd.s32 v1, v4;
	_ =	sdelay $0x1  }
0x17c: {  	v3 =	vadd.s32 v1, v3;
	_ =	sdelay $0x1  }
0x17d: {  	s10 =	simm.s32 $0x6800  }
0x17e: {  	[tilespmem:s10], [sflag:$0x1] =	stream.indirect_vreg.gather [hbm4b:s0+s4], $0x80, v4, vm0, $0xb8;
	[tilespmem:$0x18800] =	vst v63  }
0x17f: {  	s18 =	simm.s32 $0x7000  }
0x180: {  	[tilespmem:s18], [sflag:$0x1] =	stream.indirect_vreg.gather [hbm4b:s0+s4], $0x80, v3, vm0, $0xb8;
	[tilespmem:$0x18800] =	vst v63  }
0x181: {  	v3 =	vld [tilespmem:$0x1F0];
	_ =	sdelay $0x4  }
0x182: {  	v23 =	vshll.u32 v3, $0x1  }
0x183: {  	v3 =	vand.u32 $0x7, v3;
	v4 =	vand.u32 $0xFFFFFFF0, v23  }
0x184: {  	v3 =	vor.u32 v3, v4  }
0x185: {  	v4 =	vperm.xlane v3, v0;
	_ =	sdelay $0x1  }
0x186: {  	v3 =	vperm.xlane v3, v2;
	v4 =	vadd.s32 v1, v4;
	_ =	sdelay $0x1  }
0x187: {  	v3 =	vadd.s32 v1, v3;
	_ =	sdelay $0x1  }
0x188: {  	s11 =	simm.s32 $0x7800  }
0x189: {  	[tilespmem:s11], [sflag:$0x1] =	stream.indirect_vreg.gather [hbm4b:s0+s4], $0x80, v4, vm0, $0xb8;
	[tilespmem:$0x18800] =	vst v63  }
0x18a: {  	s19 =	simm.s32 $0x8000  }
0x18b: {  	[tilespmem:s19], [sflag:$0x1] =	stream.indirect_vreg.gather [hbm4b:s0+s4], $0x80, v3, vm0, $0xb8;
	[tilespmem:$0x18800] =	vst v63  }
0x18c: {  	_ =	swait.ge [sflag:s26], $0x8000  }
0x18d: {  	[sflag:s26] =	ssyncset.done $0x0  }
0x18e: {  	s19 =	rddreg [dreg:$0xa];
	[sflag:s26] =	ssyncadd.s32 $0xFFFF8000  }
0x18f: {  	[hbm4b:s19+s4] =	stream.linear.scatter [tilespmem:s6], [sflag:$0x6], $0x8000, $0x38;
	[tilespmem:$0x18800] =	vst v63  }
0x190: {  	_ =	swait.ge [sflag:s28], $0x8000  }
0x191: {  	[sflag:s28] =	ssyncset.done $0x0  }
0x192: {  	[sflag:s28] =	ssyncadd.s32 $0xFFFF8000  }
0x193: {  	v3 =	vld [tilespmem:$0x200];
	_ =	sdelay $0x4  }
0x194: {  	v24 =	vshll.u32 v3, $0x1  }
0x195: {  	v3 =	vand.u32 $0x7, v3;
	v4 =	vand.u32 $0xFFFFFFF0, v24  }
0x196: {  	v3 =	vor.u32 v3, v4  }
0x197: {  	v4 =	vperm.xlane v3, v0;
	_ =	sdelay $0x1  }
0x198: {  	v3 =	vperm.xlane v3, v2;
	v4 =	vadd.s32 v1, v4;
	_ =	sdelay $0x1  }
0x199: {  	v3 =	vadd.s32 v1, v3;
	_ =	sdelay $0x2  }
0x19a: {  	[tilespmem:s3], [sflag:$0x2] =	stream.indirect_vreg.gather [hbm4b:s0+s4], $0x80, v4, vm0, $0xb8;
	[tilespmem:$0x18800] =	vst v63  }
0x19b: {  	s20 =	simm.s32 $0x9000  }
0x19c: {  	[tilespmem:s20], [sflag:$0x2] =	stream.indirect_vreg.gather [hbm4b:s0+s4], $0x80, v3, vm0, $0xb8;
	[tilespmem:$0x18800] =	vst v63  }
0x19d: {  	v3 =	vld [tilespmem:$0x210];
	_ =	sdelay $0x4  }
0x19e: {  	v25 =	vshll.u32 v3, $0x1  }
0x19f: {  	v3 =	vand.u32 $0x7, v3;
	v4 =	vand.u32 $0xFFFFFFF0, v25  }
0x1a0: {  	v3 =	vor.u32 v3, v4  }
0x1a1: {  	v4 =	vperm.xlane v3, v0;
	_ =	sdelay $0x1  }
0x1a2: {  	v3 =	vperm.xlane v3, v2;
	v4 =	vadd.s32 v1, v4;
	_ =	sdelay $0x1  }
0x1a3: {  	v3 =	vadd.s32 v1, v3;
	_ =	sdelay $0x1  }
0x1a4: {  	s20 =	simm.s32 $0x9800  }
0x1a5: {  	[tilespmem:s20], [sflag:$0x2] =	stream.indirect_vreg.gather [hbm4b:s0+s4], $0x80, v4, vm0, $0xb8;
	[tilespmem:$0x18800] =	vst v63  }
0x1a6: {  	s30 =	simm.s32 $0xA000  }
0x1a7: {  	[tilespmem:s30], [sflag:$0x2] =	stream.indirect_vreg.gather [hbm4b:s0+s4], $0x80, v3, vm0, $0xb8;
	[tilespmem:$0x18800] =	vst v63  }
0x1a8: {  	v3 =	vld [tilespmem:$0x220];
	_ =	sdelay $0x4  }
0x1a9: {  	v26 =	vshll.u32 v3, $0x1  }
0x1aa: {  	v3 =	vand.u32 $0x7, v3;
	v4 =	vand.u32 $0xFFFFFFF0, v26  }
0x1ab: {  	v3 =	vor.u32 v3, v4  }
0x1ac: {  	v4 =	vperm.xlane v3, v0;
	_ =	sdelay $0x1  }
0x1ad: {  	v3 =	vperm.xlane v3, v2;
	v4 =	vadd.s32 v1, v4;
	_ =	sdelay $0x1  }
0x1ae: {  	v3 =	vadd.s32 v1, v3;
	_ =	sdelay $0x1  }
0x1af: {  	s30 =	simm.s32 $0xA800  }
0x1b0: {  	[tilespmem:s30], [sflag:$0x2] =	stream.indirect_vreg.gather [hbm4b:s0+s4], $0x80, v4, vm0, $0xb8;
	[tilespmem:$0x18800] =	vst v63  }
0x1b1: {  	s19 =	simm.s32 $0xB000  }
0x1b2: {  	[tilespmem:s19], [sflag:$0x2] =	stream.indirect_vreg.gather [hbm4b:s0+s4], $0x80, v3, vm0, $0xb8;
	[tilespmem:$0x18800] =	vst v63  }
0x1b3: {  	v3 =	vld [tilespmem:$0x230];
	_ =	sdelay $0x4  }
0x1b4: {  	v27 =	vshll.u32 v3, $0x1  }
0x1b5: {  	v3 =	vand.u32 $0x7, v3;
	v4 =	vand.u32 $0xFFFFFFF0, v27  }
0x1b6: {  	v3 =	vor.u32 v3, v4  }
0x1b7: {  	v4 =	vperm.xlane v3, v0;
	_ =	sdelay $0x1  }
0x1b8: {  	v3 =	vperm.xlane v3, v2;
	v4 =	vadd.s32 v1, v4;
	_ =	sdelay $0x1  }
0x1b9: {  	v3 =	vadd.s32 v1, v3;
	_ =	sdelay $0x1  }
0x1ba: {  	s20 =	simm.s32 $0xB800  }
0x1bb: {  	[tilespmem:s20], [sflag:$0x2] =	stream.indirect_vreg.gather [hbm4b:s0+s4], $0x80, v4, vm0, $0xb8;
	[tilespmem:$0x18800] =	vst v63  }
0x1bc: {  	s30 =	simm.s32 $0xC000  }
0x1bd: {  	[tilespmem:s30], [sflag:$0x2] =	stream.indirect_vreg.gather [hbm4b:s0+s4], $0x80, v3, vm0, $0xb8;
	[tilespmem:$0x18800] =	vst v63  }
0x1be: {  	v3 =	vld [tilespmem:$0x240];
	_ =	sdelay $0x4  }
0x1bf: {  	v28 =	vshll.u32 v3, $0x1  }
0x1c0: {  	v3 =	vand.u32 $0x7, v3;
	v4 =	vand.u32 $0xFFFFFFF0, v28  }
0x1c1: {  	v3 =	vor.u32 v3, v4  }
0x1c2: {  	v4 =	vperm.xlane v3, v0;
	_ =	sdelay $0x1  }
0x1c3: {  	v3 =	vperm.xlane v3, v2;
	v4 =	vadd.s32 v1, v4;
	_ =	sdelay $0x1  }
0x1c4: {  	v3 =	vadd.s32 v1, v3;
	_ =	sdelay $0x1  }
0x1c5: {  	s19 =	simm.s32 $0xC800  }
0x1c6: {  	[tilespmem:s19], [sflag:$0x2] =	stream.indirect_vreg.gather [hbm4b:s0+s4], $0x80, v4, vm0, $0xb8;
	[tilespmem:$0x18800] =	vst v63  }
0x1c7: {  	s20 =	simm.s32 $0xD000  }
0x1c8: {  	[tilespmem:s20], [sflag:$0x2] =	stream.indirect_vreg.gather [hbm4b:s0+s4], $0x80, v3, vm0, $0xb8;
	[tilespmem:$0x18800] =	vst v63  }
0x1c9: {  	v3 =	vld [tilespmem:$0x250];
	_ =	sdelay $0x4  }
0x1ca: {  	v29 =	vshll.u32 v3, $0x1  }
0x1cb: {  	v3 =	vand.u32 $0x7, v3;
	v4 =	vand.u32 $0xFFFFFFF0, v29  }
0x1cc: {  	v3 =	vor.u32 v3, v4  }
0x1cd: {  	v4 =	vperm.xlane v3, v0;
	_ =	sdelay $0x1  }
0x1ce: {  	v3 =	vperm.xlane v3, v2;
	v4 =	vadd.s32 v1, v4;
	_ =	sdelay $0x1  }
0x1cf: {  	v3 =	vadd.s32 v1, v3;
	_ =	sdelay $0x1  }
0x1d0: {  	s30 =	simm.s32 $0xD800  }
0x1d1: {  	[tilespmem:s30], [sflag:$0x2] =	stream.indirect_vreg.gather [hbm4b:s0+s4], $0x80, v4, vm0, $0xb8;
	[tilespmem:$0x18800] =	vst v63  }
0x1d2: {  	s19 =	simm.s32 $0xE000  }
0x1d3: {  	[tilespmem:s19], [sflag:$0x2] =	stream.indirect_vreg.gather [hbm4b:s0+s4], $0x80, v3, vm0, $0xb8;
	[tilespmem:$0x18800] =	vst v63  }
0x1d4: {  	v3 =	vld [tilespmem:$0x260];
	_ =	sdelay $0x4  }
0x1d5: {  	v30 =	vshll.u32 v3, $0x1  }
0x1d6: {  	v3 =	vand.u32 $0x7, v3;
	v4 =	vand.u32 $0xFFFFFFF0, v30  }
0x1d7: {  	v3 =	vor.u32 v3, v4  }
0x1d8: {  	v4 =	vperm.xlane v3, v0;
	_ =	sdelay $0x1  }
0x1d9: {  	v3 =	vperm.xlane v3, v2;
	v4 =	vadd.s32 v1, v4;
	_ =	sdelay $0x1  }
0x1da: {  	v3 =	vadd.s32 v1, v3;
	_ =	sdelay $0x1  }
0x1db: {  	s20 =	simm.s32 $0xE800  }
0x1dc: {  	[tilespmem:s20], [sflag:$0x2] =	stream.indirect_vreg.gather [hbm4b:s0+s4], $0x80, v4, vm0, $0xb8;
	[tilespmem:$0x18800] =	vst v63  }
0x1dd: {  	s30 =	simm.s32 $0xF000  }
0x1de: {  	[tilespmem:s30], [sflag:$0x2] =	stream.indirect_vreg.gather [hbm4b:s0+s4], $0x80, v3, vm0, $0xb8;
	[tilespmem:$0x18800] =	vst v63  }
0x1df: {  	v3 =	vld [tilespmem:$0x270];
	_ =	sdelay $0x4  }
0x1e0: {  	v31 =	vshll.u32 v3, $0x1  }
0x1e1: {  	v3 =	vand.u32 $0x7, v3;
	v4 =	vand.u32 $0xFFFFFFF0, v31  }
0x1e2: {  	v3 =	vor.u32 v3, v4  }
0x1e3: {  	v4 =	vperm.xlane v3, v0;
	_ =	sdelay $0x1  }
0x1e4: {  	v3 =	vperm.xlane v3, v2;
	v4 =	vadd.s32 v1, v4;
	_ =	sdelay $0x1  }
0x1e5: {  	v3 =	vadd.s32 v1, v3;
	_ =	sdelay $0x1  }
0x1e6: {  	s19 =	simm.s32 $0xF800  }
0x1e7: {  	[tilespmem:s19], [sflag:$0x2] =	stream.indirect_vreg.gather [hbm4b:s0+s4], $0x80, v4, vm0, $0xb8;
	[tilespmem:$0x18800] =	vst v63  }
0x1e8: {  	s20 =	simm.s32 $0x10000  }
0x1e9: {  	[tilespmem:s20], [sflag:$0x2] =	stream.indirect_vreg.gather [hbm4b:s0+s4], $0x80, v3, vm0, $0xb8;
	[tilespmem:$0x18800] =	vst v63  }
0x1ea: {  	_ =	swait.ge [sflag:s31], $0x8000  }
0x1eb: {  	[sflag:s31] =	ssyncset.done $0x0  }
0x1ec: {  	s30 =	rddreg [dreg:$0xb];
	[sflag:s31] =	ssyncadd.s32 $0xFFFF8000  }
0x1ed: {  	[hbm4b:s30+s4] =	stream.linear.scatter [tilespmem:s7], [sflag:$0x4], $0x8000, $0x38;
	[tilespmem:$0x18800] =	vst v63  }
0x1ee: {  	_ =	swait.ge [sflag:s29], $0x8000  }
0x1ef: {  	[sflag:s29] =	ssyncset.done $0x0  }
0x1f0: {  	[sflag:s29] =	ssyncadd.s32 $0xFFFF8000  }
0x1f1: {  	v3 =	vld [tilespmem:$0x280];
	_ =	sdelay $0x4  }
0x1f2: {  	v32 =	vshll.u32 v3, $0x1  }
0x1f3: {  	v3 =	vand.u32 $0x7, v3;
	v4 =	vand.u32 $0xFFFFFFF0, v32  }
0x1f4: {  	v3 =	vor.u32 v3, v4  }
0x1f5: {  	v4 =	vperm.xlane v3, v0;
	_ =	sdelay $0x1  }
0x1f6: {  	v3 =	vperm.xlane v3, v2;
	v4 =	vadd.s32 v1, v4;
	_ =	sdelay $0x1  }
0x1f7: {  	v3 =	vadd.s32 v1, v3;
	_ =	sdelay $0x2  }
0x1f8: {  	[tilespmem:s6], [sflag:$0x3] =	stream.indirect_vreg.gather [hbm4b:s0+s4], $0x80, v4, vm0, $0xb8;
	[tilespmem:$0x18800] =	vst v63  }
0x1f9: {  	s19 =	simm.s32 $0x11000  }
0x1fa: {  	[tilespmem:s19], [sflag:$0x3] =	stream.indirect_vreg.gather [hbm4b:s0+s4], $0x80, v3, vm0, $0xb8;
	[tilespmem:$0x18800] =	vst v63  }
0x1fb: {  	v3 =	vld [tilespmem:$0x290];
	_ =	sdelay $0x4  }
0x1fc: {  	v33 =	vshll.u32 v3, $0x1  }
0x1fd: {  	v3 =	vand.u32 $0x7, v3;
	v4 =	vand.u32 $0xFFFFFFF0, v33  }
0x1fe: {  	v3 =	vor.u32 v3, v4  }
0x1ff: {  	v4 =	vperm.xlane v3, v0;
	_ =	sdelay $0x1  }
0x200: {  	v3 =	vperm.xlane v3, v2;
	v4 =	vadd.s32 v1, v4;
	_ =	sdelay $0x1  }
0x201: {  	v3 =	vadd.s32 v1, v3;
	_ =	sdelay $0x1  }
0x202: {  	s20 =	simm.s32 $0x11800  }
0x203: {  	[tilespmem:s20], [sflag:$0x3] =	stream.indirect_vreg.gather [hbm4b:s0+s4], $0x80, v4, vm0, $0xb8;
	[tilespmem:$0x18800] =	vst v63  }
0x204: {  	s30 =	simm.s32 $0x12000  }
0x205: {  	[tilespmem:s30], [sflag:$0x3] =	stream.indirect_vreg.gather [hbm4b:s0+s4], $0x80, v3, vm0, $0xb8;
	[tilespmem:$0x18800] =	vst v63  }
0x206: {  	v3 =	vld [tilespmem:$0x2A0];
	_ =	sdelay $0x4  }
0x207: {  	v34 =	vshll.u32 v3, $0x1  }
0x208: {  	v3 =	vand.u32 $0x7, v3;
	v4 =	vand.u32 $0xFFFFFFF0, v34  }
0x209: {  	v3 =	vor.u32 v3, v4  }
0x20a: {  	v4 =	vperm.xlane v3, v0;
	_ =	sdelay $0x1  }
0x20b: {  	v3 =	vperm.xlane v3, v2;
	v4 =	vadd.s32 v1, v4;
	_ =	sdelay $0x1  }
0x20c: {  	v3 =	vadd.s32 v1, v3;
	_ =	sdelay $0x1  }
0x20d: {  	s20 =	simm.s32 $0x12800  }
0x20e: {  	[tilespmem:s20], [sflag:$0x3] =	stream.indirect_vreg.gather [hbm4b:s0+s4], $0x80, v4, vm0, $0xb8;
	[tilespmem:$0x18800] =	vst v63  }
0x20f: {  	s30 =	simm.s32 $0x13000  }
0x210: {  	[tilespmem:s30], [sflag:$0x3] =	stream.indirect_vreg.gather [hbm4b:s0+s4], $0x80, v3, vm0, $0xb8;
	[tilespmem:$0x18800] =	vst v63  }
0x211: {  	v3 =	vld [tilespmem:$0x2B0];
	_ =	sdelay $0x4  }
0x212: {  	v35 =	vshll.u32 v3, $0x1  }
0x213: {  	v3 =	vand.u32 $0x7, v3;
	v4 =	vand.u32 $0xFFFFFFF0, v35  }
0x214: {  	v3 =	vor.u32 v3, v4  }
0x215: {  	v4 =	vperm.xlane v3, v0;
	_ =	sdelay $0x1  }
0x216: {  	v3 =	vperm.xlane v3, v2;
	v4 =	vadd.s32 v1, v4;
	_ =	sdelay $0x1  }
0x217: {  	v3 =	vadd.s32 v1, v3;
	_ =	sdelay $0x1  }
0x218: {  	s30 =	simm.s32 $0x13800  }
0x219: {  	[tilespmem:s30], [sflag:$0x3] =	stream.indirect_vreg.gather [hbm4b:s0+s4], $0x80, v4, vm0, $0xb8;
	[tilespmem:$0x18800] =	vst v63  }
0x21a: {  	s1 =	simm.s32 $0x14000  }
0x21b: {  	[tilespmem:s1], [sflag:$0x3] =	stream.indirect_vreg.gather [hbm4b:s0+s4], $0x80, v3, vm0, $0xb8;
	[tilespmem:$0x18800] =	vst v63  }
0x21c: {  	v3 =	vld [tilespmem:$0x2C0];
	_ =	sdelay $0x4  }
0x21d: {  	v36 =	vshll.u32 v3, $0x1  }
0x21e: {  	v3 =	vand.u32 $0x7, v3;
	v4 =	vand.u32 $0xFFFFFFF0, v36  }
0x21f: {  	v3 =	vor.u32 v3, v4  }
0x220: {  	v4 =	vperm.xlane v3, v0;
	_ =	sdelay $0x1  }
0x221: {  	v3 =	vperm.xlane v3, v2;
	v4 =	vadd.s32 v1, v4;
	_ =	sdelay $0x1  }
0x222: {  	v3 =	vadd.s32 v1, v3;
	_ =	sdelay $0x1  }
0x223: {  	s1 =	simm.s32 $0x14800  }
0x224: {  	[tilespmem:s1], [sflag:$0x3] =	stream.indirect_vreg.gather [hbm4b:s0+s4], $0x80, v4, vm0, $0xb8;
	[tilespmem:$0x18800] =	vst v63  }
0x225: {  	s1 =	simm.s32 $0x15000  }
0x226: {  	[tilespmem:s1], [sflag:$0x3] =	stream.indirect_vreg.gather [hbm4b:s0+s4], $0x80, v3, vm0, $0xb8;
	[tilespmem:$0x18800] =	vst v63  }
0x227: {  	v3 =	vld [tilespmem:$0x2D0];
	_ =	sdelay $0x4  }
0x228: {  	v37 =	vshll.u32 v3, $0x1  }
0x229: {  	v3 =	vand.u32 $0x7, v3;
	v4 =	vand.u32 $0xFFFFFFF0, v37  }
0x22a: {  	v3 =	vor.u32 v3, v4  }
0x22b: {  	v4 =	vperm.xlane v3, v0;
	_ =	sdelay $0x1  }
0x22c: {  	v3 =	vperm.xlane v3, v2;
	v4 =	vadd.s32 v1, v4;
	_ =	sdelay $0x1  }
0x22d: {  	v3 =	vadd.s32 v1, v3;
	_ =	sdelay $0x1  }
0x22e: {  	s1 =	simm.s32 $0x15800  }
0x22f: {  	[tilespmem:s1], [sflag:$0x3] =	stream.indirect_vreg.gather [hbm4b:s0+s4], $0x80, v4, vm0, $0xb8;
	[tilespmem:$0x18800] =	vst v63  }
0x230: {  	s1 =	simm.s32 $0x16000  }
0x231: {  	[tilespmem:s1], [sflag:$0x3] =	stream.indirect_vreg.gather [hbm4b:s0+s4], $0x80, v3, vm0, $0xb8;
	[tilespmem:$0x18800] =	vst v63  }
0x232: {  	v3 =	vld [tilespmem:$0x2E0];
	_ =	sdelay $0x4  }
0x233: {  	v38 =	vshll.u32 v3, $0x1  }
0x234: {  	v3 =	vand.u32 $0x7, v3;
	v4 =	vand.u32 $0xFFFFFFF0, v38  }
0x235: {  	v3 =	vor.u32 v3, v4  }
0x236: {  	v4 =	vperm.xlane v3, v0;
	_ =	sdelay $0x1  }
0x237: {  	v3 =	vperm.xlane v3, v2;
	v4 =	vadd.s32 v1, v4;
	_ =	sdelay $0x1  }
0x238: {  	v3 =	vadd.s32 v1, v3;
	_ =	sdelay $0x1  }
0x239: {  	s1 =	simm.s32 $0x16800  }
0x23a: {  	[tilespmem:s1], [sflag:$0x3] =	stream.indirect_vreg.gather [hbm4b:s0+s4], $0x80, v4, vm0, $0xb8;
	[tilespmem:$0x18800] =	vst v63  }
0x23b: {  	s1 =	simm.s32 $0x17000  }
0x23c: {  	[tilespmem:s1], [sflag:$0x3] =	stream.indirect_vreg.gather [hbm4b:s0+s4], $0x80, v3, vm0, $0xb8;
	[tilespmem:$0x18800] =	vst v63  }
0x23d: {  	v3 =	vld [tilespmem:$0x2F0];
	_ =	sdelay $0x4  }
0x23e: {  	v39 =	vshll.u32 v3, $0x1  }
0x23f: {  	v3 =	vand.u32 $0x7, v3;
	v4 =	vand.u32 $0xFFFFFFF0, v39  }
0x240: {  	v3 =	vor.u32 v3, v4  }
0x241: {  	v4 =	vperm.xlane v3, v0;
	_ =	sdelay $0x1  }
0x242: {  	v3 =	vperm.xlane v3, v2;
	v4 =	vadd.s32 v1, v4;
	_ =	sdelay $0x1  }
0x243: {  	v3 =	vadd.s32 v1, v3;
	_ =	sdelay $0x1  }
0x244: {  	s1 =	simm.s32 $0x17800  }
0x245: {  	[tilespmem:s1], [sflag:$0x3] =	stream.indirect_vreg.gather [hbm4b:s0+s4], $0x80, v4, vm0, $0xb8;
	[tilespmem:$0x18800] =	vst v63  }
0x246: {  	s1 =	simm.s32 $0x18000  }
0x247: {  	[tilespmem:s1], [sflag:$0x3] =	stream.indirect_vreg.gather [hbm4b:s0+s4], $0x80, v3, vm0, $0xb8;
	[tilespmem:$0x18800] =	vst v63  }
0x248: {  	_ =	swait.ge [sflag:s24], $0x8000  }
0x249: {  	[sflag:s24] =	ssyncset.done $0x0  }
0x24a: {  	s1 =	rddreg [dreg:$0xc];
	[sflag:s24] =	ssyncadd.s32 $0xFFFF8000  }
0x24b: {  	[hbm4b:s1+s4] =	stream.linear.scatter [tilespmem:s3], [sflag:$0x5], $0x8000, $0x38;
	[tilespmem:$0x18800] =	vst v63  }
0x24c: {  	_ =	swait.ge [sflag:s25], $0x8000  }
0x24d: {  	[sflag:s25] =	ssyncset.done $0x0  }
0x24e: {  	[sflag:s25] =	ssyncadd.s32 $0xFFFF8000  }
0x24f: {  	v3 =	vld [tilespmem:$0x300];
	_ =	sdelay $0x4  }
0x250: {  	v40 =	vshll.u32 v3, $0x1  }
0x251: {  	v3 =	vand.u32 $0x7, v3;
	v4 =	vand.u32 $0xFFFFFFF0, v40  }
0x252: {  	v3 =	vor.u32 v3, v4  }
0x253: {  	v4 =	vperm.xlane v3, v0;
	_ =	sdelay $0x1  }
0x254: {  	v3 =	vperm.xlane v3, v2;
	v4 =	vadd.s32 v1, v4;
	_ =	sdelay $0x1  }
0x255: {  	v3 =	vadd.s32 v1, v3;
	_ =	sdelay $0x2  }
0x256: {  	[tilespmem:s7], [sflag:$0x1] =	stream.indirect_vreg.gather [hbm4b:s0+s4], $0x80, v4, vm0, $0xb8;
	[tilespmem:$0x18800] =	vst v63  }
0x257: {  	s1 =	simm.s32 $0x1000  }
0x258: {  	[tilespmem:s1], [sflag:$0x1] =	stream.indirect_vreg.gather [hbm4b:s0+s4], $0x80, v3, vm0, $0xb8;
	[tilespmem:$0x18800] =	vst v63  }
0x259: {  	v3 =	vld [tilespmem:$0x310];
	_ =	sdelay $0x4  }
0x25a: {  	v41 =	vshll.u32 v3, $0x1  }
0x25b: {  	v3 =	vand.u32 $0x7, v3;
	v4 =	vand.u32 $0xFFFFFFF0, v41  }
0x25c: {  	v3 =	vor.u32 v3, v4  }
0x25d: {  	v4 =	vperm.xlane v3, v0;
	_ =	sdelay $0x1  }
0x25e: {  	v3 =	vperm.xlane v3, v2;
	v4 =	vadd.s32 v1, v4;
	_ =	sdelay $0x1  }
0x25f: {  	v3 =	vadd.s32 v1, v3;
	_ =	sdelay $0x1  }
0x260: {  	s12 =	simm.s32 $0x1800  }
0x261: {  	[tilespmem:s12], [sflag:$0x1] =	stream.indirect_vreg.gather [hbm4b:s0+s4], $0x80, v4, vm0, $0xb8;
	[tilespmem:$0x18800] =	vst v63  }
0x262: {  	s13 =	simm.s32 $0x2000  }
0x263: {  	[tilespmem:s13], [sflag:$0x1] =	stream.indirect_vreg.gather [hbm4b:s0+s4], $0x80, v3, vm0, $0xb8;
	[tilespmem:$0x18800] =	vst v63  }
0x264: {  	v3 =	vld [tilespmem:$0x320];
	_ =	sdelay $0x4  }
0x265: {  	v42 =	vshll.u32 v3, $0x1  }
0x266: {  	v3 =	vand.u32 $0x7, v3;
	v4 =	vand.u32 $0xFFFFFFF0, v42  }
0x267: {  	v3 =	vor.u32 v3, v4  }
0x268: {  	v4 =	vperm.xlane v3, v0;
	_ =	sdelay $0x1  }
0x269: {  	v3 =	vperm.xlane v3, v2;
	v4 =	vadd.s32 v1, v4;
	_ =	sdelay $0x1  }
0x26a: {  	v3 =	vadd.s32 v1, v3;
	_ =	sdelay $0x1  }
0x26b: {  	s21 =	simm.s32 $0x2800  }
0x26c: {  	[tilespmem:s21], [sflag:$0x1] =	stream.indirect_vreg.gather [hbm4b:s0+s4], $0x80, v4, vm0, $0xb8;
	[tilespmem:$0x18800] =	vst v63  }
0x26d: {  	s23 =	simm.s32 $0x3000  }
0x26e: {  	[tilespmem:s23], [sflag:$0x1] =	stream.indirect_vreg.gather [hbm4b:s0+s4], $0x80, v3, vm0, $0xb8;
	[tilespmem:$0x18800] =	vst v63  }
0x26f: {  	v3 =	vld [tilespmem:$0x330];
	_ =	sdelay $0x4  }
0x270: {  	v43 =	vshll.u32 v3, $0x1  }
0x271: {  	v3 =	vand.u32 $0x7, v3;
	v4 =	vand.u32 $0xFFFFFFF0, v43  }
0x272: {  	v3 =	vor.u32 v3, v4  }
0x273: {  	v4 =	vperm.xlane v3, v0;
	_ =	sdelay $0x1  }
0x274: {  	v3 =	vperm.xlane v3, v2;
	v4 =	vadd.s32 v1, v4;
	_ =	sdelay $0x1  }
0x275: {  	v3 =	vadd.s32 v1, v3;
	_ =	sdelay $0x1  }
0x276: {  	s14 =	simm.s32 $0x3800  }
0x277: {  	[tilespmem:s14], [sflag:$0x1] =	stream.indirect_vreg.gather [hbm4b:s0+s4], $0x80, v4, vm0, $0xb8;
	[tilespmem:$0x18800] =	vst v63  }
0x278: {  	s22 =	simm.s32 $0x4000  }
0x279: {  	[tilespmem:s22], [sflag:$0x1] =	stream.indirect_vreg.gather [hbm4b:s0+s4], $0x80, v3, vm0, $0xb8;
	[tilespmem:$0x18800] =	vst v63  }
0x27a: {  	v3 =	vld [tilespmem:$0x340];
	_ =	sdelay $0x4  }
0x27b: {  	v44 =	vshll.u32 v3, $0x1  }
0x27c: {  	v3 =	vand.u32 $0x7, v3;
	v4 =	vand.u32 $0xFFFFFFF0, v44  }
0x27d: {  	v3 =	vor.u32 v3, v4  }
0x27e: {  	v4 =	vperm.xlane v3, v0;
	_ =	sdelay $0x1  }
0x27f: {  	v3 =	vperm.xlane v3, v2;
	v4 =	vadd.s32 v1, v4;
	_ =	sdelay $0x1  }
0x280: {  	v3 =	vadd.s32 v1, v3;
	_ =	sdelay $0x1  }
0x281: {  	s15 =	simm.s32 $0x4800  }
0x282: {  	[tilespmem:s15], [sflag:$0x1] =	stream.indirect_vreg.gather [hbm4b:s0+s4], $0x80, v4, vm0, $0xb8;
	[tilespmem:$0x18800] =	vst v63  }
0x283: {  	s16 =	simm.s32 $0x5000  }
0x284: {  	[tilespmem:s16], [sflag:$0x1] =	stream.indirect_vreg.gather [hbm4b:s0+s4], $0x80, v3, vm0, $0xb8;
	[tilespmem:$0x18800] =	vst v63  }
0x285: {  	v3 =	vld [tilespmem:$0x350];
	_ =	sdelay $0x4  }
0x286: {  	v45 =	vshll.u32 v3, $0x1  }
0x287: {  	v3 =	vand.u32 $0x7, v3;
	v4 =	vand.u32 $0xFFFFFFF0, v45  }
0x288: {  	v3 =	vor.u32 v3, v4  }
0x289: {  	v4 =	vperm.xlane v3, v0;
	_ =	sdelay $0x1  }
0x28a: {  	v3 =	vperm.xlane v3, v2;
	v4 =	vadd.s32 v1, v4;
	_ =	sdelay $0x1  }
0x28b: {  	v3 =	vadd.s32 v1, v3;
	_ =	sdelay $0x1  }
0x28c: {  	s8 =	simm.s32 $0x5800  }
0x28d: {  	[tilespmem:s8], [sflag:$0x1] =	stream.indirect_vreg.gather [hbm4b:s0+s4], $0x80, v4, vm0, $0xb8;
	[tilespmem:$0x18800] =	vst v63  }
0x28e: {  	s17 =	simm.s32 $0x6000  }
0x28f: {  	[tilespmem:s17], [sflag:$0x1] =	stream.indirect_vreg.gather [hbm4b:s0+s4], $0x80, v3, vm0, $0xb8;
	[tilespmem:$0x18800] =	vst v63  }
0x290: {  	v3 =	vld [tilespmem:$0x360];
	_ =	sdelay $0x4  }
0x291: {  	v46 =	vshll.u32 v3, $0x1  }
0x292: {  	v3 =	vand.u32 $0x7, v3;
	v4 =	vand.u32 $0xFFFFFFF0, v46  }
0x293: {  	v3 =	vor.u32 v3, v4  }
0x294: {  	v4 =	vperm.xlane v3, v0;
	_ =	sdelay $0x1  }
0x295: {  	v3 =	vperm.xlane v3, v2;
	v4 =	vadd.s32 v1, v4;
	_ =	sdelay $0x1  }
0x296: {  	v3 =	vadd.s32 v1, v3;
	_ =	sdelay $0x1  }
0x297: {  	s9 =	simm.s32 $0x6800  }
0x298: {  	[tilespmem:s9], [sflag:$0x1] =	stream.indirect_vreg.gather [hbm4b:s0+s4], $0x80, v4, vm0, $0xb8;
	[tilespmem:$0x18800] =	vst v63  }
0x299: {  	s18 =	simm.s32 $0x7000  }
0x29a: {  	[tilespmem:s18], [sflag:$0x1] =	stream.indirect_vreg.gather [hbm4b:s0+s4], $0x80, v3, vm0, $0xb8;
	[tilespmem:$0x18800] =	vst v63  }
0x29b: {  	v3 =	vld [tilespmem:$0x370];
	_ =	sdelay $0x4  }
0x29c: {  	v47 =	vshll.u32 v3, $0x1  }
0x29d: {  	v3 =	vand.u32 $0x7, v3;
	v4 =	vand.u32 $0xFFFFFFF0, v47  }
0x29e: {  	v3 =	vor.u32 v3, v4  }
0x29f: {  	v4 =	vperm.xlane v3, v0;
	_ =	sdelay $0x1  }
0x2a0: {  	v3 =	vperm.xlane v3, v2;
	v4 =	vadd.s32 v1, v4;
	_ =	sdelay $0x1  }
0x2a1: {  	v3 =	vadd.s32 v1, v3;
	_ =	sdelay $0x1  }
0x2a2: {  	s10 =	simm.s32 $0x7800  }
0x2a3: {  	[tilespmem:s10], [sflag:$0x1] =	stream.indirect_vreg.gather [hbm4b:s0+s4], $0x80, v4, vm0, $0xb8;
	[tilespmem:$0x18800] =	vst v63  }
0x2a4: {  	s11 =	simm.s32 $0x8000  }
0x2a5: {  	[tilespmem:s11], [sflag:$0x1] =	stream.indirect_vreg.gather [hbm4b:s0+s4], $0x80, v3, vm0, $0xb8;
	[tilespmem:$0x18800] =	vst v63  }
0x2a6: {  	_ =	swait.ge [sflag:s26], $0x8000  }
0x2a7: {  	[sflag:s26] =	ssyncset.done $0x0  }
0x2a8: {  	s1 =	rddreg [dreg:$0xd];
	[sflag:s26] =	ssyncadd.s32 $0xFFFF8000  }
0x2a9: {  	[hbm4b:s1+s4] =	stream.linear.scatter [tilespmem:s6], [sflag:$0x6], $0x8000, $0x38;
	[tilespmem:$0x18800] =	vst v63  }
0x2aa: {  	_ =	swait.ge [sflag:s28], $0x8000  }
0x2ab: {  	[sflag:s28] =	ssyncset.done $0x0  }
0x2ac: {  	[sflag:s28] =	ssyncadd.s32 $0xFFFF8000  }
0x2ad: {  	v3 =	vld [tilespmem:$0x380];
	_ =	sdelay $0x4  }
0x2ae: {  	v48 =	vshll.u32 v3, $0x1  }
0x2af: {  	v3 =	vand.u32 $0x7, v3;
	v4 =	vand.u32 $0xFFFFFFF0, v48  }
0x2b0: {  	v3 =	vor.u32 v3, v4  }
0x2b1: {  	v4 =	vperm.xlane v3, v0;
	_ =	sdelay $0x1  }
0x2b2: {  	v3 =	vperm.xlane v3, v2;
	v4 =	vadd.s32 v1, v4;
	_ =	sdelay $0x1  }
0x2b3: {  	v3 =	vadd.s32 v1, v3;
	_ =	sdelay $0x2  }
0x2b4: {  	[tilespmem:s3], [sflag:$0x2] =	stream.indirect_vreg.gather [hbm4b:s0+s4], $0x80, v4, vm0, $0xb8;
	[tilespmem:$0x18800] =	vst v63  }
0x2b5: {  	s1 =	simm.s32 $0x9000  }
0x2b6: {  	[tilespmem:s1], [sflag:$0x2] =	stream.indirect_vreg.gather [hbm4b:s0+s4], $0x80, v3, vm0, $0xb8;
	[tilespmem:$0x18800] =	vst v63  }
0x2b7: {  	v3 =	vld [tilespmem:$0x390];
	_ =	sdelay $0x4  }
0x2b8: {  	v49 =	vshll.u32 v3, $0x1  }
0x2b9: {  	v3 =	vand.u32 $0x7, v3;
	v4 =	vand.u32 $0xFFFFFFF0, v49  }
0x2ba: {  	v3 =	vor.u32 v3, v4  }
0x2bb: {  	v4 =	vperm.xlane v3, v0;
	_ =	sdelay $0x1  }
0x2bc: {  	v3 =	vperm.xlane v3, v2;
	v4 =	vadd.s32 v1, v4;
	_ =	sdelay $0x1  }
0x2bd: {  	v3 =	vadd.s32 v1, v3;
	_ =	sdelay $0x1  }
0x2be: {  	s1 =	simm.s32 $0x9800  }
0x2bf: {  	[tilespmem:s1], [sflag:$0x2] =	stream.indirect_vreg.gather [hbm4b:s0+s4], $0x80, v4, vm0, $0xb8;
	[tilespmem:$0x18800] =	vst v63  }
0x2c0: {  	s1 =	simm.s32 $0xA000  }
0x2c1: {  	[tilespmem:s1], [sflag:$0x2] =	stream.indirect_vreg.gather [hbm4b:s0+s4], $0x80, v3, vm0, $0xb8;
	[tilespmem:$0x18800] =	vst v63  }
0x2c2: {  	v3 =	vld [tilespmem:$0x3A0];
	_ =	sdelay $0x4  }
0x2c3: {  	v50 =	vshll.u32 v3, $0x1  }
0x2c4: {  	v3 =	vand.u32 $0x7, v3;
	v4 =	vand.u32 $0xFFFFFFF0, v50  }
0x2c5: {  	v3 =	vor.u32 v3, v4  }
0x2c6: {  	v4 =	vperm.xlane v3, v0;
	_ =	sdelay $0x1  }
0x2c7: {  	v3 =	vperm.xlane v3, v2;
	v4 =	vadd.s32 v1, v4;
	_ =	sdelay $0x1  }
0x2c8: {  	v3 =	vadd.s32 v1, v3;
	_ =	sdelay $0x1  }
0x2c9: {  	s1 =	simm.s32 $0xA800  }
0x2ca: {  	[tilespmem:s1], [sflag:$0x2] =	stream.indirect_vreg.gather [hbm4b:s0+s4], $0x80, v4, vm0, $0xb8;
	[tilespmem:$0x18800] =	vst v63  }
0x2cb: {  	s1 =	simm.s32 $0xB000  }
0x2cc: {  	[tilespmem:s1], [sflag:$0x2] =	stream.indirect_vreg.gather [hbm4b:s0+s4], $0x80, v3, vm0, $0xb8;
	[tilespmem:$0x18800] =	vst v63  }
0x2cd: {  	v3 =	vld [tilespmem:$0x3B0];
	_ =	sdelay $0x4  }
0x2ce: {  	v51 =	vshll.u32 v3, $0x1  }
0x2cf: {  	v3 =	vand.u32 $0x7, v3;
	v4 =	vand.u32 $0xFFFFFFF0, v51  }
0x2d0: {  	v3 =	vor.u32 v3, v4  }
0x2d1: {  	v4 =	vperm.xlane v3, v0;
	_ =	sdelay $0x1  }
0x2d2: {  	v3 =	vperm.xlane v3, v2;
	v4 =	vadd.s32 v1, v4;
	_ =	sdelay $0x1  }
0x2d3: {  	v3 =	vadd.s32 v1, v3;
	_ =	sdelay $0x1  }
0x2d4: {  	s1 =	simm.s32 $0xB800  }
0x2d5: {  	[tilespmem:s1], [sflag:$0x2] =	stream.indirect_vreg.gather [hbm4b:s0+s4], $0x80, v4, vm0, $0xb8;
	[tilespmem:$0x18800] =	vst v63  }
0x2d6: {  	s1 =	simm.s32 $0xC000  }
0x2d7: {  	[tilespmem:s1], [sflag:$0x2] =	stream.indirect_vreg.gather [hbm4b:s0+s4], $0x80, v3, vm0, $0xb8;
	[tilespmem:$0x18800] =	vst v63  }
0x2d8: {  	v3 =	vld [tilespmem:$0x3C0];
	_ =	sdelay $0x4  }
0x2d9: {  	v52 =	vshll.u32 v3, $0x1  }
0x2da: {  	v3 =	vand.u32 $0x7, v3;
	v4 =	vand.u32 $0xFFFFFFF0, v52  }
0x2db: {  	v3 =	vor.u32 v3, v4  }
0x2dc: {  	v4 =	vperm.xlane v3, v0;
	_ =	sdelay $0x1  }
0x2dd: {  	v3 =	vperm.xlane v3, v2;
	v4 =	vadd.s32 v1, v4;
	_ =	sdelay $0x1  }
0x2de: {  	v3 =	vadd.s32 v1, v3;
	_ =	sdelay $0x1  }
0x2df: {  	s1 =	simm.s32 $0xC800  }
0x2e0: {  	[tilespmem:s1], [sflag:$0x2] =	stream.indirect_vreg.gather [hbm4b:s0+s4], $0x80, v4, vm0, $0xb8;
	[tilespmem:$0x18800] =	vst v63  }
0x2e1: {  	s1 =	simm.s32 $0xD000  }
0x2e2: {  	[tilespmem:s1], [sflag:$0x2] =	stream.indirect_vreg.gather [hbm4b:s0+s4], $0x80, v3, vm0, $0xb8;
	[tilespmem:$0x18800] =	vst v63  }
0x2e3: {  	v3 =	vld [tilespmem:$0x3D0];
	_ =	sdelay $0x4  }
0x2e4: {  	v53 =	vshll.u32 v3, $0x1  }
0x2e5: {  	v3 =	vand.u32 $0x7, v3;
	v4 =	vand.u32 $0xFFFFFFF0, v53  }
0x2e6: {  	v3 =	vor.u32 v3, v4  }
0x2e7: {  	v4 =	vperm.xlane v3, v0;
	_ =	sdelay $0x1  }
0x2e8: {  	v3 =	vperm.xlane v3, v2;
	v4 =	vadd.s32 v1, v4;
	_ =	sdelay $0x1  }
0x2e9: {  	v3 =	vadd.s32 v1, v3;
	_ =	sdelay $0x1  }
0x2ea: {  	s1 =	simm.s32 $0xD800  }
0x2eb: {  	[tilespmem:s1], [sflag:$0x2] =	stream.indirect_vreg.gather [hbm4b:s0+s4], $0x80, v4, vm0, $0xb8;
	[tilespmem:$0x18800] =	vst v63  }
0x2ec: {  	s1 =	simm.s32 $0xE000  }
0x2ed: {  	[tilespmem:s1], [sflag:$0x2] =	stream.indirect_vreg.gather [hbm4b:s0+s4], $0x80, v3, vm0, $0xb8;
	[tilespmem:$0x18800] =	vst v63  }
0x2ee: {  	v3 =	vld [tilespmem:$0x3E0];
	_ =	sdelay $0x4  }
0x2ef: {  	v54 =	vshll.u32 v3, $0x1  }
0x2f0: {  	v3 =	vand.u32 $0x7, v3;
	v4 =	vand.u32 $0xFFFFFFF0, v54  }
0x2f1: {  	v3 =	vor.u32 v3, v4  }
0x2f2: {  	v4 =	vperm.xlane v3, v0;
	_ =	sdelay $0x1  }
0x2f3: {  	v3 =	vperm.xlane v3, v2;
	v4 =	vadd.s32 v1, v4;
	_ =	sdelay $0x1  }
0x2f4: {  	v3 =	vadd.s32 v1, v3;
	_ =	sdelay $0x1  }
0x2f5: {  	s1 =	simm.s32 $0xE800  }
0x2f6: {  	[tilespmem:s1], [sflag:$0x2] =	stream.indirect_vreg.gather [hbm4b:s0+s4], $0x80, v4, vm0, $0xb8;
	[tilespmem:$0x18800] =	vst v63  }
0x2f7: {  	s1 =	simm.s32 $0xF000  }
0x2f8: {  	[tilespmem:s1], [sflag:$0x2] =	stream.indirect_vreg.gather [hbm4b:s0+s4], $0x80, v3, vm0, $0xb8;
	[tilespmem:$0x18800] =	vst v63  }
0x2f9: {  	v3 =	vld [tilespmem:$0x3F0];
	_ =	sdelay $0x4  }
0x2fa: {  	v55 =	vshll.u32 v3, $0x1  }
0x2fb: {  	v3 =	vand.u32 $0x7, v3;
	v4 =	vand.u32 $0xFFFFFFF0, v55  }
0x2fc: {  	v3 =	vor.u32 v3, v4  }
0x2fd: {  	v4 =	vperm.xlane v3, v0;
	_ =	sdelay $0x1  }
0x2fe: {  	v3 =	vperm.xlane v3, v2;
	v4 =	vadd.s32 v1, v4;
	_ =	sdelay $0x1  }
0x2ff: {  	v3 =	vadd.s32 v1, v3;
	_ =	sdelay $0x1  }
0x300: {  	s1 =	simm.s32 $0xF800  }
0x301: {  	[tilespmem:s1], [sflag:$0x2] =	stream.indirect_vreg.gather [hbm4b:s0+s4], $0x80, v4, vm0, $0xb8;
	[tilespmem:$0x18800] =	vst v63  }
0x302: {  	s1 =	simm.s32 $0x10000  }
0x303: {  	[tilespmem:s1], [sflag:$0x2] =	stream.indirect_vreg.gather [hbm4b:s0+s4], $0x80, v3, vm0, $0xb8;
	[tilespmem:$0x18800] =	vst v63  }
0x304: {  	_ =	swait.ge [sflag:s31], $0x8000  }
0x305: {  	[sflag:s31] =	ssyncset.done $0x0  }
0x306: {  	s1 =	rddreg [dreg:$0xe];
	[sflag:s31] =	ssyncadd.s32 $0xFFFF8000  }
0x307: {  	[hbm4b:s1+s4] =	stream.linear.scatter [tilespmem:s7], [sflag:$0x4], $0x8000, $0x38;
	[tilespmem:$0x18800] =	vst v63  }
0x308: {  	_ =	swait.ge [sflag:s29], $0x8000  }
0x309: {  	[sflag:s29] =	ssyncset.done $0x0  }
0x30a: {  	[sflag:s29] =	ssyncadd.s32 $0xFFFF8000  }
0x30b: {  	v3 =	vld [tilespmem:$0x400];
	_ =	sdelay $0x4  }
0x30c: {  	v56 =	vshll.u32 v3, $0x1  }
0x30d: {  	v3 =	vand.u32 $0x7, v3;
	v4 =	vand.u32 $0xFFFFFFF0, v56  }
0x30e: {  	v3 =	vor.u32 v3, v4  }
0x30f: {  	v4 =	vperm.xlane v3, v0;
	_ =	sdelay $0x1  }
0x310: {  	v3 =	vperm.xlane v3, v2;
	v4 =	vadd.s32 v1, v4;
	_ =	sdelay $0x1  }
0x311: {  	v3 =	vadd.s32 v1, v3;
	_ =	sdelay $0x2  }
0x312: {  	[tilespmem:s6], [sflag:$0x3] =	stream.indirect_vreg.gather [hbm4b:s2+s4], $0x80, v4, vm0, $0xb8;
	[tilespmem:$0x18800] =	vst v63  }
0x313: {  	s1 =	simm.s32 $0x11000  }
0x314: {  	[tilespmem:s1], [sflag:$0x3] =	stream.indirect_vreg.gather [hbm4b:s2+s4], $0x80, v3, vm0, $0xb8;
	[tilespmem:$0x18800] =	vst v63  }
0x315: {  	v3 =	vld [tilespmem:$0x410];
	_ =	sdelay $0x4  }
0x316: {  	v57 =	vshll.u32 v3, $0x1  }
0x317: {  	v3 =	vand.u32 $0x7, v3;
	v4 =	vand.u32 $0xFFFFFFF0, v57  }
0x318: {  	v3 =	vor.u32 v3, v4  }
0x319: {  	v4 =	vperm.xlane v3, v0;
	_ =	sdelay $0x1  }
0x31a: {  	v3 =	vperm.xlane v3, v2;
	v4 =	vadd.s32 v1, v4;
	_ =	sdelay $0x1  }
0x31b: {  	v3 =	vadd.s32 v1, v3;
	_ =	sdelay $0x1  }
0x31c: {  	s19 =	simm.s32 $0x11800  }
0x31d: {  	[tilespmem:s19], [sflag:$0x3] =	stream.indirect_vreg.gather [hbm4b:s2+s4], $0x80, v4, vm0, $0xb8;
	[tilespmem:$0x18800] =	vst v63  }
0x31e: {  	s1 =	simm.s32 $0x12000  }
0x31f: {  	[tilespmem:s1], [sflag:$0x3] =	stream.indirect_vreg.gather [hbm4b:s2+s4], $0x80, v3, vm0, $0xb8;
	[tilespmem:$0x18800] =	vst v63  }
0x320: {  	v3 =	vld [tilespmem:$0x420];
	_ =	sdelay $0x4  }
0x321: {  	v58 =	vshll.u32 v3, $0x1  }
0x322: {  	v3 =	vand.u32 $0x7, v3;
	v4 =	vand.u32 $0xFFFFFFF0, v58  }
0x323: {  	v3 =	vor.u32 v3, v4  }
0x324: {  	v4 =	vperm.xlane v3, v0;
	_ =	sdelay $0x1  }
0x325: {  	v3 =	vperm.xlane v3, v2;
	v4 =	vadd.s32 v1, v4;
	_ =	sdelay $0x1  }
0x326: {  	v3 =	vadd.s32 v1, v3;
	_ =	sdelay $0x1  }
0x327: {  	s20 =	simm.s32 $0x12800  }
0x328: {  	[tilespmem:s20], [sflag:$0x3] =	stream.indirect_vreg.gather [hbm4b:s2+s4], $0x80, v4, vm0, $0xb8;
	[tilespmem:$0x18800] =	vst v63  }
0x329: {  	s1 =	simm.s32 $0x13000  }
0x32a: {  	[tilespmem:s1], [sflag:$0x3] =	stream.indirect_vreg.gather [hbm4b:s2+s4], $0x80, v3, vm0, $0xb8;
	[tilespmem:$0x18800] =	vst v63  }
0x32b: {  	v3 =	vld [tilespmem:$0x430];
	_ =	sdelay $0x4  }
0x32c: {  	v59 =	vshll.u32 v3, $0x1  }
0x32d: {  	v3 =	vand.u32 $0x7, v3;
	v4 =	vand.u32 $0xFFFFFFF0, v59  }
0x32e: {  	v3 =	vor.u32 v3, v4  }
0x32f: {  	v4 =	vperm.xlane v3, v0;
	_ =	sdelay $0x1  }
0x330: {  	v3 =	vperm.xlane v3, v2;
	v4 =	vadd.s32 v1, v4;
	_ =	sdelay $0x1  }
0x331: {  	v3 =	vadd.s32 v1, v3;
	_ =	sdelay $0x1  }
0x332: {  	s30 =	simm.s32 $0x13800  }
0x333: {  	[tilespmem:s30], [sflag:$0x3] =	stream.indirect_vreg.gather [hbm4b:s2+s4], $0x80, v4, vm0, $0xb8;
	[tilespmem:$0x18800] =	vst v63  }
0x334: {  	s1 =	simm.s32 $0x14000  }
0x335: {  	[tilespmem:s1], [sflag:$0x3] =	stream.indirect_vreg.gather [hbm4b:s2+s4], $0x80, v3, vm0, $0xb8;
	[tilespmem:$0x18800] =	vst v63  }
0x336: {  	v3 =	vld [tilespmem:$0x440];
	_ =	sdelay $0x4  }
0x337: {  	v60 =	vshll.u32 v3, $0x1  }
0x338: {  	v3 =	vand.u32 $0x7, v3;
	v4 =	vand.u32 $0xFFFFFFF0, v60  }
0x339: {  	v3 =	vor.u32 v3, v4  }
0x33a: {  	v4 =	vperm.xlane v3, v0;
	_ =	sdelay $0x1  }
0x33b: {  	v3 =	vperm.xlane v3, v2;
	v4 =	vadd.s32 v1, v4;
	_ =	sdelay $0x1  }
0x33c: {  	v3 =	vadd.s32 v1, v3;
	_ =	sdelay $0x1  }
0x33d: {  	s1 =	simm.s32 $0x14800  }
0x33e: {  	[tilespmem:s1], [sflag:$0x3] =	stream.indirect_vreg.gather [hbm4b:s2+s4], $0x80, v4, vm0, $0xb8;
	[tilespmem:$0x18800] =	vst v63  }
0x33f: {  	s1 =	simm.s32 $0x15000  }
0x340: {  	[tilespmem:s1], [sflag:$0x3] =	stream.indirect_vreg.gather [hbm4b:s2+s4], $0x80, v3, vm0, $0xb8;
	[tilespmem:$0x18800] =	vst v63  }
0x341: {  	v3 =	vld [tilespmem:$0x450];
	_ =	sdelay $0x4  }
0x342: {  	v61 =	vshll.u32 v3, $0x1  }
0x343: {  	v3 =	vand.u32 $0x7, v3;
	v4 =	vand.u32 $0xFFFFFFF0, v61  }
0x344: {  	v3 =	vor.u32 v3, v4  }
0x345: {  	v4 =	vperm.xlane v3, v0;
	_ =	sdelay $0x1  }
0x346: {  	v3 =	vperm.xlane v3, v2;
	v4 =	vadd.s32 v1, v4;
	_ =	sdelay $0x1  }
0x347: {  	v3 =	vadd.s32 v1, v3;
	_ =	sdelay $0x1  }
0x348: {  	s1 =	simm.s32 $0x15800  }
0x349: {  	[tilespmem:s1], [sflag:$0x3] =	stream.indirect_vreg.gather [hbm4b:s2+s4], $0x80, v4, vm0, $0xb8;
	[tilespmem:$0x18800] =	vst v63  }
0x34a: {  	s1 =	simm.s32 $0x16000  }
0x34b: {  	[tilespmem:s1], [sflag:$0x3] =	stream.indirect_vreg.gather [hbm4b:s2+s4], $0x80, v3, vm0, $0xb8;
	[tilespmem:$0x18800] =	vst v63  }
0x34c: {  	v3 =	vld [tilespmem:$0x460];
	_ =	sdelay $0x4  }
0x34d: {  	v62 =	vshll.u32 v3, $0x1  }
0x34e: {  	v3 =	vand.u32 $0x7, v3;
	v4 =	vand.u32 $0xFFFFFFF0, v62  }
0x34f: {  	v3 =	vor.u32 v3, v4  }
0x350: {  	v4 =	vperm.xlane v3, v0;
	_ =	sdelay $0x1  }
0x351: {  	v3 =	vperm.xlane v3, v2;
	v4 =	vadd.s32 v1, v4;
	_ =	sdelay $0x1  }
0x352: {  	v3 =	vadd.s32 v1, v3;
	_ =	sdelay $0x1  }
0x353: {  	s1 =	simm.s32 $0x16800  }
0x354: {  	[tilespmem:s1], [sflag:$0x3] =	stream.indirect_vreg.gather [hbm4b:s2+s4], $0x80, v4, vm0, $0xb8;
	[tilespmem:$0x18800] =	vst v63  }
0x355: {  	s1 =	simm.s32 $0x17000  }
0x356: {  	[tilespmem:s1], [sflag:$0x3] =	stream.indirect_vreg.gather [hbm4b:s2+s4], $0x80, v3, vm0, $0xb8;
	[tilespmem:$0x18800] =	vst v63  }
0x357: {  	v3 =	vld [tilespmem:$0x470];
	_ =	sdelay $0x4  }
0x358: {  	v63 =	vshll.u32 v3, $0x1  }
0x359: {  	v3 =	vand.u32 $0x7, v3;
	v4 =	vand.u32 $0xFFFFFFF0, v63  }
0x35a: {  	v3 =	vor.u32 v3, v4  }
0x35b: {  	v4 =	vperm.xlane v3, v0;
	_ =	sdelay $0x1  }
0x35c: {  	v3 =	vperm.xlane v3, v2;
	v4 =	vadd.s32 v1, v4;
	_ =	sdelay $0x1  }
0x35d: {  	v3 =	vadd.s32 v1, v3;
	_ =	sdelay $0x1  }
0x35e: {  	s1 =	simm.s32 $0x17800  }
0x35f: {  	[tilespmem:s1], [sflag:$0x3] =	stream.indirect_vreg.gather [hbm4b:s2+s4], $0x80, v4, vm0, $0xb8;
	[tilespmem:$0x18800] =	vst v63  }
0x360: {  	s1 =	simm.s32 $0x18000  }
0x361: {  	[tilespmem:s1], [sflag:$0x3] =	stream.indirect_vreg.gather [hbm4b:s2+s4], $0x80, v3, vm0, $0xb8;
	[tilespmem:$0x18800] =	vst v63  }
0x362: {  	_ =	swait.ge [sflag:s24], $0x8000  }
0x363: {  	[sflag:s24] =	ssyncset.done $0x0  }
0x364: {  	s1 =	rddreg [dreg:$0xf];
	[sflag:s24] =	ssyncadd.s32 $0xFFFF8000  }
0x365: {  	[hbm4b:s1+s4] =	stream.linear.scatter [tilespmem:s3], [sflag:$0x5], $0x8000, $0x38;
	[tilespmem:$0x18800] =	vst v63  }
0x366: {  	_ =	swait.ge [sflag:s25], $0x8000  }
0x367: {  	[sflag:s25] =	ssyncset.done $0x0  }
0x368: {  	[sflag:s25] =	ssyncadd.s32 $0xFFFF8000  }
0x369: {  	v3 =	vld [tilespmem:$0x480];
	_ =	sdelay $0x4  }
0x36a: {  	v8 =	vshll.u32 v3, $0x1  }
0x36b: {  	v3 =	vand.u32 $0x7, v3;
	v4 =	vand.u32 $0xFFFFFFF0, v8  }
0x36c: {  	v3 =	vor.u32 v3, v4  }
0x36d: {  	v4 =	vperm.xlane v3, v0;
	_ =	sdelay $0x1  }
0x36e: {  	v3 =	vperm.xlane v3, v2;
	v4 =	vadd.s32 v1, v4;
	_ =	sdelay $0x1  }
0x36f: {  	v3 =	vadd.s32 v1, v3;
	_ =	sdelay $0x2  }
0x370: {  	[tilespmem:s7], [sflag:$0x1] =	stream.indirect_vreg.gather [hbm4b:s2+s4], $0x80, v4, vm0, $0xb8;
	[tilespmem:$0x18800] =	vst v63  }
0x371: {  	s1 =	simm.s32 $0x1000  }
0x372: {  	[tilespmem:s1], [sflag:$0x1] =	stream.indirect_vreg.gather [hbm4b:s2+s4], $0x80, v3, vm0, $0xb8;
	[tilespmem:$0x18800] =	vst v63  }
0x373: {  	v3 =	vld [tilespmem:$0x490];
	_ =	sdelay $0x4  }
0x374: {  	v9 =	vshll.u32 v3, $0x1  }
0x375: {  	v3 =	vand.u32 $0x7, v3;
	v4 =	vand.u32 $0xFFFFFFF0, v9  }
0x376: {  	v3 =	vor.u32 v3, v4  }
0x377: {  	v4 =	vperm.xlane v3, v0;
	_ =	sdelay $0x1  }
0x378: {  	v3 =	vperm.xlane v3, v2;
	v4 =	vadd.s32 v1, v4;
	_ =	sdelay $0x1  }
0x379: {  	v3 =	vadd.s32 v1, v3;
	_ =	sdelay $0x1  }
0x37a: {  	s12 =	simm.s32 $0x1800  }
0x37b: {  	[tilespmem:s12], [sflag:$0x1] =	stream.indirect_vreg.gather [hbm4b:s2+s4], $0x80, v4, vm0, $0xb8;
	[tilespmem:$0x18800] =	vst v63  }
0x37c: {  	s13 =	simm.s32 $0x2000  }
0x37d: {  	[tilespmem:s13], [sflag:$0x1] =	stream.indirect_vreg.gather [hbm4b:s2+s4], $0x80, v3, vm0, $0xb8;
	[tilespmem:$0x18800] =	vst v63  }
0x37e: {  	v3 =	vld [tilespmem:$0x4A0];
	_ =	sdelay $0x4  }
0x37f: {  	v10 =	vshll.u32 v3, $0x1  }
0x380: {  	v3 =	vand.u32 $0x7, v3;
	v4 =	vand.u32 $0xFFFFFFF0, v10  }
0x381: {  	v3 =	vor.u32 v3, v4  }
0x382: {  	v4 =	vperm.xlane v3, v0;
	_ =	sdelay $0x1  }
0x383: {  	v3 =	vperm.xlane v3, v2;
	v4 =	vadd.s32 v1, v4;
	_ =	sdelay $0x1  }
0x384: {  	v3 =	vadd.s32 v1, v3;
	_ =	sdelay $0x1  }
0x385: {  	s21 =	simm.s32 $0x2800  }
0x386: {  	[tilespmem:s21], [sflag:$0x1] =	stream.indirect_vreg.gather [hbm4b:s2+s4], $0x80, v4, vm0, $0xb8;
	[tilespmem:$0x18800] =	vst v63  }
0x387: {  	s23 =	simm.s32 $0x3000  }
0x388: {  	[tilespmem:s23], [sflag:$0x1] =	stream.indirect_vreg.gather [hbm4b:s2+s4], $0x80, v3, vm0, $0xb8;
	[tilespmem:$0x18800] =	vst v63  }
0x389: {  	v3 =	vld [tilespmem:$0x4B0];
	_ =	sdelay $0x4  }
0x38a: {  	v11 =	vshll.u32 v3, $0x1  }
0x38b: {  	v3 =	vand.u32 $0x7, v3;
	v4 =	vand.u32 $0xFFFFFFF0, v11  }
0x38c: {  	v3 =	vor.u32 v3, v4  }
0x38d: {  	v4 =	vperm.xlane v3, v0;
	_ =	sdelay $0x1  }
0x38e: {  	v3 =	vperm.xlane v3, v2;
	v4 =	vadd.s32 v1, v4;
	_ =	sdelay $0x1  }
0x38f: {  	v3 =	vadd.s32 v1, v3;
	_ =	sdelay $0x1  }
0x390: {  	s14 =	simm.s32 $0x3800  }
0x391: {  	[tilespmem:s14], [sflag:$0x1] =	stream.indirect_vreg.gather [hbm4b:s2+s4], $0x80, v4, vm0, $0xb8;
	[tilespmem:$0x18800] =	vst v63  }
0x392: {  	s22 =	simm.s32 $0x4000  }
0x393: {  	[tilespmem:s22], [sflag:$0x1] =	stream.indirect_vreg.gather [hbm4b:s2+s4], $0x80, v3, vm0, $0xb8;
	[tilespmem:$0x18800] =	vst v63  }
0x394: {  	v3 =	vld [tilespmem:$0x4C0];
	_ =	sdelay $0x4  }
0x395: {  	v12 =	vshll.u32 v3, $0x1  }
0x396: {  	v3 =	vand.u32 $0x7, v3;
	v4 =	vand.u32 $0xFFFFFFF0, v12  }
0x397: {  	v3 =	vor.u32 v3, v4  }
0x398: {  	v4 =	vperm.xlane v3, v0;
	_ =	sdelay $0x1  }
0x399: {  	v3 =	vperm.xlane v3, v2;
	v4 =	vadd.s32 v1, v4;
	_ =	sdelay $0x1  }
0x39a: {  	v3 =	vadd.s32 v1, v3;
	_ =	sdelay $0x1  }
0x39b: {  	s15 =	simm.s32 $0x4800  }
0x39c: {  	[tilespmem:s15], [sflag:$0x1] =	stream.indirect_vreg.gather [hbm4b:s2+s4], $0x80, v4, vm0, $0xb8;
	[tilespmem:$0x18800] =	vst v63  }
0x39d: {  	s16 =	simm.s32 $0x5000  }
0x39e: {  	[tilespmem:s16], [sflag:$0x1] =	stream.indirect_vreg.gather [hbm4b:s2+s4], $0x80, v3, vm0, $0xb8;
	[tilespmem:$0x18800] =	vst v63  }
0x39f: {  	v3 =	vld [tilespmem:$0x4D0];
	_ =	sdelay $0x4  }
0x3a0: {  	v13 =	vshll.u32 v3, $0x1  }
0x3a1: {  	v3 =	vand.u32 $0x7, v3;
	v4 =	vand.u32 $0xFFFFFFF0, v13  }
0x3a2: {  	v3 =	vor.u32 v3, v4  }
0x3a3: {  	v4 =	vperm.xlane v3, v0;
	_ =	sdelay $0x1  }
0x3a4: {  	v3 =	vperm.xlane v3, v2;
	v4 =	vadd.s32 v1, v4;
	_ =	sdelay $0x1  }
0x3a5: {  	v3 =	vadd.s32 v1, v3;
	_ =	sdelay $0x1  }
0x3a6: {  	s8 =	simm.s32 $0x5800  }
0x3a7: {  	[tilespmem:s8], [sflag:$0x1] =	stream.indirect_vreg.gather [hbm4b:s2+s4], $0x80, v4, vm0, $0xb8;
	[tilespmem:$0x18800] =	vst v63  }
0x3a8: {  	s17 =	simm.s32 $0x6000  }
0x3a9: {  	[tilespmem:s17], [sflag:$0x1] =	stream.indirect_vreg.gather [hbm4b:s2+s4], $0x80, v3, vm0, $0xb8;
	[tilespmem:$0x18800] =	vst v63  }
0x3aa: {  	v3 =	vld [tilespmem:$0x4E0];
	_ =	sdelay $0x4  }
0x3ab: {  	v14 =	vshll.u32 v3, $0x1  }
0x3ac: {  	v3 =	vand.u32 $0x7, v3;
	v4 =	vand.u32 $0xFFFFFFF0, v14  }
0x3ad: {  	v3 =	vor.u32 v3, v4  }
0x3ae: {  	v4 =	vperm.xlane v3, v0;
	_ =	sdelay $0x1  }
0x3af: {  	v3 =	vperm.xlane v3, v2;
	v4 =	vadd.s32 v1, v4;
	_ =	sdelay $0x1  }
0x3b0: {  	v3 =	vadd.s32 v1, v3;
	_ =	sdelay $0x1  }
0x3b1: {  	s9 =	simm.s32 $0x6800  }
0x3b2: {  	[tilespmem:s9], [sflag:$0x1] =	stream.indirect_vreg.gather [hbm4b:s2+s4], $0x80, v4, vm0, $0xb8;
	[tilespmem:$0x18800] =	vst v63  }
0x3b3: {  	s18 =	simm.s32 $0x7000  }
0x3b4: {  	[tilespmem:s18], [sflag:$0x1] =	stream.indirect_vreg.gather [hbm4b:s2+s4], $0x80, v3, vm0, $0xb8;
	[tilespmem:$0x18800] =	vst v63  }
0x3b5: {  	v3 =	vld [tilespmem:$0x4F0];
	_ =	sdelay $0x4  }
0x3b6: {  	v15 =	vshll.u32 v3, $0x1  }
0x3b7: {  	v3 =	vand.u32 $0x7, v3;
	v4 =	vand.u32 $0xFFFFFFF0, v15  }
0x3b8: {  	v3 =	vor.u32 v3, v4  }
0x3b9: {  	v4 =	vperm.xlane v3, v0;
	_ =	sdelay $0x1  }
0x3ba: {  	v3 =	vperm.xlane v3, v2;
	v4 =	vadd.s32 v1, v4;
	_ =	sdelay $0x1  }
0x3bb: {  	v3 =	vadd.s32 v1, v3;
	_ =	sdelay $0x1  }
0x3bc: {  	s10 =	simm.s32 $0x7800  }
0x3bd: {  	[tilespmem:s10], [sflag:$0x1] =	stream.indirect_vreg.gather [hbm4b:s2+s4], $0x80, v4, vm0, $0xb8;
	[tilespmem:$0x18800] =	vst v63  }
0x3be: {  	s11 =	simm.s32 $0x8000  }
0x3bf: {  	[tilespmem:s11], [sflag:$0x1] =	stream.indirect_vreg.gather [hbm4b:s2+s4], $0x80, v3, vm0, $0xb8;
	[tilespmem:$0x18800] =	vst v63  }
0x3c0: {  	_ =	swait.ge [sflag:s26], $0x8000  }
0x3c1: {  	[sflag:s26] =	ssyncset.done $0x0  }
0x3c2: {  	s17 =	rddreg [dreg:$0x10];
	[sflag:s26] =	ssyncadd.s32 $0xFFFF8000  }
0x3c3: {  	[hbm4b:s17+s4] =	stream.linear.scatter [tilespmem:s6], [sflag:$0x6], $0x8000, $0x38;
	[tilespmem:$0x18800] =	vst v63  }
0x3c4: {  	_ =	swait.ge [sflag:s28], $0x8000  }
0x3c5: {  	[sflag:s28] =	ssyncset.done $0x0  }
0x3c6: {  	[sflag:s28] =	ssyncadd.s32 $0xFFFF8000  }
0x3c7: {  	v3 =	vld [tilespmem:$0x500];
	_ =	sdelay $0x4  }
0x3c8: {  	v16 =	vshll.u32 v3, $0x1  }
0x3c9: {  	v3 =	vand.u32 $0x7, v3;
	v4 =	vand.u32 $0xFFFFFFF0, v16  }
0x3ca: {  	v3 =	vor.u32 v3, v4  }
0x3cb: {  	v4 =	vperm.xlane v3, v0;
	_ =	sdelay $0x1  }
0x3cc: {  	v3 =	vperm.xlane v3, v2;
	v4 =	vadd.s32 v1, v4;
	_ =	sdelay $0x1  }
0x3cd: {  	v3 =	vadd.s32 v1, v3;
	_ =	sdelay $0x2  }
0x3ce: {  	[tilespmem:s3], [sflag:$0x2] =	stream.indirect_vreg.gather [hbm4b:s2+s4], $0x80, v4, vm0, $0xb8;
	[tilespmem:$0x18800] =	vst v63  }
0x3cf: {  	s18 =	simm.s32 $0x9000  }
0x3d0: {  	[tilespmem:s18], [sflag:$0x2] =	stream.indirect_vreg.gather [hbm4b:s2+s4], $0x80, v3, vm0, $0xb8;
	[tilespmem:$0x18800] =	vst v63  }
0x3d1: {  	v3 =	vld [tilespmem:$0x510];
	_ =	sdelay $0x4  }
0x3d2: {  	v17 =	vshll.u32 v3, $0x1  }
0x3d3: {  	v3 =	vand.u32 $0x7, v3;
	v4 =	vand.u32 $0xFFFFFFF0, v17  }
0x3d4: {  	v3 =	vor.u32 v3, v4  }
0x3d5: {  	v4 =	vperm.xlane v3, v0;
	_ =	sdelay $0x1  }
0x3d6: {  	v3 =	vperm.xlane v3, v2;
	v4 =	vadd.s32 v1, v4;
	_ =	sdelay $0x1  }
0x3d7: {  	v3 =	vadd.s32 v1, v3;
	_ =	sdelay $0x1  }
0x3d8: {  	s22 =	simm.s32 $0x9800  }
0x3d9: {  	[tilespmem:s22], [sflag:$0x2] =	stream.indirect_vreg.gather [hbm4b:s2+s4], $0x80, v4, vm0, $0xb8;
	[tilespmem:$0x18800] =	vst v63  }
0x3da: {  	s8 =	simm.s32 $0xA000  }
0x3db: {  	[tilespmem:s8], [sflag:$0x2] =	stream.indirect_vreg.gather [hbm4b:s2+s4], $0x80, v3, vm0, $0xb8;
	[tilespmem:$0x18800] =	vst v63  }
0x3dc: {  	v3 =	vld [tilespmem:$0x520];
	_ =	sdelay $0x4  }
0x3dd: {  	v18 =	vshll.u32 v3, $0x1  }
0x3de: {  	v3 =	vand.u32 $0x7, v3;
	v4 =	vand.u32 $0xFFFFFFF0, v18  }
0x3df: {  	v3 =	vor.u32 v3, v4  }
0x3e0: {  	v4 =	vperm.xlane v3, v0;
	_ =	sdelay $0x1  }
0x3e1: {  	v3 =	vperm.xlane v3, v2;
	v4 =	vadd.s32 v1, v4;
	_ =	sdelay $0x1  }
0x3e2: {  	v3 =	vadd.s32 v1, v3;
	_ =	sdelay $0x1  }
0x3e3: {  	s9 =	simm.s32 $0xA800  }
0x3e4: {  	[tilespmem:s9], [sflag:$0x2] =	stream.indirect_vreg.gather [hbm4b:s2+s4], $0x80, v4, vm0, $0xb8;
	[tilespmem:$0x18800] =	vst v63  }
0x3e5: {  	s11 =	simm.s32 $0xB000  }
0x3e6: {  	[tilespmem:s11], [sflag:$0x2] =	stream.indirect_vreg.gather [hbm4b:s2+s4], $0x80, v3, vm0, $0xb8;
	[tilespmem:$0x18800] =	vst v63  }
0x3e7: {  	v3 =	vld [tilespmem:$0x530];
	_ =	sdelay $0x4  }
0x3e8: {  	v19 =	vshll.u32 v3, $0x1  }
0x3e9: {  	v3 =	vand.u32 $0x7, v3;
	v4 =	vand.u32 $0xFFFFFFF0, v19  }
0x3ea: {  	v3 =	vor.u32 v3, v4  }
0x3eb: {  	v4 =	vperm.xlane v3, v0;
	_ =	sdelay $0x1  }
0x3ec: {  	v3 =	vperm.xlane v3, v2;
	v4 =	vadd.s32 v1, v4;
	_ =	sdelay $0x1  }
0x3ed: {  	v3 =	vadd.s32 v1, v3;
	_ =	sdelay $0x1  }
0x3ee: {  	s15 =	simm.s32 $0xB800  }
0x3ef: {  	[tilespmem:s15], [sflag:$0x2] =	stream.indirect_vreg.gather [hbm4b:s2+s4], $0x80, v4, vm0, $0xb8;
	[tilespmem:$0x18800] =	vst v63  }
0x3f0: {  	s16 =	simm.s32 $0xC000  }
0x3f1: {  	[tilespmem:s16], [sflag:$0x2] =	stream.indirect_vreg.gather [hbm4b:s2+s4], $0x80, v3, vm0, $0xb8;
	[tilespmem:$0x18800] =	vst v63  }
0x3f2: {  	v3 =	vld [tilespmem:$0x540];
	_ =	sdelay $0x4  }
0x3f3: {  	v20 =	vshll.u32 v3, $0x1  }
0x3f4: {  	v3 =	vand.u32 $0x7, v3;
	v4 =	vand.u32 $0xFFFFFFF0, v20  }
0x3f5: {  	v3 =	vor.u32 v3, v4  }
0x3f6: {  	v4 =	vperm.xlane v3, v0;
	_ =	sdelay $0x1  }
0x3f7: {  	v3 =	vperm.xlane v3, v2;
	v4 =	vadd.s32 v1, v4;
	_ =	sdelay $0x1  }
0x3f8: {  	v3 =	vadd.s32 v1, v3;
	_ =	sdelay $0x1  }
0x3f9: {  	s17 =	simm.s32 $0xC800  }
0x3fa: {  	[tilespmem:s17], [sflag:$0x2] =	stream.indirect_vreg.gather [hbm4b:s2+s4], $0x80, v4, vm0, $0xb8;
	[tilespmem:$0x18800] =	vst v63  }
0x3fb: {  	s18 =	simm.s32 $0xD000  }
0x3fc: {  	[tilespmem:s18], [sflag:$0x2] =	stream.indirect_vreg.gather [hbm4b:s2+s4], $0x80, v3, vm0, $0xb8;
	[tilespmem:$0x18800] =	vst v63  }
0x3fd: {  	v3 =	vld [tilespmem:$0x550];
	_ =	sdelay $0x4  }
0x3fe: {  	v21 =	vshll.u32 v3, $0x1  }
0x3ff: {  	v3 =	vand.u32 $0x7, v3;
	v4 =	vand.u32 $0xFFFFFFF0, v21  }
0x400: {  	v3 =	vor.u32 v3, v4  }
0x401: {  	v4 =	vperm.xlane v3, v0;
	_ =	sdelay $0x1  }
0x402: {  	v3 =	vperm.xlane v3, v2;
	v4 =	vadd.s32 v1, v4;
	_ =	sdelay $0x1  }
0x403: {  	v3 =	vadd.s32 v1, v3;
	_ =	sdelay $0x1  }
0x404: {  	s22 =	simm.s32 $0xD800  }
0x405: {  	[tilespmem:s22], [sflag:$0x2] =	stream.indirect_vreg.gather [hbm4b:s2+s4], $0x80, v4, vm0, $0xb8;
	[tilespmem:$0x18800] =	vst v63  }
0x406: {  	s8 =	simm.s32 $0xE000  }
0x407: {  	[tilespmem:s8], [sflag:$0x2] =	stream.indirect_vreg.gather [hbm4b:s2+s4], $0x80, v3, vm0, $0xb8;
	[tilespmem:$0x18800] =	vst v63  }
0x408: {  	v3 =	vld [tilespmem:$0x560];
	_ =	sdelay $0x4  }
0x409: {  	v22 =	vshll.u32 v3, $0x1  }
0x40a: {  	v3 =	vand.u32 $0x7, v3;
	v4 =	vand.u32 $0xFFFFFFF0, v22  }
0x40b: {  	v3 =	vor.u32 v3, v4  }
0x40c: {  	v4 =	vperm.xlane v3, v0;
	_ =	sdelay $0x1  }
0x40d: {  	v3 =	vperm.xlane v3, v2;
	v4 =	vadd.s32 v1, v4;
	_ =	sdelay $0x1  }
0x40e: {  	v3 =	vadd.s32 v1, v3;
	_ =	sdelay $0x1  }
0x40f: {  	s9 =	simm.s32 $0xE800  }
0x410: {  	[tilespmem:s9], [sflag:$0x2] =	stream.indirect_vreg.gather [hbm4b:s2+s4], $0x80, v4, vm0, $0xb8;
	[tilespmem:$0x18800] =	vst v63  }
0x411: {  	s11 =	simm.s32 $0xF000  }
0x412: {  	[tilespmem:s11], [sflag:$0x2] =	stream.indirect_vreg.gather [hbm4b:s2+s4], $0x80, v3, vm0, $0xb8;
	[tilespmem:$0x18800] =	vst v63  }
0x413: {  	v3 =	vld [tilespmem:$0x570];
	_ =	sdelay $0x4  }
0x414: {  	v23 =	vshll.u32 v3, $0x1  }
0x415: {  	v3 =	vand.u32 $0x7, v3;
	v4 =	vand.u32 $0xFFFFFFF0, v23  }
0x416: {  	v3 =	vor.u32 v3, v4  }
0x417: {  	v4 =	vperm.xlane v3, v0;
	_ =	sdelay $0x1  }
0x418: {  	v3 =	vperm.xlane v3, v2;
	v4 =	vadd.s32 v1, v4;
	_ =	sdelay $0x1  }
0x419: {  	v3 =	vadd.s32 v1, v3;
	_ =	sdelay $0x1  }
0x41a: {  	s15 =	simm.s32 $0xF800  }
0x41b: {  	[tilespmem:s15], [sflag:$0x2] =	stream.indirect_vreg.gather [hbm4b:s2+s4], $0x80, v4, vm0, $0xb8;
	[tilespmem:$0x18800] =	vst v63  }
0x41c: {  	s16 =	simm.s32 $0x10000  }
0x41d: {  	[tilespmem:s16], [sflag:$0x2] =	stream.indirect_vreg.gather [hbm4b:s2+s4], $0x80, v3, vm0, $0xb8;
	[tilespmem:$0x18800] =	vst v63  }
0x41e: {  	_ =	swait.ge [sflag:s31], $0x8000  }
0x41f: {  	[sflag:s31] =	ssyncset.done $0x0  }
0x420: {  	s17 =	rddreg [dreg:$0x11];
	[sflag:s31] =	ssyncadd.s32 $0xFFFF8000  }
0x421: {  	[hbm4b:s17+s4] =	stream.linear.scatter [tilespmem:s7], [sflag:$0x4], $0x8000, $0x38;
	[tilespmem:$0x18800] =	vst v63  }
0x422: {  	_ =	swait.ge [sflag:s29], $0x8000  }
0x423: {  	[sflag:s29] =	ssyncset.done $0x0  }
0x424: {  	[sflag:s29] =	ssyncadd.s32 $0xFFFF8000  }
0x425: {  	v3 =	vld [tilespmem:$0x580];
	_ =	sdelay $0x4  }
0x426: {  	v24 =	vshll.u32 v3, $0x1  }
0x427: {  	v3 =	vand.u32 $0x7, v3;
	v4 =	vand.u32 $0xFFFFFFF0, v24  }
0x428: {  	v3 =	vor.u32 v3, v4  }
0x429: {  	v4 =	vperm.xlane v3, v0;
	_ =	sdelay $0x1  }
0x42a: {  	v3 =	vperm.xlane v3, v2;
	v4 =	vadd.s32 v1, v4;
	_ =	sdelay $0x1  }
0x42b: {  	v3 =	vadd.s32 v1, v3;
	_ =	sdelay $0x2  }
0x42c: {  	[tilespmem:s6], [sflag:$0x3] =	stream.indirect_vreg.gather [hbm4b:s2+s4], $0x80, v4, vm0, $0xb8;
	[tilespmem:$0x18800] =	vst v63  }
0x42d: {  	s18 =	simm.s32 $0x11000  }
0x42e: {  	[tilespmem:s18], [sflag:$0x3] =	stream.indirect_vreg.gather [hbm4b:s2+s4], $0x80, v3, vm0, $0xb8;
	[tilespmem:$0x18800] =	vst v63  }
0x42f: {  	v3 =	vld [tilespmem:$0x590];
	_ =	sdelay $0x4  }
0x430: {  	v25 =	vshll.u32 v3, $0x1  }
0x431: {  	v3 =	vand.u32 $0x7, v3;
	v4 =	vand.u32 $0xFFFFFFF0, v25  }
0x432: {  	v3 =	vor.u32 v3, v4  }
0x433: {  	v4 =	vperm.xlane v3, v0;
	_ =	sdelay $0x1  }
0x434: {  	v3 =	vperm.xlane v3, v2;
	v4 =	vadd.s32 v1, v4;
	_ =	sdelay $0x1  }
0x435: {  	v3 =	vadd.s32 v1, v3;
	_ =	sdelay $0x1  }
0x436: {  	s19 =	simm.s32 $0x11800  }
0x437: {  	[tilespmem:s19], [sflag:$0x3] =	stream.indirect_vreg.gather [hbm4b:s2+s4], $0x80, v4, vm0, $0xb8;
	[tilespmem:$0x18800] =	vst v63  }
0x438: {  	s19 =	simm.s32 $0x12000  }
0x439: {  	[tilespmem:s19], [sflag:$0x3] =	stream.indirect_vreg.gather [hbm4b:s2+s4], $0x80, v3, vm0, $0xb8;
	[tilespmem:$0x18800] =	vst v63  }
0x43a: {  	v3 =	vld [tilespmem:$0x5A0];
	_ =	sdelay $0x4  }
0x43b: {  	v26 =	vshll.u32 v3, $0x1  }
0x43c: {  	v3 =	vand.u32 $0x7, v3;
	v4 =	vand.u32 $0xFFFFFFF0, v26  }
0x43d: {  	v3 =	vor.u32 v3, v4  }
0x43e: {  	v4 =	vperm.xlane v3, v0;
	_ =	sdelay $0x1  }
0x43f: {  	v3 =	vperm.xlane v3, v2;
	v4 =	vadd.s32 v1, v4;
	_ =	sdelay $0x1  }
0x440: {  	v3 =	vadd.s32 v1, v3;
	_ =	sdelay $0x1  }
0x441: {  	s20 =	simm.s32 $0x12800  }
0x442: {  	[tilespmem:s20], [sflag:$0x3] =	stream.indirect_vreg.gather [hbm4b:s2+s4], $0x80, v4, vm0, $0xb8;
	[tilespmem:$0x18800] =	vst v63  }
0x443: {  	s20 =	simm.s32 $0x13000  }
0x444: {  	[tilespmem:s20], [sflag:$0x3] =	stream.indirect_vreg.gather [hbm4b:s2+s4], $0x80, v3, vm0, $0xb8;
	[tilespmem:$0x18800] =	vst v63  }
0x445: {  	v3 =	vld [tilespmem:$0x5B0];
	_ =	sdelay $0x4  }
0x446: {  	v27 =	vshll.u32 v3, $0x1  }
0x447: {  	v3 =	vand.u32 $0x7, v3;
	v4 =	vand.u32 $0xFFFFFFF0, v27  }
0x448: {  	v3 =	vor.u32 v3, v4  }
0x449: {  	v4 =	vperm.xlane v3, v0;
	_ =	sdelay $0x1  }
0x44a: {  	v3 =	vperm.xlane v3, v2;
	v4 =	vadd.s32 v1, v4;
	_ =	sdelay $0x1  }
0x44b: {  	v3 =	vadd.s32 v1, v3;
	_ =	sdelay $0x1  }
0x44c: {  	s30 =	simm.s32 $0x13800  }
0x44d: {  	[tilespmem:s30], [sflag:$0x3] =	stream.indirect_vreg.gather [hbm4b:s2+s4], $0x80, v4, vm0, $0xb8;
	[tilespmem:$0x18800] =	vst v63  }
0x44e: {  	s22 =	simm.s32 $0x14000  }
0x44f: {  	[tilespmem:s22], [sflag:$0x3] =	stream.indirect_vreg.gather [hbm4b:s2+s4], $0x80, v3, vm0, $0xb8;
	[tilespmem:$0x18800] =	vst v63  }
0x450: {  	v3 =	vld [tilespmem:$0x5C0];
	_ =	sdelay $0x4  }
0x451: {  	v28 =	vshll.u32 v3, $0x1  }
0x452: {  	v3 =	vand.u32 $0x7, v3;
	v4 =	vand.u32 $0xFFFFFFF0, v28  }
0x453: {  	v3 =	vor.u32 v3, v4  }
0x454: {  	v4 =	vperm.xlane v3, v0;
	_ =	sdelay $0x1  }
0x455: {  	v3 =	vperm.xlane v3, v2;
	v4 =	vadd.s32 v1, v4;
	_ =	sdelay $0x1  }
0x456: {  	v3 =	vadd.s32 v1, v3;
	_ =	sdelay $0x1  }
0x457: {  	s30 =	simm.s32 $0x14800  }
0x458: {  	[tilespmem:s30], [sflag:$0x3] =	stream.indirect_vreg.gather [hbm4b:s2+s4], $0x80, v4, vm0, $0xb8;
	[tilespmem:$0x18800] =	vst v63  }
0x459: {  	s8 =	simm.s32 $0x15000  }
0x45a: {  	[tilespmem:s8], [sflag:$0x3] =	stream.indirect_vreg.gather [hbm4b:s2+s4], $0x80, v3, vm0, $0xb8;
	[tilespmem:$0x18800] =	vst v63  }
0x45b: {  	v3 =	vld [tilespmem:$0x5D0];
	_ =	sdelay $0x4  }
0x45c: {  	v29 =	vshll.u32 v3, $0x1  }
0x45d: {  	v3 =	vand.u32 $0x7, v3;
	v4 =	vand.u32 $0xFFFFFFF0, v29  }
0x45e: {  	v3 =	vor.u32 v3, v4  }
0x45f: {  	v4 =	vperm.xlane v3, v0;
	_ =	sdelay $0x1  }
0x460: {  	v3 =	vperm.xlane v3, v2;
	v4 =	vadd.s32 v1, v4;
	_ =	sdelay $0x1  }
0x461: {  	v3 =	vadd.s32 v1, v3;
	_ =	sdelay $0x1  }
0x462: {  	s9 =	simm.s32 $0x15800  }
0x463: {  	[tilespmem:s9], [sflag:$0x3] =	stream.indirect_vreg.gather [hbm4b:s2+s4], $0x80, v4, vm0, $0xb8;
	[tilespmem:$0x18800] =	vst v63  }
0x464: {  	s15 =	simm.s32 $0x16000  }
0x465: {  	[tilespmem:s15], [sflag:$0x3] =	stream.indirect_vreg.gather [hbm4b:s2+s4], $0x80, v3, vm0, $0xb8;
	[tilespmem:$0x18800] =	vst v63  }
0x466: {  	v3 =	vld [tilespmem:$0x5E0];
	_ =	sdelay $0x4  }
0x467: {  	v30 =	vshll.u32 v3, $0x1  }
0x468: {  	v3 =	vand.u32 $0x7, v3;
	v4 =	vand.u32 $0xFFFFFFF0, v30  }
0x469: {  	v3 =	vor.u32 v3, v4  }
0x46a: {  	v4 =	vperm.xlane v3, v0;
	_ =	sdelay $0x1  }
0x46b: {  	v3 =	vperm.xlane v3, v2;
	v4 =	vadd.s32 v1, v4;
	_ =	sdelay $0x1  }
0x46c: {  	v3 =	vadd.s32 v1, v3;
	_ =	sdelay $0x1  }
0x46d: {  	s16 =	simm.s32 $0x16800  }
0x46e: {  	[tilespmem:s16], [sflag:$0x3] =	stream.indirect_vreg.gather [hbm4b:s2+s4], $0x80, v4, vm0, $0xb8;
	[tilespmem:$0x18800] =	vst v63  }
0x46f: {  	s17 =	simm.s32 $0x17000  }
0x470: {  	[tilespmem:s17], [sflag:$0x3] =	stream.indirect_vreg.gather [hbm4b:s2+s4], $0x80, v3, vm0, $0xb8;
	[tilespmem:$0x18800] =	vst v63  }
0x471: {  	v3 =	vld [tilespmem:$0x5F0];
	_ =	sdelay $0x4  }
0x472: {  	v31 =	vshll.u32 v3, $0x1  }
0x473: {  	v3 =	vand.u32 $0x7, v3;
	v4 =	vand.u32 $0xFFFFFFF0, v31  }
0x474: {  	v3 =	vor.u32 v3, v4  }
0x475: {  	v4 =	vperm.xlane v3, v0;
	_ =	sdelay $0x1  }
0x476: {  	v3 =	vperm.xlane v3, v2;
	v4 =	vadd.s32 v1, v4;
	_ =	sdelay $0x1  }
0x477: {  	v3 =	vadd.s32 v1, v3;
	_ =	sdelay $0x1  }
0x478: {  	s8 =	simm.s32 $0x17800  }
0x479: {  	[tilespmem:s8], [sflag:$0x3] =	stream.indirect_vreg.gather [hbm4b:s2+s4], $0x80, v4, vm0, $0xb8;
	[tilespmem:$0x18800] =	vst v63  }
0x47a: {  	s9 =	simm.s32 $0x18000  }
0x47b: {  	[tilespmem:s9], [sflag:$0x3] =	stream.indirect_vreg.gather [hbm4b:s2+s4], $0x80, v3, vm0, $0xb8;
	[tilespmem:$0x18800] =	vst v63  }
0x47c: {  	_ =	swait.ge [sflag:s24], $0x8000  }
0x47d: {  	[sflag:s24] =	ssyncset.done $0x0  }
0x47e: {  	s15 =	rddreg [dreg:$0x12];
	[sflag:s24] =	ssyncadd.s32 $0xFFFF8000  }
0x47f: {  	[hbm4b:s15+s4] =	stream.linear.scatter [tilespmem:s3], [sflag:$0x5], $0x8000, $0x38;
	[tilespmem:$0x18800] =	vst v63  }
0x480: {  	_ =	swait.ge [sflag:s25], $0x8000  }
0x481: {  	[sflag:s25] =	ssyncset.done $0x0  }
0x482: {  	[sflag:s25] =	ssyncadd.s32 $0xFFFF8000  }
0x483: {  	v3 =	vld [tilespmem:$0x600];
	_ =	sdelay $0x4  }
0x484: {  	v32 =	vshll.u32 v3, $0x1  }
0x485: {  	v3 =	vand.u32 $0x7, v3;
	v4 =	vand.u32 $0xFFFFFFF0, v32  }
0x486: {  	v3 =	vor.u32 v3, v4  }
0x487: {  	v4 =	vperm.xlane v3, v0;
	_ =	sdelay $0x1  }
0x488: {  	v3 =	vperm.xlane v3, v2;
	v4 =	vadd.s32 v1, v4;
	_ =	sdelay $0x1  }
0x489: {  	v3 =	vadd.s32 v1, v3;
	_ =	sdelay $0x2  }
0x48a: {  	[tilespmem:s7], [sflag:$0x1] =	stream.indirect_vreg.gather [hbm4b:s2+s4], $0x80, v4, vm0, $0xb8;
	[tilespmem:$0x18800] =	vst v63  }
0x48b: {  	s16 =	simm.s32 $0x1000  }
0x48c: {  	[tilespmem:s16], [sflag:$0x1] =	stream.indirect_vreg.gather [hbm4b:s2+s4], $0x80, v3, vm0, $0xb8;
	[tilespmem:$0x18800] =	vst v63  }
0x48d: {  	v3 =	vld [tilespmem:$0x610];
	_ =	sdelay $0x4  }
0x48e: {  	v33 =	vshll.u32 v3, $0x1  }
0x48f: {  	v3 =	vand.u32 $0x7, v3;
	v4 =	vand.u32 $0xFFFFFFF0, v33  }
0x490: {  	v3 =	vor.u32 v3, v4  }
0x491: {  	v4 =	vperm.xlane v3, v0;
	_ =	sdelay $0x1  }
0x492: {  	v3 =	vperm.xlane v3, v2;
	v4 =	vadd.s32 v1, v4;
	_ =	sdelay $0x1  }
0x493: {  	v3 =	vadd.s32 v1, v3;
	_ =	sdelay $0x1  }
0x494: {  	s12 =	simm.s32 $0x1800  }
0x495: {  	[tilespmem:s12], [sflag:$0x1] =	stream.indirect_vreg.gather [hbm4b:s2+s4], $0x80, v4, vm0, $0xb8;
	[tilespmem:$0x18800] =	vst v63  }
0x496: {  	s17 =	simm.s32 $0x2000  }
0x497: {  	[tilespmem:s17], [sflag:$0x1] =	stream.indirect_vreg.gather [hbm4b:s2+s4], $0x80, v3, vm0, $0xb8;
	[tilespmem:$0x18800] =	vst v63  }
0x498: {  	v3 =	vld [tilespmem:$0x620];
	_ =	sdelay $0x4  }
0x499: {  	v34 =	vshll.u32 v3, $0x1  }
0x49a: {  	v3 =	vand.u32 $0x7, v3;
	v4 =	vand.u32 $0xFFFFFFF0, v34  }
0x49b: {  	v3 =	vor.u32 v3, v4  }
0x49c: {  	v4 =	vperm.xlane v3, v0;
	_ =	sdelay $0x1  }
0x49d: {  	v3 =	vperm.xlane v3, v2;
	v4 =	vadd.s32 v1, v4;
	_ =	sdelay $0x1  }
0x49e: {  	v3 =	vadd.s32 v1, v3;
	_ =	sdelay $0x1  }
0x49f: {  	s12 =	simm.s32 $0x2800  }
0x4a0: {  	[tilespmem:s12], [sflag:$0x1] =	stream.indirect_vreg.gather [hbm4b:s2+s4], $0x80, v4, vm0, $0xb8;
	[tilespmem:$0x18800] =	vst v63  }
0x4a1: {  	s17 =	simm.s32 $0x3000  }
0x4a2: {  	[tilespmem:s17], [sflag:$0x1] =	stream.indirect_vreg.gather [hbm4b:s2+s4], $0x80, v3, vm0, $0xb8;
	[tilespmem:$0x18800] =	vst v63  }
0x4a3: {  	v3 =	vld [tilespmem:$0x630];
	_ =	sdelay $0x4  }
0x4a4: {  	v35 =	vshll.u32 v3, $0x1  }
0x4a5: {  	v3 =	vand.u32 $0x7, v3;
	v4 =	vand.u32 $0xFFFFFFF0, v35  }
0x4a6: {  	v3 =	vor.u32 v3, v4  }
0x4a7: {  	v4 =	vperm.xlane v3, v0;
	_ =	sdelay $0x1  }
0x4a8: {  	v3 =	vperm.xlane v3, v2;
	v4 =	vadd.s32 v1, v4;
	_ =	sdelay $0x1  }
0x4a9: {  	v3 =	vadd.s32 v1, v3;
	_ =	sdelay $0x1  }
0x4aa: {  	s21 =	simm.s32 $0x3800  }
0x4ab: {  	[tilespmem:s21], [sflag:$0x1] =	stream.indirect_vreg.gather [hbm4b:s2+s4], $0x80, v4, vm0, $0xb8;
	[tilespmem:$0x18800] =	vst v63  }
0x4ac: {  	s21 =	simm.s32 $0x4000  }
0x4ad: {  	[tilespmem:s21], [sflag:$0x1] =	stream.indirect_vreg.gather [hbm4b:s2+s4], $0x80, v3, vm0, $0xb8;
	[tilespmem:$0x18800] =	vst v63  }
0x4ae: {  	v3 =	vld [tilespmem:$0x640];
	_ =	sdelay $0x4  }
0x4af: {  	v36 =	vshll.u32 v3, $0x1  }
0x4b0: {  	v3 =	vand.u32 $0x7, v3;
	v4 =	vand.u32 $0xFFFFFFF0, v36  }
0x4b1: {  	v3 =	vor.u32 v3, v4  }
0x4b2: {  	v4 =	vperm.xlane v3, v0;
	_ =	sdelay $0x1  }
0x4b3: {  	v3 =	vperm.xlane v3, v2;
	v4 =	vadd.s32 v1, v4;
	_ =	sdelay $0x1  }
0x4b4: {  	v3 =	vadd.s32 v1, v3;
	_ =	sdelay $0x1  }
0x4b5: {  	s23 =	simm.s32 $0x4800  }
0x4b6: {  	[tilespmem:s23], [sflag:$0x1] =	stream.indirect_vreg.gather [hbm4b:s2+s4], $0x80, v4, vm0, $0xb8;
	[tilespmem:$0x18800] =	vst v63  }
0x4b7: {  	s12 =	simm.s32 $0x5000  }
0x4b8: {  	[tilespmem:s12], [sflag:$0x1] =	stream.indirect_vreg.gather [hbm4b:s2+s4], $0x80, v3, vm0, $0xb8;
	[tilespmem:$0x18800] =	vst v63  }
0x4b9: {  	v3 =	vld [tilespmem:$0x650];
	_ =	sdelay $0x4  }
0x4ba: {  	v37 =	vshll.u32 v3, $0x1  }
0x4bb: {  	v3 =	vand.u32 $0x7, v3;
	v4 =	vand.u32 $0xFFFFFFF0, v37  }
0x4bc: {  	v3 =	vor.u32 v3, v4  }
0x4bd: {  	v4 =	vperm.xlane v3, v0;
	_ =	sdelay $0x1  }
0x4be: {  	v3 =	vperm.xlane v3, v2;
	v4 =	vadd.s32 v1, v4;
	_ =	sdelay $0x1  }
0x4bf: {  	v3 =	vadd.s32 v1, v3;
	_ =	sdelay $0x1  }
0x4c0: {  	s13 =	simm.s32 $0x5800  }
0x4c1: {  	[tilespmem:s13], [sflag:$0x1] =	stream.indirect_vreg.gather [hbm4b:s2+s4], $0x80, v4, vm0, $0xb8;
	[tilespmem:$0x18800] =	vst v63  }
0x4c2: {  	s13 =	simm.s32 $0x6000  }
0x4c3: {  	[tilespmem:s13], [sflag:$0x1] =	stream.indirect_vreg.gather [hbm4b:s2+s4], $0x80, v3, vm0, $0xb8;
	[tilespmem:$0x18800] =	vst v63  }
0x4c4: {  	v3 =	vld [tilespmem:$0x660];
	_ =	sdelay $0x4  }
0x4c5: {  	v38 =	vshll.u32 v3, $0x1  }
0x4c6: {  	v3 =	vand.u32 $0x7, v3;
	v4 =	vand.u32 $0xFFFFFFF0, v38  }
0x4c7: {  	v3 =	vor.u32 v3, v4  }
0x4c8: {  	v4 =	vperm.xlane v3, v0;
	_ =	sdelay $0x1  }
0x4c9: {  	v3 =	vperm.xlane v3, v2;
	v4 =	vadd.s32 v1, v4;
	_ =	sdelay $0x1  }
0x4ca: {  	v3 =	vadd.s32 v1, v3;
	_ =	sdelay $0x1  }
0x4cb: {  	s14 =	simm.s32 $0x6800  }
0x4cc: {  	[tilespmem:s14], [sflag:$0x1] =	stream.indirect_vreg.gather [hbm4b:s2+s4], $0x80, v4, vm0, $0xb8;
	[tilespmem:$0x18800] =	vst v63  }
0x4cd: {  	s14 =	simm.s32 $0x7000  }
0x4ce: {  	[tilespmem:s14], [sflag:$0x1] =	stream.indirect_vreg.gather [hbm4b:s2+s4], $0x80, v3, vm0, $0xb8;
	[tilespmem:$0x18800] =	vst v63  }
0x4cf: {  	v3 =	vld [tilespmem:$0x670];
	_ =	sdelay $0x4  }
0x4d0: {  	v39 =	vshll.u32 v3, $0x1  }
0x4d1: {  	v3 =	vand.u32 $0x7, v3;
	v4 =	vand.u32 $0xFFFFFFF0, v39  }
0x4d2: {  	v3 =	vor.u32 v3, v4  }
0x4d3: {  	v4 =	vperm.xlane v3, v0;
	_ =	sdelay $0x1  }
0x4d4: {  	v3 =	vperm.xlane v3, v2;
	v4 =	vadd.s32 v1, v4;
	_ =	sdelay $0x1  }
0x4d5: {  	v3 =	vadd.s32 v1, v3;
	_ =	sdelay $0x1  }
0x4d6: {  	s10 =	simm.s32 $0x7800  }
0x4d7: {  	[tilespmem:s10], [sflag:$0x1] =	stream.indirect_vreg.gather [hbm4b:s2+s4], $0x80, v4, vm0, $0xb8;
	[tilespmem:$0x18800] =	vst v63  }
0x4d8: {  	s10 =	simm.s32 $0x8000  }
0x4d9: {  	[tilespmem:s10], [sflag:$0x1] =	stream.indirect_vreg.gather [hbm4b:s2+s4], $0x80, v3, vm0, $0xb8;
	[tilespmem:$0x18800] =	vst v63  }
0x4da: {  	_ =	swait.ge [sflag:s26], $0x8000  }
0x4db: {  	[sflag:s26] =	ssyncset.done $0x0  }
0x4dc: {  	s1 =	rddreg [dreg:$0x13];
	[sflag:s26] =	ssyncadd.s32 $0xFFFF8000  }
0x4dd: {  	[hbm4b:s1+s4] =	stream.linear.scatter [tilespmem:s6], [sflag:$0x6], $0x8000, $0x38;
	[tilespmem:$0x18800] =	vst v63  }
0x4de: {  	_ =	swait.ge [sflag:s28], $0x8000  }
0x4df: {  	[sflag:s28] =	ssyncset.done $0x0  }
0x4e0: {  	[sflag:s28] =	ssyncadd.s32 $0xFFFF8000  }
0x4e1: {  	v3 =	vld [tilespmem:$0x680];
	_ =	sdelay $0x4  }
0x4e2: {  	v40 =	vshll.u32 v3, $0x1  }
0x4e3: {  	v3 =	vand.u32 $0x7, v3;
	v4 =	vand.u32 $0xFFFFFFF0, v40  }
0x4e4: {  	v3 =	vor.u32 v3, v4  }
0x4e5: {  	v4 =	vperm.xlane v3, v0;
	_ =	sdelay $0x1  }
0x4e6: {  	v3 =	vperm.xlane v3, v2;
	v4 =	vadd.s32 v1, v4;
	_ =	sdelay $0x1  }
0x4e7: {  	v3 =	vadd.s32 v1, v3;
	_ =	sdelay $0x2  }
0x4e8: {  	[tilespmem:s3], [sflag:$0x2] =	stream.indirect_vreg.gather [hbm4b:s2+s4], $0x80, v4, vm0, $0xb8;
	[tilespmem:$0x18800] =	vst v63  }
0x4e9: {  	s1 =	simm.s32 $0x9000  }
0x4ea: {  	[tilespmem:s1], [sflag:$0x2] =	stream.indirect_vreg.gather [hbm4b:s2+s4], $0x80, v3, vm0, $0xb8;
	[tilespmem:$0x18800] =	vst v63  }
0x4eb: {  	v3 =	vld [tilespmem:$0x690];
	_ =	sdelay $0x4  }
0x4ec: {  	v41 =	vshll.u32 v3, $0x1  }
0x4ed: {  	v3 =	vand.u32 $0x7, v3;
	v4 =	vand.u32 $0xFFFFFFF0, v41  }
0x4ee: {  	v3 =	vor.u32 v3, v4  }
0x4ef: {  	v4 =	vperm.xlane v3, v0;
	_ =	sdelay $0x1  }
0x4f0: {  	v3 =	vperm.xlane v3, v2;
	v4 =	vadd.s32 v1, v4;
	_ =	sdelay $0x1  }
0x4f1: {  	v3 =	vadd.s32 v1, v3;
	_ =	sdelay $0x1  }
0x4f2: {  	s1 =	simm.s32 $0x9800  }
0x4f3: {  	[tilespmem:s1], [sflag:$0x2] =	stream.indirect_vreg.gather [hbm4b:s2+s4], $0x80, v4, vm0, $0xb8;
	[tilespmem:$0x18800] =	vst v63  }
0x4f4: {  	s1 =	simm.s32 $0xA000  }
0x4f5: {  	[tilespmem:s1], [sflag:$0x2] =	stream.indirect_vreg.gather [hbm4b:s2+s4], $0x80, v3, vm0, $0xb8;
	[tilespmem:$0x18800] =	vst v63  }
0x4f6: {  	v3 =	vld [tilespmem:$0x6A0];
	_ =	sdelay $0x4  }
0x4f7: {  	v42 =	vshll.u32 v3, $0x1  }
0x4f8: {  	v3 =	vand.u32 $0x7, v3;
	v4 =	vand.u32 $0xFFFFFFF0, v42  }
0x4f9: {  	v3 =	vor.u32 v3, v4  }
0x4fa: {  	v4 =	vperm.xlane v3, v0;
	_ =	sdelay $0x1  }
0x4fb: {  	v3 =	vperm.xlane v3, v2;
	v4 =	vadd.s32 v1, v4;
	_ =	sdelay $0x1  }
0x4fc: {  	v3 =	vadd.s32 v1, v3;
	_ =	sdelay $0x1  }
0x4fd: {  	s1 =	simm.s32 $0xA800  }
0x4fe: {  	[tilespmem:s1], [sflag:$0x2] =	stream.indirect_vreg.gather [hbm4b:s2+s4], $0x80, v4, vm0, $0xb8;
	[tilespmem:$0x18800] =	vst v63  }
0x4ff: {  	s1 =	simm.s32 $0xB000  }
0x500: {  	[tilespmem:s1], [sflag:$0x2] =	stream.indirect_vreg.gather [hbm4b:s2+s4], $0x80, v3, vm0, $0xb8;
	[tilespmem:$0x18800] =	vst v63  }
0x501: {  	v3 =	vld [tilespmem:$0x6B0];
	_ =	sdelay $0x4  }
0x502: {  	v43 =	vshll.u32 v3, $0x1  }
0x503: {  	v3 =	vand.u32 $0x7, v3;
	v4 =	vand.u32 $0xFFFFFFF0, v43  }
0x504: {  	v3 =	vor.u32 v3, v4  }
0x505: {  	v4 =	vperm.xlane v3, v0;
	_ =	sdelay $0x1  }
0x506: {  	v3 =	vperm.xlane v3, v2;
	v4 =	vadd.s32 v1, v4;
	_ =	sdelay $0x1  }
0x507: {  	v3 =	vadd.s32 v1, v3;
	_ =	sdelay $0x1  }
0x508: {  	s1 =	simm.s32 $0xB800  }
0x509: {  	[tilespmem:s1], [sflag:$0x2] =	stream.indirect_vreg.gather [hbm4b:s2+s4], $0x80, v4, vm0, $0xb8;
	[tilespmem:$0x18800] =	vst v63  }
0x50a: {  	s1 =	simm.s32 $0xC000  }
0x50b: {  	[tilespmem:s1], [sflag:$0x2] =	stream.indirect_vreg.gather [hbm4b:s2+s4], $0x80, v3, vm0, $0xb8;
	[tilespmem:$0x18800] =	vst v63  }
0x50c: {  	v3 =	vld [tilespmem:$0x6C0];
	_ =	sdelay $0x4  }
0x50d: {  	v44 =	vshll.u32 v3, $0x1  }
0x50e: {  	v3 =	vand.u32 $0x7, v3;
	v4 =	vand.u32 $0xFFFFFFF0, v44  }
0x50f: {  	v3 =	vor.u32 v3, v4  }
0x510: {  	v4 =	vperm.xlane v3, v0;
	_ =	sdelay $0x1  }
0x511: {  	v3 =	vperm.xlane v3, v2;
	v4 =	vadd.s32 v1, v4;
	_ =	sdelay $0x1  }
0x512: {  	v3 =	vadd.s32 v1, v3;
	_ =	sdelay $0x1  }
0x513: {  	s1 =	simm.s32 $0xC800  }
0x514: {  	[tilespmem:s1], [sflag:$0x2] =	stream.indirect_vreg.gather [hbm4b:s2+s4], $0x80, v4, vm0, $0xb8;
	[tilespmem:$0x18800] =	vst v63  }
0x515: {  	s1 =	simm.s32 $0xD000  }
0x516: {  	[tilespmem:s1], [sflag:$0x2] =	stream.indirect_vreg.gather [hbm4b:s2+s4], $0x80, v3, vm0, $0xb8;
	[tilespmem:$0x18800] =	vst v63  }
0x517: {  	v3 =	vld [tilespmem:$0x6D0];
	_ =	sdelay $0x4  }
0x518: {  	v45 =	vshll.u32 v3, $0x1  }
0x519: {  	v3 =	vand.u32 $0x7, v3;
	v4 =	vand.u32 $0xFFFFFFF0, v45  }
0x51a: {  	v3 =	vor.u32 v3, v4  }
0x51b: {  	v4 =	vperm.xlane v3, v0;
	_ =	sdelay $0x1  }
0x51c: {  	v3 =	vperm.xlane v3, v2;
	v4 =	vadd.s32 v1, v4;
	_ =	sdelay $0x1  }
0x51d: {  	v3 =	vadd.s32 v1, v3;
	_ =	sdelay $0x1  }
0x51e: {  	s1 =	simm.s32 $0xD800  }
0x51f: {  	[tilespmem:s1], [sflag:$0x2] =	stream.indirect_vreg.gather [hbm4b:s2+s4], $0x80, v4, vm0, $0xb8;
	[tilespmem:$0x18800] =	vst v63  }
0x520: {  	s1 =	simm.s32 $0xE000  }
0x521: {  	[tilespmem:s1], [sflag:$0x2] =	stream.indirect_vreg.gather [hbm4b:s2+s4], $0x80, v3, vm0, $0xb8;
	[tilespmem:$0x18800] =	vst v63  }
0x522: {  	v3 =	vld [tilespmem:$0x6E0];
	_ =	sdelay $0x4  }
0x523: {  	v46 =	vshll.u32 v3, $0x1  }
0x524: {  	v3 =	vand.u32 $0x7, v3;
	v4 =	vand.u32 $0xFFFFFFF0, v46  }
0x525: {  	v3 =	vor.u32 v3, v4  }
0x526: {  	v4 =	vperm.xlane v3, v0;
	_ =	sdelay $0x1  }
0x527: {  	v3 =	vperm.xlane v3, v2;
	v4 =	vadd.s32 v1, v4;
	_ =	sdelay $0x1  }
0x528: {  	v3 =	vadd.s32 v1, v3;
	_ =	sdelay $0x1  }
0x529: {  	s1 =	simm.s32 $0xE800  }
0x52a: {  	[tilespmem:s1], [sflag:$0x2] =	stream.indirect_vreg.gather [hbm4b:s2+s4], $0x80, v4, vm0, $0xb8;
	[tilespmem:$0x18800] =	vst v63  }
0x52b: {  	s1 =	simm.s32 $0xF000  }
0x52c: {  	[tilespmem:s1], [sflag:$0x2] =	stream.indirect_vreg.gather [hbm4b:s2+s4], $0x80, v3, vm0, $0xb8;
	[tilespmem:$0x18800] =	vst v63  }
0x52d: {  	v3 =	vld [tilespmem:$0x6F0];
	_ =	sdelay $0x4  }
0x52e: {  	v47 =	vshll.u32 v3, $0x1  }
0x52f: {  	v3 =	vand.u32 $0x7, v3;
	v4 =	vand.u32 $0xFFFFFFF0, v47  }
0x530: {  	v3 =	vor.u32 v3, v4  }
0x531: {  	v4 =	vperm.xlane v3, v0;
	_ =	sdelay $0x1  }
0x532: {  	v3 =	vperm.xlane v3, v2;
	v4 =	vadd.s32 v1, v4;
	_ =	sdelay $0x1  }
0x533: {  	v3 =	vadd.s32 v1, v3;
	_ =	sdelay $0x1  }
0x534: {  	s1 =	simm.s32 $0xF800  }
0x535: {  	[tilespmem:s1], [sflag:$0x2] =	stream.indirect_vreg.gather [hbm4b:s2+s4], $0x80, v4, vm0, $0xb8;
	[tilespmem:$0x18800] =	vst v63  }
0x536: {  	s1 =	simm.s32 $0x10000  }
0x537: {  	[tilespmem:s1], [sflag:$0x2] =	stream.indirect_vreg.gather [hbm4b:s2+s4], $0x80, v3, vm0, $0xb8;
	[tilespmem:$0x18800] =	vst v63  }
0x538: {  	_ =	swait.ge [sflag:s31], $0x8000  }
0x539: {  	[sflag:s31] =	ssyncset.done $0x0  }
0x53a: {  	s1 =	rddreg [dreg:$0x14];
	[sflag:s31] =	ssyncadd.s32 $0xFFFF8000  }
0x53b: {  	[hbm4b:s1+s4] =	stream.linear.scatter [tilespmem:s7], [sflag:$0x4], $0x8000, $0x38;
	[tilespmem:$0x18800] =	vst v63  }
0x53c: {  	_ =	swait.ge [sflag:s29], $0x8000  }
0x53d: {  	[sflag:s29] =	ssyncset.done $0x0  }
0x53e: {  	[sflag:s29] =	ssyncadd.s32 $0xFFFF8000  }
0x53f: {  	v3 =	vld [tilespmem:$0x700];
	_ =	sdelay $0x4  }
0x540: {  	v48 =	vshll.u32 v3, $0x1  }
0x541: {  	v3 =	vand.u32 $0x7, v3;
	v4 =	vand.u32 $0xFFFFFFF0, v48  }
0x542: {  	v3 =	vor.u32 v3, v4  }
0x543: {  	v4 =	vperm.xlane v3, v0;
	_ =	sdelay $0x1  }
0x544: {  	v3 =	vperm.xlane v3, v2;
	v4 =	vadd.s32 v1, v4;
	_ =	sdelay $0x1  }
0x545: {  	v3 =	vadd.s32 v1, v3;
	_ =	sdelay $0x2  }
0x546: {  	[tilespmem:s6], [sflag:$0x3] =	stream.indirect_vreg.gather [hbm4b:s2+s4], $0x80, v4, vm0, $0xb8;
	[tilespmem:$0x18800] =	vst v63  }
0x547: {  	s1 =	simm.s32 $0x11000  }
0x548: {  	[tilespmem:s1], [sflag:$0x3] =	stream.indirect_vreg.gather [hbm4b:s2+s4], $0x80, v3, vm0, $0xb8;
	[tilespmem:$0x18800] =	vst v63  }
0x549: {  	v3 =	vld [tilespmem:$0x710];
	_ =	sdelay $0x4  }
0x54a: {  	v49 =	vshll.u32 v3, $0x1  }
0x54b: {  	v3 =	vand.u32 $0x7, v3;
	v4 =	vand.u32 $0xFFFFFFF0, v49  }
0x54c: {  	v3 =	vor.u32 v3, v4  }
0x54d: {  	v4 =	vperm.xlane v3, v0;
	_ =	sdelay $0x1  }
0x54e: {  	v3 =	vperm.xlane v3, v2;
	v4 =	vadd.s32 v1, v4;
	_ =	sdelay $0x1  }
0x54f: {  	v3 =	vadd.s32 v1, v3;
	_ =	sdelay $0x1  }
0x550: {  	s11 =	simm.s32 $0x11800  }
0x551: {  	[tilespmem:s11], [sflag:$0x3] =	stream.indirect_vreg.gather [hbm4b:s2+s4], $0x80, v4, vm0, $0xb8;
	[tilespmem:$0x18800] =	vst v63  }
0x552: {  	s11 =	simm.s32 $0x12000  }
0x553: {  	[tilespmem:s11], [sflag:$0x3] =	stream.indirect_vreg.gather [hbm4b:s2+s4], $0x80, v3, vm0, $0xb8;
	[tilespmem:$0x18800] =	vst v63  }
0x554: {  	v3 =	vld [tilespmem:$0x720];
	_ =	sdelay $0x4  }
0x555: {  	v50 =	vshll.u32 v3, $0x1  }
0x556: {  	v3 =	vand.u32 $0x7, v3;
	v4 =	vand.u32 $0xFFFFFFF0, v50  }
0x557: {  	v3 =	vor.u32 v3, v4  }
0x558: {  	v4 =	vperm.xlane v3, v0;
	_ =	sdelay $0x1  }
0x559: {  	v3 =	vperm.xlane v3, v2;
	v4 =	vadd.s32 v1, v4;
	_ =	sdelay $0x1  }
0x55a: {  	v3 =	vadd.s32 v1, v3;
	_ =	sdelay $0x1  }
0x55b: {  	s18 =	simm.s32 $0x12800  }
0x55c: {  	[tilespmem:s18], [sflag:$0x3] =	stream.indirect_vreg.gather [hbm4b:s2+s4], $0x80, v4, vm0, $0xb8;
	[tilespmem:$0x18800] =	vst v63  }
0x55d: {  	s18 =	simm.s32 $0x13000  }
0x55e: {  	[tilespmem:s18], [sflag:$0x3] =	stream.indirect_vreg.gather [hbm4b:s2+s4], $0x80, v3, vm0, $0xb8;
	[tilespmem:$0x18800] =	vst v63  }
0x55f: {  	v3 =	vld [tilespmem:$0x730];
	_ =	sdelay $0x4  }
0x560: {  	v51 =	vshll.u32 v3, $0x1  }
0x561: {  	v3 =	vand.u32 $0x7, v3;
	v4 =	vand.u32 $0xFFFFFFF0, v51  }
0x562: {  	v3 =	vor.u32 v3, v4  }
0x563: {  	v4 =	vperm.xlane v3, v0;
	_ =	sdelay $0x1  }
0x564: {  	v3 =	vperm.xlane v3, v2;
	v4 =	vadd.s32 v1, v4;
	_ =	sdelay $0x1  }
0x565: {  	v3 =	vadd.s32 v1, v3;
	_ =	sdelay $0x1  }
0x566: {  	s19 =	simm.s32 $0x13800  }
0x567: {  	[tilespmem:s19], [sflag:$0x3] =	stream.indirect_vreg.gather [hbm4b:s2+s4], $0x80, v4, vm0, $0xb8;
	[tilespmem:$0x18800] =	vst v63  }
0x568: {  	s19 =	simm.s32 $0x14000  }
0x569: {  	[tilespmem:s19], [sflag:$0x3] =	stream.indirect_vreg.gather [hbm4b:s2+s4], $0x80, v3, vm0, $0xb8;
	[tilespmem:$0x18800] =	vst v63  }
0x56a: {  	v3 =	vld [tilespmem:$0x740];
	_ =	sdelay $0x4  }
0x56b: {  	v52 =	vshll.u32 v3, $0x1  }
0x56c: {  	v3 =	vand.u32 $0x7, v3;
	v4 =	vand.u32 $0xFFFFFFF0, v52  }
0x56d: {  	v3 =	vor.u32 v3, v4  }
0x56e: {  	v4 =	vperm.xlane v3, v0;
	_ =	sdelay $0x1  }
0x56f: {  	v3 =	vperm.xlane v3, v2;
	v4 =	vadd.s32 v1, v4;
	_ =	sdelay $0x1  }
0x570: {  	v3 =	vadd.s32 v1, v3;
	_ =	sdelay $0x1  }
0x571: {  	s20 =	simm.s32 $0x14800  }
0x572: {  	[tilespmem:s20], [sflag:$0x3] =	stream.indirect_vreg.gather [hbm4b:s2+s4], $0x80, v4, vm0, $0xb8;
	[tilespmem:$0x18800] =	vst v63  }
0x573: {  	s20 =	simm.s32 $0x15000  }
0x574: {  	[tilespmem:s20], [sflag:$0x3] =	stream.indirect_vreg.gather [hbm4b:s2+s4], $0x80, v3, vm0, $0xb8;
	[tilespmem:$0x18800] =	vst v63  }
0x575: {  	v3 =	vld [tilespmem:$0x750];
	_ =	sdelay $0x4  }
0x576: {  	v53 =	vshll.u32 v3, $0x1  }
0x577: {  	v3 =	vand.u32 $0x7, v3;
	v4 =	vand.u32 $0xFFFFFFF0, v53  }
0x578: {  	v3 =	vor.u32 v3, v4  }
0x579: {  	v4 =	vperm.xlane v3, v0;
	_ =	sdelay $0x1  }
0x57a: {  	v3 =	vperm.xlane v3, v2;
	v4 =	vadd.s32 v1, v4;
	_ =	sdelay $0x1  }
0x57b: {  	v3 =	vadd.s32 v1, v3;
	_ =	sdelay $0x1  }
0x57c: {  	s22 =	simm.s32 $0x15800  }
0x57d: {  	[tilespmem:s22], [sflag:$0x3] =	stream.indirect_vreg.gather [hbm4b:s2+s4], $0x80, v4, vm0, $0xb8;
	[tilespmem:$0x18800] =	vst v63  }
0x57e: {  	s22 =	simm.s32 $0x16000  }
0x57f: {  	[tilespmem:s22], [sflag:$0x3] =	stream.indirect_vreg.gather [hbm4b:s2+s4], $0x80, v3, vm0, $0xb8;
	[tilespmem:$0x18800] =	vst v63  }
0x580: {  	v3 =	vld [tilespmem:$0x760];
	_ =	sdelay $0x4  }
0x581: {  	v54 =	vshll.u32 v3, $0x1  }
0x582: {  	v3 =	vand.u32 $0x7, v3;
	v4 =	vand.u32 $0xFFFFFFF0, v54  }
0x583: {  	v3 =	vor.u32 v3, v4  }
0x584: {  	v4 =	vperm.xlane v3, v0;
	_ =	sdelay $0x1  }
0x585: {  	v3 =	vperm.xlane v3, v2;
	v4 =	vadd.s32 v1, v4;
	_ =	sdelay $0x1  }
0x586: {  	v3 =	vadd.s32 v1, v3;
	_ =	sdelay $0x1  }
0x587: {  	s30 =	simm.s32 $0x16800  }
0x588: {  	[tilespmem:s30], [sflag:$0x3] =	stream.indirect_vreg.gather [hbm4b:s2+s4], $0x80, v4, vm0, $0xb8;
	[tilespmem:$0x18800] =	vst v63  }
0x589: {  	s30 =	simm.s32 $0x17000  }
0x58a: {  	[tilespmem:s30], [sflag:$0x3] =	stream.indirect_vreg.gather [hbm4b:s2+s4], $0x80, v3, vm0, $0xb8;
	[tilespmem:$0x18800] =	vst v63  }
0x58b: {  	v3 =	vld [tilespmem:$0x770];
	_ =	sdelay $0x4  }
0x58c: {  	v55 =	vshll.u32 v3, $0x1  }
0x58d: {  	v3 =	vand.u32 $0x7, v3;
	v4 =	vand.u32 $0xFFFFFFF0, v55  }
0x58e: {  	v3 =	vor.u32 v3, v4  }
0x58f: {  	v4 =	vperm.xlane v3, v0;
	_ =	sdelay $0x1  }
0x590: {  	v3 =	vperm.xlane v3, v2;
	v4 =	vadd.s32 v1, v4;
	_ =	sdelay $0x1  }
0x591: {  	v3 =	vadd.s32 v1, v3;
	_ =	sdelay $0x1  }
0x592: {  	s8 =	simm.s32 $0x17800  }
0x593: {  	[tilespmem:s8], [sflag:$0x3] =	stream.indirect_vreg.gather [hbm4b:s2+s4], $0x80, v4, vm0, $0xb8;
	[tilespmem:$0x18800] =	vst v63  }
0x594: {  	s8 =	simm.s32 $0x18000  }
0x595: {  	[tilespmem:s8], [sflag:$0x3] =	stream.indirect_vreg.gather [hbm4b:s2+s4], $0x80, v3, vm0, $0xb8;
	[tilespmem:$0x18800] =	vst v63  }
0x596: {  	_ =	swait.ge [sflag:s24], $0x8000  }
0x597: {  	[sflag:s24] =	ssyncset.done $0x0  }
0x598: {  	s11 =	rddreg [dreg:$0x15];
	[sflag:s24] =	ssyncadd.s32 $0xFFFF8000  }
0x599: {  	[hbm4b:s11+s4] =	stream.linear.scatter [tilespmem:s3], [sflag:$0x5], $0x8000, $0x38;
	[tilespmem:$0x18800] =	vst v63  }
0x59a: {  	_ =	swait.ge [sflag:s25], $0x8000  }
0x59b: {  	[sflag:s25] =	ssyncset.done $0x0  }
0x59c: {  	[sflag:s25] =	ssyncadd.s32 $0xFFFF8000  }
0x59d: {  	v3 =	vld [tilespmem:$0x780];
	_ =	sdelay $0x4  }
0x59e: {  	v56 =	vshll.u32 v3, $0x1  }
0x59f: {  	v3 =	vand.u32 $0x7, v3;
	v4 =	vand.u32 $0xFFFFFFF0, v56  }
0x5a0: {  	v3 =	vor.u32 v3, v4  }
0x5a1: {  	v4 =	vperm.xlane v3, v0;
	_ =	sdelay $0x1  }
0x5a2: {  	v3 =	vperm.xlane v3, v2;
	v4 =	vadd.s32 v1, v4;
	_ =	sdelay $0x1  }
0x5a3: {  	v3 =	vadd.s32 v1, v3;
	_ =	sdelay $0x2  }
0x5a4: {  	[tilespmem:s7], [sflag:$0x1] =	stream.indirect_vreg.gather [hbm4b:s2+s4], $0x80, v4, vm0, $0xb8;
	[tilespmem:$0x18800] =	vst v63  }
0x5a5: {  	s15 =	simm.s32 $0x1000  }
0x5a6: {  	[tilespmem:s15], [sflag:$0x1] =	stream.indirect_vreg.gather [hbm4b:s2+s4], $0x80, v3, vm0, $0xb8;
	[tilespmem:$0x18800] =	vst v63  }
0x5a7: {  	v3 =	vld [tilespmem:$0x790];
	_ =	sdelay $0x4  }
0x5a8: {  	v57 =	vshll.u32 v3, $0x1  }
0x5a9: {  	v3 =	vand.u32 $0x7, v3;
	v4 =	vand.u32 $0xFFFFFFF0, v57  }
0x5aa: {  	v3 =	vor.u32 v3, v4  }
0x5ab: {  	v4 =	vperm.xlane v3, v0;
	_ =	sdelay $0x1  }
0x5ac: {  	v3 =	vperm.xlane v3, v2;
	v4 =	vadd.s32 v1, v4;
	_ =	sdelay $0x1  }
0x5ad: {  	v3 =	vadd.s32 v1, v3;
	_ =	sdelay $0x1  }
0x5ae: {  	s9 =	simm.s32 $0x1800  }
0x5af: {  	[tilespmem:s9], [sflag:$0x1] =	stream.indirect_vreg.gather [hbm4b:s2+s4], $0x80, v4, vm0, $0xb8;
	[tilespmem:$0x18800] =	vst v63  }
0x5b0: {  	s16 =	simm.s32 $0x2000  }
0x5b1: {  	[tilespmem:s16], [sflag:$0x1] =	stream.indirect_vreg.gather [hbm4b:s2+s4], $0x80, v3, vm0, $0xb8;
	[tilespmem:$0x18800] =	vst v63  }
0x5b2: {  	v3 =	vld [tilespmem:$0x7A0];
	_ =	sdelay $0x4  }
0x5b3: {  	v58 =	vshll.u32 v3, $0x1  }
0x5b4: {  	v3 =	vand.u32 $0x7, v3;
	v4 =	vand.u32 $0xFFFFFFF0, v58  }
0x5b5: {  	v3 =	vor.u32 v3, v4  }
0x5b6: {  	v4 =	vperm.xlane v3, v0;
	_ =	sdelay $0x1  }
0x5b7: {  	v3 =	vperm.xlane v3, v2;
	v4 =	vadd.s32 v1, v4;
	_ =	sdelay $0x1  }
0x5b8: {  	v3 =	vadd.s32 v1, v3;
	_ =	sdelay $0x1  }
0x5b9: {  	s18 =	simm.s32 $0x2800  }
0x5ba: {  	[tilespmem:s18], [sflag:$0x1] =	stream.indirect_vreg.gather [hbm4b:s2+s4], $0x80, v4, vm0, $0xb8;
	[tilespmem:$0x18800] =	vst v63  }
0x5bb: {  	s19 =	simm.s32 $0x3000  }
0x5bc: {  	[tilespmem:s19], [sflag:$0x1] =	stream.indirect_vreg.gather [hbm4b:s2+s4], $0x80, v3, vm0, $0xb8;
	[tilespmem:$0x18800] =	vst v63  }
0x5bd: {  	v3 =	vld [tilespmem:$0x7B0];
	_ =	sdelay $0x4  }
0x5be: {  	v59 =	vshll.u32 v3, $0x1  }
0x5bf: {  	v3 =	vand.u32 $0x7, v3;
	v4 =	vand.u32 $0xFFFFFFF0, v59  }
0x5c0: {  	v3 =	vor.u32 v3, v4  }
0x5c1: {  	v4 =	vperm.xlane v3, v0;
	_ =	sdelay $0x1  }
0x5c2: {  	v3 =	vperm.xlane v3, v2;
	v4 =	vadd.s32 v1, v4;
	_ =	sdelay $0x1  }
0x5c3: {  	v3 =	vadd.s32 v1, v3;
	_ =	sdelay $0x1  }
0x5c4: {  	s17 =	simm.s32 $0x3800  }
0x5c5: {  	[tilespmem:s17], [sflag:$0x1] =	stream.indirect_vreg.gather [hbm4b:s2+s4], $0x80, v4, vm0, $0xb8;
	[tilespmem:$0x18800] =	vst v63  }
0x5c6: {  	s20 =	simm.s32 $0x4000  }
0x5c7: {  	[tilespmem:s20], [sflag:$0x1] =	stream.indirect_vreg.gather [hbm4b:s2+s4], $0x80, v3, vm0, $0xb8;
	[tilespmem:$0x18800] =	vst v63  }
0x5c8: {  	v3 =	vld [tilespmem:$0x7C0];
	_ =	sdelay $0x4  }
0x5c9: {  	v60 =	vshll.u32 v3, $0x1  }
0x5ca: {  	v3 =	vand.u32 $0x7, v3;
	v4 =	vand.u32 $0xFFFFFFF0, v60  }
0x5cb: {  	v3 =	vor.u32 v3, v4  }
0x5cc: {  	v4 =	vperm.xlane v3, v0;
	_ =	sdelay $0x1  }
0x5cd: {  	v3 =	vperm.xlane v3, v2;
	v4 =	vadd.s32 v1, v4;
	_ =	sdelay $0x1  }
0x5ce: {  	v3 =	vadd.s32 v1, v3;
	_ =	sdelay $0x1  }
0x5cf: {  	s21 =	simm.s32 $0x4800  }
0x5d0: {  	[tilespmem:s21], [sflag:$0x1] =	stream.indirect_vreg.gather [hbm4b:s2+s4], $0x80, v4, vm0, $0xb8;
	[tilespmem:$0x18800] =	vst v63  }
0x5d1: {  	s23 =	simm.s32 $0x5000  }
0x5d2: {  	[tilespmem:s23], [sflag:$0x1] =	stream.indirect_vreg.gather [hbm4b:s2+s4], $0x80, v3, vm0, $0xb8;
	[tilespmem:$0x18800] =	vst v63  }
0x5d3: {  	v3 =	vld [tilespmem:$0x7D0];
	_ =	sdelay $0x4  }
0x5d4: {  	v61 =	vshll.u32 v3, $0x1  }
0x5d5: {  	v3 =	vand.u32 $0x7, v3;
	v4 =	vand.u32 $0xFFFFFFF0, v61  }
0x5d6: {  	v3 =	vor.u32 v3, v4  }
0x5d7: {  	v4 =	vperm.xlane v3, v0;
	_ =	sdelay $0x1  }
0x5d8: {  	v3 =	vperm.xlane v3, v2;
	v4 =	vadd.s32 v1, v4;
	_ =	sdelay $0x1  }
0x5d9: {  	v3 =	vadd.s32 v1, v3;
	_ =	sdelay $0x1  }
0x5da: {  	s12 =	simm.s32 $0x5800  }
0x5db: {  	[tilespmem:s12], [sflag:$0x1] =	stream.indirect_vreg.gather [hbm4b:s2+s4], $0x80, v4, vm0, $0xb8;
	[tilespmem:$0x18800] =	vst v63  }
0x5dc: {  	s21 =	simm.s32 $0x6000  }
0x5dd: {  	[tilespmem:s21], [sflag:$0x1] =	stream.indirect_vreg.gather [hbm4b:s2+s4], $0x80, v3, vm0, $0xb8;
	[tilespmem:$0x18800] =	vst v63  }
0x5de: {  	v3 =	vld [tilespmem:$0x7E0];
	_ =	sdelay $0x4  }
0x5df: {  	v62 =	vshll.u32 v3, $0x1  }
0x5e0: {  	v3 =	vand.u32 $0x7, v3;
	v4 =	vand.u32 $0xFFFFFFF0, v62  }
0x5e1: {  	v3 =	vor.u32 v3, v4  }
0x5e2: {  	v4 =	vperm.xlane v3, v0;
	_ =	sdelay $0x1  }
0x5e3: {  	v3 =	vperm.xlane v3, v2;
	v4 =	vadd.s32 v1, v4;
	_ =	sdelay $0x1  }
0x5e4: {  	v3 =	vadd.s32 v1, v3;
	_ =	sdelay $0x1  }
0x5e5: {  	s13 =	simm.s32 $0x6800  }
0x5e6: {  	[tilespmem:s13], [sflag:$0x1] =	stream.indirect_vreg.gather [hbm4b:s2+s4], $0x80, v4, vm0, $0xb8;
	[tilespmem:$0x18800] =	vst v63  }
0x5e7: {  	s22 =	simm.s32 $0x7000  }
0x5e8: {  	[tilespmem:s22], [sflag:$0x1] =	stream.indirect_vreg.gather [hbm4b:s2+s4], $0x80, v3, vm0, $0xb8;
	[tilespmem:$0x18800] =	vst v63  }
0x5e9: {  	v3 =	vld [tilespmem:$0x7F0];
	_ =	sdelay $0x4  }
0x5ea: {  	v63 =	vshll.u32 v3, $0x1  }
0x5eb: {  	v3 =	vand.u32 $0x7, v3;
	v4 =	vand.u32 $0xFFFFFFF0, v63  }
0x5ec: {  	v3 =	vor.u32 v3, v4  }
0x5ed: {  	v4 =	vperm.xlane v3, v0;
	_ =	sdelay $0x1  }
0x5ee: {  	v3 =	vperm.xlane v3, v2;
	v4 =	vadd.s32 v1, v4;
	_ =	sdelay $0x1  }
0x5ef: {  	v3 =	vadd.s32 v1, v3;
	_ =	sdelay $0x1  }
0x5f0: {  	s14 =	simm.s32 $0x7800  }
0x5f1: {  	[tilespmem:s14], [sflag:$0x1] =	stream.indirect_vreg.gather [hbm4b:s2+s4], $0x80, v4, vm0, $0xb8;
	[tilespmem:$0x18800] =	vst v63  }
0x5f2: {  	s10 =	simm.s32 $0x8000  }
0x5f3: {  	[tilespmem:s10], [sflag:$0x1] =	stream.indirect_vreg.gather [hbm4b:s2+s4], $0x80, v3, vm0, $0xb8;
	[tilespmem:$0x18800] =	vst v63  }
0x5f4: {  	_ =	swait.ge [sflag:s26], $0x8000  }
0x5f5: {  	[sflag:s26] =	ssyncset.done $0x0  }
0x5f6: {  	s23 =	rddreg [dreg:$0x16];
	[sflag:s26] =	ssyncadd.s32 $0xFFFF8000  }
0x5f7: {  	[hbm4b:s23+s4] =	stream.linear.scatter [tilespmem:s6], [sflag:$0x6], $0x8000, $0x38;
	[tilespmem:$0x18800] =	vst v63  }
0x5f8: {  	_ =	swait.ge [sflag:s31], $0x8000  }
0x5f9: {  	[sflag:s31] =	ssyncset.done $0x0  }
0x5fa: {  	s30 =	rddreg [dreg:$0x17];
	[sflag:s31] =	ssyncadd.s32 $0xFFFF8000  }
0x5fb: {  	[hbm4b:s30+s4] =	stream.linear.scatter [tilespmem:s7], [sflag:$0x4], $0x8000, $0x38;
	[tilespmem:$0x18800] =	vst v63  }
0x5fc: {  	_ =	swait.ge [sflag:s28], $0x8000  }
0x5fd: {  	[sflag:s28] =	ssyncset.done $0x0  }
0x5fe: {  	[sflag:s28] =	ssyncadd.s32 $0xFFFF8000  }
0x5ff: {  	p0 =	sne.s32 s5, $0x1;
	_ =	swait.ge [sflag:s29], $0x8000  }
.Ltmp0:
0x600: {  	[sflag:s29] =	ssyncset.done $0x0;
	(pc) =	sbr.rel @p0 .LBB2_1-.Ltmp0, $4  }
0x601: {  	[sflag:s29] =	ssyncadd.s32 $0xFFFF8000  }
0x602: {  	_ =	swait.ge [sflag:s25], $0x8000  }
0x603: {  	[sflag:s25] =	ssyncset.done $0x0  }
0x604: {  	s5 =	sadd.s32 $0xFFFFFFFF, s5;
	[sflag:s25] =	ssyncadd.s32 $0xFFFF8000  }
0x605: {  	_ =	sfence.sel $0x180000  }
0x606: {  	[bflag:$0x0] =	sbarrier.arrive $0xFFFF  }
0x607: {  	_ =	strace $0x90000047  }
0x608: {  	s0 =	stileid.u32;
	[bflag:$0x2] =	sbarrier.arrive $0xFFFF  }
0x609: {  	p0 =	sne.s32 s0, $0x0;
	s0 =	rddreg [dreg:$0x5]  }
0x60a: {  	s0 =	sadd.s32 @!p0 $0x100000, s0  }
0x60b: {  	[sflag:s0] =	ssyncadd.tile.s32 @!p0 $0x1;
	_ =	shalt  }
.Lfunc_end2:
_tile_overlayer_lowered:
.L_overlay_start_2:
0x60c: {  	(tag) =	ssettag $0x2  }
0x60d: {  	s0 =	rddreg [dreg:$0x0];
	s2 =	stileid.u32  }
0x60e: {  	s1 =	rddreg [dreg:$0x1];
	p0 =	sne.s32 s2, $0x0  }
0x60f: {  	s3 =	rddreg [dreg:$0x2];
	[bflag:$0x3] =	sbarrier.arrive $0xFFFF;
	s2 =	simm.s32 @!p0 $0x1C07  }
0x610: {  	[timem:s3], [sflag:s2] =	dma.local @!p0 [hbm:s0], s1  }
0x611: {  	s0 =	simm.s32 @!p0 $0x7  }
0x612: {  	_ =	swait.ge @!p0 [sflag:s0], s1  }
0x613: {  	s1 =	ssub.s32 @!p0 $0x0, s1;
	[sflag:s0] =	ssyncset.done @!p0 $0x0  }
0x614: {  	[sflag:s0] =	ssyncadd.s32 @!p0 s1  }
0x615: {  	[bflag:$0x3] =	sbarrier.arrive $0xFFFF  }
0x616: {  	_ =	shalt  }

// kernel: kernel.9.cloned.1.call-start
scs
__scs_entry_jumppad:
0x0: {  	(pc) =	sbr.rel $0x88, $3  }
0x1: {  	(tag) =	ssettag $0x0;
	lr =	simm.s32 $0x1  }
0x2: {  	[smem:$0x3F90] =	sst lr;
	_ =	strace $0xD0000000  }
0x3: {  	_ = 	snop  }
0x4: {  	_ = 	snop  }
0x5: {  	_ = 	snop  }
0x6: {  	_ = 	snop  }
0x7: {  	_ = 	snop  }
__scs_overlays_trampoline_lowered:
0x8: {  	[smem:$0x3F9F] =	sst s0  }
0x9: {  	[smem:$0x3FA0] =	sst s1  }
0xa: {  	[smem:$0x3FA1] =	sst s2  }
0xb: {  	[smem:$0x3FA2] =	sst s3  }
0xc: {  	[smem:$0x3FA3] =	sst s4  }
0xd: {  	[smem:$0x3FA4] =	sst s5  }
0xe: {  	[smem:$0x3FA5] =	sst s6  }
0xf: {  	[smem:$0x3FA6] =	sst s7  }
0x10: {  	[smem:$0x3FA7] =	sst s8  }
0x11: {  	[smem:$0x3FA8] =	sst s9;
	s0 =	simm.s32 @!p0 $0x0  }
0x12: {  	s1 =	sld [smem:$0x3F8E];
	s0 =	simm.s32 @p0 $0x1  }
0x13: {  	[smem:$0x3FA9] =	sst s0;
	s0 =	simm.s32 @!p1 $0x0  }
0x14: {  	s2 =	sld [smem:$0x3F8D];
	s0 =	simm.s32 @p1 $0x1  }
0x15: {  	[smem:$0x3FAA] =	sst s0;
	s0 =	simm.s32 @!p2 $0x0  }
0x16: {  	s3 =	sld [smem:$0x3FDB];
	s0 =	simm.s32 @p2 $0x1  }
0x17: {  	s4 =	simm.s32 $0x1BF5;
	[smem:$0x3FAC] =	sst s0  }
0x18: {  	s0 =	sld [smem:$0x3F8F];
	_ =	swait.ge [sflag:s4], $0x0  }
0x19: {  	s7 =	sld [smem:$0x3F90]  }
0x1a: {  	s8 =	sadd.s32 $0xFFFFE003, lr  }
0x1b: {  	s9 =	sadd.s32 $0xFFFFFEF7, lr;
	s5 =	simm.s32 $0xFFFFFFFF;
	p2 =	slt.u32 s8, $0xFFFFF086  }
0x1c: {  	p1 =	slt.u32 s9, $0xF7A;
	s5 =	simm.s32 @!p2 $0x0  }
0x1d: {  	s5 =	simm.s32 @p1 $0x1;
	p0 =	seq.s32 s7, s2  }
0x1e: {  	s7 =	smul.u32 @!p0 $0xF7A, s2;
	p2 =	seq.s32 @!p0 s5, $0x0  }
0x1f: {  	s9 =	smul.u32 $0xF7A, s1;
	s8 =	simm.s32 @!p0 $0x1BF5;
	p2 =	por !p2, p0  }
0x20: {  	[sflag:s8] =	ssyncset.s32 @!p0 $0xFFFFF086;
	s6 =	sadd.s32 @!p0 s3, s7;
	s7 =	simm.s32 @!p0 $0x108  }
0x21: {  	s3 =	sadd.s32 s3, s9;
	s6 =	sadd.s32 @!p0 $0x88, s6;
	s7 =	simm.s32 @p2 $0x1082  }
0x22: {  	[simem:s7], [sflag:s8] =	dma.local @!p0 [hbm:s6], $0xF7A  }
0x23: {  	s9 =	sor.u32 $0xD0000000, s2;
	s6 =	simm.s32 $0x108;
	_ =	swait.ge @!p0 [sflag:s8], $0x0  }
0x24: {  	s3 =	sadd.s32 $0x88, s3;
	s6 =	simm.s32 @!p1 $0x1082;
	[sflag:s4] =	ssyncset.s32 $0xFFFFF086  }
0x25: {  	[simem:s6], [sflag:s4] =	dma.local [hbm:s3], $0xF7A  }
0x26: {  	[smem:$0x3F90] =	sst s1;
	(tag) =	ssettag s2;
	_ =	strace s9  }
0x27: {  	s1 =	sld [smem:$0x3FA0]  }
0x28: {  	s2 =	sld [smem:$0x3FA1]  }
0x29: {  	s4 =	sld [smem:$0x3FA3]  }
0x2a: {  	p0 =	seq.s32 s5, $0x0;
	s5 =	sld [smem:$0x3FA4]  }
0x2b: {  	s6 =	sld [smem:$0x3FA5]  }
0x2c: {  	s7 =	sld [smem:$0x3FA6]  }
0x2d: {  	s3 =	simm.s32 $0x108;
	s8 =	sld [smem:$0x3FA7]  }
0x2e: {  	s3 =	simm.s32 @!p0 $0x1082;
	s9 =	sld [smem:$0x3FA8]  }
0x2f: {  	lr =	sadd.s32 s0, s3;
	s0 =	sld [smem:$0x3F9F]  }
0x30: {  	s3 =	sld [smem:$0x3FA2]  }
0x31: {  	[smem:$0x3FAB] =	sst s10  }
0x32: {  	s10 =	sld [smem:$0x3FA9];
	_ =	sdelay $0x3  }
0x33: {  	p0 =	seq.s32 s10, $0x1;
	s10 =	sld [smem:$0x3FAB];
	_ =	sdelay $0x3  }
0x34: {  	[smem:$0x3FAB] =	sst s10  }
0x35: {  	s10 =	sld [smem:$0x3FAA];
	_ =	sdelay $0x3  }
0x36: {  	p1 =	seq.s32 s10, $0x1;
	s10 =	sld [smem:$0x3FAB];
	_ =	sdelay $0x3  }
0x37: {  	[smem:$0x3FAB] =	sst s10  }
0x38: {  	s10 =	sld [smem:$0x3FAC]  }
0x39: {  	_ = 	snop;
	(pc) =	sbr.ind lr, $3  }
0x3a: {  	_ = 	snop  }
0x3b: {  	_ = 	snop  }
0x3c: {  	p2 =	seq.s32 s10, $0x1;
	s10 =	sld [smem:$0x3FAB]  }
0x3d: {  	_ =	shalt  }
0x3e: {  	_ =	shalt  }
0x3f: {  	_ =	shalt  }
0x40: {  	_ =	shalt  }
0x41: {  	_ =	shalt  }
0x42: {  	_ =	shalt  }
0x43: {  	_ =	shalt  }
0x44: {  	_ =	shalt  }
0x45: {  	_ =	shalt  }
0x46: {  	_ =	shalt  }
0x47: {  	_ =	shalt  }
0x48: {  	_ =	shalt  }
0x49: {  	_ =	shalt  }
0x4a: {  	_ =	shalt  }
0x4b: {  	_ =	shalt  }
0x4c: {  	_ =	shalt  }
0x4d: {  	_ =	shalt  }
0x4e: {  	_ =	shalt  }
0x4f: {  	_ =	shalt  }
0x50: {  	_ =	shalt  }
0x51: {  	_ =	shalt  }
0x52: {  	_ =	shalt  }
0x53: {  	_ =	shalt  }
0x54: {  	_ =	shalt  }
0x55: {  	_ =	shalt  }
0x56: {  	_ =	shalt  }
0x57: {  	_ =	shalt  }
0x58: {  	_ =	shalt  }
0x59: {  	_ =	shalt  }
0x5a: {  	_ =	shalt  }
0x5b: {  	_ =	shalt  }
0x5c: {  	_ =	shalt  }
0x5d: {  	_ =	shalt  }
0x5e: {  	_ =	shalt  }
0x5f: {  	_ =	shalt  }
0x60: {  	_ =	shalt  }
0x61: {  	_ =	shalt  }
0x62: {  	_ =	shalt  }
0x63: {  	_ =	shalt  }
0x64: {  	_ =	shalt  }
0x65: {  	_ =	shalt  }
0x66: {  	_ =	shalt  }
0x67: {  	_ =	shalt  }
0x68: {  	_ =	shalt  }
0x69: {  	_ =	shalt  }
0x6a: {  	_ =	shalt  }
0x6b: {  	_ =	shalt  }
0x6c: {  	_ =	shalt  }
0x6d: {  	_ =	shalt  }
0x6e: {  	_ =	shalt  }
0x6f: {  	_ =	shalt  }
0x70: {  	_ =	shalt  }
0x71: {  	_ =	shalt  }
0x72: {  	_ =	shalt  }
0x73: {  	_ =	shalt  }
0x74: {  	_ =	shalt  }
0x75: {  	_ =	shalt  }
0x76: {  	_ =	shalt  }
0x77: {  	_ =	shalt  }
0x78: {  	_ =	shalt  }
0x79: {  	_ =	shalt  }
0x7a: {  	_ =	shalt  }
0x7b: {  	_ =	shalt  }
0x7c: {  	_ =	shalt  }
0x7d: {  	_ =	shalt  }
0x7e: {  	_ =	shalt  }
0x7f: {  	_ =	shalt  }
0x80: {  	_ =	shalt  }
0x81: {  	_ =	shalt  }
0x82: {  	_ =	shalt  }
0x83: {  	_ =	shalt  }
0x84: {  	_ =	shalt  }
0x85: {  	_ =	shalt  }
0x86: {  	_ =	shalt  }
0x87: {  	_ =	shalt  }
.Lfunc_end0:
.L_simem_size_0:
called_computation.1_lowered:
.L_overlay_start_0:
0x88: {  	s2 =	sld [smem:$0x3FD9]  }
0x89: {  	s3 =	sld [smem:$0x3FFE];
	_ =	sdelay $0x1  }
0x8a: {  	s1 =	srdreg.scid  }
0x8b: {  	s0 =	sand.u32 $0x1, s1  }
0x8c: {  	s17 =	sshll.u32 s0, $0xA;
	s2 =	sadd.s32 s3, s2  }
0x8d: {  	s2 =	sadd.s32 s2, s17  }
0x8e: {  	[smem:$0x3FB7] =	sst s2  }
0x8f: {  	_ = 	snop  }
0x90: {  	s18 =	sld [smem:$0x3FC8]  }
0x91: {  	s5 =	sld [smem:$0x3FC3]  }
0x92: {  	s6 =	sld [smem:$0x3FC2]  }
0x93: {  	s4 =	sld [smem:$0x3FD0];
	(tm) =	ssettm $0x1  }
0x94: {  	s19 =	sld [smem:$0x3FFB];
	_ =	sdelay $0x3  }
0x95: {  	_ =	strace s19  }
0x96: {  	s2 =	sld [smem:$0x3FFC];
	_ =	sdelay $0x3  }
0x97: {  	_ =	strace s2  }
0x98: {  	s2 =	sld [smem:$0x3FFD];
	_ =	sdelay $0x3  }
0x99: {  	_ =	strace s2  }
0x9a: {  	_ =	strace $0x8FFFFFFF  }
0x9b: {  	s20 =	sld [smem:$0x3FDB];
	_ =	sdelay $0x1  }
0x9c: {  	s7 =	simm.s32 $_scs_section_size  }
0x9d: {  	s8 =	simm.s32 $_size__tile_overlayer_lowered;
	s9 =	simm.s32 $_tile_overlayer_lowered  }
0x9e: {  	s10 =	simm.s32 $0x1BFF;
	s21 =	sshll.u32 s9, $0x1;
	s7 =	sadd.s32 s7, s20  }
0x9f: {  	s22 =	simm.s32 $0x0;
	s8 =	sshll.u32 s8, $0x1;
	s9 =	sadd.s32 s21, s7  }
0xa0: {  	[timem:s22], [sflag:s10] =	dma.local [hbm:s9], s8  }
0xa1: {  	_ =	swait.ge [sflag:s10], s8  }
0xa2: {  	s8 =	ssub.s32 $0x0, s8;
	[sflag:s10] =	ssyncset.done $0x0  }
0xa3: {  	[sflag:s10] =	ssyncadd.s32 s8;
	_ =	sdelay $0x1  }
0xa4: {  	s23 =	simm.s32 $0x1B8B  }
0xa5: {  	_ =	swait.ge [sflag:s23], $0x1  }
0xa6: {  	[sflag:s23] =	ssyncset.done $0x0  }
0xa7: {  	[sflag:s23] =	ssyncadd.s32 $0xFFFFFFFF  }
0xa8: {  	s8 =	sld [smem:$0x0]  }
0xa9: {  	s9 =	sand.u32 $0xFFFFFFFE, s1  }
0xaa: {  	p0 =	sne.s32 s1, s9  }
0xab: {  	s9 =	sshll.u32 @p0 s9, $0xE  }
0xac: {  	s9 =	sadd.s32 @p0 $0x11B8D, s9;
	s10 =	sshll.u32 @p0 s8, $0x11  }
0xad: {  	s9 =	sor.u32 @p0 s10, s9  }
0xae: {  	[sflag:s9] =	ssyncadd.remote.s32 @p0 $0x1;
	_ =	sdelay $0x1  }
0xaf: {  	s9 =	simm.s32 @p0 $0x1B8D  }
0xb0: {  	_ =	swait.eq @p0 [sflag:s9], $0x1  }
0xb1: {  	[sflag:s9] =	ssyncadd.s32 @p0 $0xFFFFFFFF  }
0xb2: {  	s10 =	sshll.u32 @!p0 s1, $0xE  }
0xb3: {  	s10 =	sor.u32 @!p0 $0x4000, s10;
	s9 =	simm.s32 @!p0 $0x1B8D  }
0xb4: {  	s8 =	sshll.u32 @!p0 s8, $0x11;
	s10 =	sadd.s32 @!p0 $0x11B8D, s10;
	_ =	swait.eq @!p0 [sflag:s9], $0x1  }
0xb5: {  	s8 =	sor.u32 @!p0 s8, s10;
	[sflag:s9] =	ssyncadd.s32 @!p0 $0xFFFFFFFF  }
0xb6: {  	s25 =	simm.s32 $0x1B8E;
	s24 =	sld [smem:$0x3FFE];
	[sflag:s8] =	ssyncadd.remote.s32 @!p0 $0x1  }
0xb7: {  	s26 =	simm.s32 $execute0_lowered;
	[smem:$0x3FD2] =	sst s25  }
0xb8: {  	s9 =	sshll.u32 s26, $0x1;
	_ =	strace $0x80000049;
	[dreg:$0x1] =	wrdreg $0xFFFFFFFF  }
0xb9: {  	s28 =	simm.s32 $_size_execute0_lowered;
	s7 =	sadd.s32 s7, s9;
	[dreg:$0x0] =	wrdreg $0x0  }
0xba: {  	s9 =	sshll.u32 s28, $0x1;
	[dreg:$0x2] =	wrdreg s7  }
0xbb: {  	[dreg:$0x3] =	wrdreg s9  }
0xbc: {  	[dreg:$0x4] =	wrdreg $0xC0  }
0xbd: {  	_ =	task [dreg:s22], $0x5FFFF  }
0xbe: {  	[dreg:$0x1] =	wrdreg $0xFFFFFFFF  }
0xbf: {  	[dreg:$0x0] =	wrdreg $0x60  }
0xc0: {  	[dreg:$0x2] =	wrdreg s5  }
0xc1: {  	[dreg:$0x3] =	wrdreg s6  }
0xc2: {  	[dreg:$0x4] =	wrdreg s24  }
0xc3: {  	[dreg:$0x5] =	wrdreg s18  }
0xc4: {  	[dreg:$0x6] =	wrdreg s4  }
0xc5: {  	[dreg:$0x7] =	wrdreg $0xA  }
0xc6: {  	_ =	task.clear_ibuf [dreg:s22], $0x8FFFF;
	_ =	strace $0x90000049  }
0xc7: {  	s29 =	simm.s32 $0xA;
	_ =	strace $0x8000004B  }
0xc8: {  	_ =	swait.ge [sflag:s29], $0x1  }
0xc9: {  	[sflag:s29] =	ssyncadd.s32 $0xFFFFFFFF  }
0xca: {  	_ =	strace $0x9000004B  }
0xcb: {  	_ =	sfence  }
0xcc: {  	s30 =	sld [smem:$0x0];
	_ =	sdelay $0x2  }
0xcd: {  	s31 =	sshll.u32 s1, $0xD;
	s1 =	sshrl.u32 s1, $0x2  }
0xce: {  	s4 =	sand.u32 $0x4000, s31;
	s1 =	sadd.s32 s1, s30  }
0xcf: {  	s0 =	sor.u32 s4, s0;
	s1 =	sshll.u32 s1, $0x11  }
0xd0: {  	s0 =	sor.u32 s1, s0  }
0xd1: {  	s0 =	sadd.s32 $0x8F2B, s0  }
0xd2: {  	[sflag:s0] =	ssyncadd.remote.s32 $0x1  }
0xd3: {  	_ =	sfence.sel $0xFFFF  }
0xd4: {  	[dreg:$0x0] =	wrdreg $0xFFFFFFFF;
	(pc) =	sbr.abs _section_cstart, $3  }
0xd5: {  	[dreg:$0x1] =	wrdreg $0xFFFFFFFF  }
0xd6: {  	_ =	task.clear_ibuf [dreg:s22], $0x2FFFF;
	_ =	strace $0x9FFFFFFF  }
0xd7: {  	(tm) =	ssettm $0x7FFFFFFF  }
tec
execute0_lowered:
.L_overlay_start_1:
0x0: {  	(tag) =	ssettag $0x1  }
0x1: {  	s0 =	rddreg [dreg:$0x0]  }
0x2: {  	s2 =	rddreg [dreg:$0x1]  }
0x3: {  	s1 =	rddreg [dreg:$0x2]  }
0x4: {  	s4 =	srdreg.scid;
	s7 =	stileid.u32  }
0x5: {  	s3 =	rddreg [dreg:$0x3];
	s6 =	sand.u32 $0x1, s4;
	s7 =	sshll.u32 s7, $0x1  }
0x6: {  	s5 =	rddreg [dreg:$0x4];
	s4 =	simm.s32 $0x0;
	s7 =	sor.u32 s6, s7  }
0x7: {  	s31 =	simm.s32 $0x400;
	[smem:$0x7FF] =	sst s4;
	s8 =	sshll.u32 s7, $0x7  }
0x8: {  	_ =	strace $0x8000004A;
	s9 =	sshll.u32 s7, $0xF;
	s10 =	sshll.u32 s7, $0x6  }
0x9: {  	s7 =	sshll.u32 s7, $0xE;
	[dreg:$0x13] =	wrdreg s31;
	s3 =	sadd.s32 s3, s10  }
0xa: {  	s8 =	sadd.s32 s8, s1;
	s7 =	sadd.s32 s5, s7;
	[dreg:$0x7] =	wrdreg s3  }
0xb: {  	s1 =	sadd.s32 s9, s1;
	s8 =	sadd.s32 $0x202E00, s8;
	[dreg:$0x14] =	wrdreg s7  }
0xc: {  	s17 =	simm.s32 $0x8600;
	s18 =	sadd.s32 $0x203E00, s1;
	[dreg:$0x6] =	wrdreg s8  }
0xd: {  	s15 =	simm.s32 $0x1;
	s19 =	sadd.s32 $0x204E00, s1;
	[dreg:$0x8] =	wrdreg s18  }
0xe: {  	s16 =	simm.s32 $0x10600;
	s20 =	sadd.s32 $0x205E00, s1;
	[dreg:$0x9] =	wrdreg s19  }
0xf: {  	s11 =	simm.s32 $0x5;
	s21 =	sadd.s32 $0x206E00, s1;
	[dreg:$0xa] =	wrdreg s20  }
0x10: {  	s12 =	simm.s32 $0x6;
	s22 =	sadd.s32 $0x207E00, s1;
	[dreg:$0xb] =	wrdreg s21  }
0x11: {  	s26 =	ssub.s32 $0x2, s6;
	s23 =	sadd.s32 $0x208E00, s1;
	[dreg:$0xc] =	wrdreg s22  }
0x12: {  	s29 =	sshrl.u32 s26, $0x1;
	s24 =	sadd.s32 $0x209E00, s1;
	[dreg:$0xd] =	wrdreg s23  }
0x13: {  	s5 =	simm.s32 $0x2;
	s1 =	sadd.s32 $0x20AE00, s1;
	[dreg:$0xe] =	wrdreg s24  }
0x14: {  	s9 =	simm.s32 $0x4;
	s25 =	sadd.s32 $0x1000, s7;
	[dreg:$0xf] =	wrdreg s1  }
0x15: {  	v2 =	vlaneseq.u32;
	s10 =	simm.s32 $0x3;
	s28 =	sadd.s32 $0x2000, s7;
	[dreg:$0x10] =	wrdreg s25  }
0x16: {  	vm0 =	vmmov $0xffff;
	v1 =	vshrl.u32 v2, $0x3;
	s30 =	sadd.s32 $0x3000, s7;
	s3 =	ssub.s32 s26, s29;
	[dreg:$0x11] =	wrdreg s28  }
0x17: {  	v0 =	vand.u32 $0x7, v2;
	v2 =	vor.u32 $0x8, v2;
	v1 =	vmul.u32 $0x8, v1;
	[dreg:$0x12] =	wrdreg s30;
	s6 =	smax.u32 s3, $0x1;
	s24 =	simm.s32 $0x600  }
.LBB2_1:
0x18: {  	s13 =	rddreg [dreg:$0x6];
	s1 =	simm.s32 $0x7  }
0x19: {  	[tilespmem:s4], [sflag:$0x7] =	stream.linear.gather [hbm4b:s13+s4], $0x400, $0x38;
	[tilespmem:$0x18600] =	vst v63  }
0x1a: {  	_ =	swait.ge [sflag:s1], $0x400  }
0x1b: {  	s31 =	rddreg [dreg:$0x7];
	[sflag:s1] =	ssyncset.done $0x0  }
0x1c: {  	s14 =	rddreg [dreg:$0x13];
	[sflag:s1] =	ssyncadd.s32 $0xFFFFFC00  }
0x1d: {  	[tilespmem:s14], [sflag:$0x7] =	stream.linear.gather [hbm4b:s31+s4], $0x200, $0x38;
	[tilespmem:$0x18600] =	vst v63  }
0x1e: {  	_ =	swait.ge [sflag:s1], $0x200  }
0x1f: {  	[sflag:s1] =	ssyncset.done $0x0  }
0x20: {  	[sflag:s1] =	ssyncadd.s32 $0xFFFFFE00  }
0x21: {  	v3 =	vld [tilespmem:$0x0];
	_ =	sdelay $0x4  }
0x22: {  	v4 =	vshll.u32 v3, $0x1  }
0x23: {  	v3 =	vand.u32 $0x7, v3;
	v4 =	vand.u32 $0xFFFFFFF0, v4  }
0x24: {  	v3 =	vor.u32 v3, v4  }
0x25: {  	v4 =	vperm.xlane v3, v0;
	_ =	sdelay $0x1  }
0x26: {  	v3 =	vperm.xlane v3, v2;
	v4 =	vadd.s32 v1, v4;
	_ =	sdelay $0x1  }
0x27: {  	v3 =	vadd.s32 v1, v3;
	_ =	sdelay $0x2  }
0x28: {  	[tilespmem:s24], [sflag:$0x1] =	stream.indirect_vreg.gather [hbm4b:s0+s4], $0x80, v4, vm0, $0xb8;
	[tilespmem:$0x18600] =	vst v63  }
0x29: {  	s3 =	simm.s32 $0xE00  }
0x2a: {  	[tilespmem:s3], [sflag:$0x1] =	stream.indirect_vreg.gather [hbm4b:s0+s4], $0x80, v3, vm0, $0xb8;
	[tilespmem:$0x18600] =	vst v63  }
0x2b: {  	v3 =	vld [tilespmem:$0x10];
	_ =	sdelay $0x4  }
0x2c: {  	v25 =	vshll.u32 v3, $0x1  }
0x2d: {  	v3 =	vand.u32 $0x7, v3;
	v4 =	vand.u32 $0xFFFFFFF0, v25  }
0x2e: {  	v3 =	vor.u32 v3, v4  }
0x2f: {  	v4 =	vperm.xlane v3, v0;
	_ =	sdelay $0x1  }
0x30: {  	v3 =	vperm.xlane v3, v2;
	v4 =	vadd.s32 v1, v4;
	_ =	sdelay $0x1  }
0x31: {  	v3 =	vadd.s32 v1, v3;
	_ =	sdelay $0x1  }
0x32: {  	s7 =	simm.s32 $0x1600  }
0x33: {  	[tilespmem:s7], [sflag:$0x1] =	stream.indirect_vreg.gather [hbm4b:s0+s4], $0x80, v4, vm0, $0xb8;
	[tilespmem:$0x18600] =	vst v63  }
0x34: {  	s8 =	simm.s32 $0x1E00  }
0x35: {  	[tilespmem:s8], [sflag:$0x1] =	stream.indirect_vreg.gather [hbm4b:s0+s4], $0x80, v3, vm0, $0xb8;
	[tilespmem:$0x18600] =	vst v63  }
0x36: {  	v3 =	vld [tilespmem:$0x20];
	_ =	sdelay $0x4  }
0x37: {  	v26 =	vshll.u32 v3, $0x1  }
0x38: {  	v3 =	vand.u32 $0x7, v3;
	v4 =	vand.u32 $0xFFFFFFF0, v26  }
0x39: {  	v3 =	vor.u32 v3, v4  }
0x3a: {  	v4 =	vperm.xlane v3, v0;
	_ =	sdelay $0x1  }
0x3b: {  	v3 =	vperm.xlane v3, v2;
	v4 =	vadd.s32 v1, v4;
	_ =	sdelay $0x1  }
0x3c: {  	v3 =	vadd.s32 v1, v3;
	_ =	sdelay $0x1  }
0x3d: {  	s13 =	simm.s32 $0x2600  }
0x3e: {  	[tilespmem:s13], [sflag:$0x1] =	stream.indirect_vreg.gather [hbm4b:s0+s4], $0x80, v4, vm0, $0xb8;
	[tilespmem:$0x18600] =	vst v63  }
0x3f: {  	s14 =	simm.s32 $0x2E00  }
0x40: {  	[tilespmem:s14], [sflag:$0x1] =	stream.indirect_vreg.gather [hbm4b:s0+s4], $0x80, v3, vm0, $0xb8;
	[tilespmem:$0x18600] =	vst v63  }
0x41: {  	v3 =	vld [tilespmem:$0x30];
	_ =	sdelay $0x4  }
0x42: {  	v27 =	vshll.u32 v3, $0x1  }
0x43: {  	v3 =	vand.u32 $0x7, v3;
	v4 =	vand.u32 $0xFFFFFFF0, v27  }
0x44: {  	v3 =	vor.u32 v3, v4  }
0x45: {  	v4 =	vperm.xlane v3, v0;
	_ =	sdelay $0x1  }
0x46: {  	v3 =	vperm.xlane v3, v2;
	v4 =	vadd.s32 v1, v4;
	_ =	sdelay $0x1  }
0x47: {  	v3 =	vadd.s32 v1, v3;
	_ =	sdelay $0x1  }
0x48: {  	s20 =	simm.s32 $0x3600  }
0x49: {  	[tilespmem:s20], [sflag:$0x1] =	stream.indirect_vreg.gather [hbm4b:s0+s4], $0x80, v4, vm0, $0xb8;
	[tilespmem:$0x18600] =	vst v63  }
0x4a: {  	s22 =	simm.s32 $0x3E00  }
0x4b: {  	[tilespmem:s22], [sflag:$0x1] =	stream.indirect_vreg.gather [hbm4b:s0+s4], $0x80, v3, vm0, $0xb8;
	[tilespmem:$0x18600] =	vst v63  }
0x4c: {  	v3 =	vld [tilespmem:$0x40];
	_ =	sdelay $0x4  }
0x4d: {  	v28 =	vshll.u32 v3, $0x1  }
0x4e: {  	v3 =	vand.u32 $0x7, v3;
	v4 =	vand.u32 $0xFFFFFFF0, v28  }
0x4f: {  	v3 =	vor.u32 v3, v4  }
0x50: {  	v4 =	vperm.xlane v3, v0;
	_ =	sdelay $0x1  }
0x51: {  	v3 =	vperm.xlane v3, v2;
	v4 =	vadd.s32 v1, v4;
	_ =	sdelay $0x1  }
0x52: {  	v3 =	vadd.s32 v1, v3;
	_ =	sdelay $0x1  }
0x53: {  	s23 =	simm.s32 $0x4600  }
0x54: {  	[tilespmem:s23], [sflag:$0x1] =	stream.indirect_vreg.gather [hbm4b:s0+s4], $0x80, v4, vm0, $0xb8;
	[tilespmem:$0x18600] =	vst v63  }
0x55: {  	s25 =	simm.s32 $0x4E00  }
0x56: {  	[tilespmem:s25], [sflag:$0x1] =	stream.indirect_vreg.gather [hbm4b:s0+s4], $0x80, v3, vm0, $0xb8;
	[tilespmem:$0x18600] =	vst v63  }
0x57: {  	v3 =	vld [tilespmem:$0x50];
	_ =	sdelay $0x4  }
0x58: {  	v29 =	vshll.u32 v3, $0x1  }
0x59: {  	v3 =	vand.u32 $0x7, v3;
	v4 =	vand.u32 $0xFFFFFFF0, v29  }
0x5a: {  	v3 =	vor.u32 v3, v4  }
0x5b: {  	v4 =	vperm.xlane v3, v0;
	_ =	sdelay $0x1  }
0x5c: {  	v3 =	vperm.xlane v3, v2;
	v4 =	vadd.s32 v1, v4;
	_ =	sdelay $0x1  }
0x5d: {  	v3 =	vadd.s32 v1, v3;
	_ =	sdelay $0x1  }
0x5e: {  	s26 =	simm.s32 $0x5600  }
0x5f: {  	[tilespmem:s26], [sflag:$0x1] =	stream.indirect_vreg.gather [hbm4b:s0+s4], $0x80, v4, vm0, $0xb8;
	[tilespmem:$0x18600] =	vst v63  }
0x60: {  	s28 =	simm.s32 $0x5E00  }
0x61: {  	[tilespmem:s28], [sflag:$0x1] =	stream.indirect_vreg.gather [hbm4b:s0+s4], $0x80, v3, vm0, $0xb8;
	[tilespmem:$0x18600] =	vst v63  }
0x62: {  	v3 =	vld [tilespmem:$0x60];
	_ =	sdelay $0x4  }
0x63: {  	v30 =	vshll.u32 v3, $0x1  }
0x64: {  	v3 =	vand.u32 $0x7, v3;
	v4 =	vand.u32 $0xFFFFFFF0, v30  }
0x65: {  	v3 =	vor.u32 v3, v4  }
0x66: {  	v4 =	vperm.xlane v3, v0;
	_ =	sdelay $0x1  }
0x67: {  	v3 =	vperm.xlane v3, v2;
	v4 =	vadd.s32 v1, v4;
	_ =	sdelay $0x1  }
0x68: {  	v3 =	vadd.s32 v1, v3;
	_ =	sdelay $0x1  }
0x69: {  	s30 =	simm.s32 $0x6600  }
0x6a: {  	[tilespmem:s30], [sflag:$0x1] =	stream.indirect_vreg.gather [hbm4b:s0+s4], $0x80, v4, vm0, $0xb8;
	[tilespmem:$0x18600] =	vst v63  }
0x6b: {  	s31 =	simm.s32 $0x6E00  }
0x6c: {  	[tilespmem:s31], [sflag:$0x1] =	stream.indirect_vreg.gather [hbm4b:s0+s4], $0x80, v3, vm0, $0xb8;
	[tilespmem:$0x18600] =	vst v63  }
0x6d: {  	v3 =	vld [tilespmem:$0x70];
	_ =	sdelay $0x4  }
0x6e: {  	v31 =	vshll.u32 v3, $0x1  }
0x6f: {  	v3 =	vand.u32 $0x7, v3;
	v4 =	vand.u32 $0xFFFFFFF0, v31  }
0x70: {  	v3 =	vor.u32 v3, v4  }
0x71: {  	v4 =	vperm.xlane v3, v0;
	_ =	sdelay $0x1  }
0x72: {  	v3 =	vperm.xlane v3, v2;
	v4 =	vadd.s32 v1, v4;
	_ =	sdelay $0x1  }
0x73: {  	v3 =	vadd.s32 v1, v3;
	_ =	sdelay $0x1  }
0x74: {  	s3 =	simm.s32 $0x7600  }
0x75: {  	[tilespmem:s3], [sflag:$0x1] =	stream.indirect_vreg.gather [hbm4b:s0+s4], $0x80, v4, vm0, $0xb8;
	[tilespmem:$0x18600] =	vst v63  }
0x76: {  	s7 =	simm.s32 $0x7E00  }
0x77: {  	[tilespmem:s7], [sflag:$0x1] =	stream.indirect_vreg.gather [hbm4b:s0+s4], $0x80, v3, vm0, $0xb8;
	[tilespmem:$0x18600] =	vst v63  }
0x78: {  	v3 =	vld [tilespmem:$0x80];
	_ =	sdelay $0x4  }
0x79: {  	v32 =	vshll.u32 v3, $0x1  }
0x7a: {  	v3 =	vand.u32 $0x7, v3;
	v4 =	vand.u32 $0xFFFFFFF0, v32  }
0x7b: {  	v3 =	vor.u32 v3, v4  }
0x7c: {  	v4 =	vperm.xlane v3, v0;
	_ =	sdelay $0x1  }
0x7d: {  	v3 =	vperm.xlane v3, v2;
	v4 =	vadd.s32 v1, v4;
	_ =	sdelay $0x1  }
0x7e: {  	v3 =	vadd.s32 v1, v3;
	_ =	sdelay $0x2  }
0x7f: {  	[tilespmem:s17], [sflag:$0x2] =	stream.indirect_vreg.gather [hbm4b:s0+s4], $0x80, v4, vm0, $0xb8;
	[tilespmem:$0x18600] =	vst v63  }
0x80: {  	s8 =	simm.s32 $0x8E00  }
0x81: {  	[tilespmem:s8], [sflag:$0x2] =	stream.indirect_vreg.gather [hbm4b:s0+s4], $0x80, v3, vm0, $0xb8;
	[tilespmem:$0x18600] =	vst v63  }
0x82: {  	v3 =	vld [tilespmem:$0x90];
	_ =	sdelay $0x4  }
0x83: {  	v33 =	vshll.u32 v3, $0x1  }
0x84: {  	v3 =	vand.u32 $0x7, v3;
	v4 =	vand.u32 $0xFFFFFFF0, v33  }
0x85: {  	v3 =	vor.u32 v3, v4  }
0x86: {  	v4 =	vperm.xlane v3, v0;
	_ =	sdelay $0x1  }
0x87: {  	v3 =	vperm.xlane v3, v2;
	v4 =	vadd.s32 v1, v4;
	_ =	sdelay $0x1  }
0x88: {  	v3 =	vadd.s32 v1, v3;
	_ =	sdelay $0x1  }
0x89: {  	s13 =	simm.s32 $0x9600  }
0x8a: {  	[tilespmem:s13], [sflag:$0x2] =	stream.indirect_vreg.gather [hbm4b:s0+s4], $0x80, v4, vm0, $0xb8;
	[tilespmem:$0x18600] =	vst v63  }
0x8b: {  	s14 =	simm.s32 $0x9E00  }
0x8c: {  	[tilespmem:s14], [sflag:$0x2] =	stream.indirect_vreg.gather [hbm4b:s0+s4], $0x80, v3, vm0, $0xb8;
	[tilespmem:$0x18600] =	vst v63  }
0x8d: {  	v3 =	vld [tilespmem:$0xA0];
	_ =	sdelay $0x4  }
0x8e: {  	v34 =	vshll.u32 v3, $0x1  }
0x8f: {  	v3 =	vand.u32 $0x7, v3;
	v4 =	vand.u32 $0xFFFFFFF0, v34  }
0x90: {  	v3 =	vor.u32 v3, v4  }
0x91: {  	v4 =	vperm.xlane v3, v0;
	_ =	sdelay $0x1  }
0x92: {  	v3 =	vperm.xlane v3, v2;
	v4 =	vadd.s32 v1, v4;
	_ =	sdelay $0x1  }
0x93: {  	v3 =	vadd.s32 v1, v3;
	_ =	sdelay $0x1  }
0x94: {  	s20 =	simm.s32 $0xA600  }
0x95: {  	[tilespmem:s20], [sflag:$0x2] =	stream.indirect_vreg.gather [hbm4b:s0+s4], $0x80, v4, vm0, $0xb8;
	[tilespmem:$0x18600] =	vst v63  }
0x96: {  	s25 =	simm.s32 $0xAE00  }
0x97: {  	[tilespmem:s25], [sflag:$0x2] =	stream.indirect_vreg.gather [hbm4b:s0+s4], $0x80, v3, vm0, $0xb8;
	[tilespmem:$0x18600] =	vst v63  }
0x98: {  	v3 =	vld [tilespmem:$0xB0];
	_ =	sdelay $0x4  }
0x99: {  	v35 =	vshll.u32 v3, $0x1  }
0x9a: {  	v3 =	vand.u32 $0x7, v3;
	v4 =	vand.u32 $0xFFFFFFF0, v35  }
0x9b: {  	v3 =	vor.u32 v3, v4  }
0x9c: {  	v4 =	vperm.xlane v3, v0;
	_ =	sdelay $0x1  }
0x9d: {  	v3 =	vperm.xlane v3, v2;
	v4 =	vadd.s32 v1, v4;
	_ =	sdelay $0x1  }
0x9e: {  	v3 =	vadd.s32 v1, v3;
	_ =	sdelay $0x1  }
0x9f: {  	s26 =	simm.s32 $0xB600  }
0xa0: {  	[tilespmem:s26], [sflag:$0x2] =	stream.indirect_vreg.gather [hbm4b:s0+s4], $0x80, v4, vm0, $0xb8;
	[tilespmem:$0x18600] =	vst v63  }
0xa1: {  	s28 =	simm.s32 $0xBE00  }
0xa2: {  	[tilespmem:s28], [sflag:$0x2] =	stream.indirect_vreg.gather [hbm4b:s0+s4], $0x80, v3, vm0, $0xb8;
	[tilespmem:$0x18600] =	vst v63  }
0xa3: {  	v3 =	vld [tilespmem:$0xC0];
	_ =	sdelay $0x4  }
0xa4: {  	v36 =	vshll.u32 v3, $0x1  }
0xa5: {  	v3 =	vand.u32 $0x7, v3;
	v4 =	vand.u32 $0xFFFFFFF0, v36  }
0xa6: {  	v3 =	vor.u32 v3, v4  }
0xa7: {  	v4 =	vperm.xlane v3, v0;
	_ =	sdelay $0x1  }
0xa8: {  	v3 =	vperm.xlane v3, v2;
	v4 =	vadd.s32 v1, v4;
	_ =	sdelay $0x1  }
0xa9: {  	v3 =	vadd.s32 v1, v3;
	_ =	sdelay $0x1  }
0xaa: {  	s30 =	simm.s32 $0xC600  }
0xab: {  	[tilespmem:s30], [sflag:$0x2] =	stream.indirect_vreg.gather [hbm4b:s0+s4], $0x80, v4, vm0, $0xb8;
	[tilespmem:$0x18600] =	vst v63  }
0xac: {  	s31 =	simm.s32 $0xCE00  }
0xad: {  	[tilespmem:s31], [sflag:$0x2] =	stream.indirect_vreg.gather [hbm4b:s0+s4], $0x80, v3, vm0, $0xb8;
	[tilespmem:$0x18600] =	vst v63  }
0xae: {  	v3 =	vld [tilespmem:$0xD0];
	_ =	sdelay $0x4  }
0xaf: {  	v37 =	vshll.u32 v3, $0x1  }
0xb0: {  	v3 =	vand.u32 $0x7, v3;
	v4 =	vand.u32 $0xFFFFFFF0, v37  }
0xb1: {  	v3 =	vor.u32 v3, v4  }
0xb2: {  	v4 =	vperm.xlane v3, v0;
	_ =	sdelay $0x1  }
0xb3: {  	v3 =	vperm.xlane v3, v2;
	v4 =	vadd.s32 v1, v4;
	_ =	sdelay $0x1  }
0xb4: {  	v3 =	vadd.s32 v1, v3;
	_ =	sdelay $0x1  }
0xb5: {  	s13 =	simm.s32 $0xD600  }
0xb6: {  	[tilespmem:s13], [sflag:$0x2] =	stream.indirect_vreg.gather [hbm4b:s0+s4], $0x80, v4, vm0, $0xb8;
	[tilespmem:$0x18600] =	vst v63  }
0xb7: {  	s20 =	simm.s32 $0xDE00  }
0xb8: {  	[tilespmem:s20], [sflag:$0x2] =	stream.indirect_vreg.gather [hbm4b:s0+s4], $0x80, v3, vm0, $0xb8;
	[tilespmem:$0x18600] =	vst v63  }
0xb9: {  	v3 =	vld [tilespmem:$0xE0];
	_ =	sdelay $0x4  }
0xba: {  	v38 =	vshll.u32 v3, $0x1  }
0xbb: {  	v3 =	vand.u32 $0x7, v3;
	v4 =	vand.u32 $0xFFFFFFF0, v38  }
0xbc: {  	v3 =	vor.u32 v3, v4  }
0xbd: {  	v4 =	vperm.xlane v3, v0;
	_ =	sdelay $0x1  }
0xbe: {  	v3 =	vperm.xlane v3, v2;
	v4 =	vadd.s32 v1, v4;
	_ =	sdelay $0x1  }
0xbf: {  	v3 =	vadd.s32 v1, v3;
	_ =	sdelay $0x1  }
0xc0: {  	s26 =	simm.s32 $0xE600  }
0xc1: {  	[tilespmem:s26], [sflag:$0x2] =	stream.indirect_vreg.gather [hbm4b:s0+s4], $0x80, v4, vm0, $0xb8;
	[tilespmem:$0x18600] =	vst v63  }
0xc2: {  	s30 =	simm.s32 $0xEE00  }
0xc3: {  	[tilespmem:s30], [sflag:$0x2] =	stream.indirect_vreg.gather [hbm4b:s0+s4], $0x80, v3, vm0, $0xb8;
	[tilespmem:$0x18600] =	vst v63  }
0xc4: {  	v3 =	vld [tilespmem:$0xF0];
	_ =	sdelay $0x4  }
0xc5: {  	v39 =	vshll.u32 v3, $0x1  }
0xc6: {  	v3 =	vand.u32 $0x7, v3;
	v4 =	vand.u32 $0xFFFFFFF0, v39  }
0xc7: {  	v3 =	vor.u32 v3, v4  }
0xc8: {  	v4 =	vperm.xlane v3, v0;
	_ =	sdelay $0x1  }
0xc9: {  	v3 =	vperm.xlane v3, v2;
	v4 =	vadd.s32 v1, v4;
	_ =	sdelay $0x1  }
0xca: {  	v3 =	vadd.s32 v1, v3;
	_ =	sdelay $0x1  }
0xcb: {  	s31 =	simm.s32 $0xF600  }
0xcc: {  	[tilespmem:s31], [sflag:$0x2] =	stream.indirect_vreg.gather [hbm4b:s0+s4], $0x80, v4, vm0, $0xb8;
	[tilespmem:$0x18600] =	vst v63  }
0xcd: {  	s13 =	simm.s32 $0xFE00  }
0xce: {  	[tilespmem:s13], [sflag:$0x2] =	stream.indirect_vreg.gather [hbm4b:s0+s4], $0x80, v3, vm0, $0xb8;
	[tilespmem:$0x18600] =	vst v63  }
0xcf: {  	_ =	swait.ge [sflag:s15], $0x8000  }
0xd0: {  	[sflag:s15] =	ssyncset.done $0x0  }
0xd1: {  	s20 =	rddreg [dreg:$0x8];
	[sflag:s15] =	ssyncadd.s32 $0xFFFF8000  }
0xd2: {  	[hbm4b:s20+s4] =	stream.linear.scatter [tilespmem:s24], [sflag:$0x4], $0x8000, $0x38;
	[tilespmem:$0x18600] =	vst v63  }
0xd3: {  	v3 =	vld [tilespmem:$0x100];
	_ =	sdelay $0x4  }
0xd4: {  	v40 =	vshll.u32 v3, $0x1  }
0xd5: {  	v3 =	vand.u32 $0x7, v3;
	v4 =	vand.u32 $0xFFFFFFF0, v40  }
0xd6: {  	v3 =	vor.u32 v3, v4  }
0xd7: {  	v4 =	vperm.xlane v3, v0;
	_ =	sdelay $0x1  }
0xd8: {  	v3 =	vperm.xlane v3, v2;
	v4 =	vadd.s32 v1, v4;
	_ =	sdelay $0x1  }
0xd9: {  	v3 =	vadd.s32 v1, v3;
	_ =	sdelay $0x2  }
0xda: {  	[tilespmem:s16], [sflag:$0x3] =	stream.indirect_vreg.gather [hbm4b:s0+s4], $0x80, v4, vm0, $0xb8;
	[tilespmem:$0x18600] =	vst v63  }
0xdb: {  	s26 =	simm.s32 $0x10E00  }
0xdc: {  	[tilespmem:s26], [sflag:$0x3] =	stream.indirect_vreg.gather [hbm4b:s0+s4], $0x80, v3, vm0, $0xb8;
	[tilespmem:$0x18600] =	vst v63  }
0xdd: {  	v3 =	vld [tilespmem:$0x110];
	_ =	sdelay $0x4  }
0xde: {  	v41 =	vshll.u32 v3, $0x1  }
0xdf: {  	v3 =	vand.u32 $0x7, v3;
	v4 =	vand.u32 $0xFFFFFFF0, v41  }
0xe0: {  	v3 =	vor.u32 v3, v4  }
0xe1: {  	v4 =	vperm.xlane v3, v0;
	_ =	sdelay $0x1  }
0xe2: {  	v3 =	vperm.xlane v3, v2;
	v4 =	vadd.s32 v1, v4;
	_ =	sdelay $0x1  }
0xe3: {  	v3 =	vadd.s32 v1, v3;
	_ =	sdelay $0x1  }
0xe4: {  	s30 =	simm.s32 $0x11600  }
0xe5: {  	[tilespmem:s30], [sflag:$0x3] =	stream.indirect_vreg.gather [hbm4b:s0+s4], $0x80, v4, vm0, $0xb8;
	[tilespmem:$0x18600] =	vst v63  }
0xe6: {  	s31 =	simm.s32 $0x11E00  }
0xe7: {  	[tilespmem:s31], [sflag:$0x3] =	stream.indirect_vreg.gather [hbm4b:s0+s4], $0x80, v3, vm0, $0xb8;
	[tilespmem:$0x18600] =	vst v63  }
0xe8: {  	v3 =	vld [tilespmem:$0x120];
	_ =	sdelay $0x4  }
0xe9: {  	v42 =	vshll.u32 v3, $0x1  }
0xea: {  	v3 =	vand.u32 $0x7, v3;
	v4 =	vand.u32 $0xFFFFFFF0, v42  }
0xeb: {  	v3 =	vor.u32 v3, v4  }
0xec: {  	v4 =	vperm.xlane v3, v0;
	_ =	sdelay $0x1  }
0xed: {  	v3 =	vperm.xlane v3, v2;
	v4 =	vadd.s32 v1, v4;
	_ =	sdelay $0x1  }
0xee: {  	v3 =	vadd.s32 v1, v3;
	_ =	sdelay $0x1  }
0xef: {  	s1 =	simm.s32 $0x12600  }
0xf0: {  	[tilespmem:s1], [sflag:$0x3] =	stream.indirect_vreg.gather [hbm4b:s0+s4], $0x80, v4, vm0, $0xb8;
	[tilespmem:$0x18600] =	vst v63  }
0xf1: {  	s20 =	simm.s32 $0x12E00  }
0xf2: {  	[tilespmem:s20], [sflag:$0x3] =	stream.indirect_vreg.gather [hbm4b:s0+s4], $0x80, v3, vm0, $0xb8;
	[tilespmem:$0x18600] =	vst v63  }
0xf3: {  	v3 =	vld [tilespmem:$0x130];
	_ =	sdelay $0x4  }
0xf4: {  	v43 =	vshll.u32 v3, $0x1  }
0xf5: {  	v3 =	vand.u32 $0x7, v3;
	v4 =	vand.u32 $0xFFFFFFF0, v43  }
0xf6: {  	v3 =	vor.u32 v3, v4  }
0xf7: {  	v4 =	vperm.xlane v3, v0;
	_ =	sdelay $0x1  }
0xf8: {  	v3 =	vperm.xlane v3, v2;
	v4 =	vadd.s32 v1, v4;
	_ =	sdelay $0x1  }
0xf9: {  	v3 =	vadd.s32 v1, v3;
	_ =	sdelay $0x1  }
0xfa: {  	s26 =	simm.s32 $0x13600  }
0xfb: {  	[tilespmem:s26], [sflag:$0x3] =	stream.indirect_vreg.gather [hbm4b:s0+s4], $0x80, v4, vm0, $0xb8;
	[tilespmem:$0x18600] =	vst v63  }
0xfc: {  	s30 =	simm.s32 $0x13E00  }
0xfd: {  	[tilespmem:s30], [sflag:$0x3] =	stream.indirect_vreg.gather [hbm4b:s0+s4], $0x80, v3, vm0, $0xb8;
	[tilespmem:$0x18600] =	vst v63  }
0xfe: {  	v3 =	vld [tilespmem:$0x140];
	_ =	sdelay $0x4  }
0xff: {  	v44 =	vshll.u32 v3, $0x1  }
0x100: {  	v3 =	vand.u32 $0x7, v3;
	v4 =	vand.u32 $0xFFFFFFF0, v44  }
0x101: {  	v3 =	vor.u32 v3, v4  }
0x102: {  	v4 =	vperm.xlane v3, v0;
	_ =	sdelay $0x1  }
0x103: {  	v3 =	vperm.xlane v3, v2;
	v4 =	vadd.s32 v1, v4;
	_ =	sdelay $0x1  }
0x104: {  	v3 =	vadd.s32 v1, v3;
	_ =	sdelay $0x1  }
0x105: {  	s31 =	simm.s32 $0x14600  }
0x106: {  	[tilespmem:s31], [sflag:$0x3] =	stream.indirect_vreg.gather [hbm4b:s0+s4], $0x80, v4, vm0, $0xb8;
	[tilespmem:$0x18600] =	vst v63  }
0x107: {  	s1 =	simm.s32 $0x14E00  }
0x108: {  	[tilespmem:s1], [sflag:$0x3] =	stream.indirect_vreg.gather [hbm4b:s0+s4], $0x80, v3, vm0, $0xb8;
	[tilespmem:$0x18600] =	vst v63  }
0x109: {  	v3 =	vld [tilespmem:$0x150];
	_ =	sdelay $0x4  }
0x10a: {  	v45 =	vshll.u32 v3, $0x1  }
0x10b: {  	v3 =	vand.u32 $0x7, v3;
	v4 =	vand.u32 $0xFFFFFFF0, v45  }
0x10c: {  	v3 =	vor.u32 v3, v4  }
0x10d: {  	v4 =	vperm.xlane v3, v0;
	_ =	sdelay $0x1  }
0x10e: {  	v3 =	vperm.xlane v3, v2;
	v4 =	vadd.s32 v1, v4;
	_ =	sdelay $0x1  }
0x10f: {  	v3 =	vadd.s32 v1, v3;
	_ =	sdelay $0x1  }
0x110: {  	s20 =	simm.s32 $0x15600  }
0x111: {  	[tilespmem:s20], [sflag:$0x3] =	stream.indirect_vreg.gather [hbm4b:s0+s4], $0x80, v4, vm0, $0xb8;
	[tilespmem:$0x18600] =	vst v63  }
0x112: {  	s26 =	simm.s32 $0x15E00  }
0x113: {  	[tilespmem:s26], [sflag:$0x3] =	stream.indirect_vreg.gather [hbm4b:s0+s4], $0x80, v3, vm0, $0xb8;
	[tilespmem:$0x18600] =	vst v63  }
0x114: {  	v3 =	vld [tilespmem:$0x160];
	_ =	sdelay $0x4  }
0x115: {  	v46 =	vshll.u32 v3, $0x1  }
0x116: {  	v3 =	vand.u32 $0x7, v3;
	v4 =	vand.u32 $0xFFFFFFF0, v46  }
0x117: {  	v3 =	vor.u32 v3, v4  }
0x118: {  	v4 =	vperm.xlane v3, v0;
	_ =	sdelay $0x1  }
0x119: {  	v3 =	vperm.xlane v3, v2;
	v4 =	vadd.s32 v1, v4;
	_ =	sdelay $0x1  }
0x11a: {  	v3 =	vadd.s32 v1, v3;
	_ =	sdelay $0x1  }
0x11b: {  	s30 =	simm.s32 $0x16600  }
0x11c: {  	[tilespmem:s30], [sflag:$0x3] =	stream.indirect_vreg.gather [hbm4b:s0+s4], $0x80, v4, vm0, $0xb8;
	[tilespmem:$0x18600] =	vst v63  }
0x11d: {  	s31 =	simm.s32 $0x16E00  }
0x11e: {  	[tilespmem:s31], [sflag:$0x3] =	stream.indirect_vreg.gather [hbm4b:s0+s4], $0x80, v3, vm0, $0xb8;
	[tilespmem:$0x18600] =	vst v63  }
0x11f: {  	v3 =	vld [tilespmem:$0x170];
	_ =	sdelay $0x4  }
0x120: {  	v47 =	vshll.u32 v3, $0x1  }
0x121: {  	v3 =	vand.u32 $0x7, v3;
	v4 =	vand.u32 $0xFFFFFFF0, v47  }
0x122: {  	v3 =	vor.u32 v3, v4  }
0x123: {  	v4 =	vperm.xlane v3, v0;
	_ =	sdelay $0x1  }
0x124: {  	v3 =	vperm.xlane v3, v2;
	v4 =	vadd.s32 v1, v4;
	_ =	sdelay $0x1  }
0x125: {  	v3 =	vadd.s32 v1, v3;
	_ =	sdelay $0x1  }
0x126: {  	s1 =	simm.s32 $0x17600  }
0x127: {  	[tilespmem:s1], [sflag:$0x3] =	stream.indirect_vreg.gather [hbm4b:s0+s4], $0x80, v4, vm0, $0xb8;
	[tilespmem:$0x18600] =	vst v63  }
0x128: {  	s20 =	simm.s32 $0x17E00  }
0x129: {  	[tilespmem:s20], [sflag:$0x3] =	stream.indirect_vreg.gather [hbm4b:s0+s4], $0x80, v3, vm0, $0xb8;
	[tilespmem:$0x18600] =	vst v63  }
0x12a: {  	_ =	swait.ge [sflag:s5], $0x8000  }
0x12b: {  	[sflag:s5] =	ssyncset.done $0x0  }
0x12c: {  	s26 =	rddreg [dreg:$0x9];
	[sflag:s5] =	ssyncadd.s32 $0xFFFF8000  }
0x12d: {  	[hbm4b:s26+s4] =	stream.linear.scatter [tilespmem:s17], [sflag:$0x5], $0x8000, $0x38;
	[tilespmem:$0x18600] =	vst v63  }
0x12e: {  	_ =	swait.ge [sflag:s9], $0x8000  }
0x12f: {  	[sflag:s9] =	ssyncset.done $0x0  }
0x130: {  	[sflag:s9] =	ssyncadd.s32 $0xFFFF8000  }
0x131: {  	v3 =	vld [tilespmem:$0x180];
	_ =	sdelay $0x4  }
0x132: {  	v48 =	vshll.u32 v3, $0x1  }
0x133: {  	v3 =	vand.u32 $0x7, v3;
	v4 =	vand.u32 $0xFFFFFFF0, v48  }
0x134: {  	v3 =	vor.u32 v3, v4  }
0x135: {  	v4 =	vperm.xlane v3, v0;
	_ =	sdelay $0x1  }
0x136: {  	v3 =	vperm.xlane v3, v2;
	v4 =	vadd.s32 v1, v4;
	_ =	sdelay $0x1  }
0x137: {  	v3 =	vadd.s32 v1, v3;
	_ =	sdelay $0x2  }
0x138: {  	[tilespmem:s24], [sflag:$0x1] =	stream.indirect_vreg.gather [hbm4b:s0+s4], $0x80, v4, vm0, $0xb8;
	[tilespmem:$0x18600] =	vst v63  }
0x139: {  	s18 =	simm.s32 $0xE00  }
0x13a: {  	[tilespmem:s18], [sflag:$0x1] =	stream.indirect_vreg.gather [hbm4b:s0+s4], $0x80, v3, vm0, $0xb8;
	[tilespmem:$0x18600] =	vst v63  }
0x13b: {  	v3 =	vld [tilespmem:$0x190];
	_ =	sdelay $0x4  }
0x13c: {  	v49 =	vshll.u32 v3, $0x1  }
0x13d: {  	v3 =	vand.u32 $0x7, v3;
	v4 =	vand.u32 $0xFFFFFFF0, v49  }
0x13e: {  	v3 =	vor.u32 v3, v4  }
0x13f: {  	v4 =	vperm.xlane v3, v0;
	_ =	sdelay $0x1  }
0x140: {  	v3 =	vperm.xlane v3, v2;
	v4 =	vadd.s32 v1, v4;
	_ =	sdelay $0x1  }
0x141: {  	v3 =	vadd.s32 v1, v3;
	_ =	sdelay $0x1  }
0x142: {  	s29 =	simm.s32 $0x1600  }
0x143: {  	[tilespmem:s29], [sflag:$0x1] =	stream.indirect_vreg.gather [hbm4b:s0+s4], $0x80, v4, vm0, $0xb8;
	[tilespmem:$0x18600] =	vst v63  }
0x144: {  	s19 =	simm.s32 $0x1E00  }
0x145: {  	[tilespmem:s19], [sflag:$0x1] =	stream.indirect_vreg.gather [hbm4b:s0+s4], $0x80, v3, vm0, $0xb8;
	[tilespmem:$0x18600] =	vst v63  }
0x146: {  	v3 =	vld [tilespmem:$0x1A0];
	_ =	sdelay $0x4  }
0x147: {  	v50 =	vshll.u32 v3, $0x1  }
0x148: {  	v3 =	vand.u32 $0x7, v3;
	v4 =	vand.u32 $0xFFFFFFF0, v50  }
0x149: {  	v3 =	vor.u32 v3, v4  }
0x14a: {  	v4 =	vperm.xlane v3, v0;
	_ =	sdelay $0x1  }
0x14b: {  	v3 =	vperm.xlane v3, v2;
	v4 =	vadd.s32 v1, v4;
	_ =	sdelay $0x1  }
0x14c: {  	v3 =	vadd.s32 v1, v3;
	_ =	sdelay $0x1  }
0x14d: {  	s30 =	simm.s32 $0x2600  }
0x14e: {  	[tilespmem:s30], [sflag:$0x1] =	stream.indirect_vreg.gather [hbm4b:s0+s4], $0x80, v4, vm0, $0xb8;
	[tilespmem:$0x18600] =	vst v63  }
0x14f: {  	s21 =	simm.s32 $0x2E00  }
0x150: {  	[tilespmem:s21], [sflag:$0x1] =	stream.indirect_vreg.gather [hbm4b:s0+s4], $0x80, v3, vm0, $0xb8;
	[tilespmem:$0x18600] =	vst v63  }
0x151: {  	v3 =	vld [tilespmem:$0x1B0];
	_ =	sdelay $0x4  }
0x152: {  	v51 =	vshll.u32 v3, $0x1  }
0x153: {  	v3 =	vand.u32 $0x7, v3;
	v4 =	vand.u32 $0xFFFFFFF0, v51  }
0x154: {  	v3 =	vor.u32 v3, v4  }
0x155: {  	v4 =	vperm.xlane v3, v0;
	_ =	sdelay $0x1  }
0x156: {  	v3 =	vperm.xlane v3, v2;
	v4 =	vadd.s32 v1, v4;
	_ =	sdelay $0x1  }
0x157: {  	v3 =	vadd.s32 v1, v3;
	_ =	sdelay $0x1  }
0x158: {  	s18 =	simm.s32 $0x3600  }
0x159: {  	[tilespmem:s18], [sflag:$0x1] =	stream.indirect_vreg.gather [hbm4b:s0+s4], $0x80, v4, vm0, $0xb8;
	[tilespmem:$0x18600] =	vst v63  }
0x15a: {  	s22 =	simm.s32 $0x3E00  }
0x15b: {  	[tilespmem:s22], [sflag:$0x1] =	stream.indirect_vreg.gather [hbm4b:s0+s4], $0x80, v3, vm0, $0xb8;
	[tilespmem:$0x18600] =	vst v63  }
0x15c: {  	v3 =	vld [tilespmem:$0x1C0];
	_ =	sdelay $0x4  }
0x15d: {  	v52 =	vshll.u32 v3, $0x1  }
0x15e: {  	v3 =	vand.u32 $0x7, v3;
	v4 =	vand.u32 $0xFFFFFFF0, v52  }
0x15f: {  	v3 =	vor.u32 v3, v4  }
0x160: {  	v4 =	vperm.xlane v3, v0;
	_ =	sdelay $0x1  }
0x161: {  	v3 =	vperm.xlane v3, v2;
	v4 =	vadd.s32 v1, v4;
	_ =	sdelay $0x1  }
0x162: {  	v3 =	vadd.s32 v1, v3;
	_ =	sdelay $0x1  }
0x163: {  	s19 =	simm.s32 $0x4600  }
0x164: {  	[tilespmem:s19], [sflag:$0x1] =	stream.indirect_vreg.gather [hbm4b:s0+s4], $0x80, v4, vm0, $0xb8;
	[tilespmem:$0x18600] =	vst v63  }
0x165: {  	s23 =	simm.s32 $0x4E00  }
0x166: {  	[tilespmem:s23], [sflag:$0x1] =	stream.indirect_vreg.gather [hbm4b:s0+s4], $0x80, v3, vm0, $0xb8;
	[tilespmem:$0x18600] =	vst v63  }
0x167: {  	v3 =	vld [tilespmem:$0x1D0];
	_ =	sdelay $0x4  }
0x168: {  	v53 =	vshll.u32 v3, $0x1  }
0x169: {  	v3 =	vand.u32 $0x7, v3;
	v4 =	vand.u32 $0xFFFFFFF0, v53  }
0x16a: {  	v3 =	vor.u32 v3, v4  }
0x16b: {  	v4 =	vperm.xlane v3, v0;
	_ =	sdelay $0x1  }
0x16c: {  	v3 =	vperm.xlane v3, v2;
	v4 =	vadd.s32 v1, v4;
	_ =	sdelay $0x1  }
0x16d: {  	v3 =	vadd.s32 v1, v3;
	_ =	sdelay $0x1  }
0x16e: {  	s21 =	simm.s32 $0x5600  }
0x16f: {  	[tilespmem:s21], [sflag:$0x1] =	stream.indirect_vreg.gather [hbm4b:s0+s4], $0x80, v4, vm0, $0xb8;
	[tilespmem:$0x18600] =	vst v63  }
0x170: {  	s26 =	simm.s32 $0x5E00  }
0x171: {  	[tilespmem:s26], [sflag:$0x1] =	stream.indirect_vreg.gather [hbm4b:s0+s4], $0x80, v3, vm0, $0xb8;
	[tilespmem:$0x18600] =	vst v63  }
0x172: {  	v3 =	vld [tilespmem:$0x1E0];
	_ =	sdelay $0x4  }
0x173: {  	v54 =	vshll.u32 v3, $0x1  }
0x174: {  	v3 =	vand.u32 $0x7, v3;
	v4 =	vand.u32 $0xFFFFFFF0, v54  }
0x175: {  	v3 =	vor.u32 v3, v4  }
0x176: {  	v4 =	vperm.xlane v3, v0;
	_ =	sdelay $0x1  }
0x177: {  	v3 =	vperm.xlane v3, v2;
	v4 =	vadd.s32 v1, v4;
	_ =	sdelay $0x1  }
0x178: {  	v3 =	vadd.s32 v1, v3;
	_ =	sdelay $0x1  }
0x179: {  	s22 =	simm.s32 $0x6600  }
0x17a: {  	[tilespmem:s22], [sflag:$0x1] =	stream.indirect_vreg.gather [hbm4b:s0+s4], $0x80, v4, vm0, $0xb8;
	[tilespmem:$0x18600] =	vst v63  }
0x17b: {  	s31 =	simm.s32 $0x6E00  }
0x17c: {  	[tilespmem:s31], [sflag:$0x1] =	stream.indirect_vreg.gather [hbm4b:s0+s4], $0x80, v3, vm0, $0xb8;
	[tilespmem:$0x18600] =	vst v63  }
0x17d: {  	v3 =	vld [tilespmem:$0x1F0];
	_ =	sdelay $0x4  }
0x17e: {  	v55 =	vshll.u32 v3, $0x1  }
0x17f: {  	v3 =	vand.u32 $0x7, v3;
	v4 =	vand.u32 $0xFFFFFFF0, v55  }
0x180: {  	v3 =	vor.u32 v3, v4  }
0x181: {  	v4 =	vperm.xlane v3, v0;
	_ =	sdelay $0x1  }
0x182: {  	v3 =	vperm.xlane v3, v2;
	v4 =	vadd.s32 v1, v4;
	_ =	sdelay $0x1  }
0x183: {  	v3 =	vadd.s32 v1, v3;
	_ =	sdelay $0x1  }
0x184: {  	s23 =	simm.s32 $0x7600  }
0x185: {  	[tilespmem:s23], [sflag:$0x1] =	stream.indirect_vreg.gather [hbm4b:s0+s4], $0x80, v4, vm0, $0xb8;
	[tilespmem:$0x18600] =	vst v63  }
0x186: {  	s20 =	simm.s32 $0x7E00  }
0x187: {  	[tilespmem:s20], [sflag:$0x1] =	stream.indirect_vreg.gather [hbm4b:s0+s4], $0x80, v3, vm0, $0xb8;
	[tilespmem:$0x18600] =	vst v63  }
0x188: {  	_ =	swait.ge [sflag:s10], $0x8000  }
0x189: {  	[sflag:s10] =	ssyncset.done $0x0  }
0x18a: {  	s29 =	rddreg [dreg:$0xa];
	[sflag:s10] =	ssyncadd.s32 $0xFFFF8000  }
0x18b: {  	[hbm4b:s29+s4] =	stream.linear.scatter [tilespmem:s16], [sflag:$0x6], $0x8000, $0x38;
	[tilespmem:$0x18600] =	vst v63  }
0x18c: {  	_ =	swait.ge [sflag:s11], $0x8000  }
0x18d: {  	[sflag:s11] =	ssyncset.done $0x0  }
0x18e: {  	[sflag:s11] =	ssyncadd.s32 $0xFFFF8000  }
0x18f: {  	v3 =	vld [tilespmem:$0x200];
	_ =	sdelay $0x4  }
0x190: {  	v56 =	vshll.u32 v3, $0x1  }
0x191: {  	v3 =	vand.u32 $0x7, v3;
	v4 =	vand.u32 $0xFFFFFFF0, v56  }
0x192: {  	v3 =	vor.u32 v3, v4  }
0x193: {  	v4 =	vperm.xlane v3, v0;
	_ =	sdelay $0x1  }
0x194: {  	v3 =	vperm.xlane v3, v2;
	v4 =	vadd.s32 v1, v4;
	_ =	sdelay $0x1  }
0x195: {  	v3 =	vadd.s32 v1, v3;
	_ =	sdelay $0x2  }
0x196: {  	[tilespmem:s17], [sflag:$0x2] =	stream.indirect_vreg.gather [hbm4b:s0+s4], $0x80, v4, vm0, $0xb8;
	[tilespmem:$0x18600] =	vst v63  }
0x197: {  	s3 =	simm.s32 $0x8E00  }
0x198: {  	[tilespmem:s3], [sflag:$0x2] =	stream.indirect_vreg.gather [hbm4b:s0+s4], $0x80, v3, vm0, $0xb8;
	[tilespmem:$0x18600] =	vst v63  }
0x199: {  	v3 =	vld [tilespmem:$0x210];
	_ =	sdelay $0x4  }
0x19a: {  	v57 =	vshll.u32 v3, $0x1  }
0x19b: {  	v3 =	vand.u32 $0x7, v3;
	v4 =	vand.u32 $0xFFFFFFF0, v57  }
0x19c: {  	v3 =	vor.u32 v3, v4  }
0x19d: {  	v4 =	vperm.xlane v3, v0;
	_ =	sdelay $0x1  }
0x19e: {  	v3 =	vperm.xlane v3, v2;
	v4 =	vadd.s32 v1, v4;
	_ =	sdelay $0x1  }
0x19f: {  	v3 =	vadd.s32 v1, v3;
	_ =	sdelay $0x1  }
0x1a0: {  	s1 =	simm.s32 $0x9600  }
0x1a1: {  	[tilespmem:s1], [sflag:$0x2] =	stream.indirect_vreg.gather [hbm4b:s0+s4], $0x80, v4, vm0, $0xb8;
	[tilespmem:$0x18600] =	vst v63  }
0x1a2: {  	s7 =	simm.s32 $0x9E00  }
0x1a3: {  	[tilespmem:s7], [sflag:$0x2] =	stream.indirect_vreg.gather [hbm4b:s0+s4], $0x80, v3, vm0, $0xb8;
	[tilespmem:$0x18600] =	vst v63  }
0x1a4: {  	v3 =	vld [tilespmem:$0x220];
	_ =	sdelay $0x4  }
0x1a5: {  	v58 =	vshll.u32 v3, $0x1  }
0x1a6: {  	v3 =	vand.u32 $0x7, v3;
	v4 =	vand.u32 $0xFFFFFFF0, v58  }
0x1a7: {  	v3 =	vor.u32 v3, v4  }
0x1a8: {  	v4 =	vperm.xlane v3, v0;
	_ =	sdelay $0x1  }
0x1a9: {  	v3 =	vperm.xlane v3, v2;
	v4 =	vadd.s32 v1, v4;
	_ =	sdelay $0x1  }
0x1aa: {  	v3 =	vadd.s32 v1, v3;
	_ =	sdelay $0x1  }
0x1ab: {  	s3 =	simm.s32 $0xA600  }
0x1ac: {  	[tilespmem:s3], [sflag:$0x2] =	stream.indirect_vreg.gather [hbm4b:s0+s4], $0x80, v4, vm0, $0xb8;
	[tilespmem:$0x18600] =	vst v63  }
0x1ad: {  	s8 =	simm.s32 $0xAE00  }
0x1ae: {  	[tilespmem:s8], [sflag:$0x2] =	stream.indirect_vreg.gather [hbm4b:s0+s4], $0x80, v3, vm0, $0xb8;
	[tilespmem:$0x18600] =	vst v63  }
0x1af: {  	v3 =	vld [tilespmem:$0x230];
	_ =	sdelay $0x4  }
0x1b0: {  	v59 =	vshll.u32 v3, $0x1  }
0x1b1: {  	v3 =	vand.u32 $0x7, v3;
	v4 =	vand.u32 $0xFFFFFFF0, v59  }
0x1b2: {  	v3 =	vor.u32 v3, v4  }
0x1b3: {  	v4 =	vperm.xlane v3, v0;
	_ =	sdelay $0x1  }
0x1b4: {  	v3 =	vperm.xlane v3, v2;
	v4 =	vadd.s32 v1, v4;
	_ =	sdelay $0x1  }
0x1b5: {  	v3 =	vadd.s32 v1, v3;
	_ =	sdelay $0x1  }
0x1b6: {  	s7 =	simm.s32 $0xB600  }
0x1b7: {  	[tilespmem:s7], [sflag:$0x2] =	stream.indirect_vreg.gather [hbm4b:s0+s4], $0x80, v4, vm0, $0xb8;
	[tilespmem:$0x18600] =	vst v63  }
0x1b8: {  	s14 =	simm.s32 $0xBE00  }
0x1b9: {  	[tilespmem:s14], [sflag:$0x2] =	stream.indirect_vreg.gather [hbm4b:s0+s4], $0x80, v3, vm0, $0xb8;
	[tilespmem:$0x18600] =	vst v63  }
0x1ba: {  	v3 =	vld [tilespmem:$0x240];
	_ =	sdelay $0x4  }
0x1bb: {  	v60 =	vshll.u32 v3, $0x1  }
0x1bc: {  	v3 =	vand.u32 $0x7, v3;
	v4 =	vand.u32 $0xFFFFFFF0, v60  }
0x1bd: {  	v3 =	vor.u32 v3, v4  }
0x1be: {  	v4 =	vperm.xlane v3, v0;
	_ =	sdelay $0x1  }
0x1bf: {  	v3 =	vperm.xlane v3, v2;
	v4 =	vadd.s32 v1, v4;
	_ =	sdelay $0x1  }
0x1c0: {  	v3 =	vadd.s32 v1, v3;
	_ =	sdelay $0x1  }
0x1c1: {  	s8 =	simm.s32 $0xC600  }
0x1c2: {  	[tilespmem:s8], [sflag:$0x2] =	stream.indirect_vreg.gather [hbm4b:s0+s4], $0x80, v4, vm0, $0xb8;
	[tilespmem:$0x18600] =	vst v63  }
0x1c3: {  	s25 =	simm.s32 $0xCE00  }
0x1c4: {  	[tilespmem:s25], [sflag:$0x2] =	stream.indirect_vreg.gather [hbm4b:s0+s4], $0x80, v3, vm0, $0xb8;
	[tilespmem:$0x18600] =	vst v63  }
0x1c5: {  	v3 =	vld [tilespmem:$0x250];
	_ =	sdelay $0x4  }
0x1c6: {  	v61 =	vshll.u32 v3, $0x1  }
0x1c7: {  	v3 =	vand.u32 $0x7, v3;
	v4 =	vand.u32 $0xFFFFFFF0, v61  }
0x1c8: {  	v3 =	vor.u32 v3, v4  }
0x1c9: {  	v4 =	vperm.xlane v3, v0;
	_ =	sdelay $0x1  }
0x1ca: {  	v3 =	vperm.xlane v3, v2;
	v4 =	vadd.s32 v1, v4;
	_ =	sdelay $0x1  }
0x1cb: {  	v3 =	vadd.s32 v1, v3;
	_ =	sdelay $0x1  }
0x1cc: {  	s14 =	simm.s32 $0xD600  }
0x1cd: {  	[tilespmem:s14], [sflag:$0x2] =	stream.indirect_vreg.gather [hbm4b:s0+s4], $0x80, v4, vm0, $0xb8;
	[tilespmem:$0x18600] =	vst v63  }
0x1ce: {  	s28 =	simm.s32 $0xDE00  }
0x1cf: {  	[tilespmem:s28], [sflag:$0x2] =	stream.indirect_vreg.gather [hbm4b:s0+s4], $0x80, v3, vm0, $0xb8;
	[tilespmem:$0x18600] =	vst v63  }
0x1d0: {  	v3 =	vld [tilespmem:$0x260];
	_ =	sdelay $0x4  }
0x1d1: {  	v62 =	vshll.u32 v3, $0x1  }
0x1d2: {  	v3 =	vand.u32 $0x7, v3;
	v4 =	vand.u32 $0xFFFFFFF0, v62  }
0x1d3: {  	v3 =	vor.u32 v3, v4  }
0x1d4: {  	v4 =	vperm.xlane v3, v0;
	_ =	sdelay $0x1  }
0x1d5: {  	v3 =	vperm.xlane v3, v2;
	v4 =	vadd.s32 v1, v4;
	_ =	sdelay $0x1  }
0x1d6: {  	v3 =	vadd.s32 v1, v3;
	_ =	sdelay $0x1  }
0x1d7: {  	s25 =	simm.s32 $0xE600  }
0x1d8: {  	[tilespmem:s25], [sflag:$0x2] =	stream.indirect_vreg.gather [hbm4b:s0+s4], $0x80, v4, vm0, $0xb8;
	[tilespmem:$0x18600] =	vst v63  }
0x1d9: {  	s29 =	simm.s32 $0xEE00  }
0x1da: {  	[tilespmem:s29], [sflag:$0x2] =	stream.indirect_vreg.gather [hbm4b:s0+s4], $0x80, v3, vm0, $0xb8;
	[tilespmem:$0x18600] =	vst v63  }
0x1db: {  	v3 =	vld [tilespmem:$0x270];
	_ =	sdelay $0x4  }
0x1dc: {  	v63 =	vshll.u32 v3, $0x1  }
0x1dd: {  	v3 =	vand.u32 $0x7, v3;
	v4 =	vand.u32 $0xFFFFFFF0, v63  }
0x1de: {  	v3 =	vor.u32 v3, v4  }
0x1df: {  	v4 =	vperm.xlane v3, v0;
	_ =	sdelay $0x1  }
0x1e0: {  	v3 =	vperm.xlane v3, v2;
	v4 =	vadd.s32 v1, v4;
	_ =	sdelay $0x1  }
0x1e1: {  	v3 =	vadd.s32 v1, v3;
	_ =	sdelay $0x1  }
0x1e2: {  	s28 =	simm.s32 $0xF600  }
0x1e3: {  	[tilespmem:s28], [sflag:$0x2] =	stream.indirect_vreg.gather [hbm4b:s0+s4], $0x80, v4, vm0, $0xb8;
	[tilespmem:$0x18600] =	vst v63  }
0x1e4: {  	s13 =	simm.s32 $0xFE00  }
0x1e5: {  	[tilespmem:s13], [sflag:$0x2] =	stream.indirect_vreg.gather [hbm4b:s0+s4], $0x80, v3, vm0, $0xb8;
	[tilespmem:$0x18600] =	vst v63  }
0x1e6: {  	_ =	swait.ge [sflag:s15], $0x8000  }
0x1e7: {  	[sflag:s15] =	ssyncset.done $0x0  }
0x1e8: {  	s13 =	rddreg [dreg:$0xb];
	[sflag:s15] =	ssyncadd.s32 $0xFFFF8000  }
0x1e9: {  	[hbm4b:s13+s4] =	stream.linear.scatter [tilespmem:s24], [sflag:$0x4], $0x8000, $0x38;
	[tilespmem:$0x18600] =	vst v63  }
0x1ea: {  	_ =	swait.ge [sflag:s12], $0x8000  }
0x1eb: {  	[sflag:s12] =	ssyncset.done $0x0  }
0x1ec: {  	[sflag:s12] =	ssyncadd.s32 $0xFFFF8000  }
0x1ed: {  	v3 =	vld [tilespmem:$0x280];
	_ =	sdelay $0x4  }
0x1ee: {  	v8 =	vshll.u32 v3, $0x1  }
0x1ef: {  	v3 =	vand.u32 $0x7, v3;
	v4 =	vand.u32 $0xFFFFFFF0, v8  }
0x1f0: {  	v3 =	vor.u32 v3, v4  }
0x1f1: {  	v4 =	vperm.xlane v3, v0;
	_ =	sdelay $0x1  }
0x1f2: {  	v3 =	vperm.xlane v3, v2;
	v4 =	vadd.s32 v1, v4;
	_ =	sdelay $0x1  }
0x1f3: {  	v3 =	vadd.s32 v1, v3;
	_ =	sdelay $0x2  }
0x1f4: {  	[tilespmem:s16], [sflag:$0x3] =	stream.indirect_vreg.gather [hbm4b:s0+s4], $0x80, v4, vm0, $0xb8;
	[tilespmem:$0x18600] =	vst v63  }
0x1f5: {  	s13 =	simm.s32 $0x10E00  }
0x1f6: {  	[tilespmem:s13], [sflag:$0x3] =	stream.indirect_vreg.gather [hbm4b:s0+s4], $0x80, v3, vm0, $0xb8;
	[tilespmem:$0x18600] =	vst v63  }
0x1f7: {  	v3 =	vld [tilespmem:$0x290];
	_ =	sdelay $0x4  }
0x1f8: {  	v9 =	vshll.u32 v3, $0x1  }
0x1f9: {  	v3 =	vand.u32 $0x7, v3;
	v4 =	vand.u32 $0xFFFFFFF0, v9  }
0x1fa: {  	v3 =	vor.u32 v3, v4  }
0x1fb: {  	v4 =	vperm.xlane v3, v0;
	_ =	sdelay $0x1  }
0x1fc: {  	v3 =	vperm.xlane v3, v2;
	v4 =	vadd.s32 v1, v4;
	_ =	sdelay $0x1  }
0x1fd: {  	v3 =	vadd.s32 v1, v3;
	_ =	sdelay $0x1  }
0x1fe: {  	s13 =	simm.s32 $0x11600  }
0x1ff: {  	[tilespmem:s13], [sflag:$0x3] =	stream.indirect_vreg.gather [hbm4b:s0+s4], $0x80, v4, vm0, $0xb8;
	[tilespmem:$0x18600] =	vst v63  }
0x200: {  	s13 =	simm.s32 $0x11E00  }
0x201: {  	[tilespmem:s13], [sflag:$0x3] =	stream.indirect_vreg.gather [hbm4b:s0+s4], $0x80, v3, vm0, $0xb8;
	[tilespmem:$0x18600] =	vst v63  }
0x202: {  	v3 =	vld [tilespmem:$0x2A0];
	_ =	sdelay $0x4  }
0x203: {  	v10 =	vshll.u32 v3, $0x1  }
0x204: {  	v3 =	vand.u32 $0x7, v3;
	v4 =	vand.u32 $0xFFFFFFF0, v10  }
0x205: {  	v3 =	vor.u32 v3, v4  }
0x206: {  	v4 =	vperm.xlane v3, v0;
	_ =	sdelay $0x1  }
0x207: {  	v3 =	vperm.xlane v3, v2;
	v4 =	vadd.s32 v1, v4;
	_ =	sdelay $0x1  }
0x208: {  	v3 =	vadd.s32 v1, v3;
	_ =	sdelay $0x1  }
0x209: {  	s13 =	simm.s32 $0x12600  }
0x20a: {  	[tilespmem:s13], [sflag:$0x3] =	stream.indirect_vreg.gather [hbm4b:s0+s4], $0x80, v4, vm0, $0xb8;
	[tilespmem:$0x18600] =	vst v63  }
0x20b: {  	s13 =	simm.s32 $0x12E00  }
0x20c: {  	[tilespmem:s13], [sflag:$0x3] =	stream.indirect_vreg.gather [hbm4b:s0+s4], $0x80, v3, vm0, $0xb8;
	[tilespmem:$0x18600] =	vst v63  }
0x20d: {  	v3 =	vld [tilespmem:$0x2B0];
	_ =	sdelay $0x4  }
0x20e: {  	v11 =	vshll.u32 v3, $0x1  }
0x20f: {  	v3 =	vand.u32 $0x7, v3;
	v4 =	vand.u32 $0xFFFFFFF0, v11  }
0x210: {  	v3 =	vor.u32 v3, v4  }
0x211: {  	v4 =	vperm.xlane v3, v0;
	_ =	sdelay $0x1  }
0x212: {  	v3 =	vperm.xlane v3, v2;
	v4 =	vadd.s32 v1, v4;
	_ =	sdelay $0x1  }
0x213: {  	v3 =	vadd.s32 v1, v3;
	_ =	sdelay $0x1  }
0x214: {  	s13 =	simm.s32 $0x13600  }
0x215: {  	[tilespmem:s13], [sflag:$0x3] =	stream.indirect_vreg.gather [hbm4b:s0+s4], $0x80, v4, vm0, $0xb8;
	[tilespmem:$0x18600] =	vst v63  }
0x216: {  	s13 =	simm.s32 $0x13E00  }
0x217: {  	[tilespmem:s13], [sflag:$0x3] =	stream.indirect_vreg.gather [hbm4b:s0+s4], $0x80, v3, vm0, $0xb8;
	[tilespmem:$0x18600] =	vst v63  }
0x218: {  	v3 =	vld [tilespmem:$0x2C0];
	_ =	sdelay $0x4  }
0x219: {  	v12 =	vshll.u32 v3, $0x1  }
0x21a: {  	v3 =	vand.u32 $0x7, v3;
	v4 =	vand.u32 $0xFFFFFFF0, v12  }
0x21b: {  	v3 =	vor.u32 v3, v4  }
0x21c: {  	v4 =	vperm.xlane v3, v0;
	_ =	sdelay $0x1  }
0x21d: {  	v3 =	vperm.xlane v3, v2;
	v4 =	vadd.s32 v1, v4;
	_ =	sdelay $0x1  }
0x21e: {  	v3 =	vadd.s32 v1, v3;
	_ =	sdelay $0x1  }
0x21f: {  	s13 =	simm.s32 $0x14600  }
0x220: {  	[tilespmem:s13], [sflag:$0x3] =	stream.indirect_vreg.gather [hbm4b:s0+s4], $0x80, v4, vm0, $0xb8;
	[tilespmem:$0x18600] =	vst v63  }
0x221: {  	s13 =	simm.s32 $0x14E00  }
0x222: {  	[tilespmem:s13], [sflag:$0x3] =	stream.indirect_vreg.gather [hbm4b:s0+s4], $0x80, v3, vm0, $0xb8;
	[tilespmem:$0x18600] =	vst v63  }
0x223: {  	v3 =	vld [tilespmem:$0x2D0];
	_ =	sdelay $0x4  }
0x224: {  	v13 =	vshll.u32 v3, $0x1  }
0x225: {  	v3 =	vand.u32 $0x7, v3;
	v4 =	vand.u32 $0xFFFFFFF0, v13  }
0x226: {  	v3 =	vor.u32 v3, v4  }
0x227: {  	v4 =	vperm.xlane v3, v0;
	_ =	sdelay $0x1  }
0x228: {  	v3 =	vperm.xlane v3, v2;
	v4 =	vadd.s32 v1, v4;
	_ =	sdelay $0x1  }
0x229: {  	v3 =	vadd.s32 v1, v3;
	_ =	sdelay $0x1  }
0x22a: {  	s13 =	simm.s32 $0x15600  }
0x22b: {  	[tilespmem:s13], [sflag:$0x3] =	stream.indirect_vreg.gather [hbm4b:s0+s4], $0x80, v4, vm0, $0xb8;
	[tilespmem:$0x18600] =	vst v63  }
0x22c: {  	s13 =	simm.s32 $0x15E00  }
0x22d: {  	[tilespmem:s13], [sflag:$0x3] =	stream.indirect_vreg.gather [hbm4b:s0+s4], $0x80, v3, vm0, $0xb8;
	[tilespmem:$0x18600] =	vst v63  }
0x22e: {  	v3 =	vld [tilespmem:$0x2E0];
	_ =	sdelay $0x4  }
0x22f: {  	v14 =	vshll.u32 v3, $0x1  }
0x230: {  	v3 =	vand.u32 $0x7, v3;
	v4 =	vand.u32 $0xFFFFFFF0, v14  }
0x231: {  	v3 =	vor.u32 v3, v4  }
0x232: {  	v4 =	vperm.xlane v3, v0;
	_ =	sdelay $0x1  }
0x233: {  	v3 =	vperm.xlane v3, v2;
	v4 =	vadd.s32 v1, v4;
	_ =	sdelay $0x1  }
0x234: {  	v3 =	vadd.s32 v1, v3;
	_ =	sdelay $0x1  }
0x235: {  	s13 =	simm.s32 $0x16600  }
0x236: {  	[tilespmem:s13], [sflag:$0x3] =	stream.indirect_vreg.gather [hbm4b:s0+s4], $0x80, v4, vm0, $0xb8;
	[tilespmem:$0x18600] =	vst v63  }
0x237: {  	s13 =	simm.s32 $0x16E00  }
0x238: {  	[tilespmem:s13], [sflag:$0x3] =	stream.indirect_vreg.gather [hbm4b:s0+s4], $0x80, v3, vm0, $0xb8;
	[tilespmem:$0x18600] =	vst v63  }
0x239: {  	v3 =	vld [tilespmem:$0x2F0];
	_ =	sdelay $0x4  }
0x23a: {  	v15 =	vshll.u32 v3, $0x1  }
0x23b: {  	v3 =	vand.u32 $0x7, v3;
	v4 =	vand.u32 $0xFFFFFFF0, v15  }
0x23c: {  	v3 =	vor.u32 v3, v4  }
0x23d: {  	v4 =	vperm.xlane v3, v0;
	_ =	sdelay $0x1  }
0x23e: {  	v3 =	vperm.xlane v3, v2;
	v4 =	vadd.s32 v1, v4;
	_ =	sdelay $0x1  }
0x23f: {  	v3 =	vadd.s32 v1, v3;
	_ =	sdelay $0x1  }
0x240: {  	s13 =	simm.s32 $0x17600  }
0x241: {  	[tilespmem:s13], [sflag:$0x3] =	stream.indirect_vreg.gather [hbm4b:s0+s4], $0x80, v4, vm0, $0xb8;
	[tilespmem:$0x18600] =	vst v63  }
0x242: {  	s13 =	simm.s32 $0x17E00  }
0x243: {  	[tilespmem:s13], [sflag:$0x3] =	stream.indirect_vreg.gather [hbm4b:s0+s4], $0x80, v3, vm0, $0xb8;
	[tilespmem:$0x18600] =	vst v63  }
0x244: {  	_ =	swait.ge [sflag:s5], $0x8000  }
0x245: {  	[sflag:s5] =	ssyncset.done $0x0  }
0x246: {  	s13 =	rddreg [dreg:$0xc];
	[sflag:s5] =	ssyncadd.s32 $0xFFFF8000  }
0x247: {  	[hbm4b:s13+s4] =	stream.linear.scatter [tilespmem:s17], [sflag:$0x5], $0x8000, $0x38;
	[tilespmem:$0x18600] =	vst v63  }
0x248: {  	_ =	swait.ge [sflag:s9], $0x8000  }
0x249: {  	[sflag:s9] =	ssyncset.done $0x0  }
0x24a: {  	[sflag:s9] =	ssyncadd.s32 $0xFFFF8000  }
0x24b: {  	v3 =	vld [tilespmem:$0x300];
	_ =	sdelay $0x4  }
0x24c: {  	v16 =	vshll.u32 v3, $0x1  }
0x24d: {  	v3 =	vand.u32 $0x7, v3;
	v4 =	vand.u32 $0xFFFFFFF0, v16  }
0x24e: {  	v3 =	vor.u32 v3, v4  }
0x24f: {  	v4 =	vperm.xlane v3, v0;
	_ =	sdelay $0x1  }
0x250: {  	v3 =	vperm.xlane v3, v2;
	v4 =	vadd.s32 v1, v4;
	_ =	sdelay $0x1  }
0x251: {  	v3 =	vadd.s32 v1, v3;
	_ =	sdelay $0x2  }
0x252: {  	[tilespmem:s24], [sflag:$0x1] =	stream.indirect_vreg.gather [hbm4b:s0+s4], $0x80, v4, vm0, $0xb8;
	[tilespmem:$0x18600] =	vst v63  }
0x253: {  	s13 =	simm.s32 $0xE00  }
0x254: {  	[tilespmem:s13], [sflag:$0x1] =	stream.indirect_vreg.gather [hbm4b:s0+s4], $0x80, v3, vm0, $0xb8;
	[tilespmem:$0x18600] =	vst v63  }
0x255: {  	v3 =	vld [tilespmem:$0x310];
	_ =	sdelay $0x4  }
0x256: {  	v17 =	vshll.u32 v3, $0x1  }
0x257: {  	v3 =	vand.u32 $0x7, v3;
	v4 =	vand.u32 $0xFFFFFFF0, v17  }
0x258: {  	v3 =	vor.u32 v3, v4  }
0x259: {  	v4 =	vperm.xlane v3, v0;
	_ =	sdelay $0x1  }
0x25a: {  	v3 =	vperm.xlane v3, v2;
	v4 =	vadd.s32 v1, v4;
	_ =	sdelay $0x1  }
0x25b: {  	v3 =	vadd.s32 v1, v3;
	_ =	sdelay $0x1  }
0x25c: {  	s13 =	simm.s32 $0x1600  }
0x25d: {  	[tilespmem:s13], [sflag:$0x1] =	stream.indirect_vreg.gather [hbm4b:s0+s4], $0x80, v4, vm0, $0xb8;
	[tilespmem:$0x18600] =	vst v63  }
0x25e: {  	s13 =	simm.s32 $0x1E00  }
0x25f: {  	[tilespmem:s13], [sflag:$0x1] =	stream.indirect_vreg.gather [hbm4b:s0+s4], $0x80, v3, vm0, $0xb8;
	[tilespmem:$0x18600] =	vst v63  }
0x260: {  	v3 =	vld [tilespmem:$0x320];
	_ =	sdelay $0x4  }
0x261: {  	v18 =	vshll.u32 v3, $0x1  }
0x262: {  	v3 =	vand.u32 $0x7, v3;
	v4 =	vand.u32 $0xFFFFFFF0, v18  }
0x263: {  	v3 =	vor.u32 v3, v4  }
0x264: {  	v4 =	vperm.xlane v3, v0;
	_ =	sdelay $0x1  }
0x265: {  	v3 =	vperm.xlane v3, v2;
	v4 =	vadd.s32 v1, v4;
	_ =	sdelay $0x1  }
0x266: {  	v3 =	vadd.s32 v1, v3;
	_ =	sdelay $0x2  }
0x267: {  	[tilespmem:s30], [sflag:$0x1] =	stream.indirect_vreg.gather [hbm4b:s0+s4], $0x80, v4, vm0, $0xb8;
	[tilespmem:$0x18600] =	vst v63  }
0x268: {  	s30 =	simm.s32 $0x2E00  }
0x269: {  	[tilespmem:s30], [sflag:$0x1] =	stream.indirect_vreg.gather [hbm4b:s0+s4], $0x80, v3, vm0, $0xb8;
	[tilespmem:$0x18600] =	vst v63  }
0x26a: {  	v3 =	vld [tilespmem:$0x330];
	_ =	sdelay $0x4  }
0x26b: {  	v19 =	vshll.u32 v3, $0x1  }
0x26c: {  	v3 =	vand.u32 $0x7, v3;
	v4 =	vand.u32 $0xFFFFFFF0, v19  }
0x26d: {  	v3 =	vor.u32 v3, v4  }
0x26e: {  	v4 =	vperm.xlane v3, v0;
	_ =	sdelay $0x1  }
0x26f: {  	v3 =	vperm.xlane v3, v2;
	v4 =	vadd.s32 v1, v4;
	_ =	sdelay $0x1  }
0x270: {  	v3 =	vadd.s32 v1, v3;
	_ =	sdelay $0x2  }
0x271: {  	[tilespmem:s18], [sflag:$0x1] =	stream.indirect_vreg.gather [hbm4b:s0+s4], $0x80, v4, vm0, $0xb8;
	[tilespmem:$0x18600] =	vst v63  }
0x272: {  	s18 =	simm.s32 $0x3E00  }
0x273: {  	[tilespmem:s18], [sflag:$0x1] =	stream.indirect_vreg.gather [hbm4b:s0+s4], $0x80, v3, vm0, $0xb8;
	[tilespmem:$0x18600] =	vst v63  }
0x274: {  	v3 =	vld [tilespmem:$0x340];
	_ =	sdelay $0x4  }
0x275: {  	v20 =	vshll.u32 v3, $0x1  }
0x276: {  	v3 =	vand.u32 $0x7, v3;
	v4 =	vand.u32 $0xFFFFFFF0, v20  }
0x277: {  	v3 =	vor.u32 v3, v4  }
0x278: {  	v4 =	vperm.xlane v3, v0;
	_ =	sdelay $0x1  }
0x279: {  	v3 =	vperm.xlane v3, v2;
	v4 =	vadd.s32 v1, v4;
	_ =	sdelay $0x1  }
0x27a: {  	v3 =	vadd.s32 v1, v3;
	_ =	sdelay $0x2  }
0x27b: {  	[tilespmem:s19], [sflag:$0x1] =	stream.indirect_vreg.gather [hbm4b:s0+s4], $0x80, v4, vm0, $0xb8;
	[tilespmem:$0x18600] =	vst v63  }
0x27c: {  	s30 =	simm.s32 $0x4E00  }
0x27d: {  	[tilespmem:s30], [sflag:$0x1] =	stream.indirect_vreg.gather [hbm4b:s0+s4], $0x80, v3, vm0, $0xb8;
	[tilespmem:$0x18600] =	vst v63  }
0x27e: {  	v3 =	vld [tilespmem:$0x350];
	_ =	sdelay $0x4  }
0x27f: {  	v21 =	vshll.u32 v3, $0x1  }
0x280: {  	v3 =	vand.u32 $0x7, v3;
	v4 =	vand.u32 $0xFFFFFFF0, v21  }
0x281: {  	v3 =	vor.u32 v3, v4  }
0x282: {  	v4 =	vperm.xlane v3, v0;
	_ =	sdelay $0x1  }
0x283: {  	v3 =	vperm.xlane v3, v2;
	v4 =	vadd.s32 v1, v4;
	_ =	sdelay $0x1  }
0x284: {  	v3 =	vadd.s32 v1, v3;
	_ =	sdelay $0x2  }
0x285: {  	[tilespmem:s21], [sflag:$0x1] =	stream.indirect_vreg.gather [hbm4b:s0+s4], $0x80, v4, vm0, $0xb8;
	[tilespmem:$0x18600] =	vst v63  }
0x286: {  	_ = 	snop  }
0x287: {  	[tilespmem:s26], [sflag:$0x1] =	stream.indirect_vreg.gather [hbm4b:s0+s4], $0x80, v3, vm0, $0xb8;
	[tilespmem:$0x18600] =	vst v63  }
0x288: {  	v3 =	vld [tilespmem:$0x360];
	_ =	sdelay $0x4  }
0x289: {  	v22 =	vshll.u32 v3, $0x1  }
0x28a: {  	v3 =	vand.u32 $0x7, v3;
	v4 =	vand.u32 $0xFFFFFFF0, v22  }
0x28b: {  	v3 =	vor.u32 v3, v4  }
0x28c: {  	v4 =	vperm.xlane v3, v0;
	_ =	sdelay $0x1  }
0x28d: {  	v3 =	vperm.xlane v3, v2;
	v4 =	vadd.s32 v1, v4;
	_ =	sdelay $0x1  }
0x28e: {  	v3 =	vadd.s32 v1, v3;
	_ =	sdelay $0x2  }
0x28f: {  	[tilespmem:s22], [sflag:$0x1] =	stream.indirect_vreg.gather [hbm4b:s0+s4], $0x80, v4, vm0, $0xb8;
	[tilespmem:$0x18600] =	vst v63  }
0x290: {  	_ = 	snop  }
0x291: {  	[tilespmem:s31], [sflag:$0x1] =	stream.indirect_vreg.gather [hbm4b:s0+s4], $0x80, v3, vm0, $0xb8;
	[tilespmem:$0x18600] =	vst v63  }
0x292: {  	v3 =	vld [tilespmem:$0x370];
	_ =	sdelay $0x4  }
0x293: {  	v23 =	vshll.u32 v3, $0x1  }
0x294: {  	v3 =	vand.u32 $0x7, v3;
	v4 =	vand.u32 $0xFFFFFFF0, v23  }
0x295: {  	v3 =	vor.u32 v3, v4  }
0x296: {  	v4 =	vperm.xlane v3, v0;
	_ =	sdelay $0x1  }
0x297: {  	v3 =	vperm.xlane v3, v2;
	v4 =	vadd.s32 v1, v4;
	_ =	sdelay $0x1  }
0x298: {  	v3 =	vadd.s32 v1, v3;
	_ =	sdelay $0x2  }
0x299: {  	[tilespmem:s23], [sflag:$0x1] =	stream.indirect_vreg.gather [hbm4b:s0+s4], $0x80, v4, vm0, $0xb8;
	[tilespmem:$0x18600] =	vst v63  }
0x29a: {  	_ = 	snop  }
0x29b: {  	[tilespmem:s20], [sflag:$0x1] =	stream.indirect_vreg.gather [hbm4b:s0+s4], $0x80, v3, vm0, $0xb8;
	[tilespmem:$0x18600] =	vst v63  }
0x29c: {  	_ =	swait.ge [sflag:s10], $0x8000  }
0x29d: {  	[sflag:s10] =	ssyncset.done $0x0  }
0x29e: {  	s18 =	rddreg [dreg:$0xd];
	[sflag:s10] =	ssyncadd.s32 $0xFFFF8000  }
0x29f: {  	[hbm4b:s18+s4] =	stream.linear.scatter [tilespmem:s16], [sflag:$0x6], $0x8000, $0x38;
	[tilespmem:$0x18600] =	vst v63  }
0x2a0: {  	_ =	swait.ge [sflag:s11], $0x8000  }
0x2a1: {  	[sflag:s11] =	ssyncset.done $0x0  }
0x2a2: {  	[sflag:s11] =	ssyncadd.s32 $0xFFFF8000  }
0x2a3: {  	v3 =	vld [tilespmem:$0x380];
	_ =	sdelay $0x4  }
0x2a4: {  	v24 =	vshll.u32 v3, $0x1  }
0x2a5: {  	v3 =	vand.u32 $0x7, v3;
	v4 =	vand.u32 $0xFFFFFFF0, v24  }
0x2a6: {  	v3 =	vor.u32 v3, v4  }
0x2a7: {  	v4 =	vperm.xlane v3, v0;
	_ =	sdelay $0x1  }
0x2a8: {  	v3 =	vperm.xlane v3, v2;
	v4 =	vadd.s32 v1, v4;
	_ =	sdelay $0x1  }
0x2a9: {  	v3 =	vadd.s32 v1, v3;
	_ =	sdelay $0x2  }
0x2aa: {  	[tilespmem:s17], [sflag:$0x2] =	stream.indirect_vreg.gather [hbm4b:s0+s4], $0x80, v4, vm0, $0xb8;
	[tilespmem:$0x18600] =	vst v63  }
0x2ab: {  	s19 =	simm.s32 $0x8E00  }
0x2ac: {  	[tilespmem:s19], [sflag:$0x2] =	stream.indirect_vreg.gather [hbm4b:s0+s4], $0x80, v3, vm0, $0xb8;
	[tilespmem:$0x18600] =	vst v63  }
0x2ad: {  	v3 =	vld [tilespmem:$0x390];
	_ =	sdelay $0x4  }
0x2ae: {  	v25 =	vshll.u32 v3, $0x1  }
0x2af: {  	v3 =	vand.u32 $0x7, v3;
	v4 =	vand.u32 $0xFFFFFFF0, v25  }
0x2b0: {  	v3 =	vor.u32 v3, v4  }
0x2b1: {  	v4 =	vperm.xlane v3, v0;
	_ =	sdelay $0x1  }
0x2b2: {  	v3 =	vperm.xlane v3, v2;
	v4 =	vadd.s32 v1, v4;
	_ =	sdelay $0x1  }
0x2b3: {  	v3 =	vadd.s32 v1, v3;
	_ =	sdelay $0x2  }
0x2b4: {  	[tilespmem:s1], [sflag:$0x2] =	stream.indirect_vreg.gather [hbm4b:s0+s4], $0x80, v4, vm0, $0xb8;
	[tilespmem:$0x18600] =	vst v63  }
0x2b5: {  	s20 =	simm.s32 $0x9E00  }
0x2b6: {  	[tilespmem:s20], [sflag:$0x2] =	stream.indirect_vreg.gather [hbm4b:s0+s4], $0x80, v3, vm0, $0xb8;
	[tilespmem:$0x18600] =	vst v63  }
0x2b7: {  	v3 =	vld [tilespmem:$0x3A0];
	_ =	sdelay $0x4  }
0x2b8: {  	v26 =	vshll.u32 v3, $0x1  }
0x2b9: {  	v3 =	vand.u32 $0x7, v3;
	v4 =	vand.u32 $0xFFFFFFF0, v26  }
0x2ba: {  	v3 =	vor.u32 v3, v4  }
0x2bb: {  	v4 =	vperm.xlane v3, v0;
	_ =	sdelay $0x1  }
0x2bc: {  	v3 =	vperm.xlane v3, v2;
	v4 =	vadd.s32 v1, v4;
	_ =	sdelay $0x1  }
0x2bd: {  	v3 =	vadd.s32 v1, v3;
	_ =	sdelay $0x2  }
0x2be: {  	[tilespmem:s3], [sflag:$0x2] =	stream.indirect_vreg.gather [hbm4b:s0+s4], $0x80, v4, vm0, $0xb8;
	[tilespmem:$0x18600] =	vst v63  }
0x2bf: {  	s21 =	simm.s32 $0xAE00  }
0x2c0: {  	[tilespmem:s21], [sflag:$0x2] =	stream.indirect_vreg.gather [hbm4b:s0+s4], $0x80, v3, vm0, $0xb8;
	[tilespmem:$0x18600] =	vst v63  }
0x2c1: {  	v3 =	vld [tilespmem:$0x3B0];
	_ =	sdelay $0x4  }
0x2c2: {  	v27 =	vshll.u32 v3, $0x1  }
0x2c3: {  	v3 =	vand.u32 $0x7, v3;
	v4 =	vand.u32 $0xFFFFFFF0, v27  }
0x2c4: {  	v3 =	vor.u32 v3, v4  }
0x2c5: {  	v4 =	vperm.xlane v3, v0;
	_ =	sdelay $0x1  }
0x2c6: {  	v3 =	vperm.xlane v3, v2;
	v4 =	vadd.s32 v1, v4;
	_ =	sdelay $0x1  }
0x2c7: {  	v3 =	vadd.s32 v1, v3;
	_ =	sdelay $0x2  }
0x2c8: {  	[tilespmem:s7], [sflag:$0x2] =	stream.indirect_vreg.gather [hbm4b:s0+s4], $0x80, v4, vm0, $0xb8;
	[tilespmem:$0x18600] =	vst v63  }
0x2c9: {  	s22 =	simm.s32 $0xBE00  }
0x2ca: {  	[tilespmem:s22], [sflag:$0x2] =	stream.indirect_vreg.gather [hbm4b:s0+s4], $0x80, v3, vm0, $0xb8;
	[tilespmem:$0x18600] =	vst v63  }
0x2cb: {  	v3 =	vld [tilespmem:$0x3C0];
	_ =	sdelay $0x4  }
0x2cc: {  	v28 =	vshll.u32 v3, $0x1  }
0x2cd: {  	v3 =	vand.u32 $0x7, v3;
	v4 =	vand.u32 $0xFFFFFFF0, v28  }
0x2ce: {  	v3 =	vor.u32 v3, v4  }
0x2cf: {  	v4 =	vperm.xlane v3, v0;
	_ =	sdelay $0x1  }
0x2d0: {  	v3 =	vperm.xlane v3, v2;
	v4 =	vadd.s32 v1, v4;
	_ =	sdelay $0x1  }
0x2d1: {  	v3 =	vadd.s32 v1, v3;
	_ =	sdelay $0x2  }
0x2d2: {  	[tilespmem:s8], [sflag:$0x2] =	stream.indirect_vreg.gather [hbm4b:s0+s4], $0x80, v4, vm0, $0xb8;
	[tilespmem:$0x18600] =	vst v63  }
0x2d3: {  	s23 =	simm.s32 $0xCE00  }
0x2d4: {  	[tilespmem:s23], [sflag:$0x2] =	stream.indirect_vreg.gather [hbm4b:s0+s4], $0x80, v3, vm0, $0xb8;
	[tilespmem:$0x18600] =	vst v63  }
0x2d5: {  	v3 =	vld [tilespmem:$0x3D0];
	_ =	sdelay $0x4  }
0x2d6: {  	v29 =	vshll.u32 v3, $0x1  }
0x2d7: {  	v3 =	vand.u32 $0x7, v3;
	v4 =	vand.u32 $0xFFFFFFF0, v29  }
0x2d8: {  	v3 =	vor.u32 v3, v4  }
0x2d9: {  	v4 =	vperm.xlane v3, v0;
	_ =	sdelay $0x1  }
0x2da: {  	v3 =	vperm.xlane v3, v2;
	v4 =	vadd.s32 v1, v4;
	_ =	sdelay $0x1  }
0x2db: {  	v3 =	vadd.s32 v1, v3;
	_ =	sdelay $0x2  }
0x2dc: {  	[tilespmem:s14], [sflag:$0x2] =	stream.indirect_vreg.gather [hbm4b:s0+s4], $0x80, v4, vm0, $0xb8;
	[tilespmem:$0x18600] =	vst v63  }
0x2dd: {  	s26 =	simm.s32 $0xDE00  }
0x2de: {  	[tilespmem:s26], [sflag:$0x2] =	stream.indirect_vreg.gather [hbm4b:s0+s4], $0x80, v3, vm0, $0xb8;
	[tilespmem:$0x18600] =	vst v63  }
0x2df: {  	v3 =	vld [tilespmem:$0x3E0];
	_ =	sdelay $0x4  }
0x2e0: {  	v30 =	vshll.u32 v3, $0x1  }
0x2e1: {  	v3 =	vand.u32 $0x7, v3;
	v4 =	vand.u32 $0xFFFFFFF0, v30  }
0x2e2: {  	v3 =	vor.u32 v3, v4  }
0x2e3: {  	v4 =	vperm.xlane v3, v0;
	_ =	sdelay $0x1  }
0x2e4: {  	v3 =	vperm.xlane v3, v2;
	v4 =	vadd.s32 v1, v4;
	_ =	sdelay $0x1  }
0x2e5: {  	v3 =	vadd.s32 v1, v3;
	_ =	sdelay $0x2  }
0x2e6: {  	[tilespmem:s25], [sflag:$0x2] =	stream.indirect_vreg.gather [hbm4b:s0+s4], $0x80, v4, vm0, $0xb8;
	[tilespmem:$0x18600] =	vst v63  }
0x2e7: {  	_ = 	snop  }
0x2e8: {  	[tilespmem:s29], [sflag:$0x2] =	stream.indirect_vreg.gather [hbm4b:s0+s4], $0x80, v3, vm0, $0xb8;
	[tilespmem:$0x18600] =	vst v63  }
0x2e9: {  	v3 =	vld [tilespmem:$0x3F0];
	_ =	sdelay $0x4  }
0x2ea: {  	v31 =	vshll.u32 v3, $0x1  }
0x2eb: {  	v3 =	vand.u32 $0x7, v3;
	v4 =	vand.u32 $0xFFFFFFF0, v31  }
0x2ec: {  	v3 =	vor.u32 v3, v4  }
0x2ed: {  	v4 =	vperm.xlane v3, v0;
	_ =	sdelay $0x1  }
0x2ee: {  	v3 =	vperm.xlane v3, v2;
	v4 =	vadd.s32 v1, v4;
	_ =	sdelay $0x1  }
0x2ef: {  	v3 =	vadd.s32 v1, v3;
	_ =	sdelay $0x2  }
0x2f0: {  	[tilespmem:s28], [sflag:$0x2] =	stream.indirect_vreg.gather [hbm4b:s0+s4], $0x80, v4, vm0, $0xb8;
	[tilespmem:$0x18600] =	vst v63  }
0x2f1: {  	s28 =	simm.s32 $0xFE00  }
0x2f2: {  	[tilespmem:s28], [sflag:$0x2] =	stream.indirect_vreg.gather [hbm4b:s0+s4], $0x80, v3, vm0, $0xb8;
	[tilespmem:$0x18600] =	vst v63  }
0x2f3: {  	_ =	swait.ge [sflag:s15], $0x8000  }
0x2f4: {  	[sflag:s15] =	ssyncset.done $0x0  }
0x2f5: {  	s30 =	rddreg [dreg:$0xe];
	[sflag:s15] =	ssyncadd.s32 $0xFFFF8000  }
0x2f6: {  	[hbm4b:s30+s4] =	stream.linear.scatter [tilespmem:s24], [sflag:$0x4], $0x8000, $0x38;
	[tilespmem:$0x18600] =	vst v63  }
0x2f7: {  	_ =	swait.ge [sflag:s12], $0x8000  }
0x2f8: {  	[sflag:s12] =	ssyncset.done $0x0  }
0x2f9: {  	[sflag:s12] =	ssyncadd.s32 $0xFFFF8000  }
0x2fa: {  	v3 =	vld [tilespmem:$0x400];
	_ =	sdelay $0x4  }
0x2fb: {  	v32 =	vshll.u32 v3, $0x1  }
0x2fc: {  	v3 =	vand.u32 $0x7, v3;
	v4 =	vand.u32 $0xFFFFFFF0, v32  }
0x2fd: {  	v3 =	vor.u32 v3, v4  }
0x2fe: {  	v4 =	vperm.xlane v3, v0;
	_ =	sdelay $0x1  }
0x2ff: {  	v3 =	vperm.xlane v3, v2;
	v4 =	vadd.s32 v1, v4;
	_ =	sdelay $0x1  }
0x300: {  	v3 =	vadd.s32 v1, v3;
	_ =	sdelay $0x2  }
0x301: {  	[tilespmem:s16], [sflag:$0x3] =	stream.indirect_vreg.gather [hbm4b:s2+s4], $0x80, v4, vm0, $0xb8;
	[tilespmem:$0x18600] =	vst v63  }
0x302: {  	s31 =	simm.s32 $0x10E00  }
0x303: {  	[tilespmem:s31], [sflag:$0x3] =	stream.indirect_vreg.gather [hbm4b:s2+s4], $0x80, v3, vm0, $0xb8;
	[tilespmem:$0x18600] =	vst v63  }
0x304: {  	v3 =	vld [tilespmem:$0x410];
	_ =	sdelay $0x4  }
0x305: {  	v33 =	vshll.u32 v3, $0x1  }
0x306: {  	v3 =	vand.u32 $0x7, v3;
	v4 =	vand.u32 $0xFFFFFFF0, v33  }
0x307: {  	v3 =	vor.u32 v3, v4  }
0x308: {  	v4 =	vperm.xlane v3, v0;
	_ =	sdelay $0x1  }
0x309: {  	v3 =	vperm.xlane v3, v2;
	v4 =	vadd.s32 v1, v4;
	_ =	sdelay $0x1  }
0x30a: {  	v3 =	vadd.s32 v1, v3;
	_ =	sdelay $0x1  }
0x30b: {  	s19 =	simm.s32 $0x11600  }
0x30c: {  	[tilespmem:s19], [sflag:$0x3] =	stream.indirect_vreg.gather [hbm4b:s2+s4], $0x80, v4, vm0, $0xb8;
	[tilespmem:$0x18600] =	vst v63  }
0x30d: {  	s20 =	simm.s32 $0x11E00  }
0x30e: {  	[tilespmem:s20], [sflag:$0x3] =	stream.indirect_vreg.gather [hbm4b:s2+s4], $0x80, v3, vm0, $0xb8;
	[tilespmem:$0x18600] =	vst v63  }
0x30f: {  	v3 =	vld [tilespmem:$0x420];
	_ =	sdelay $0x4  }
0x310: {  	v34 =	vshll.u32 v3, $0x1  }
0x311: {  	v3 =	vand.u32 $0x7, v3;
	v4 =	vand.u32 $0xFFFFFFF0, v34  }
0x312: {  	v3 =	vor.u32 v3, v4  }
0x313: {  	v4 =	vperm.xlane v3, v0;
	_ =	sdelay $0x1  }
0x314: {  	v3 =	vperm.xlane v3, v2;
	v4 =	vadd.s32 v1, v4;
	_ =	sdelay $0x1  }
0x315: {  	v3 =	vadd.s32 v1, v3;
	_ =	sdelay $0x1  }
0x316: {  	s21 =	simm.s32 $0x12600  }
0x317: {  	[tilespmem:s21], [sflag:$0x3] =	stream.indirect_vreg.gather [hbm4b:s2+s4], $0x80, v4, vm0, $0xb8;
	[tilespmem:$0x18600] =	vst v63  }
0x318: {  	s22 =	simm.s32 $0x12E00  }
0x319: {  	[tilespmem:s22], [sflag:$0x3] =	stream.indirect_vreg.gather [hbm4b:s2+s4], $0x80, v3, vm0, $0xb8;
	[tilespmem:$0x18600] =	vst v63  }
0x31a: {  	v3 =	vld [tilespmem:$0x430];
	_ =	sdelay $0x4  }
0x31b: {  	v35 =	vshll.u32 v3, $0x1  }
0x31c: {  	v3 =	vand.u32 $0x7, v3;
	v4 =	vand.u32 $0xFFFFFFF0, v35  }
0x31d: {  	v3 =	vor.u32 v3, v4  }
0x31e: {  	v4 =	vperm.xlane v3, v0;
	_ =	sdelay $0x1  }
0x31f: {  	v3 =	vperm.xlane v3, v2;
	v4 =	vadd.s32 v1, v4;
	_ =	sdelay $0x1  }
0x320: {  	v3 =	vadd.s32 v1, v3;
	_ =	sdelay $0x1  }
0x321: {  	s23 =	simm.s32 $0x13600  }
0x322: {  	[tilespmem:s23], [sflag:$0x3] =	stream.indirect_vreg.gather [hbm4b:s2+s4], $0x80, v4, vm0, $0xb8;
	[tilespmem:$0x18600] =	vst v63  }
0x323: {  	s26 =	simm.s32 $0x13E00  }
0x324: {  	[tilespmem:s26], [sflag:$0x3] =	stream.indirect_vreg.gather [hbm4b:s2+s4], $0x80, v3, vm0, $0xb8;
	[tilespmem:$0x18600] =	vst v63  }
0x325: {  	v3 =	vld [tilespmem:$0x440];
	_ =	sdelay $0x4  }
0x326: {  	v36 =	vshll.u32 v3, $0x1  }
0x327: {  	v3 =	vand.u32 $0x7, v3;
	v4 =	vand.u32 $0xFFFFFFF0, v36  }
0x328: {  	v3 =	vor.u32 v3, v4  }
0x329: {  	v4 =	vperm.xlane v3, v0;
	_ =	sdelay $0x1  }
0x32a: {  	v3 =	vperm.xlane v3, v2;
	v4 =	vadd.s32 v1, v4;
	_ =	sdelay $0x1  }
0x32b: {  	v3 =	vadd.s32 v1, v3;
	_ =	sdelay $0x1  }
0x32c: {  	s21 =	simm.s32 $0x14600  }
0x32d: {  	[tilespmem:s21], [sflag:$0x3] =	stream.indirect_vreg.gather [hbm4b:s2+s4], $0x80, v4, vm0, $0xb8;
	[tilespmem:$0x18600] =	vst v63  }
0x32e: {  	s22 =	simm.s32 $0x14E00  }
0x32f: {  	[tilespmem:s22], [sflag:$0x3] =	stream.indirect_vreg.gather [hbm4b:s2+s4], $0x80, v3, vm0, $0xb8;
	[tilespmem:$0x18600] =	vst v63  }
0x330: {  	v3 =	vld [tilespmem:$0x450];
	_ =	sdelay $0x4  }
0x331: {  	v37 =	vshll.u32 v3, $0x1  }
0x332: {  	v3 =	vand.u32 $0x7, v3;
	v4 =	vand.u32 $0xFFFFFFF0, v37  }
0x333: {  	v3 =	vor.u32 v3, v4  }
0x334: {  	v4 =	vperm.xlane v3, v0;
	_ =	sdelay $0x1  }
0x335: {  	v3 =	vperm.xlane v3, v2;
	v4 =	vadd.s32 v1, v4;
	_ =	sdelay $0x1  }
0x336: {  	v3 =	vadd.s32 v1, v3;
	_ =	sdelay $0x1  }
0x337: {  	s23 =	simm.s32 $0x15600  }
0x338: {  	[tilespmem:s23], [sflag:$0x3] =	stream.indirect_vreg.gather [hbm4b:s2+s4], $0x80, v4, vm0, $0xb8;
	[tilespmem:$0x18600] =	vst v63  }
0x339: {  	s26 =	simm.s32 $0x15E00  }
0x33a: {  	[tilespmem:s26], [sflag:$0x3] =	stream.indirect_vreg.gather [hbm4b:s2+s4], $0x80, v3, vm0, $0xb8;
	[tilespmem:$0x18600] =	vst v63  }
0x33b: {  	v3 =	vld [tilespmem:$0x460];
	_ =	sdelay $0x4  }
0x33c: {  	v38 =	vshll.u32 v3, $0x1  }
0x33d: {  	v3 =	vand.u32 $0x7, v3;
	v4 =	vand.u32 $0xFFFFFFF0, v38  }
0x33e: {  	v3 =	vor.u32 v3, v4  }
0x33f: {  	v4 =	vperm.xlane v3, v0;
	_ =	sdelay $0x1  }
0x340: {  	v3 =	vperm.xlane v3, v2;
	v4 =	vadd.s32 v1, v4;
	_ =	sdelay $0x1  }
0x341: {  	v3 =	vadd.s32 v1, v3;
	_ =	sdelay $0x1  }
0x342: {  	s23 =	simm.s32 $0x16600  }
0x343: {  	[tilespmem:s23], [sflag:$0x3] =	stream.indirect_vreg.gather [hbm4b:s2+s4], $0x80, v4, vm0, $0xb8;
	[tilespmem:$0x18600] =	vst v63  }
0x344: {  	s26 =	simm.s32 $0x16E00  }
0x345: {  	[tilespmem:s26], [sflag:$0x3] =	stream.indirect_vreg.gather [hbm4b:s2+s4], $0x80, v3, vm0, $0xb8;
	[tilespmem:$0x18600] =	vst v63  }
0x346: {  	v3 =	vld [tilespmem:$0x470];
	_ =	sdelay $0x4  }
0x347: {  	v39 =	vshll.u32 v3, $0x1  }
0x348: {  	v3 =	vand.u32 $0x7, v3;
	v4 =	vand.u32 $0xFFFFFFF0, v39  }
0x349: {  	v3 =	vor.u32 v3, v4  }
0x34a: {  	v4 =	vperm.xlane v3, v0;
	_ =	sdelay $0x1  }
0x34b: {  	v3 =	vperm.xlane v3, v2;
	v4 =	vadd.s32 v1, v4;
	_ =	sdelay $0x1  }
0x34c: {  	v3 =	vadd.s32 v1, v3;
	_ =	sdelay $0x1  }
0x34d: {  	s26 =	simm.s32 $0x17600  }
0x34e: {  	[tilespmem:s26], [sflag:$0x3] =	stream.indirect_vreg.gather [hbm4b:s2+s4], $0x80, v4, vm0, $0xb8;
	[tilespmem:$0x18600] =	vst v63  }
0x34f: {  	s13 =	simm.s32 $0x17E00  }
0x350: {  	[tilespmem:s13], [sflag:$0x3] =	stream.indirect_vreg.gather [hbm4b:s2+s4], $0x80, v3, vm0, $0xb8;
	[tilespmem:$0x18600] =	vst v63  }
0x351: {  	_ =	swait.ge [sflag:s5], $0x8000  }
0x352: {  	[sflag:s5] =	ssyncset.done $0x0  }
0x353: {  	s13 =	rddreg [dreg:$0xf];
	[sflag:s5] =	ssyncadd.s32 $0xFFFF8000  }
0x354: {  	[hbm4b:s13+s4] =	stream.linear.scatter [tilespmem:s17], [sflag:$0x5], $0x8000, $0x38;
	[tilespmem:$0x18600] =	vst v63  }
0x355: {  	_ =	swait.ge [sflag:s9], $0x8000  }
0x356: {  	[sflag:s9] =	ssyncset.done $0x0  }
0x357: {  	[sflag:s9] =	ssyncadd.s32 $0xFFFF8000  }
0x358: {  	v3 =	vld [tilespmem:$0x480];
	_ =	sdelay $0x4  }
0x359: {  	v40 =	vshll.u32 v3, $0x1  }
0x35a: {  	v3 =	vand.u32 $0x7, v3;
	v4 =	vand.u32 $0xFFFFFFF0, v40  }
0x35b: {  	v3 =	vor.u32 v3, v4  }
0x35c: {  	v4 =	vperm.xlane v3, v0;
	_ =	sdelay $0x1  }
0x35d: {  	v3 =	vperm.xlane v3, v2;
	v4 =	vadd.s32 v1, v4;
	_ =	sdelay $0x1  }
0x35e: {  	v3 =	vadd.s32 v1, v3;
	_ =	sdelay $0x2  }
0x35f: {  	[tilespmem:s24], [sflag:$0x1] =	stream.indirect_vreg.gather [hbm4b:s2+s4], $0x80, v4, vm0, $0xb8;
	[tilespmem:$0x18600] =	vst v63  }
0x360: {  	s13 =	simm.s32 $0xE00  }
0x361: {  	[tilespmem:s13], [sflag:$0x1] =	stream.indirect_vreg.gather [hbm4b:s2+s4], $0x80, v3, vm0, $0xb8;
	[tilespmem:$0x18600] =	vst v63  }
0x362: {  	v3 =	vld [tilespmem:$0x490];
	_ =	sdelay $0x4  }
0x363: {  	v41 =	vshll.u32 v3, $0x1  }
0x364: {  	v3 =	vand.u32 $0x7, v3;
	v4 =	vand.u32 $0xFFFFFFF0, v41  }
0x365: {  	v3 =	vor.u32 v3, v4  }
0x366: {  	v4 =	vperm.xlane v3, v0;
	_ =	sdelay $0x1  }
0x367: {  	v3 =	vperm.xlane v3, v2;
	v4 =	vadd.s32 v1, v4;
	_ =	sdelay $0x1  }
0x368: {  	v3 =	vadd.s32 v1, v3;
	_ =	sdelay $0x1  }
0x369: {  	s13 =	simm.s32 $0x1600  }
0x36a: {  	[tilespmem:s13], [sflag:$0x1] =	stream.indirect_vreg.gather [hbm4b:s2+s4], $0x80, v4, vm0, $0xb8;
	[tilespmem:$0x18600] =	vst v63  }
0x36b: {  	s13 =	simm.s32 $0x1E00  }
0x36c: {  	[tilespmem:s13], [sflag:$0x1] =	stream.indirect_vreg.gather [hbm4b:s2+s4], $0x80, v3, vm0, $0xb8;
	[tilespmem:$0x18600] =	vst v63  }
0x36d: {  	v3 =	vld [tilespmem:$0x4A0];
	_ =	sdelay $0x4  }
0x36e: {  	v42 =	vshll.u32 v3, $0x1  }
0x36f: {  	v3 =	vand.u32 $0x7, v3;
	v4 =	vand.u32 $0xFFFFFFF0, v42  }
0x370: {  	v3 =	vor.u32 v3, v4  }
0x371: {  	v4 =	vperm.xlane v3, v0;
	_ =	sdelay $0x1  }
0x372: {  	v3 =	vperm.xlane v3, v2;
	v4 =	vadd.s32 v1, v4;
	_ =	sdelay $0x1  }
0x373: {  	v3 =	vadd.s32 v1, v3;
	_ =	sdelay $0x1  }
0x374: {  	s13 =	simm.s32 $0x2600  }
0x375: {  	[tilespmem:s13], [sflag:$0x1] =	stream.indirect_vreg.gather [hbm4b:s2+s4], $0x80, v4, vm0, $0xb8;
	[tilespmem:$0x18600] =	vst v63  }
0x376: {  	s13 =	simm.s32 $0x2E00  }
0x377: {  	[tilespmem:s13], [sflag:$0x1] =	stream.indirect_vreg.gather [hbm4b:s2+s4], $0x80, v3, vm0, $0xb8;
	[tilespmem:$0x18600] =	vst v63  }
0x378: {  	v3 =	vld [tilespmem:$0x4B0];
	_ =	sdelay $0x4  }
0x379: {  	v43 =	vshll.u32 v3, $0x1  }
0x37a: {  	v3 =	vand.u32 $0x7, v3;
	v4 =	vand.u32 $0xFFFFFFF0, v43  }
0x37b: {  	v3 =	vor.u32 v3, v4  }
0x37c: {  	v4 =	vperm.xlane v3, v0;
	_ =	sdelay $0x1  }
0x37d: {  	v3 =	vperm.xlane v3, v2;
	v4 =	vadd.s32 v1, v4;
	_ =	sdelay $0x1  }
0x37e: {  	v3 =	vadd.s32 v1, v3;
	_ =	sdelay $0x1  }
0x37f: {  	s13 =	simm.s32 $0x3600  }
0x380: {  	[tilespmem:s13], [sflag:$0x1] =	stream.indirect_vreg.gather [hbm4b:s2+s4], $0x80, v4, vm0, $0xb8;
	[tilespmem:$0x18600] =	vst v63  }
0x381: {  	s13 =	simm.s32 $0x3E00  }
0x382: {  	[tilespmem:s13], [sflag:$0x1] =	stream.indirect_vreg.gather [hbm4b:s2+s4], $0x80, v3, vm0, $0xb8;
	[tilespmem:$0x18600] =	vst v63  }
0x383: {  	v3 =	vld [tilespmem:$0x4C0];
	_ =	sdelay $0x4  }
0x384: {  	v44 =	vshll.u32 v3, $0x1  }
0x385: {  	v3 =	vand.u32 $0x7, v3;
	v4 =	vand.u32 $0xFFFFFFF0, v44  }
0x386: {  	v3 =	vor.u32 v3, v4  }
0x387: {  	v4 =	vperm.xlane v3, v0;
	_ =	sdelay $0x1  }
0x388: {  	v3 =	vperm.xlane v3, v2;
	v4 =	vadd.s32 v1, v4;
	_ =	sdelay $0x1  }
0x389: {  	v3 =	vadd.s32 v1, v3;
	_ =	sdelay $0x1  }
0x38a: {  	s13 =	simm.s32 $0x4600  }
0x38b: {  	[tilespmem:s13], [sflag:$0x1] =	stream.indirect_vreg.gather [hbm4b:s2+s4], $0x80, v4, vm0, $0xb8;
	[tilespmem:$0x18600] =	vst v63  }
0x38c: {  	s13 =	simm.s32 $0x4E00  }
0x38d: {  	[tilespmem:s13], [sflag:$0x1] =	stream.indirect_vreg.gather [hbm4b:s2+s4], $0x80, v3, vm0, $0xb8;
	[tilespmem:$0x18600] =	vst v63  }
0x38e: {  	v3 =	vld [tilespmem:$0x4D0];
	_ =	sdelay $0x4  }
0x38f: {  	v45 =	vshll.u32 v3, $0x1  }
0x390: {  	v3 =	vand.u32 $0x7, v3;
	v4 =	vand.u32 $0xFFFFFFF0, v45  }
0x391: {  	v3 =	vor.u32 v3, v4  }
0x392: {  	v4 =	vperm.xlane v3, v0;
	_ =	sdelay $0x1  }
0x393: {  	v3 =	vperm.xlane v3, v2;
	v4 =	vadd.s32 v1, v4;
	_ =	sdelay $0x1  }
0x394: {  	v3 =	vadd.s32 v1, v3;
	_ =	sdelay $0x1  }
0x395: {  	s13 =	simm.s32 $0x5600  }
0x396: {  	[tilespmem:s13], [sflag:$0x1] =	stream.indirect_vreg.gather [hbm4b:s2+s4], $0x80, v4, vm0, $0xb8;
	[tilespmem:$0x18600] =	vst v63  }
0x397: {  	s13 =	simm.s32 $0x5E00  }
0x398: {  	[tilespmem:s13], [sflag:$0x1] =	stream.indirect_vreg.gather [hbm4b:s2+s4], $0x80, v3, vm0, $0xb8;
	[tilespmem:$0x18600] =	vst v63  }
0x399: {  	v3 =	vld [tilespmem:$0x4E0];
	_ =	sdelay $0x4  }
0x39a: {  	v46 =	vshll.u32 v3, $0x1  }
0x39b: {  	v3 =	vand.u32 $0x7, v3;
	v4 =	vand.u32 $0xFFFFFFF0, v46  }
0x39c: {  	v3 =	vor.u32 v3, v4  }
0x39d: {  	v4 =	vperm.xlane v3, v0;
	_ =	sdelay $0x1  }
0x39e: {  	v3 =	vperm.xlane v3, v2;
	v4 =	vadd.s32 v1, v4;
	_ =	sdelay $0x1  }
0x39f: {  	v3 =	vadd.s32 v1, v3;
	_ =	sdelay $0x1  }
0x3a0: {  	s13 =	simm.s32 $0x6600  }
0x3a1: {  	[tilespmem:s13], [sflag:$0x1] =	stream.indirect_vreg.gather [hbm4b:s2+s4], $0x80, v4, vm0, $0xb8;
	[tilespmem:$0x18600] =	vst v63  }
0x3a2: {  	s13 =	simm.s32 $0x6E00  }
0x3a3: {  	[tilespmem:s13], [sflag:$0x1] =	stream.indirect_vreg.gather [hbm4b:s2+s4], $0x80, v3, vm0, $0xb8;
	[tilespmem:$0x18600] =	vst v63  }
0x3a4: {  	v3 =	vld [tilespmem:$0x4F0];
	_ =	sdelay $0x4  }
0x3a5: {  	v47 =	vshll.u32 v3, $0x1  }
0x3a6: {  	v3 =	vand.u32 $0x7, v3;
	v4 =	vand.u32 $0xFFFFFFF0, v47  }
0x3a7: {  	v3 =	vor.u32 v3, v4  }
0x3a8: {  	v4 =	vperm.xlane v3, v0;
	_ =	sdelay $0x1  }
0x3a9: {  	v3 =	vperm.xlane v3, v2;
	v4 =	vadd.s32 v1, v4;
	_ =	sdelay $0x1  }
0x3aa: {  	v3 =	vadd.s32 v1, v3;
	_ =	sdelay $0x1  }
0x3ab: {  	s13 =	simm.s32 $0x7600  }
0x3ac: {  	[tilespmem:s13], [sflag:$0x1] =	stream.indirect_vreg.gather [hbm4b:s2+s4], $0x80, v4, vm0, $0xb8;
	[tilespmem:$0x18600] =	vst v63  }
0x3ad: {  	s13 =	simm.s32 $0x7E00  }
0x3ae: {  	[tilespmem:s13], [sflag:$0x1] =	stream.indirect_vreg.gather [hbm4b:s2+s4], $0x80, v3, vm0, $0xb8;
	[tilespmem:$0x18600] =	vst v63  }
0x3af: {  	_ =	swait.ge [sflag:s10], $0x8000  }
0x3b0: {  	[sflag:s10] =	ssyncset.done $0x0  }
0x3b1: {  	s13 =	rddreg [dreg:$0x14];
	[sflag:s10] =	ssyncadd.s32 $0xFFFF8000  }
0x3b2: {  	[hbm4b:s13+s4] =	stream.linear.scatter [tilespmem:s16], [sflag:$0x6], $0x8000, $0x38;
	[tilespmem:$0x18600] =	vst v63  }
0x3b3: {  	_ =	swait.ge [sflag:s11], $0x8000  }
0x3b4: {  	[sflag:s11] =	ssyncset.done $0x0  }
0x3b5: {  	[sflag:s11] =	ssyncadd.s32 $0xFFFF8000  }
0x3b6: {  	v3 =	vld [tilespmem:$0x500];
	_ =	sdelay $0x4  }
0x3b7: {  	v48 =	vshll.u32 v3, $0x1  }
0x3b8: {  	v3 =	vand.u32 $0x7, v3;
	v4 =	vand.u32 $0xFFFFFFF0, v48  }
0x3b9: {  	v3 =	vor.u32 v3, v4  }
0x3ba: {  	v4 =	vperm.xlane v3, v0;
	_ =	sdelay $0x1  }
0x3bb: {  	v3 =	vperm.xlane v3, v2;
	v4 =	vadd.s32 v1, v4;
	_ =	sdelay $0x1  }
0x3bc: {  	v3 =	vadd.s32 v1, v3;
	_ =	sdelay $0x2  }
0x3bd: {  	[tilespmem:s17], [sflag:$0x2] =	stream.indirect_vreg.gather [hbm4b:s2+s4], $0x80, v4, vm0, $0xb8;
	[tilespmem:$0x18600] =	vst v63  }
0x3be: {  	s13 =	simm.s32 $0x8E00  }
0x3bf: {  	[tilespmem:s13], [sflag:$0x2] =	stream.indirect_vreg.gather [hbm4b:s2+s4], $0x80, v3, vm0, $0xb8;
	[tilespmem:$0x18600] =	vst v63  }
0x3c0: {  	v3 =	vld [tilespmem:$0x510];
	_ =	sdelay $0x4  }
0x3c1: {  	v49 =	vshll.u32 v3, $0x1  }
0x3c2: {  	v3 =	vand.u32 $0x7, v3;
	v4 =	vand.u32 $0xFFFFFFF0, v49  }
0x3c3: {  	v3 =	vor.u32 v3, v4  }
0x3c4: {  	v4 =	vperm.xlane v3, v0;
	_ =	sdelay $0x1  }
0x3c5: {  	v3 =	vperm.xlane v3, v2;
	v4 =	vadd.s32 v1, v4;
	_ =	sdelay $0x1  }
0x3c6: {  	v3 =	vadd.s32 v1, v3;
	_ =	sdelay $0x1  }
0x3c7: {  	s1 =	simm.s32 $0x9600  }
0x3c8: {  	[tilespmem:s1], [sflag:$0x2] =	stream.indirect_vreg.gather [hbm4b:s2+s4], $0x80, v4, vm0, $0xb8;
	[tilespmem:$0x18600] =	vst v63  }
0x3c9: {  	s13 =	simm.s32 $0x9E00  }
0x3ca: {  	[tilespmem:s13], [sflag:$0x2] =	stream.indirect_vreg.gather [hbm4b:s2+s4], $0x80, v3, vm0, $0xb8;
	[tilespmem:$0x18600] =	vst v63  }
0x3cb: {  	v3 =	vld [tilespmem:$0x520];
	_ =	sdelay $0x4  }
0x3cc: {  	v50 =	vshll.u32 v3, $0x1  }
0x3cd: {  	v3 =	vand.u32 $0x7, v3;
	v4 =	vand.u32 $0xFFFFFFF0, v50  }
0x3ce: {  	v3 =	vor.u32 v3, v4  }
0x3cf: {  	v4 =	vperm.xlane v3, v0;
	_ =	sdelay $0x1  }
0x3d0: {  	v3 =	vperm.xlane v3, v2;
	v4 =	vadd.s32 v1, v4;
	_ =	sdelay $0x1  }
0x3d1: {  	v3 =	vadd.s32 v1, v3;
	_ =	sdelay $0x1  }
0x3d2: {  	s3 =	simm.s32 $0xA600  }
0x3d3: {  	[tilespmem:s3], [sflag:$0x2] =	stream.indirect_vreg.gather [hbm4b:s2+s4], $0x80, v4, vm0, $0xb8;
	[tilespmem:$0x18600] =	vst v63  }
0x3d4: {  	s3 =	simm.s32 $0xAE00  }
0x3d5: {  	[tilespmem:s3], [sflag:$0x2] =	stream.indirect_vreg.gather [hbm4b:s2+s4], $0x80, v3, vm0, $0xb8;
	[tilespmem:$0x18600] =	vst v63  }
0x3d6: {  	v3 =	vld [tilespmem:$0x530];
	_ =	sdelay $0x4  }
0x3d7: {  	v51 =	vshll.u32 v3, $0x1  }
0x3d8: {  	v3 =	vand.u32 $0x7, v3;
	v4 =	vand.u32 $0xFFFFFFF0, v51  }
0x3d9: {  	v3 =	vor.u32 v3, v4  }
0x3da: {  	v4 =	vperm.xlane v3, v0;
	_ =	sdelay $0x1  }
0x3db: {  	v3 =	vperm.xlane v3, v2;
	v4 =	vadd.s32 v1, v4;
	_ =	sdelay $0x1  }
0x3dc: {  	v3 =	vadd.s32 v1, v3;
	_ =	sdelay $0x1  }
0x3dd: {  	s7 =	simm.s32 $0xB600  }
0x3de: {  	[tilespmem:s7], [sflag:$0x2] =	stream.indirect_vreg.gather [hbm4b:s2+s4], $0x80, v4, vm0, $0xb8;
	[tilespmem:$0x18600] =	vst v63  }
0x3df: {  	s7 =	simm.s32 $0xBE00  }
0x3e0: {  	[tilespmem:s7], [sflag:$0x2] =	stream.indirect_vreg.gather [hbm4b:s2+s4], $0x80, v3, vm0, $0xb8;
	[tilespmem:$0x18600] =	vst v63  }
0x3e1: {  	v3 =	vld [tilespmem:$0x540];
	_ =	sdelay $0x4  }
0x3e2: {  	v52 =	vshll.u32 v3, $0x1  }
0x3e3: {  	v3 =	vand.u32 $0x7, v3;
	v4 =	vand.u32 $0xFFFFFFF0, v52  }
0x3e4: {  	v3 =	vor.u32 v3, v4  }
0x3e5: {  	v4 =	vperm.xlane v3, v0;
	_ =	sdelay $0x1  }
0x3e6: {  	v3 =	vperm.xlane v3, v2;
	v4 =	vadd.s32 v1, v4;
	_ =	sdelay $0x1  }
0x3e7: {  	v3 =	vadd.s32 v1, v3;
	_ =	sdelay $0x1  }
0x3e8: {  	s8 =	simm.s32 $0xC600  }
0x3e9: {  	[tilespmem:s8], [sflag:$0x2] =	stream.indirect_vreg.gather [hbm4b:s2+s4], $0x80, v4, vm0, $0xb8;
	[tilespmem:$0x18600] =	vst v63  }
0x3ea: {  	s8 =	simm.s32 $0xCE00  }
0x3eb: {  	[tilespmem:s8], [sflag:$0x2] =	stream.indirect_vreg.gather [hbm4b:s2+s4], $0x80, v3, vm0, $0xb8;
	[tilespmem:$0x18600] =	vst v63  }
0x3ec: {  	v3 =	vld [tilespmem:$0x550];
	_ =	sdelay $0x4  }
0x3ed: {  	v53 =	vshll.u32 v3, $0x1  }
0x3ee: {  	v3 =	vand.u32 $0x7, v3;
	v4 =	vand.u32 $0xFFFFFFF0, v53  }
0x3ef: {  	v3 =	vor.u32 v3, v4  }
0x3f0: {  	v4 =	vperm.xlane v3, v0;
	_ =	sdelay $0x1  }
0x3f1: {  	v3 =	vperm.xlane v3, v2;
	v4 =	vadd.s32 v1, v4;
	_ =	sdelay $0x1  }
0x3f2: {  	v3 =	vadd.s32 v1, v3;
	_ =	sdelay $0x1  }
0x3f3: {  	s14 =	simm.s32 $0xD600  }
0x3f4: {  	[tilespmem:s14], [sflag:$0x2] =	stream.indirect_vreg.gather [hbm4b:s2+s4], $0x80, v4, vm0, $0xb8;
	[tilespmem:$0x18600] =	vst v63  }
0x3f5: {  	s13 =	simm.s32 $0xDE00  }
0x3f6: {  	[tilespmem:s13], [sflag:$0x2] =	stream.indirect_vreg.gather [hbm4b:s2+s4], $0x80, v3, vm0, $0xb8;
	[tilespmem:$0x18600] =	vst v63  }
0x3f7: {  	v3 =	vld [tilespmem:$0x560];
	_ =	sdelay $0x4  }
0x3f8: {  	v54 =	vshll.u32 v3, $0x1  }
0x3f9: {  	v3 =	vand.u32 $0x7, v3;
	v4 =	vand.u32 $0xFFFFFFF0, v54  }
0x3fa: {  	v3 =	vor.u32 v3, v4  }
0x3fb: {  	v4 =	vperm.xlane v3, v0;
	_ =	sdelay $0x1  }
0x3fc: {  	v3 =	vperm.xlane v3, v2;
	v4 =	vadd.s32 v1, v4;
	_ =	sdelay $0x1  }
0x3fd: {  	v3 =	vadd.s32 v1, v3;
	_ =	sdelay $0x1  }
0x3fe: {  	s18 =	simm.s32 $0xE600  }
0x3ff: {  	[tilespmem:s18], [sflag:$0x2] =	stream.indirect_vreg.gather [hbm4b:s2+s4], $0x80, v4, vm0, $0xb8;
	[tilespmem:$0x18600] =	vst v63  }
0x400: {  	s29 =	simm.s32 $0xEE00  }
0x401: {  	[tilespmem:s29], [sflag:$0x2] =	stream.indirect_vreg.gather [hbm4b:s2+s4], $0x80, v3, vm0, $0xb8;
	[tilespmem:$0x18600] =	vst v63  }
0x402: {  	v3 =	vld [tilespmem:$0x570];
	_ =	sdelay $0x4  }
0x403: {  	v55 =	vshll.u32 v3, $0x1  }
0x404: {  	v3 =	vand.u32 $0x7, v3;
	v4 =	vand.u32 $0xFFFFFFF0, v55  }
0x405: {  	v3 =	vor.u32 v3, v4  }
0x406: {  	v4 =	vperm.xlane v3, v0;
	_ =	sdelay $0x1  }
0x407: {  	v3 =	vperm.xlane v3, v2;
	v4 =	vadd.s32 v1, v4;
	_ =	sdelay $0x1  }
0x408: {  	v3 =	vadd.s32 v1, v3;
	_ =	sdelay $0x1  }
0x409: {  	s25 =	simm.s32 $0xF600  }
0x40a: {  	[tilespmem:s25], [sflag:$0x2] =	stream.indirect_vreg.gather [hbm4b:s2+s4], $0x80, v4, vm0, $0xb8;
	[tilespmem:$0x18600] =	vst v63  }
0x40b: {  	s14 =	simm.s32 $0xFE00  }
0x40c: {  	[tilespmem:s14], [sflag:$0x2] =	stream.indirect_vreg.gather [hbm4b:s2+s4], $0x80, v3, vm0, $0xb8;
	[tilespmem:$0x18600] =	vst v63  }
0x40d: {  	_ =	swait.ge [sflag:s15], $0x8000  }
0x40e: {  	[sflag:s15] =	ssyncset.done $0x0  }
0x40f: {  	s18 =	rddreg [dreg:$0x10];
	[sflag:s15] =	ssyncadd.s32 $0xFFFF8000  }
0x410: {  	[hbm4b:s18+s4] =	stream.linear.scatter [tilespmem:s24], [sflag:$0x4], $0x8000, $0x38;
	[tilespmem:$0x18600] =	vst v63  }
0x411: {  	_ =	swait.ge [sflag:s12], $0x8000  }
0x412: {  	[sflag:s12] =	ssyncset.done $0x0  }
0x413: {  	[sflag:s12] =	ssyncadd.s32 $0xFFFF8000  }
0x414: {  	v3 =	vld [tilespmem:$0x580];
	_ =	sdelay $0x4  }
0x415: {  	v56 =	vshll.u32 v3, $0x1  }
0x416: {  	v3 =	vand.u32 $0x7, v3;
	v4 =	vand.u32 $0xFFFFFFF0, v56  }
0x417: {  	v3 =	vor.u32 v3, v4  }
0x418: {  	v4 =	vperm.xlane v3, v0;
	_ =	sdelay $0x1  }
0x419: {  	v3 =	vperm.xlane v3, v2;
	v4 =	vadd.s32 v1, v4;
	_ =	sdelay $0x1  }
0x41a: {  	v3 =	vadd.s32 v1, v3;
	_ =	sdelay $0x2  }
0x41b: {  	[tilespmem:s16], [sflag:$0x3] =	stream.indirect_vreg.gather [hbm4b:s2+s4], $0x80, v4, vm0, $0xb8;
	[tilespmem:$0x18600] =	vst v63  }
0x41c: {  	s30 =	simm.s32 $0x10E00  }
0x41d: {  	[tilespmem:s30], [sflag:$0x3] =	stream.indirect_vreg.gather [hbm4b:s2+s4], $0x80, v3, vm0, $0xb8;
	[tilespmem:$0x18600] =	vst v63  }
0x41e: {  	v3 =	vld [tilespmem:$0x590];
	_ =	sdelay $0x4  }
0x41f: {  	v57 =	vshll.u32 v3, $0x1  }
0x420: {  	v3 =	vand.u32 $0x7, v3;
	v4 =	vand.u32 $0xFFFFFFF0, v57  }
0x421: {  	v3 =	vor.u32 v3, v4  }
0x422: {  	v4 =	vperm.xlane v3, v0;
	_ =	sdelay $0x1  }
0x423: {  	v3 =	vperm.xlane v3, v2;
	v4 =	vadd.s32 v1, v4;
	_ =	sdelay $0x1  }
0x424: {  	v3 =	vadd.s32 v1, v3;
	_ =	sdelay $0x1  }
0x425: {  	s28 =	simm.s32 $0x11600  }
0x426: {  	[tilespmem:s28], [sflag:$0x3] =	stream.indirect_vreg.gather [hbm4b:s2+s4], $0x80, v4, vm0, $0xb8;
	[tilespmem:$0x18600] =	vst v63  }
0x427: {  	s31 =	simm.s32 $0x11E00  }
0x428: {  	[tilespmem:s31], [sflag:$0x3] =	stream.indirect_vreg.gather [hbm4b:s2+s4], $0x80, v3, vm0, $0xb8;
	[tilespmem:$0x18600] =	vst v63  }
0x429: {  	v3 =	vld [tilespmem:$0x5A0];
	_ =	sdelay $0x4  }
0x42a: {  	v58 =	vshll.u32 v3, $0x1  }
0x42b: {  	v3 =	vand.u32 $0x7, v3;
	v4 =	vand.u32 $0xFFFFFFF0, v58  }
0x42c: {  	v3 =	vor.u32 v3, v4  }
0x42d: {  	v4 =	vperm.xlane v3, v0;
	_ =	sdelay $0x1  }
0x42e: {  	v3 =	vperm.xlane v3, v2;
	v4 =	vadd.s32 v1, v4;
	_ =	sdelay $0x1  }
0x42f: {  	v3 =	vadd.s32 v1, v3;
	_ =	sdelay $0x1  }
0x430: {  	s19 =	simm.s32 $0x12600  }
0x431: {  	[tilespmem:s19], [sflag:$0x3] =	stream.indirect_vreg.gather [hbm4b:s2+s4], $0x80, v4, vm0, $0xb8;
	[tilespmem:$0x18600] =	vst v63  }
0x432: {  	s19 =	simm.s32 $0x12E00  }
0x433: {  	[tilespmem:s19], [sflag:$0x3] =	stream.indirect_vreg.gather [hbm4b:s2+s4], $0x80, v3, vm0, $0xb8;
	[tilespmem:$0x18600] =	vst v63  }
0x434: {  	v3 =	vld [tilespmem:$0x5B0];
	_ =	sdelay $0x4  }
0x435: {  	v59 =	vshll.u32 v3, $0x1  }
0x436: {  	v3 =	vand.u32 $0x7, v3;
	v4 =	vand.u32 $0xFFFFFFF0, v59  }
0x437: {  	v3 =	vor.u32 v3, v4  }
0x438: {  	v4 =	vperm.xlane v3, v0;
	_ =	sdelay $0x1  }
0x439: {  	v3 =	vperm.xlane v3, v2;
	v4 =	vadd.s32 v1, v4;
	_ =	sdelay $0x1  }
0x43a: {  	v3 =	vadd.s32 v1, v3;
	_ =	sdelay $0x1  }
0x43b: {  	s20 =	simm.s32 $0x13600  }
0x43c: {  	[tilespmem:s20], [sflag:$0x3] =	stream.indirect_vreg.gather [hbm4b:s2+s4], $0x80, v4, vm0, $0xb8;
	[tilespmem:$0x18600] =	vst v63  }
0x43d: {  	s20 =	simm.s32 $0x13E00  }
0x43e: {  	[tilespmem:s20], [sflag:$0x3] =	stream.indirect_vreg.gather [hbm4b:s2+s4], $0x80, v3, vm0, $0xb8;
	[tilespmem:$0x18600] =	vst v63  }
0x43f: {  	v3 =	vld [tilespmem:$0x5C0];
	_ =	sdelay $0x4  }
0x440: {  	v60 =	vshll.u32 v3, $0x1  }
0x441: {  	v3 =	vand.u32 $0x7, v3;
	v4 =	vand.u32 $0xFFFFFFF0, v60  }
0x442: {  	v3 =	vor.u32 v3, v4  }
0x443: {  	v4 =	vperm.xlane v3, v0;
	_ =	sdelay $0x1  }
0x444: {  	v3 =	vperm.xlane v3, v2;
	v4 =	vadd.s32 v1, v4;
	_ =	sdelay $0x1  }
0x445: {  	v3 =	vadd.s32 v1, v3;
	_ =	sdelay $0x1  }
0x446: {  	s21 =	simm.s32 $0x14600  }
0x447: {  	[tilespmem:s21], [sflag:$0x3] =	stream.indirect_vreg.gather [hbm4b:s2+s4], $0x80, v4, vm0, $0xb8;
	[tilespmem:$0x18600] =	vst v63  }
0x448: {  	s21 =	simm.s32 $0x14E00  }
0x449: {  	[tilespmem:s21], [sflag:$0x3] =	stream.indirect_vreg.gather [hbm4b:s2+s4], $0x80, v3, vm0, $0xb8;
	[tilespmem:$0x18600] =	vst v63  }
0x44a: {  	v3 =	vld [tilespmem:$0x5D0];
	_ =	sdelay $0x4  }
0x44b: {  	v61 =	vshll.u32 v3, $0x1  }
0x44c: {  	v3 =	vand.u32 $0x7, v3;
	v4 =	vand.u32 $0xFFFFFFF0, v61  }
0x44d: {  	v3 =	vor.u32 v3, v4  }
0x44e: {  	v4 =	vperm.xlane v3, v0;
	_ =	sdelay $0x1  }
0x44f: {  	v3 =	vperm.xlane v3, v2;
	v4 =	vadd.s32 v1, v4;
	_ =	sdelay $0x1  }
0x450: {  	v3 =	vadd.s32 v1, v3;
	_ =	sdelay $0x1  }
0x451: {  	s22 =	simm.s32 $0x15600  }
0x452: {  	[tilespmem:s22], [sflag:$0x3] =	stream.indirect_vreg.gather [hbm4b:s2+s4], $0x80, v4, vm0, $0xb8;
	[tilespmem:$0x18600] =	vst v63  }
0x453: {  	s25 =	simm.s32 $0x15E00  }
0x454: {  	[tilespmem:s25], [sflag:$0x3] =	stream.indirect_vreg.gather [hbm4b:s2+s4], $0x80, v3, vm0, $0xb8;
	[tilespmem:$0x18600] =	vst v63  }
0x455: {  	v3 =	vld [tilespmem:$0x5E0];
	_ =	sdelay $0x4  }
0x456: {  	v62 =	vshll.u32 v3, $0x1  }
0x457: {  	v3 =	vand.u32 $0x7, v3;
	v4 =	vand.u32 $0xFFFFFFF0, v62  }
0x458: {  	v3 =	vor.u32 v3, v4  }
0x459: {  	v4 =	vperm.xlane v3, v0;
	_ =	sdelay $0x1  }
0x45a: {  	v3 =	vperm.xlane v3, v2;
	v4 =	vadd.s32 v1, v4;
	_ =	sdelay $0x1  }
0x45b: {  	v3 =	vadd.s32 v1, v3;
	_ =	sdelay $0x1  }
0x45c: {  	s23 =	simm.s32 $0x16600  }
0x45d: {  	[tilespmem:s23], [sflag:$0x3] =	stream.indirect_vreg.gather [hbm4b:s2+s4], $0x80, v4, vm0, $0xb8;
	[tilespmem:$0x18600] =	vst v63  }
0x45e: {  	s28 =	simm.s32 $0x16E00  }
0x45f: {  	[tilespmem:s28], [sflag:$0x3] =	stream.indirect_vreg.gather [hbm4b:s2+s4], $0x80, v3, vm0, $0xb8;
	[tilespmem:$0x18600] =	vst v63  }
0x460: {  	v3 =	vld [tilespmem:$0x5F0];
	_ =	sdelay $0x4  }
0x461: {  	v63 =	vshll.u32 v3, $0x1  }
0x462: {  	v3 =	vand.u32 $0x7, v3;
	v4 =	vand.u32 $0xFFFFFFF0, v63  }
0x463: {  	v3 =	vor.u32 v3, v4  }
0x464: {  	v4 =	vperm.xlane v3, v0;
	_ =	sdelay $0x1  }
0x465: {  	v3 =	vperm.xlane v3, v2;
	v4 =	vadd.s32 v1, v4;
	_ =	sdelay $0x1  }
0x466: {  	v3 =	vadd.s32 v1, v3;
	_ =	sdelay $0x1  }
0x467: {  	s26 =	simm.s32 $0x17600  }
0x468: {  	[tilespmem:s26], [sflag:$0x3] =	stream.indirect_vreg.gather [hbm4b:s2+s4], $0x80, v4, vm0, $0xb8;
	[tilespmem:$0x18600] =	vst v63  }
0x469: {  	s29 =	simm.s32 $0x17E00  }
0x46a: {  	[tilespmem:s29], [sflag:$0x3] =	stream.indirect_vreg.gather [hbm4b:s2+s4], $0x80, v3, vm0, $0xb8;
	[tilespmem:$0x18600] =	vst v63  }
0x46b: {  	_ =	swait.ge [sflag:s5], $0x8000  }
0x46c: {  	[sflag:s5] =	ssyncset.done $0x0  }
0x46d: {  	s30 =	rddreg [dreg:$0x11];
	[sflag:s5] =	ssyncadd.s32 $0xFFFF8000  }
0x46e: {  	[hbm4b:s30+s4] =	stream.linear.scatter [tilespmem:s17], [sflag:$0x5], $0x8000, $0x38;
	[tilespmem:$0x18600] =	vst v63  }
0x46f: {  	_ =	swait.ge [sflag:s10], $0x8000  }
0x470: {  	[sflag:s10] =	ssyncset.done $0x0  }
0x471: {  	s31 =	rddreg [dreg:$0x12];
	[sflag:s10] =	ssyncadd.s32 $0xFFFF8000  }
0x472: {  	[hbm4b:s31+s4] =	stream.linear.scatter [tilespmem:s16], [sflag:$0x6], $0x8000, $0x38;
	[tilespmem:$0x18600] =	vst v63  }
0x473: {  	_ =	swait.ge [sflag:s9], $0x8000  }
0x474: {  	[sflag:s9] =	ssyncset.done $0x0  }
0x475: {  	[sflag:s9] =	ssyncadd.s32 $0xFFFF8000  }
0x476: {  	p0 =	sne.s32 s6, $0x1;
	_ =	swait.ge [sflag:s11], $0x8000  }
.Ltmp0:
0x477: {  	[sflag:s11] =	ssyncset.done $0x0;
	(pc) =	sbr.rel @p0 .LBB2_1-.Ltmp0, $4  }
0x478: {  	[sflag:s11] =	ssyncadd.s32 $0xFFFF8000  }
0x479: {  	_ =	swait.ge [sflag:s12], $0x8000  }
0x47a: {  	[sflag:s12] =	ssyncset.done $0x0  }
0x47b: {  	s6 =	sadd.s32 $0xFFFFFFFF, s6;
	[sflag:s12] =	ssyncadd.s32 $0xFFFF8000  }
0x47c: {  	_ =	sfence.sel $0x180000  }
0x47d: {  	[bflag:$0x0] =	sbarrier.arrive $0xFFFF  }
0x47e: {  	_ =	strace $0x9000004A  }
0x47f: {  	s0 =	stileid.u32;
	[bflag:$0x2] =	sbarrier.arrive $0xFFFF  }
0x480: {  	p0 =	sne.s32 s0, $0x0;
	s0 =	rddreg [dreg:$0x5]  }
0x481: {  	s0 =	sadd.s32 @!p0 $0x100000, s0  }
0x482: {  	[sflag:s0] =	ssyncadd.tile.s32 @!p0 $0x1;
	_ =	shalt  }
.Lfunc_end2:
_tile_overlayer_lowered:
.L_overlay_start_2:
0x483: {  	(tag) =	ssettag $0x2  }
0x484: {  	s0 =	rddreg [dreg:$0x0];
	s2 =	stileid.u32  }
0x485: {  	s1 =	rddreg [dreg:$0x1];
	p0 =	sne.s32 s2, $0x0  }
0x486: {  	s3 =	rddreg [dreg:$0x2];
	[bflag:$0x3] =	sbarrier.arrive $0xFFFF;
	s2 =	simm.s32 @!p0 $0x1C07  }
0x487: {  	[timem:s3], [sflag:s2] =	dma.local @!p0 [hbm:s0], s1  }
0x488: {  	s0 =	simm.s32 @!p0 $0x7  }
0x489: {  	_ =	swait.ge @!p0 [sflag:s0], s1  }
0x48a: {  	s1 =	ssub.s32 @!p0 $0x0, s1;
	[sflag:s0] =	ssyncset.done @!p0 $0x0  }
0x48b: {  	[sflag:s0] =	ssyncadd.s32 @!p0 s1  }
0x48c: {  	[bflag:$0x3] =	sbarrier.arrive $0xFFFF  }
0x48d: {  	_ =	shalt  }

</sc_bundles>
